<compile_context>
chip_gen: v7x
topology: tpu7x:2x2x1
jax: 0.10.2.dev20260603
libtpu: 0.0.44.dev20260713+nightly
codegen_flags: <defaults>
</compile_context>

<pallas_src>
import functools

import jax
import jax.numpy as jnp
from jax import lax
from jax.experimental import pallas as pl
from jax.experimental.pallas import tpu as pltpu
from jax.experimental.pallas import tpu_sc as plsc

EPS = 1e-06

_B, _S = 4096, 2048
_BTC = 2048
_BSC = _B - _BTC
_BB = 128
_NBT = _BTC // _BB

_NC, _NS, _L = 2, 16, 16
_NW = _NC * _NS
_RW = _BSC // _NW
_R = 4
_NCHUNK = _RW // _R
_NG = _S // 64



def _tc_body(yp_ref, lab_ref, ctl_ref, mf_ref, mc_ref, out_ref, acc_ref):
    i = pl.program_id(0)

    @pl.when(i == 0)
    def _init():
        acc_ref[...] = jnp.zeros_like(acc_ref)

    p0 = yp_ref[:, 0, :]
    p1 = yp_ref[:, 1, :]
    t = lab_ref[...]
    tc = ctl_ref[...]
    mf = mf_ref[...]
    mc = mc_ref[...]
    md = mf & mc

    full = p0 + p1
    diff = t - tc

    def fold(x):
        return jnp.sum(x.reshape(_BB // 8, 8, _S), axis=0)

    def sums(p, t_, m, base):
        u = jnp.where(m, p, 0.0)
        v = jnp.where(m, t_, 0.0)
        acc_ref[base + 0] += fold(jnp.where(m, 1.0, 0.0))
        acc_ref[base + 1] += fold(u)
        acc_ref[base + 2] += fold(v)
        acc_ref[base + 3] += fold(u * v)
        acc_ref[base + 4] += fold(u * u)
        acc_ref[base + 5] += fold(v * v)
        return u, v

    sums(p0, tc, mc, 0)
    u2, v2 = sums(full, t, mf, 6)
    acc_ref[12] += fold(jnp.abs(u2 - v2))
    sums(p1, diff, md, 13)

    @pl.when(i == _NBT - 1)
    def _fold_out():
        out_ref[...] = jnp.sum(
            acc_ref[...].reshape(19, 8, _S // 128, 128), axis=2)


def _tc_partials(y_pred, labels, labels_ctrl, mask_full, mask_ctrl):
    return pl.pallas_call(
        _tc_body,
        grid=(_NBT,),
        in_specs=[
            pl.BlockSpec((_BB, 2, _S), lambda i: (i, 0, 0)),
            pl.BlockSpec((_BB, _S), lambda i: (i, 0)),
            pl.BlockSpec((_BB, _S), lambda i: (i, 0)),
            pl.BlockSpec((_BB, _S), lambda i: (i, 0)),
            pl.BlockSpec((_BB, _S), lambda i: (i, 0)),
        ],
        out_specs=pl.BlockSpec((19, 8, 128), lambda i: (0, 0, 0)),
        out_shape=jax.ShapeDtypeStruct((19, 8, 128), jnp.float32),
        scratch_shapes=[pltpu.VMEM((19, 8, _S), jnp.float32)],
    )(y_pred, labels, labels_ctrl, mask_full, mask_ctrl)



def _sc_body(yp_hbm, lab_hbm, ctl_hbm, mf_hbm, mc_hbm, out_hbm,
             ypv, labv, ctlv, mfv, mcv, accv, sems):
    wid = lax.axis_index("s") * _NC + lax.axis_index("c")
    base = _BTC + wid * _RW
    mbase = wid * _RW

    def make_inner(par, r):
        def inner(g, accs):
            (n1, sp1, st1, spt1, spp1, stt1,
             n2, sp2, st2, spt2, spp2, stt2, sabs,
             n3, sp3, st3, spt3, spp3, stt3) = accs
            b64 = g * 64
            for j in range(4):
                c0 = b64 + 16 * j
                mf = mfv[par, r, pl.ds(c0, 16)]
                mc = mcv[par, r, pl.ds(c0, 16)]
                md = mf * mc
                p0 = ypv[par, r, 0, pl.ds(c0, 16)]
                p1 = ypv[par, r, 1, pl.ds(c0, 16)]
                t = labv[par, r, pl.ds(c0, 16)]
                tc = ctlv[par, r, pl.ds(c0, 16)]
                full = p0 + p1
                diff = t - tc
                u1 = p0 * mc
                v1 = tc * mc
                u2 = full * mf
                v2 = t * mf
                u3 = p1 * md
                v3 = diff * md
                n1 += mc
                sp1 += u1
                st1 += v1
                spt1 += u1 * v1
                spp1 += u1 * u1
                stt1 += v1 * v1
                n2 += mf
                sp2 += u2
                st2 += v2
                spt2 += u2 * v2
                spp2 += u2 * u2
                stt2 += v2 * v2
                sabs += jnp.abs(u2 - v2)
                n3 += md
                sp3 += u3
                st3 += v3
                spt3 += u3 * v3
                spp3 += u3 * u3
                stt3 += v3 * v3
            return (n1, sp1, st1, spt1, spp1, stt1,
                    n2, sp2, st2, spt2, spp2, stt2, sabs,
                    n3, sp3, st3, spt3, spp3, stt3)
        return inner

    def issue(ch, par):
        row = base + ch * _R
        mrow = mbase + ch * _R
        pltpu.async_copy(yp_hbm.at[pl.ds(row, _R)], ypv.at[par], sems.at[par])
        pltpu.async_copy(lab_hbm.at[pl.ds(row, _R)], labv.at[par], sems.at[par])
        pltpu.async_copy(ctl_hbm.at[pl.ds(row, _R)], ctlv.at[par], sems.at[par])
        pltpu.async_copy(mf_hbm.at[pl.ds(mrow, _R)], mfv.at[par], sems.at[par])
        pltpu.async_copy(mc_hbm.at[pl.ds(mrow, _R)], mcv.at[par], sems.at[par])

    def wait(par):
        row = base
        pltpu.make_async_copy(yp_hbm.at[pl.ds(row, _R)], ypv.at[par], sems.at[par]).wait()
        pltpu.make_async_copy(lab_hbm.at[pl.ds(row, _R)], labv.at[par], sems.at[par]).wait()
        pltpu.make_async_copy(ctl_hbm.at[pl.ds(row, _R)], ctlv.at[par], sems.at[par]).wait()
        pltpu.make_async_copy(mf_hbm.at[pl.ds(row, _R)], mfv.at[par], sems.at[par]).wait()
        pltpu.make_async_copy(mc_hbm.at[pl.ds(row, _R)], mcv.at[par], sems.at[par]).wait()

    def compute(par, accs):
        for r in range(_R):
            accs = lax.fori_loop(0, _NG, make_inner(par, r), accs)
        return accs

    def pair_step(k, accs):
        ch0 = 2 * k
        wait(0)
        accs = compute(0, accs)

        @pl.when(ch0 + 2 < _NCHUNK)
        def _():
            issue(ch0 + 2, 0)

        wait(1)
        accs = compute(1, accs)

        @pl.when(ch0 + 3 < _NCHUNK)
        def _():
            issue(ch0 + 3, 1)

        return accs

    issue(0, 0)
    issue(1, 1)
    zero = jnp.zeros((16,), jnp.float32)
    accs = lax.fori_loop(0, _NCHUNK // 2, pair_step, (zero,) * 19)
    for k in range(19):
        accv[k, :] = accs[k]
    pltpu.sync_copy(accv, out_hbm.at[wid])


@functools.partial(
    pl.kernel,
    out_type=jax.ShapeDtypeStruct((_NW, 19, 16), jnp.float32),
    mesh=plsc.VectorSubcoreMesh(core_axis_name="c", subcore_axis_name="s"),
    scratch_types=[
        pltpu.VMEM((2, _R, 2, _S), jnp.float32),
        pltpu.VMEM((2, _R, _S), jnp.float32),
        pltpu.VMEM((2, _R, _S), jnp.float32),
        pltpu.VMEM((2, _R, _S), jnp.float32),
        pltpu.VMEM((2, _R, _S), jnp.float32),
        pltpu.VMEM((19, 16), jnp.float32),
        pltpu.SemaphoreType.DMA((2,)),
    ],
)
def _sc_partials(*args):
    _sc_body(*args)



def _fin_body(tc_ref, sc_ref, out_ref):
    s = (jnp.sum(tc_ref[...], axis=(1, 2)) +
         jnp.sum(sc_ref[...], axis=(0, 2)))

    def corr(base):
        n = s[base + 0]
        sp = s[base + 1]
        st = s[base + 2]
        spt = s[base + 3]
        spp = s[base + 4]
        stt = s[base + 5]
        dot = spt - sp * st / n
        na = jnp.sqrt(spp - sp * sp / n)
        nb = jnp.sqrt(stt - st * st / n)
        return dot / (jnp.maximum(na, EPS) * jnp.maximum(nb, EPS)), n

    corr_ctrl, _ = corr(0)
    corr_full, n2 = corr(6)
    corr_diff, _ = corr(13)
    l1 = jnp.sqrt(s[12] / n2)
    out_ref[0] = 1.0 - corr_ctrl
    out_ref[1] = (1.0 - corr_full) + l1
    out_ref[2] = corr_full
    out_ref[3] = l1
    out_ref[4] = 1.0 - corr_diff


@jax.jit
def _reduce(y_pred, labels, labels_ctrl, mask_full, mask_ctrl):
    sc_part = _sc_partials(y_pred, labels, labels_ctrl,
                           mask_full[_BTC:].astype(jnp.float32),
                           mask_ctrl[_BTC:].astype(jnp.float32))
    tc_part = _tc_partials(y_pred, labels, labels_ctrl, mask_full, mask_ctrl)
    return pl.pallas_call(
        _fin_body,
        out_specs=pl.BlockSpec(memory_space=pltpu.SMEM),
        out_shape=jax.ShapeDtypeStruct((8,), jnp.float32),
    )(tc_part, sc_part)


def kernel(y_pred, labels, labels_ctrl, mask_full, mask_ctrl, condition_):
    out = _reduce(y_pred, labels, labels_ctrl, mask_full, mask_ctrl)
    loss_ctrl, loss_full, perf, l1, loss_depr = (
        out[0], out[1], out[2], out[3], out[4])
    loss = jnp.where(condition_ != 64,
                     loss_ctrl + loss_depr + loss_full,
                     loss_ctrl + loss_full)
    return (loss, perf, l1)

# --- scband reference (transcript-rebuilt; emitter-appended) ---
"""Pipeline reference for scband-masked-combined-four-dh-13408887898378 (READ-ONLY COPY).

The authoritative reference and input builder live on the scoring server;
editing this copy changes nothing except your own understanding.
"""

import jax, jax.numpy as jnp
import numpy as np

EPS = 1e-06


def _masked_pearson_corr(y_pred, y_true, mask, eps=EPS):
    mf = mask.astype(y_pred.dtype)
    n = jnp.sum(mf)
    yp_mean = jnp.sum(y_pred * mf) / n
    yt_mean = jnp.sum(y_true * mf) / n
    a = (y_pred - yp_mean) * mf
    b = (y_true - yt_mean) * mf
    dot = jnp.sum(a * b)
    na = jnp.sqrt(jnp.sum(a * a))
    nb = jnp.sqrt(jnp.sum(b * b))
    return dot / (jnp.maximum(na, eps) * jnp.maximum(nb, eps))


def _masked_pearson_loss(y_pred, y_true, mask, eps=EPS):
    return 1.0 - _masked_pearson_corr(y_pred, y_true, mask, eps)


def _masked_l1_loss(y_pred, y_true, mask):
    mf = mask.astype(y_pred.dtype)
    n = jnp.sum(mf)
    loss_mean = jnp.sum(jnp.abs(y_pred - y_true) * mf) / n
    return jnp.sqrt(loss_mean)


def setup_inputs(seed: int = 0) -> dict:
    key = jax.random.key(seed)
    k1, k2, k3, k4, k5 = jax.random.split(key, 5)
    B, S = 4096, 2048
    y_pred = jax.random.normal(k1, (B, 2, S), dtype=jnp.float32)
    labels = jax.random.normal(k2, (B, S), dtype=jnp.float32)
    labels_ctrl = jax.random.normal(k3, (B, S), dtype=jnp.float32)
    mask_full = jax.random.randint(k4, (B, S), 0, 2).astype(bool)
    mask_ctrl = jax.random.randint(k5, (B, S), 0, 2).astype(bool)
    condition_ = 0
    return {"y_pred": y_pred, "labels": labels, "labels_ctrl": labels_ctrl,
            "mask_full": mask_full, "mask_ctrl": mask_ctrl, "condition_": condition_}


def reference(y_pred, labels, labels_ctrl, mask_full, mask_ctrl, condition_):
    y_pred_ctrl = y_pred[:, 0]
    y_pred_depr_diff = y_pred[:, 1]
    y_pred_full = jnp.sum(y_pred, axis=1)
    labels_diff = labels - labels_ctrl
    mask_diff = mask_full & mask_ctrl

    loss_ctrl = _masked_pearson_loss(y_pred_ctrl, labels_ctrl, mask_ctrl)
    loss_full = _masked_pearson_loss(y_pred_full, labels, mask_full) + _masked_l1_loss(y_pred_full, labels, mask_full)
    perf = _masked_pearson_corr(y_pred_full, labels, mask_full)
    l1 = _masked_l1_loss(y_pred_full, labels, mask_full)

    loss_depr_diff = _masked_pearson_loss(y_pred_depr_diff, labels_diff, mask_diff)
    loss = jnp.where(condition_ != 64,
                     loss_ctrl + loss_depr_diff + loss_full,
                     loss_ctrl + loss_full)
    return (loss, perf, l1)

if __name__ == "__main__":
    import jax
    _d = setup_inputs()
    print(jax.jit(kernel)(*tuple(_d.values())))

</pallas_src>

<mosaic_0001>
#map = affine_map<(d0, d1) -> (0, 0, 0)>
#map1 = affine_map<(d0, d1) -> (0, 0)>
module attributes {stable_mosaic.version = 14 : i64} {
  func.func @_sc_partials(%arg0: i32, %arg1: i32, %arg2: memref<4096x2x2048xf32, #tpu.memory_space<hbm>>, %arg3: memref<4096x2048xf32, #tpu.memory_space<hbm>>, %arg4: memref<4096x2048xf32, #tpu.memory_space<hbm>>, %arg5: memref<2048x2048xf32, #tpu.memory_space<hbm>>, %arg6: memref<2048x2048xf32, #tpu.memory_space<hbm>>, %arg7: memref<32x19x16xf32, #tpu.memory_space<hbm>>, %arg8: memref<2x4x2x2048xf32, #tpu.memory_space<vmem>>, %arg9: memref<2x4x2048xf32, #tpu.memory_space<vmem>>, %arg10: memref<2x4x2048xf32, #tpu.memory_space<vmem>>, %arg11: memref<2x4x2048xf32, #tpu.memory_space<vmem>>, %arg12: memref<2x4x2048xf32, #tpu.memory_space<vmem>>, %arg13: memref<19x16xf32, #tpu.memory_space<vmem>>, %arg14: memref<2x!tpu.dma_semaphore, #tpu.memory_space<semaphore_mem>>) attributes {dimension_semantics = [#tpu.dimension_semantics<core_parallel>, #tpu.dimension_semantics<subcore_parallel>], iteration_bounds = array<i64: 2, 16>, scalar_prefetch = 0 : i64, scratch_operands = 7 : i64, tpu.core_type = #tpu.core_type<sc_vector_subcore>, window_params = [{transform_indices = #map}, {transform_indices = #map1}, {transform_indices = #map1}, {transform_indices = #map1}, {transform_indices = #map1}, {transform_indices = #map}]} {
    %mul3A = arith.constant 2 : i32
    %mul3A_0 = arith.muli %arg1, %mul3A : i32
    %add3A = arith.addi %mul3A_0, %arg0 : i32
    %mul3A_1 = arith.constant 64 : i32
    %mul3A_2 = arith.muli %add3A, %mul3A_1 : i32
    %add3A_3 = arith.constant 2048 : i32
    %add3A_4 = arith.addi %add3A_3, %mul3A_2 : i32
    %mul3A_5 = arith.constant 64 : i32
    %mul3A_6 = arith.muli %add3A, %mul3A_5 : i32
    %add3A_7 = arith.constant 0 : i32
    %add3A_8 = arith.addi %add3A_4, %add3A_7 : i32
    %add3A_9 = arith.constant 0 : i32
    %add3A_10 = arith.addi %mul3A_6, %add3A_9 : i32
    %dma_start3A = arith.constant 0 : i32
    %dma_start3A_11 = arith.constant 0 : i32
    %dma_start3A_12 = arith.constant 0 : i32
    %dma_start3A_13 = arith.constant 0 : i32
    %dma_start3A_14 = arith.constant 0 : i32
    %dma_start3A_15 = tpu.memref_slice %arg8[%dma_start3A, %dma_start3A_12, %dma_start3A_13, %dma_start3A_14] : memref<2x4x2x2048xf32, #tpu.memory_space<vmem>> -> memref<1x4x2x2048xf32, #tpu.memory_space<vmem>>
    %dma_start3A_16 = tpu.memref_squeeze %dma_start3A_15 : memref<1x4x2x2048xf32, #tpu.memory_space<vmem>> -> memref<4x2x2048xf32, #tpu.memory_space<vmem>>
    %dma_start3A_17 = arith.constant 0 : i32
    %dma_start3A_18 = arith.constant 0 : i32
    %dma_start3A_19 = tpu.memref_slice %arg2[%add3A_8, %dma_start3A_17, %dma_start3A_18] : memref<4096x2x2048xf32, #tpu.memory_space<hbm>> -> memref<4x2x2048xf32, #tpu.memory_space<hbm>>
    %dma_start3A_20 = tpu.memref_slice %arg14[%dma_start3A_11] : memref<2x!tpu.dma_semaphore, #tpu.memory_space<semaphore_mem>> -> memref<1x!tpu.dma_semaphore, #tpu.memory_space<semaphore_mem>>
    %dma_start3A_21 = tpu.memref_squeeze %dma_start3A_20 : memref<1x!tpu.dma_semaphore, #tpu.memory_space<semaphore_mem>> -> memref<!tpu.dma_semaphore, #tpu.memory_space<semaphore_mem>>
    %dma_start3A_22 = arith.constant 0 : i32
    %dma_start3A_23 = arith.constant 0 : i32
    %dma_start3A_24 = arith.constant 0 : i32
    %dma_start3A_25 = tpu.memref_slice %arg8[%dma_start3A, %dma_start3A_22, %dma_start3A_23, %dma_start3A_24] : memref<2x4x2x2048xf32, #tpu.memory_space<vmem>> -> memref<1x4x2x2048xf32, #tpu.memory_space<vmem>>
    %dma_start3A_26 = tpu.memref_squeeze %dma_start3A_25 : memref<1x4x2x2048xf32, #tpu.memory_space<vmem>> -> memref<4x2x2048xf32, #tpu.memory_space<vmem>>
    %dma_start3A_27 = arith.constant 0 : i32
    %dma_start3A_28 = arith.constant 0 : i32
    %dma_start3A_29 = tpu.memref_slice %arg2[%add3A_8, %dma_start3A_27, %dma_start3A_28] : memref<4096x2x2048xf32, #tpu.memory_space<hbm>> -> memref<4x2x2048xf32, #tpu.memory_space<hbm>>
    tpu.enqueue_dma source(%dma_start3A_29 : memref<4x2x2048xf32, #tpu.memory_space<hbm>>) target(%dma_start3A_26 : memref<4x2x2048xf32, #tpu.memory_space<vmem>>) target_semaphore(%dma_start3A_21 : memref<!tpu.dma_semaphore, #tpu.memory_space<semaphore_mem>>)
    %dma_start3A_30 = arith.constant 0 : i32
    %dma_start3A_31 = arith.constant 0 : i32
    %dma_start3A_32 = arith.constant 0 : i32
    %dma_start3A_33 = arith.constant 0 : i32
    %dma_start3A_34 = tpu.memref_slice %arg9[%dma_start3A_30, %dma_start3A_32, %dma_start3A_33] : memref<2x4x2048xf32, #tpu.memory_space<vmem>> -> memref<1x4x2048xf32, #tpu.memory_space<vmem>>
    %dma_start3A_35 = tpu.memref_squeeze %dma_start3A_34 : memref<1x4x2048xf32, #tpu.memory_space<vmem>> -> memref<4x2048xf32, #tpu.memory_space<vmem>>
    %dma_start3A_36 = arith.constant 0 : i32
    %dma_start3A_37 = tpu.memref_slice %arg3[%add3A_8, %dma_start3A_36] : memref<4096x2048xf32, #tpu.memory_space<hbm>> -> memref<4x2048xf32, #tpu.memory_space<hbm>>
    %dma_start3A_38 = tpu.memref_slice %arg14[%dma_start3A_31] : memref<2x!tpu.dma_semaphore, #tpu.memory_space<semaphore_mem>> -> memref<1x!tpu.dma_semaphore, #tpu.memory_space<semaphore_mem>>
    %dma_start3A_39 = tpu.memref_squeeze %dma_start3A_38 : memref<1x!tpu.dma_semaphore, #tpu.memory_space<semaphore_mem>> -> memref<!tpu.dma_semaphore, #tpu.memory_space<semaphore_mem>>
    %dma_start3A_40 = arith.constant 0 : i32
    %dma_start3A_41 = arith.constant 0 : i32
    %dma_start3A_42 = tpu.memref_slice %arg9[%dma_start3A_30, %dma_start3A_40, %dma_start3A_41] : memref<2x4x2048xf32, #tpu.memory_space<vmem>> -> memref<1x4x2048xf32, #tpu.memory_space<vmem>>
    %dma_start3A_43 = tpu.memref_squeeze %dma_start3A_42 : memref<1x4x2048xf32, #tpu.memory_space<vmem>> -> memref<4x2048xf32, #tpu.memory_space<vmem>>
    %dma_start3A_44 = arith.constant 0 : i32
    %dma_start3A_45 = tpu.memref_slice %arg3[%add3A_8, %dma_start3A_44] : memref<4096x2048xf32, #tpu.memory_space<hbm>> -> memref<4x2048xf32, #tpu.memory_space<hbm>>
    tpu.enqueue_dma source(%dma_start3A_45 : memref<4x2048xf32, #tpu.memory_space<hbm>>) target(%dma_start3A_43 : memref<4x2048xf32, #tpu.memory_space<vmem>>) target_semaphore(%dma_start3A_39 : memref<!tpu.dma_semaphore, #tpu.memory_space<semaphore_mem>>)
    %dma_start3A_46 = arith.constant 0 : i32
    %dma_start3A_47 = arith.constant 0 : i32
    %dma_start3A_48 = arith.constant 0 : i32
    %dma_start3A_49 = arith.constant 0 : i32
    %dma_start3A_50 = tpu.memref_slice %arg10[%dma_start3A_46, %dma_start3A_48, %dma_start3A_49] : memref<2x4x2048xf32, #tpu.memory_space<vmem>> -> memref<1x4x2048xf32, #tpu.memory_space<vmem>>
    %dma_start3A_51 = tpu.memref_squeeze %dma_start3A_50 : memref<1x4x2048xf32, #tpu.memory_space<vmem>> -> memref<4x2048xf32, #tpu.memory_space<vmem>>
    %dma_start3A_52 = arith.constant 0 : i32
    %dma_start3A_53 = tpu.memref_slice %arg4[%add3A_8, %dma_start3A_52] : memref<4096x2048xf32, #tpu.memory_space<hbm>> -> memref<4x2048xf32, #tpu.memory_space<hbm>>
    %dma_start3A_54 = tpu.memref_slice %arg14[%dma_start3A_47] : memref<2x!tpu.dma_semaphore, #tpu.memory_space<semaphore_mem>> -> memref<1x!tpu.dma_semaphore, #tpu.memory_space<semaphore_mem>>
    %dma_start3A_55 = tpu.memref_squeeze %dma_start3A_54 : memref<1x!tpu.dma_semaphore, #tpu.memory_space<semaphore_mem>> -> memref<!tpu.dma_semaphore, #tpu.memory_space<semaphore_mem>>
    %dma_start3A_56 = arith.constant 0 : i32
    %dma_start3A_57 = arith.constant 0 : i32
    %dma_start3A_58 = tpu.memref_slice %arg10[%dma_start3A_46, %dma_start3A_56, %dma_start3A_57] : memref<2x4x2048xf32, #tpu.memory_space<vmem>> -> memref<1x4x2048xf32, #tpu.memory_space<vmem>>
    %dma_start3A_59 = tpu.memref_squeeze %dma_start3A_58 : memref<1x4x2048xf32, #tpu.memory_space<vmem>> -> memref<4x2048xf32, #tpu.memory_space<vmem>>
    %dma_start3A_60 = arith.constant 0 : i32
    %dma_start3A_61 = tpu.memref_slice %arg4[%add3A_8, %dma_start3A_60] : memref<4096x2048xf32, #tpu.memory_space<hbm>> -> memref<4x2048xf32, #tpu.memory_space<hbm>>
    tpu.enqueue_dma source(%dma_start3A_61 : memref<4x2048xf32, #tpu.memory_space<hbm>>) target(%dma_start3A_59 : memref<4x2048xf32, #tpu.memory_space<vmem>>) target_semaphore(%dma_start3A_55 : memref<!tpu.dma_semaphore, #tpu.memory_space<semaphore_mem>>)
    %dma_start3A_62 = arith.constant 0 : i32
    %dma_start3A_63 = arith.constant 0 : i32
    %dma_start3A_64 = arith.constant 0 : i32
    %dma_start3A_65 = arith.constant 0 : i32
    %dma_start3A_66 = tpu.memref_slice %arg11[%dma_start3A_62, %dma_start3A_64, %dma_start3A_65] : memref<2x4x2048xf32, #tpu.memory_space<vmem>> -> memref<1x4x2048xf32, #tpu.memory_space<vmem>>
    %dma_start3A_67 = tpu.memref_squeeze %dma_start3A_66 : memref<1x4x2048xf32, #tpu.memory_space<vmem>> -> memref<4x2048xf32, #tpu.memory_space<vmem>>
    %dma_start3A_68 = arith.constant 0 : i32
    %dma_start3A_69 = tpu.memref_slice %arg5[%add3A_10, %dma_start3A_68] : memref<2048x2048xf32, #tpu.memory_space<hbm>> -> memref<4x2048xf32, #tpu.memory_space<hbm>>
    %dma_start3A_70 = tpu.memref_slice %arg14[%dma_start3A_63] : memref<2x!tpu.dma_semaphore, #tpu.memory_space<semaphore_mem>> -> memref<1x!tpu.dma_semaphore, #tpu.memory_space<semaphore_mem>>
    %dma_start3A_71 = tpu.memref_squeeze %dma_start3A_70 : memref<1x!tpu.dma_semaphore, #tpu.memory_space<semaphore_mem>> -> memref<!tpu.dma_semaphore, #tpu.memory_space<semaphore_mem>>
    %dma_start3A_72 = arith.constant 0 : i32
    %dma_start3A_73 = arith.constant 0 : i32
    %dma_start3A_74 = tpu.memref_slice %arg11[%dma_start3A_62, %dma_start3A_72, %dma_start3A_73] : memref<2x4x2048xf32, #tpu.memory_space<vmem>> -> memref<1x4x2048xf32, #tpu.memory_space<vmem>>
    %dma_start3A_75 = tpu.memref_squeeze %dma_start3A_74 : memref<1x4x2048xf32, #tpu.memory_space<vmem>> -> memref<4x2048xf32, #tpu.memory_space<vmem>>
    %dma_start3A_76 = arith.constant 0 : i32
    %dma_start3A_77 = tpu.memref_slice %arg5[%add3A_10, %dma_start3A_76] : memref<2048x2048xf32, #tpu.memory_space<hbm>> -> memref<4x2048xf32, #tpu.memory_space<hbm>>
    tpu.enqueue_dma source(%dma_start3A_77 : memref<4x2048xf32, #tpu.memory_space<hbm>>) target(%dma_start3A_75 : memref<4x2048xf32, #tpu.memory_space<vmem>>) target_semaphore(%dma_start3A_71 : memref<!tpu.dma_semaphore, #tpu.memory_space<semaphore_mem>>)
    %dma_start3A_78 = arith.constant 0 : i32
    %dma_start3A_79 = arith.constant 0 : i32
    %dma_start3A_80 = arith.constant 0 : i32
    %dma_start3A_81 = arith.constant 0 : i32
    %dma_start3A_82 = tpu.memref_slice %arg12[%dma_start3A_78, %dma_start3A_80, %dma_start3A_81] : memref<2x4x2048xf32, #tpu.memory_space<vmem>> -> memref<1x4x2048xf32, #tpu.memory_space<vmem>>
    %dma_start3A_83 = tpu.memref_squeeze %dma_start3A_82 : memref<1x4x2048xf32, #tpu.memory_space<vmem>> -> memref<4x2048xf32, #tpu.memory_space<vmem>>
    %dma_start3A_84 = arith.constant 0 : i32
    %dma_start3A_85 = tpu.memref_slice %arg6[%add3A_10, %dma_start3A_84] : memref<2048x2048xf32, #tpu.memory_space<hbm>> -> memref<4x2048xf32, #tpu.memory_space<hbm>>
    %dma_start3A_86 = tpu.memref_slice %arg14[%dma_start3A_79] : memref<2x!tpu.dma_semaphore, #tpu.memory_space<semaphore_mem>> -> memref<1x!tpu.dma_semaphore, #tpu.memory_space<semaphore_mem>>
    %dma_start3A_87 = tpu.memref_squeeze %dma_start3A_86 : memref<1x!tpu.dma_semaphore, #tpu.memory_space<semaphore_mem>> -> memref<!tpu.dma_semaphore, #tpu.memory_space<semaphore_mem>>
    %dma_start3A_88 = arith.constant 0 : i32
    %dma_start3A_89 = arith.constant 0 : i32
    %dma_start3A_90 = tpu.memref_slice %arg12[%dma_start3A_78, %dma_start3A_88, %dma_start3A_89] : memref<2x4x2048xf32, #tpu.memory_space<vmem>> -> memref<1x4x2048xf32, #tpu.memory_space<vmem>>
    %dma_start3A_91 = tpu.memref_squeeze %dma_start3A_90 : memref<1x4x2048xf32, #tpu.memory_space<vmem>> -> memref<4x2048xf32, #tpu.memory_space<vmem>>
    %dma_start3A_92 = arith.constant 0 : i32
    %dma_start3A_93 = tpu.memref_slice %arg6[%add3A_10, %dma_start3A_92] : memref<2048x2048xf32, #tpu.memory_space<hbm>> -> memref<4x2048xf32, #tpu.memory_space<hbm>>
    tpu.enqueue_dma source(%dma_start3A_93 : memref<4x2048xf32, #tpu.memory_space<hbm>>) target(%dma_start3A_91 : memref<4x2048xf32, #tpu.memory_space<vmem>>) target_semaphore(%dma_start3A_87 : memref<!tpu.dma_semaphore, #tpu.memory_space<semaphore_mem>>)
    %add3A_94 = arith.constant 4 : i32
    %add3A_95 = arith.addi %add3A_4, %add3A_94 : i32
    %add3A_96 = arith.constant 4 : i32
    %add3A_97 = arith.addi %mul3A_6, %add3A_96 : i32
    %dma_start3A_98 = arith.constant 1 : i32
    %dma_start3A_99 = arith.constant 1 : i32
    %dma_start3A_100 = arith.constant 0 : i32
    %dma_start3A_101 = arith.constant 0 : i32
    %dma_start3A_102 = arith.constant 0 : i32
    %dma_start3A_103 = tpu.memref_slice %arg8[%dma_start3A_98, %dma_start3A_100, %dma_start3A_101, %dma_start3A_102] : memref<2x4x2x2048xf32, #tpu.memory_space<vmem>> -> memref<1x4x2x2048xf32, #tpu.memory_space<vmem>>
    %dma_start3A_104 = tpu.memref_squeeze %dma_start3A_103 : memref<1x4x2x2048xf32, #tpu.memory_space<vmem>> -> memref<4x2x2048xf32, #tpu.memory_space<vmem>>
    %dma_start3A_105 = arith.constant 0 : i32
    %dma_start3A_106 = arith.constant 0 : i32
    %dma_start3A_107 = tpu.memref_slice %arg2[%add3A_95, %dma_start3A_105, %dma_start3A_106] : memref<4096x2x2048xf32, #tpu.memory_space<hbm>> -> memref<4x2x2048xf32, #tpu.memory_space<hbm>>
    %dma_start3A_108 = tpu.memref_slice %arg14[%dma_start3A_99] : memref<2x!tpu.dma_semaphore, #tpu.memory_space<semaphore_mem>> -> memref<1x!tpu.dma_semaphore, #tpu.memory_space<semaphore_mem>>
    %dma_start3A_109 = tpu.memref_squeeze %dma_start3A_108 : memref<1x!tpu.dma_semaphore, #tpu.memory_space<semaphore_mem>> -> memref<!tpu.dma_semaphore, #tpu.memory_space<semaphore_mem>>
    %dma_start3A_110 = arith.constant 0 : i32
    %dma_start3A_111 = arith.constant 0 : i32
    %dma_start3A_112 = arith.constant 0 : i32
    %dma_start3A_113 = tpu.memref_slice %arg8[%dma_start3A_98, %dma_start3A_110, %dma_start3A_111, %dma_start3A_112] : memref<2x4x2x2048xf32, #tpu.memory_space<vmem>> -> memref<1x4x2x2048xf32, #tpu.memory_space<vmem>>
    %dma_start3A_114 = tpu.memref_squeeze %dma_start3A_113 : memref<1x4x2x2048xf32, #tpu.memory_space<vmem>> -> memref<4x2x2048xf32, #tpu.memory_space<vmem>>
    %dma_start3A_115 = arith.constant 0 : i32
    %dma_start3A_116 = arith.constant 0 : i32
    %dma_start3A_117 = tpu.memref_slice %arg2[%add3A_95, %dma_start3A_115, %dma_start3A_116] : memref<4096x2x2048xf32, #tpu.memory_space<hbm>> -> memref<4x2x2048xf32, #tpu.memory_space<hbm>>
    tpu.enqueue_dma source(%dma_start3A_117 : memref<4x2x2048xf32, #tpu.memory_space<hbm>>) target(%dma_start3A_114 : memref<4x2x2048xf32, #tpu.memory_space<vmem>>) target_semaphore(%dma_start3A_109 : memref<!tpu.dma_semaphore, #tpu.memory_space<semaphore_mem>>)
    %dma_start3A_118 = arith.constant 1 : i32
    %dma_start3A_119 = arith.constant 1 : i32
    %dma_start3A_120 = arith.constant 0 : i32
    %dma_start3A_121 = arith.constant 0 : i32
    %dma_start3A_122 = tpu.memref_slice %arg9[%dma_start3A_118, %dma_start3A_120, %dma_start3A_121] : memref<2x4x2048xf32, #tpu.memory_space<vmem>> -> memref<1x4x2048xf32, #tpu.memory_space<vmem>>
    %dma_start3A_123 = tpu.memref_squeeze %dma_start3A_122 : memref<1x4x2048xf32, #tpu.memory_space<vmem>> -> memref<4x2048xf32, #tpu.memory_space<vmem>>
    %dma_start3A_124 = arith.constant 0 : i32
    %dma_start3A_125 = tpu.memref_slice %arg3[%add3A_95, %dma_start3A_124] : memref<4096x2048xf32, #tpu.memory_space<hbm>> -> memref<4x2048xf32, #tpu.memory_space<hbm>>
    %dma_start3A_126 = tpu.memref_slice %arg14[%dma_start3A_119] : memref<2x!tpu.dma_semaphore, #tpu.memory_space<semaphore_mem>> -> memref<1x!tpu.dma_semaphore, #tpu.memory_space<semaphore_mem>>
    %dma_start3A_127 = tpu.memref_squeeze %dma_start3A_126 : memref<1x!tpu.dma_semaphore, #tpu.memory_space<semaphore_mem>> -> memref<!tpu.dma_semaphore, #tpu.memory_space<semaphore_mem>>
    %dma_start3A_128 = arith.constant 0 : i32
    %dma_start3A_129 = arith.constant 0 : i32
    %dma_start3A_130 = tpu.memref_slice %arg9[%dma_start3A_118, %dma_start3A_128, %dma_start3A_129] : memref<2x4x2048xf32, #tpu.memory_space<vmem>> -> memref<1x4x2048xf32, #tpu.memory_space<vmem>>
    %dma_start3A_131 = tpu.memref_squeeze %dma_start3A_130 : memref<1x4x2048xf32, #tpu.memory_space<vmem>> -> memref<4x2048xf32, #tpu.memory_space<vmem>>
    %dma_start3A_132 = arith.constant 0 : i32
    %dma_start3A_133 = tpu.memref_slice %arg3[%add3A_95, %dma_start3A_132] : memref<4096x2048xf32, #tpu.memory_space<hbm>> -> memref<4x2048xf32, #tpu.memory_space<hbm>>
    tpu.enqueue_dma source(%dma_start3A_133 : memref<4x2048xf32, #tpu.memory_space<hbm>>) target(%dma_start3A_131 : memref<4x2048xf32, #tpu.memory_space<vmem>>) target_semaphore(%dma_start3A_127 : memref<!tpu.dma_semaphore, #tpu.memory_space<semaphore_mem>>)
    %dma_start3A_134 = arith.constant 1 : i32
    %dma_start3A_135 = arith.constant 1 : i32
    %dma_start3A_136 = arith.constant 0 : i32
    %dma_start3A_137 = arith.constant 0 : i32
    %dma_start3A_138 = tpu.memref_slice %arg10[%dma_start3A_134, %dma_start3A_136, %dma_start3A_137] : memref<2x4x2048xf32, #tpu.memory_space<vmem>> -> memref<1x4x2048xf32, #tpu.memory_space<vmem>>
    %dma_start3A_139 = tpu.memref_squeeze %dma_start3A_138 : memref<1x4x2048xf32, #tpu.memory_space<vmem>> -> memref<4x2048xf32, #tpu.memory_space<vmem>>
    %dma_start3A_140 = arith.constant 0 : i32
    %dma_start3A_141 = tpu.memref_slice %arg4[%add3A_95, %dma_start3A_140] : memref<4096x2048xf32, #tpu.memory_space<hbm>> -> memref<4x2048xf32, #tpu.memory_space<hbm>>
    %dma_start3A_142 = tpu.memref_slice %arg14[%dma_start3A_135] : memref<2x!tpu.dma_semaphore, #tpu.memory_space<semaphore_mem>> -> memref<1x!tpu.dma_semaphore, #tpu.memory_space<semaphore_mem>>
    %dma_start3A_143 = tpu.memref_squeeze %dma_start3A_142 : memref<1x!tpu.dma_semaphore, #tpu.memory_space<semaphore_mem>> -> memref<!tpu.dma_semaphore, #tpu.memory_space<semaphore_mem>>
    %dma_start3A_144 = arith.constant 0 : i32
    %dma_start3A_145 = arith.constant 0 : i32
    %dma_start3A_146 = tpu.memref_slice %arg10[%dma_start3A_134, %dma_start3A_144, %dma_start3A_145] : memref<2x4x2048xf32, #tpu.memory_space<vmem>> -> memref<1x4x2048xf32, #tpu.memory_space<vmem>>
    %dma_start3A_147 = tpu.memref_squeeze %dma_start3A_146 : memref<1x4x2048xf32, #tpu.memory_space<vmem>> -> memref<4x2048xf32, #tpu.memory_space<vmem>>
    %dma_start3A_148 = arith.constant 0 : i32
    %dma_start3A_149 = tpu.memref_slice %arg4[%add3A_95, %dma_start3A_148] : memref<4096x2048xf32, #tpu.memory_space<hbm>> -> memref<4x2048xf32, #tpu.memory_space<hbm>>
    tpu.enqueue_dma source(%dma_start3A_149 : memref<4x2048xf32, #tpu.memory_space<hbm>>) target(%dma_start3A_147 : memref<4x2048xf32, #tpu.memory_space<vmem>>) target_semaphore(%dma_start3A_143 : memref<!tpu.dma_semaphore, #tpu.memory_space<semaphore_mem>>)
    %dma_start3A_150 = arith.constant 1 : i32
    %dma_start3A_151 = arith.constant 1 : i32
    %dma_start3A_152 = arith.constant 0 : i32
    %dma_start3A_153 = arith.constant 0 : i32
    %dma_start3A_154 = tpu.memref_slice %arg11[%dma_start3A_150, %dma_start3A_152, %dma_start3A_153] : memref<2x4x2048xf32, #tpu.memory_space<vmem>> -> memref<1x4x2048xf32, #tpu.memory_space<vmem>>
    %dma_start3A_155 = tpu.memref_squeeze %dma_start3A_154 : memref<1x4x2048xf32, #tpu.memory_space<vmem>> -> memref<4x2048xf32, #tpu.memory_space<vmem>>
    %dma_start3A_156 = arith.constant 0 : i32
    %dma_start3A_157 = tpu.memref_slice %arg5[%add3A_97, %dma_start3A_156] : memref<2048x2048xf32, #tpu.memory_space<hbm>> -> memref<4x2048xf32, #tpu.memory_space<hbm>>
    %dma_start3A_158 = tpu.memref_slice %arg14[%dma_start3A_151] : memref<2x!tpu.dma_semaphore, #tpu.memory_space<semaphore_mem>> -> memref<1x!tpu.dma_semaphore, #tpu.memory_space<semaphore_mem>>
    %dma_start3A_159 = tpu.memref_squeeze %dma_start3A_158 : memref<1x!tpu.dma_semaphore, #tpu.memory_space<semaphore_mem>> -> memref<!tpu.dma_semaphore, #tpu.memory_space<semaphore_mem>>
    %dma_start3A_160 = arith.constant 0 : i32
    %dma_start3A_161 = arith.constant 0 : i32
    %dma_start3A_162 = tpu.memref_slice %arg11[%dma_start3A_150, %dma_start3A_160, %dma_start3A_161] : memref<2x4x2048xf32, #tpu.memory_space<vmem>> -> memref<1x4x2048xf32, #tpu.memory_space<vmem>>
    %dma_start3A_163 = tpu.memref_squeeze %dma_start3A_162 : memref<1x4x2048xf32, #tpu.memory_space<vmem>> -> memref<4x2048xf32, #tpu.memory_space<vmem>>
    %dma_start3A_164 = arith.constant 0 : i32
    %dma_start3A_165 = tpu.memref_slice %arg5[%add3A_97, %dma_start3A_164] : memref<2048x2048xf32, #tpu.memory_space<hbm>> -> memref<4x2048xf32, #tpu.memory_space<hbm>>
    tpu.enqueue_dma source(%dma_start3A_165 : memref<4x2048xf32, #tpu.memory_space<hbm>>) target(%dma_start3A_163 : memref<4x2048xf32, #tpu.memory_space<vmem>>) target_semaphore(%dma_start3A_159 : memref<!tpu.dma_semaphore, #tpu.memory_space<semaphore_mem>>)
    %dma_start3A_166 = arith.constant 1 : i32
    %dma_start3A_167 = arith.constant 1 : i32
    %dma_start3A_168 = arith.constant 0 : i32
    %dma_start3A_169 = arith.constant 0 : i32
    %dma_start3A_170 = tpu.memref_slice %arg12[%dma_start3A_166, %dma_start3A_168, %dma_start3A_169] : memref<2x4x2048xf32, #tpu.memory_space<vmem>> -> memref<1x4x2048xf32, #tpu.memory_space<vmem>>
    %dma_start3A_171 = tpu.memref_squeeze %dma_start3A_170 : memref<1x4x2048xf32, #tpu.memory_space<vmem>> -> memref<4x2048xf32, #tpu.memory_space<vmem>>
    %dma_start3A_172 = arith.constant 0 : i32
    %dma_start3A_173 = tpu.memref_slice %arg6[%add3A_97, %dma_start3A_172] : memref<2048x2048xf32, #tpu.memory_space<hbm>> -> memref<4x2048xf32, #tpu.memory_space<hbm>>
    %dma_start3A_174 = tpu.memref_slice %arg14[%dma_start3A_167] : memref<2x!tpu.dma_semaphore, #tpu.memory_space<semaphore_mem>> -> memref<1x!tpu.dma_semaphore, #tpu.memory_space<semaphore_mem>>
    %dma_start3A_175 = tpu.memref_squeeze %dma_start3A_174 : memref<1x!tpu.dma_semaphore, #tpu.memory_space<semaphore_mem>> -> memref<!tpu.dma_semaphore, #tpu.memory_space<semaphore_mem>>
    %dma_start3A_176 = arith.constant 0 : i32
    %dma_start3A_177 = arith.constant 0 : i32
    %dma_start3A_178 = tpu.memref_slice %arg12[%dma_start3A_166, %dma_start3A_176, %dma_start3A_177] : memref<2x4x2048xf32, #tpu.memory_space<vmem>> -> memref<1x4x2048xf32, #tpu.memory_space<vmem>>
    %dma_start3A_179 = tpu.memref_squeeze %dma_start3A_178 : memref<1x4x2048xf32, #tpu.memory_space<vmem>> -> memref<4x2048xf32, #tpu.memory_space<vmem>>
    %dma_start3A_180 = arith.constant 0 : i32
    %dma_start3A_181 = tpu.memref_slice %arg6[%add3A_97, %dma_start3A_180] : memref<2048x2048xf32, #tpu.memory_space<hbm>> -> memref<4x2048xf32, #tpu.memory_space<hbm>>
    tpu.enqueue_dma source(%dma_start3A_181 : memref<4x2048xf32, #tpu.memory_space<hbm>>) target(%dma_start3A_179 : memref<4x2048xf32, #tpu.memory_space<vmem>>) target_semaphore(%dma_start3A_175 : memref<!tpu.dma_semaphore, #tpu.memory_space<semaphore_mem>>)
    %broadcast_in_dim3A = arith.constant 0.000000e+00 : f32
    %broadcast_in_dim3A_182 = vector.broadcast %broadcast_in_dim3A : f32 to vector<16xf32>
    %scan3A = arith.constant 0 : i32
    %scan3A_183 = arith.constant 8 : i32
    %scan3A_184 = arith.addi %scan3A, %scan3A_183 : i32
    %scan3A_185 = arith.constant 1 : i32
    %scan3A_186:19 = scf.for %scan3A_301 = %scan3A to %scan3A_184 step %scan3A_185 iter_args(%scan3A_302 = %broadcast_in_dim3A_182, %scan3A_303 = %broadcast_in_dim3A_182, %scan3A_304 = %broadcast_in_dim3A_182, %scan3A_305 = %broadcast_in_dim3A_182, %scan3A_306 = %broadcast_in_dim3A_182, %scan3A_307 = %broadcast_in_dim3A_182, %scan3A_308 = %broadcast_in_dim3A_182, %scan3A_309 = %broadcast_in_dim3A_182, %scan3A_310 = %broadcast_in_dim3A_182, %scan3A_311 = %broadcast_in_dim3A_182, %scan3A_312 = %broadcast_in_dim3A_182, %scan3A_313 = %broadcast_in_dim3A_182, %scan3A_314 = %broadcast_in_dim3A_182, %scan3A_315 = %broadcast_in_dim3A_182, %scan3A_316 = %broadcast_in_dim3A_182, %scan3A_317 = %broadcast_in_dim3A_182, %scan3A_318 = %broadcast_in_dim3A_182, %scan3A_319 = %broadcast_in_dim3A_182, %scan3A_320 = %broadcast_in_dim3A_182) -> (vector<16xf32>, vector<16xf32>, vector<16xf32>, vector<16xf32>, vector<16xf32>, vector<16xf32>, vector<16xf32>, vector<16xf32>, vector<16xf32>, vector<16xf32>, vector<16xf32>, vector<16xf32>, vector<16xf32>, vector<16xf32>, vector<16xf32>, vector<16xf32>, vector<16xf32>, vector<16xf32>, vector<16xf32>)  : i32 {
      %mul3A_321 = arith.constant 2 : i32
      %mul3A_322 = arith.muli %mul3A_321, %scan3A_301 : i32
      %dma_wait3A = arith.constant 0 : i32
      %dma_wait3A_323 = arith.constant 0 : i32
      %dma_wait3A_324 = arith.constant 0 : i32
      %dma_wait3A_325 = arith.constant 0 : i32
      %dma_wait3A_326 = arith.constant 0 : i32
      %dma_wait3A_327 = tpu.memref_slice %arg8[%dma_wait3A, %dma_wait3A_324, %dma_wait3A_325, %dma_wait3A_326] : memref<2x4x2x2048xf32, #tpu.memory_space<vmem>> -> memref<1x4x2x2048xf32, #tpu.memory_space<vmem>>
      %dma_wait3A_328 = tpu.memref_squeeze %dma_wait3A_327 : memref<1x4x2x2048xf32, #tpu.memory_space<vmem>> -> memref<4x2x2048xf32, #tpu.memory_space<vmem>>
      %dma_wait3A_329 = arith.constant 0 : i32
      %dma_wait3A_330 = arith.constant 0 : i32
      %dma_wait3A_331 = tpu.memref_slice %arg2[%add3A_4, %dma_wait3A_329, %dma_wait3A_330] : memref<4096x2x2048xf32, #tpu.memory_space<hbm>> -> memref<4x2x2048xf32, #tpu.memory_space<hbm>>
      %dma_wait3A_332 = tpu.memref_slice %arg14[%dma_wait3A_323] : memref<2x!tpu.dma_semaphore, #tpu.memory_space<semaphore_mem>> -> memref<1x!tpu.dma_semaphore, #tpu.memory_space<semaphore_mem>>
      %dma_wait3A_333 = tpu.memref_squeeze %dma_wait3A_332 : memref<1x!tpu.dma_semaphore, #tpu.memory_space<semaphore_mem>> -> memref<!tpu.dma_semaphore, #tpu.memory_space<semaphore_mem>>
      %dma_wait3A_334 = arith.constant 0 : i32
      %dma_wait3A_335 = arith.constant 0 : i32
      %dma_wait3A_336 = arith.constant 0 : i32
      %dma_wait3A_337 = tpu.memref_slice %arg8[%dma_wait3A, %dma_wait3A_334, %dma_wait3A_335, %dma_wait3A_336] : memref<2x4x2x2048xf32, #tpu.memory_space<vmem>> -> memref<1x4x2x2048xf32, #tpu.memory_space<vmem>>
      %dma_wait3A_338 = tpu.memref_squeeze %dma_wait3A_337 : memref<1x4x2x2048xf32, #tpu.memory_space<vmem>> -> memref<4x2x2048xf32, #tpu.memory_space<vmem>>
      %dma_wait3A_339 = arith.constant 0 : i32
      %dma_wait3A_340 = arith.constant 0 : i32
      %dma_wait3A_341 = tpu.memref_slice %arg2[%add3A_4, %dma_wait3A_339, %dma_wait3A_340] : memref<4096x2x2048xf32, #tpu.memory_space<hbm>> -> memref<4x2x2048xf32, #tpu.memory_space<hbm>>
      tpu.wait_dma2 semaphore(%dma_wait3A_333 : memref<!tpu.dma_semaphore, #tpu.memory_space<semaphore_mem>>) src(%dma_wait3A_341 : memref<4x2x2048xf32, #tpu.memory_space<hbm>>) dst(%dma_wait3A_338 : memref<4x2x2048xf32, #tpu.memory_space<vmem>>)
      %dma_wait3A_342 = arith.constant 0 : i32
      %dma_wait3A_343 = arith.constant 0 : i32
      %dma_wait3A_344 = arith.constant 0 : i32
      %dma_wait3A_345 = arith.constant 0 : i32
      %dma_wait3A_346 = tpu.memref_slice %arg9[%dma_wait3A_342, %dma_wait3A_344, %dma_wait3A_345] : memref<2x4x2048xf32, #tpu.memory_space<vmem>> -> memref<1x4x2048xf32, #tpu.memory_space<vmem>>
      %dma_wait3A_347 = tpu.memref_squeeze %dma_wait3A_346 : memref<1x4x2048xf32, #tpu.memory_space<vmem>> -> memref<4x2048xf32, #tpu.memory_space<vmem>>
      %dma_wait3A_348 = arith.constant 0 : i32
      %dma_wait3A_349 = tpu.memref_slice %arg3[%add3A_4, %dma_wait3A_348] : memref<4096x2048xf32, #tpu.memory_space<hbm>> -> memref<4x2048xf32, #tpu.memory_space<hbm>>
      %dma_wait3A_350 = tpu.memref_slice %arg14[%dma_wait3A_343] : memref<2x!tpu.dma_semaphore, #tpu.memory_space<semaphore_mem>> -> memref<1x!tpu.dma_semaphore, #tpu.memory_space<semaphore_mem>>
      %dma_wait3A_351 = tpu.memref_squeeze %dma_wait3A_350 : memref<1x!tpu.dma_semaphore, #tpu.memory_space<semaphore_mem>> -> memref<!tpu.dma_semaphore, #tpu.memory_space<semaphore_mem>>
      %dma_wait3A_352 = arith.constant 0 : i32
      %dma_wait3A_353 = arith.constant 0 : i32
      %dma_wait3A_354 = tpu.memref_slice %arg9[%dma_wait3A_342, %dma_wait3A_352, %dma_wait3A_353] : memref<2x4x2048xf32, #tpu.memory_space<vmem>> -> memref<1x4x2048xf32, #tpu.memory_space<vmem>>
      %dma_wait3A_355 = tpu.memref_squeeze %dma_wait3A_354 : memref<1x4x2048xf32, #tpu.memory_space<vmem>> -> memref<4x2048xf32, #tpu.memory_space<vmem>>
      %dma_wait3A_356 = arith.constant 0 : i32
      %dma_wait3A_357 = tpu.memref_slice %arg3[%add3A_4, %dma_wait3A_356] : memref<4096x2048xf32, #tpu.memory_space<hbm>> -> memref<4x2048xf32, #tpu.memory_space<hbm>>
      tpu.wait_dma2 semaphore(%dma_wait3A_351 : memref<!tpu.dma_semaphore, #tpu.memory_space<semaphore_mem>>) src(%dma_wait3A_357 : memref<4x2048xf32, #tpu.memory_space<hbm>>) dst(%dma_wait3A_355 : memref<4x2048xf32, #tpu.memory_space<vmem>>)
      %dma_wait3A_358 = arith.constant 0 : i32
      %dma_wait3A_359 = arith.constant 0 : i32
      %dma_wait3A_360 = arith.constant 0 : i32
      %dma_wait3A_361 = arith.constant 0 : i32
      %dma_wait3A_362 = tpu.memref_slice %arg10[%dma_wait3A_358, %dma_wait3A_360, %dma_wait3A_361] : memref<2x4x2048xf32, #tpu.memory_space<vmem>> -> memref<1x4x2048xf32, #tpu.memory_space<vmem>>
      %dma_wait3A_363 = tpu.memref_squeeze %dma_wait3A_362 : memref<1x4x2048xf32, #tpu.memory_space<vmem>> -> memref<4x2048xf32, #tpu.memory_space<vmem>>
      %dma_wait3A_364 = arith.constant 0 : i32
      %dma_wait3A_365 = tpu.memref_slice %arg4[%add3A_4, %dma_wait3A_364] : memref<4096x2048xf32, #tpu.memory_space<hbm>> -> memref<4x2048xf32, #tpu.memory_space<hbm>>
      %dma_wait3A_366 = tpu.memref_slice %arg14[%dma_wait3A_359] : memref<2x!tpu.dma_semaphore, #tpu.memory_space<semaphore_mem>> -> memref<1x!tpu.dma_semaphore, #tpu.memory_space<semaphore_mem>>
      %dma_wait3A_367 = tpu.memref_squeeze %dma_wait3A_366 : memref<1x!tpu.dma_semaphore, #tpu.memory_space<semaphore_mem>> -> memref<!tpu.dma_semaphore, #tpu.memory_space<semaphore_mem>>
      %dma_wait3A_368 = arith.constant 0 : i32
      %dma_wait3A_369 = arith.constant 0 : i32
      %dma_wait3A_370 = tpu.memref_slice %arg10[%dma_wait3A_358, %dma_wait3A_368, %dma_wait3A_369] : memref<2x4x2048xf32, #tpu.memory_space<vmem>> -> memref<1x4x2048xf32, #tpu.memory_space<vmem>>
      %dma_wait3A_371 = tpu.memref_squeeze %dma_wait3A_370 : memref<1x4x2048xf32, #tpu.memory_space<vmem>> -> memref<4x2048xf32, #tpu.memory_space<vmem>>
      %dma_wait3A_372 = arith.constant 0 : i32
      %dma_wait3A_373 = tpu.memref_slice %arg4[%add3A_4, %dma_wait3A_372] : memref<4096x2048xf32, #tpu.memory_space<hbm>> -> memref<4x2048xf32, #tpu.memory_space<hbm>>
      tpu.wait_dma2 semaphore(%dma_wait3A_367 : memref<!tpu.dma_semaphore, #tpu.memory_space<semaphore_mem>>) src(%dma_wait3A_373 : memref<4x2048xf32, #tpu.memory_space<hbm>>) dst(%dma_wait3A_371 : memref<4x2048xf32, #tpu.memory_space<vmem>>)
      %dma_wait3A_374 = arith.constant 0 : i32
      %dma_wait3A_375 = arith.constant 0 : i32
      %dma_wait3A_376 = arith.constant 0 : i32
      %dma_wait3A_377 = arith.constant 0 : i32
      %dma_wait3A_378 = tpu.memref_slice %arg11[%dma_wait3A_374, %dma_wait3A_376, %dma_wait3A_377] : memref<2x4x2048xf32, #tpu.memory_space<vmem>> -> memref<1x4x2048xf32, #tpu.memory_space<vmem>>
      %dma_wait3A_379 = tpu.memref_squeeze %dma_wait3A_378 : memref<1x4x2048xf32, #tpu.memory_space<vmem>> -> memref<4x2048xf32, #tpu.memory_space<vmem>>
      %dma_wait3A_380 = arith.constant 0 : i32
      %dma_wait3A_381 = tpu.memref_slice %arg5[%add3A_4, %dma_wait3A_380] : memref<2048x2048xf32, #tpu.memory_space<hbm>> -> memref<4x2048xf32, #tpu.memory_space<hbm>>
      %dma_wait3A_382 = tpu.memref_slice %arg14[%dma_wait3A_375] : memref<2x!tpu.dma_semaphore, #tpu.memory_space<semaphore_mem>> -> memref<1x!tpu.dma_semaphore, #tpu.memory_space<semaphore_mem>>
      %dma_wait3A_383 = tpu.memref_squeeze %dma_wait3A_382 : memref<1x!tpu.dma_semaphore, #tpu.memory_space<semaphore_mem>> -> memref<!tpu.dma_semaphore, #tpu.memory_space<semaphore_mem>>
      %dma_wait3A_384 = arith.constant 0 : i32
      %dma_wait3A_385 = arith.constant 0 : i32
      %dma_wait3A_386 = tpu.memref_slice %arg11[%dma_wait3A_374, %dma_wait3A_384, %dma_wait3A_385] : memref<2x4x2048xf32, #tpu.memory_space<vmem>> -> memref<1x4x2048xf32, #tpu.memory_space<vmem>>
      %dma_wait3A_387 = tpu.memref_squeeze %dma_wait3A_386 : memref<1x4x2048xf32, #tpu.memory_space<vmem>> -> memref<4x2048xf32, #tpu.memory_space<vmem>>
      %dma_wait3A_388 = arith.constant 0 : i32
      %dma_wait3A_389 = tpu.memref_slice %arg5[%add3A_4, %dma_wait3A_388] : memref<2048x2048xf32, #tpu.memory_space<hbm>> -> memref<4x2048xf32, #tpu.memory_space<hbm>>
      tpu.wait_dma2 semaphore(%dma_wait3A_383 : memref<!tpu.dma_semaphore, #tpu.memory_space<semaphore_mem>>) src(%dma_wait3A_389 : memref<4x2048xf32, #tpu.memory_space<hbm>>) dst(%dma_wait3A_387 : memref<4x2048xf32, #tpu.memory_space<vmem>>)
      %dma_wait3A_390 = arith.constant 0 : i32
      %dma_wait3A_391 = arith.constant 0 : i32
      %dma_wait3A_392 = arith.constant 0 : i32
      %dma_wait3A_393 = arith.constant 0 : i32
      %dma_wait3A_394 = tpu.memref_slice %arg12[%dma_wait3A_390, %dma_wait3A_392, %dma_wait3A_393] : memref<2x4x2048xf32, #tpu.memory_space<vmem>> -> memref<1x4x2048xf32, #tpu.memory_space<vmem>>
      %dma_wait3A_395 = tpu.memref_squeeze %dma_wait3A_394 : memref<1x4x2048xf32, #tpu.memory_space<vmem>> -> memref<4x2048xf32, #tpu.memory_space<vmem>>
      %dma_wait3A_396 = arith.constant 0 : i32
      %dma_wait3A_397 = tpu.memref_slice %arg6[%add3A_4, %dma_wait3A_396] : memref<2048x2048xf32, #tpu.memory_space<hbm>> -> memref<4x2048xf32, #tpu.memory_space<hbm>>
      %dma_wait3A_398 = tpu.memref_slice %arg14[%dma_wait3A_391] : memref<2x!tpu.dma_semaphore, #tpu.memory_space<semaphore_mem>> -> memref<1x!tpu.dma_semaphore, #tpu.memory_space<semaphore_mem>>
      %dma_wait3A_399 = tpu.memref_squeeze %dma_wait3A_398 : memref<1x!tpu.dma_semaphore, #tpu.memory_space<semaphore_mem>> -> memref<!tpu.dma_semaphore, #tpu.memory_space<semaphore_mem>>
      %dma_wait3A_400 = arith.constant 0 : i32
      %dma_wait3A_401 = arith.constant 0 : i32
      %dma_wait3A_402 = tpu.memref_slice %arg12[%dma_wait3A_390, %dma_wait3A_400, %dma_wait3A_401] : memref<2x4x2048xf32, #tpu.memory_space<vmem>> -> memref<1x4x2048xf32, #tpu.memory_space<vmem>>
      %dma_wait3A_403 = tpu.memref_squeeze %dma_wait3A_402 : memref<1x4x2048xf32, #tpu.memory_space<vmem>> -> memref<4x2048xf32, #tpu.memory_space<vmem>>
      %dma_wait3A_404 = arith.constant 0 : i32
      %dma_wait3A_405 = tpu.memref_slice %arg6[%add3A_4, %dma_wait3A_404] : memref<2048x2048xf32, #tpu.memory_space<hbm>> -> memref<4x2048xf32, #tpu.memory_space<hbm>>
      tpu.wait_dma2 semaphore(%dma_wait3A_399 : memref<!tpu.dma_semaphore, #tpu.memory_space<semaphore_mem>>) src(%dma_wait3A_405 : memref<4x2048xf32, #tpu.memory_space<hbm>>) dst(%dma_wait3A_403 : memref<4x2048xf32, #tpu.memory_space<vmem>>)
      %scan3A_406 = arith.constant 0 : i32
      %scan3A_407 = arith.constant 32 : i32
      %scan3A_408 = arith.addi %scan3A_406, %scan3A_407 : i32
      %scan3A_409 = arith.constant 1 : i32
      %scan3A_410:19 = scf.for %scan3A_549 = %scan3A_406 to %scan3A_408 step %scan3A_409 iter_args(%scan3A_550 = %scan3A_302, %scan3A_551 = %scan3A_303, %scan3A_552 = %scan3A_304, %scan3A_553 = %scan3A_305, %scan3A_554 = %scan3A_306, %scan3A_555 = %scan3A_307, %scan3A_556 = %scan3A_308, %scan3A_557 = %scan3A_309, %scan3A_558 = %scan3A_310, %scan3A_559 = %scan3A_311, %scan3A_560 = %scan3A_312, %scan3A_561 = %scan3A_313, %scan3A_562 = %scan3A_314, %scan3A_563 = %scan3A_315, %scan3A_564 = %scan3A_316, %scan3A_565 = %scan3A_317, %scan3A_566 = %scan3A_318, %scan3A_567 = %scan3A_319, %scan3A_568 = %scan3A_320) -> (vector<16xf32>, vector<16xf32>, vector<16xf32>, vector<16xf32>, vector<16xf32>, vector<16xf32>, vector<16xf32>, vector<16xf32>, vector<16xf32>, vector<16xf32>, vector<16xf32>, vector<16xf32>, vector<16xf32>, vector<16xf32>, vector<16xf32>, vector<16xf32>, vector<16xf32>, vector<16xf32>, vector<16xf32>)  : i32 {
        %mul3A_569 = arith.constant 64 : i32
        %mul3A_570 = arith.muli %scan3A_549, %mul3A_569 : i32
        %add3A_571 = arith.constant 0 : i32
        %add3A_572 = arith.addi %mul3A_570, %add3A_571 : i32
        %get3A = arith.constant 0 : i32
        %get3A_573 = arith.constant 0 : i32
        %get3A_574 = arith.index_cast %get3A : i32 to index
        %get3A_575 = arith.index_cast %get3A_573 : i32 to index
        %get3A_576 = arith.index_cast %add3A_572 : i32 to index
        %get3A_577 = tpu.vector_load %arg11[%get3A_574, %get3A_575, %get3A_576] {strides = array<i32>} : memref<2x4x2048xf32, #tpu.memory_space<vmem>>, vector<1x1x16xf32>,
        %get3A_578 = vector.shape_cast %get3A_577 : vector<1x1x16xf32> to vector<16xf32>
        %get3A_579 = arith.constant 0 : i32
        %get3A_580 = arith.constant 0 : i32
        %get3A_581 = arith.index_cast %get3A_579 : i32 to index
        %get3A_582 = arith.index_cast %get3A_580 : i32 to index
        %get3A_583 = arith.index_cast %add3A_572 : i32 to index
        %get3A_584 = tpu.vector_load %arg12[%get3A_581, %get3A_582, %get3A_583] {strides = array<i32>} : memref<2x4x2048xf32, #tpu.memory_space<vmem>>, vector<1x1x16xf32>,
        %get3A_585 = vector.shape_cast %get3A_584 : vector<1x1x16xf32> to vector<16xf32>
        %mul3A_586 = arith.mulf %get3A_578, %get3A_585 : vector<16xf32>
        %get3A_587 = arith.constant 0 : i32
        %get3A_588 = arith.constant 0 : i32
        %get3A_589 = arith.constant 0 : i32
        %get3A_590 = arith.index_cast %get3A_587 : i32 to index
        %get3A_591 = arith.index_cast %get3A_588 : i32 to index
        %get3A_592 = arith.index_cast %get3A_589 : i32 to index
        %get3A_593 = arith.index_cast %add3A_572 : i32 to index
        %get3A_594 = tpu.vector_load %arg8[%get3A_590, %get3A_591, %get3A_592, %get3A_593] {strides = array<i32>} : memref<2x4x2x2048xf32, #tpu.memory_space<vmem>>, vector<1x1x1x16xf32>,
        %get3A_595 = vector.shape_cast %get3A_594 : vector<1x1x1x16xf32> to vector<16xf32>
        %get3A_596 = arith.constant 0 : i32
        %get3A_597 = arith.constant 0 : i32
        %get3A_598 = arith.constant 1 : i32
        %get3A_599 = arith.index_cast %get3A_596 : i32 to index
        %get3A_600 = arith.index_cast %get3A_597 : i32 to index
        %get3A_601 = arith.index_cast %get3A_598 : i32 to index
        %get3A_602 = arith.index_cast %add3A_572 : i32 to index
        %get3A_603 = tpu.vector_load %arg8[%get3A_599, %get3A_600, %get3A_601, %get3A_602] {strides = array<i32>} : memref<2x4x2x2048xf32, #tpu.memory_space<vmem>>, vector<1x1x1x16xf32>,
        %get3A_604 = vector.shape_cast %get3A_603 : vector<1x1x1x16xf32> to vector<16xf32>
        %get3A_605 = arith.constant 0 : i32
        %get3A_606 = arith.constant 0 : i32
        %get3A_607 = arith.index_cast %get3A_605 : i32 to index
        %get3A_608 = arith.index_cast %get3A_606 : i32 to index
        %get3A_609 = arith.index_cast %add3A_572 : i32 to index
        %get3A_610 = tpu.vector_load %arg9[%get3A_607, %get3A_608, %get3A_609] {strides = array<i32>} : memref<2x4x2048xf32, #tpu.memory_space<vmem>>, vector<1x1x16xf32>,
        %get3A_611 = vector.shape_cast %get3A_610 : vector<1x1x16xf32> to vector<16xf32>
        %get3A_612 = arith.constant 0 : i32
        %get3A_613 = arith.constant 0 : i32
        %get3A_614 = arith.index_cast %get3A_612 : i32 to index
        %get3A_615 = arith.index_cast %get3A_613 : i32 to index
        %get3A_616 = arith.index_cast %add3A_572 : i32 to index
        %get3A_617 = tpu.vector_load %arg10[%get3A_614, %get3A_615, %get3A_616] {strides = array<i32>} : memref<2x4x2048xf32, #tpu.memory_space<vmem>>, vector<1x1x16xf32>,
        %get3A_618 = vector.shape_cast %get3A_617 : vector<1x1x16xf32> to vector<16xf32>
        %add3A_619 = arith.addf %get3A_595, %get3A_604 : vector<16xf32>
        %sub3A = arith.subf %get3A_611, %get3A_618 : vector<16xf32>
        %mul3A_620 = arith.mulf %get3A_595, %get3A_585 : vector<16xf32>
        %mul3A_621 = arith.mulf %get3A_618, %get3A_585 : vector<16xf32>
        %mul3A_622 = arith.mulf %add3A_619, %get3A_578 : vector<16xf32>
        %mul3A_623 = arith.mulf %get3A_611, %get3A_578 : vector<16xf32>
        %mul3A_624 = arith.mulf %get3A_604, %mul3A_586 : vector<16xf32>
        %mul3A_625 = arith.mulf %sub3A, %mul3A_586 : vector<16xf32>
        %add3A_626 = arith.addf %scan3A_550, %get3A_585 : vector<16xf32>
        %add3A_627 = arith.addf %scan3A_551, %mul3A_620 : vector<16xf32>
        %add3A_628 = arith.addf %scan3A_552, %mul3A_621 : vector<16xf32>
        %mul3A_629 = arith.mulf %mul3A_620, %mul3A_621 : vector<16xf32>
        %add3A_630 = arith.addf %scan3A_553, %mul3A_629 : vector<16xf32>
        %mul3A_631 = arith.mulf %mul3A_620, %mul3A_620 : vector<16xf32>
        %add3A_632 = arith.addf %scan3A_554, %mul3A_631 : vector<16xf32>
        %mul3A_633 = arith.mulf %mul3A_621, %mul3A_621 : vector<16xf32>
        %add3A_634 = arith.addf %scan3A_555, %mul3A_633 : vector<16xf32>
        %add3A_635 = arith.addf %scan3A_556, %get3A_578 : vector<16xf32>
        %add3A_636 = arith.addf %scan3A_557, %mul3A_622 : vector<16xf32>
        %add3A_637 = arith.addf %scan3A_558, %mul3A_623 : vector<16xf32>
        %mul3A_638 = arith.mulf %mul3A_622, %mul3A_623 : vector<16xf32>
        %add3A_639 = arith.addf %scan3A_559, %mul3A_638 : vector<16xf32>
        %mul3A_640 = arith.mulf %mul3A_622, %mul3A_622 : vector<16xf32>
        %add3A_641 = arith.addf %scan3A_560, %mul3A_640 : vector<16xf32>
        %mul3A_642 = arith.mulf %mul3A_623, %mul3A_623 : vector<16xf32>
        %add3A_643 = arith.addf %scan3A_561, %mul3A_642 : vector<16xf32>
        %sub3A_644 = arith.subf %mul3A_622, %mul3A_623 : vector<16xf32>
        %abs3A = math.absf %sub3A_644 : vector<16xf32>
        %add3A_645 = arith.addf %scan3A_562, %abs3A : vector<16xf32>
        %add3A_646 = arith.addf %scan3A_563, %mul3A_586 : vector<16xf32>
        %add3A_647 = arith.addf %scan3A_564, %mul3A_624 : vector<16xf32>
        %add3A_648 = arith.addf %scan3A_565, %mul3A_625 : vector<16xf32>
        %mul3A_649 = arith.mulf %mul3A_624, %mul3A_625 : vector<16xf32>
        %add3A_650 = arith.addf %scan3A_566, %mul3A_649 : vector<16xf32>
        %mul3A_651 = arith.mulf %mul3A_624, %mul3A_624 : vector<16xf32>
        %add3A_652 = arith.addf %scan3A_567, %mul3A_651 : vector<16xf32>
        %mul3A_653 = arith.mulf %mul3A_625, %mul3A_625 : vector<16xf32>
        %add3A_654 = arith.addf %scan3A_568, %mul3A_653 : vector<16xf32>
        %add3A_655 = arith.constant 16 : i32
        %add3A_656 = arith.addi %mul3A_570, %add3A_655 : i32
        %get3A_657 = arith.constant 0 : i32
        %get3A_658 = arith.constant 0 : i32
        %get3A_659 = arith.index_cast %get3A_657 : i32 to index
        %get3A_660 = arith.index_cast %get3A_658 : i32 to index
        %get3A_661 = arith.index_cast %add3A_656 : i32 to index
        %get3A_662 = tpu.vector_load %arg11[%get3A_659, %get3A_660, %get3A_661] {strides = array<i32>} : memref<2x4x2048xf32, #tpu.memory_space<vmem>>, vector<1x1x16xf32>,
        %get3A_663 = vector.shape_cast %get3A_662 : vector<1x1x16xf32> to vector<16xf32>
        %get3A_664 = arith.constant 0 : i32
        %get3A_665 = arith.constant 0 : i32
        %get3A_666 = arith.index_cast %get3A_664 : i32 to index
        %get3A_667 = arith.index_cast %get3A_665 : i32 to index
        %get3A_668 = arith.index_cast %add3A_656 : i32 to index
        %get3A_669 = tpu.vector_load %arg12[%get3A_666, %get3A_667, %get3A_668] {strides = array<i32>} : memref<2x4x2048xf32, #tpu.memory_space<vmem>>, vector<1x1x16xf32>,
        %get3A_670 = vector.shape_cast %get3A_669 : vector<1x1x16xf32> to vector<16xf32>
        %mul3A_671 = arith.mulf %get3A_663, %get3A_670 : vector<16xf32>
        %get3A_672 = arith.constant 0 : i32
        %get3A_673 = arith.constant 0 : i32
        %get3A_674 = arith.constant 0 : i32
        %get3A_675 = arith.index_cast %get3A_672 : i32 to index
        %get3A_676 = arith.index_cast %get3A_673 : i32 to index
        %get3A_677 = arith.index_cast %get3A_674 : i32 to index
        %get3A_678 = arith.index_cast %add3A_656 : i32 to index
        %get3A_679 = tpu.vector_load %arg8[%get3A_675, %get3A_676, %get3A_677, %get3A_678] {strides = array<i32>} : memref<2x4x2x2048xf32, #tpu.memory_space<vmem>>, vector<1x1x1x16xf32>,
        %get3A_680 = vector.shape_cast %get3A_679 : vector<1x1x1x16xf32> to vector<16xf32>
        %get3A_681 = arith.constant 0 : i32
        %get3A_682 = arith.constant 0 : i32
        %get3A_683 = arith.constant 1 : i32
        %get3A_684 = arith.index_cast %get3A_681 : i32 to index
        %get3A_685 = arith.index_cast %get3A_682 : i32 to index
        %get3A_686 = arith.index_cast %get3A_683 : i32 to index
        %get3A_687 = arith.index_cast %add3A_656 : i32 to index
        %get3A_688 = tpu.vector_load %arg8[%get3A_684, %get3A_685, %get3A_686, %get3A_687] {strides = array<i32>} : memref<2x4x2x2048xf32, #tpu.memory_space<vmem>>, vector<1x1x1x16xf32>,
        %get3A_689 = vector.shape_cast %get3A_688 : vector<1x1x1x16xf32> to vector<16xf32>
        %get3A_690 = arith.constant 0 : i32
        %get3A_691 = arith.constant 0 : i32
        %get3A_692 = arith.index_cast %get3A_690 : i32 to index
        %get3A_693 = arith.index_cast %get3A_691 : i32 to index
        %get3A_694 = arith.index_cast %add3A_656 : i32 to index
        %get3A_695 = tpu.vector_load %arg9[%get3A_692, %get3A_693, %get3A_694] {strides = array<i32>} : memref<2x4x2048xf32, #tpu.memory_space<vmem>>, vector<1x1x16xf32>,
        %get3A_696 = vector.shape_cast %get3A_695 : vector<1x1x16xf32> to vector<16xf32>
        %get3A_697 = arith.constant 0 : i32
        %get3A_698 = arith.constant 0 : i32
        %get3A_699 = arith.index_cast %get3A_697 : i32 to index
        %get3A_700 = arith.index_cast %get3A_698 : i32 to index
        %get3A_701 = arith.index_cast %add3A_656 : i32 to index
        %get3A_702 = tpu.vector_load %arg10[%get3A_699, %get3A_700, %get3A_701] {strides = array<i32>} : memref<2x4x2048xf32, #tpu.memory_space<vmem>>, vector<1x1x16xf32>,
        %get3A_703 = vector.shape_cast %get3A_702 : vector<1x1x16xf32> to vector<16xf32>
        %add3A_704 = arith.addf %get3A_680, %get3A_689 : vector<16xf32>
        %sub3A_705 = arith.subf %get3A_696, %get3A_703 : vector<16xf32>
        %mul3A_706 = arith.mulf %get3A_680, %get3A_670 : vector<16xf32>
        %mul3A_707 = arith.mulf %get3A_703, %get3A_670 : vector<16xf32>
        %mul3A_708 = arith.mulf %add3A_704, %get3A_663 : vector<16xf32>
        %mul3A_709 = arith.mulf %get3A_696, %get3A_663 : vector<16xf32>
        %mul3A_710 = arith.mulf %get3A_689, %mul3A_671 : vector<16xf32>
        %mul3A_711 = arith.mulf %sub3A_705, %mul3A_671 : vector<16xf32>
        %add3A_712 = arith.addf %add3A_626, %get3A_670 : vector<16xf32>
        %add3A_713 = arith.addf %add3A_627, %mul3A_706 : vector<16xf32>
        %add3A_714 = arith.addf %add3A_628, %mul3A_707 : vector<16xf32>
        %mul3A_715 = arith.mulf %mul3A_706, %mul3A_707 : vector<16xf32>
        %add3A_716 = arith.addf %add3A_630, %mul3A_715 : vector<16xf32>
        %mul3A_717 = arith.mulf %mul3A_706, %mul3A_706 : vector<16xf32>
        %add3A_718 = arith.addf %add3A_632, %mul3A_717 : vector<16xf32>
        %mul3A_719 = arith.mulf %mul3A_707, %mul3A_707 : vector<16xf32>
        %add3A_720 = arith.addf %add3A_634, %mul3A_719 : vector<16xf32>
        %add3A_721 = arith.addf %add3A_635, %get3A_663 : vector<16xf32>
        %add3A_722 = arith.addf %add3A_636, %mul3A_708 : vector<16xf32>
        %add3A_723 = arith.addf %add3A_637, %mul3A_709 : vector<16xf32>
        %mul3A_724 = arith.mulf %mul3A_708, %mul3A_709 : vector<16xf32>
        %add3A_725 = arith.addf %add3A_639, %mul3A_724 : vector<16xf32>
        %mul3A_726 = arith.mulf %mul3A_708, %mul3A_708 : vector<16xf32>
        %add3A_727 = arith.addf %add3A_641, %mul3A_726 : vector<16xf32>
        %mul3A_728 = arith.mulf %mul3A_709, %mul3A_709 : vector<16xf32>
        %add3A_729 = arith.addf %add3A_643, %mul3A_728 : vector<16xf32>
        %sub3A_730 = arith.subf %mul3A_708, %mul3A_709 : vector<16xf32>
        %abs3A_731 = math.absf %sub3A_730 : vector<16xf32>
        %add3A_732 = arith.addf %add3A_645, %abs3A_731 : vector<16xf32>
        %add3A_733 = arith.addf %add3A_646, %mul3A_671 : vector<16xf32>
        %add3A_734 = arith.addf %add3A_647, %mul3A_710 : vector<16xf32>
        %add3A_735 = arith.addf %add3A_648, %mul3A_711 : vector<16xf32>
        %mul3A_736 = arith.mulf %mul3A_710, %mul3A_711 : vector<16xf32>
        %add3A_737 = arith.addf %add3A_650, %mul3A_736 : vector<16xf32>
        %mul3A_738 = arith.mulf %mul3A_710, %mul3A_710 : vector<16xf32>
        %add3A_739 = arith.addf %add3A_652, %mul3A_738 : vector<16xf32>
        %mul3A_740 = arith.mulf %mul3A_711, %mul3A_711 : vector<16xf32>
        %add3A_741 = arith.addf %add3A_654, %mul3A_740 : vector<16xf32>
        %add3A_742 = arith.constant 32 : i32
        %add3A_743 = arith.addi %mul3A_570, %add3A_742 : i32
        %get3A_744 = arith.constant 0 : i32
        %get3A_745 = arith.constant 0 : i32
        %get3A_746 = arith.index_cast %get3A_744 : i32 to index
        %get3A_747 = arith.index_cast %get3A_745 : i32 to index
        %get3A_748 = arith.index_cast %add3A_743 : i32 to index
        %get3A_749 = tpu.vector_load %arg11[%get3A_746, %get3A_747, %get3A_748] {strides = array<i32>} : memref<2x4x2048xf32, #tpu.memory_space<vmem>>, vector<1x1x16xf32>,
        %get3A_750 = vector.shape_cast %get3A_749 : vector<1x1x16xf32> to vector<16xf32>
        %get3A_751 = arith.constant 0 : i32
        %get3A_752 = arith.constant 0 : i32
        %get3A_753 = arith.index_cast %get3A_751 : i32 to index
        %get3A_754 = arith.index_cast %get3A_752 : i32 to index
        %get3A_755 = arith.index_cast %add3A_743 : i32 to index
        %get3A_756 = tpu.vector_load %arg12[%get3A_753, %get3A_754, %get3A_755] {strides = array<i32>} : memref<2x4x2048xf32, #tpu.memory_space<vmem>>, vector<1x1x16xf32>,
        %get3A_757 = vector.shape_cast %get3A_756 : vector<1x1x16xf32> to vector<16xf32>
        %mul3A_758 = arith.mulf %get3A_750, %get3A_757 : vector<16xf32>
        %get3A_759 = arith.constant 0 : i32
        %get3A_760 = arith.constant 0 : i32
        %get3A_761 = arith.constant 0 : i32
        %get3A_762 = arith.index_cast %get3A_759 : i32 to index
        %get3A_763 = arith.index_cast %get3A_760 : i32 to index
        %get3A_764 = arith.index_cast %get3A_761 : i32 to index
        %get3A_765 = arith.index_cast %add3A_743 : i32 to index
        %get3A_766 = tpu.vector_load %arg8[%get3A_762, %get3A_763, %get3A_764, %get3A_765] {strides = array<i32>} : memref<2x4x2x2048xf32, #tpu.memory_space<vmem>>, vector<1x1x1x16xf32>,
        %get3A_767 = vector.shape_cast %get3A_766 : vector<1x1x1x16xf32> to vector<16xf32>
        %get3A_768 = arith.constant 0 : i32
        %get3A_769 = arith.constant 0 : i32
        %get3A_770 = arith.constant 1 : i32
        %get3A_771 = arith.index_cast %get3A_768 : i32 to index
        %get3A_772 = arith.index_cast %get3A_769 : i32 to index
        %get3A_773 = arith.index_cast %get3A_770 : i32 to index
        %get3A_774 = arith.index_cast %add3A_743 : i32 to index
        %get3A_775 = tpu.vector_load %arg8[%get3A_771, %get3A_772, %get3A_773, %get3A_774] {strides = array<i32>} : memref<2x4x2x2048xf32, #tpu.memory_space<vmem>>, vector<1x1x1x16xf32>,
        %get3A_776 = vector.shape_cast %get3A_775 : vector<1x1x1x16xf32> to vector<16xf32>
        %get3A_777 = arith.constant 0 : i32
        %get3A_778 = arith.constant 0 : i32
        %get3A_779 = arith.index_cast %get3A_777 : i32 to index
        %get3A_780 = arith.index_cast %get3A_778 : i32 to index
        %get3A_781 = arith.index_cast %add3A_743 : i32 to index
        %get3A_782 = tpu.vector_load %arg9[%get3A_779, %get3A_780, %get3A_781] {strides = array<i32>} : memref<2x4x2048xf32, #tpu.memory_space<vmem>>, vector<1x1x16xf32>,
        %get3A_783 = vector.shape_cast %get3A_782 : vector<1x1x16xf32> to vector<16xf32>
        %get3A_784 = arith.constant 0 : i32
        %get3A_785 = arith.constant 0 : i32
        %get3A_786 = arith.index_cast %get3A_784 : i32 to index
        %get3A_787 = arith.index_cast %get3A_785 : i32 to index
        %get3A_788 = arith.index_cast %add3A_743 : i32 to index
        %get3A_789 = tpu.vector_load %arg10[%get3A_786, %get3A_787, %get3A_788] {strides = array<i32>} : memref<2x4x2048xf32, #tpu.memory_space<vmem>>, vector<1x1x16xf32>,
        %get3A_790 = vector.shape_cast %get3A_789 : vector<1x1x16xf32> to vector<16xf32>
        %add3A_791 = arith.addf %get3A_767, %get3A_776 : vector<16xf32>
        %sub3A_792 = arith.subf %get3A_783, %get3A_790 : vector<16xf32>
        %mul3A_793 = arith.mulf %get3A_767, %get3A_757 : vector<16xf32>
        %mul3A_794 = arith.mulf %get3A_790, %get3A_757 : vector<16xf32>
        %mul3A_795 = arith.mulf %add3A_791, %get3A_750 : vector<16xf32>
        %mul3A_796 = arith.mulf %get3A_783, %get3A_750 : vector<16xf32>
        %mul3A_797 = arith.mulf %get3A_776, %mul3A_758 : vector<16xf32>
        %mul3A_798 = arith.mulf %sub3A_792, %mul3A_758 : vector<16xf32>
        %add3A_799 = arith.addf %add3A_712, %get3A_757 : vector<16xf32>
        %add3A_800 = arith.addf %add3A_713, %mul3A_793 : vector<16xf32>
        %add3A_801 = arith.addf %add3A_714, %mul3A_794 : vector<16xf32>
        %mul3A_802 = arith.mulf %mul3A_793, %mul3A_794 : vector<16xf32>
        %add3A_803 = arith.addf %add3A_716, %mul3A_802 : vector<16xf32>
        %mul3A_804 = arith.mulf %mul3A_793, %mul3A_793 : vector<16xf32>
        %add3A_805 = arith.addf %add3A_718, %mul3A_804 : vector<16xf32>
        %mul3A_806 = arith.mulf %mul3A_794, %mul3A_794 : vector<16xf32>
        %add3A_807 = arith.addf %add3A_720, %mul3A_806 : vector<16xf32>
        %add3A_808 = arith.addf %add3A_721, %get3A_750 : vector<16xf32>
        %add3A_809 = arith.addf %add3A_722, %mul3A_795 : vector<16xf32>
        %add3A_810 = arith.addf %add3A_723, %mul3A_796 : vector<16xf32>
        %mul3A_811 = arith.mulf %mul3A_795, %mul3A_796 : vector<16xf32>
        %add3A_812 = arith.addf %add3A_725, %mul3A_811 : vector<16xf32>
        %mul3A_813 = arith.mulf %mul3A_795, %mul3A_795 : vector<16xf32>
        %add3A_814 = arith.addf %add3A_727, %mul3A_813 : vector<16xf32>
        %mul3A_815 = arith.mulf %mul3A_796, %mul3A_796 : vector<16xf32>
        %add3A_816 = arith.addf %add3A_729, %mul3A_815 : vector<16xf32>
        %sub3A_817 = arith.subf %mul3A_795, %mul3A_796 : vector<16xf32>
        %abs3A_818 = math.absf %sub3A_817 : vector<16xf32>
        %add3A_819 = arith.addf %add3A_732, %abs3A_818 : vector<16xf32>
        %add3A_820 = arith.addf %add3A_733, %mul3A_758 : vector<16xf32>
        %add3A_821 = arith.addf %add3A_734, %mul3A_797 : vector<16xf32>
        %add3A_822 = arith.addf %add3A_735, %mul3A_798 : vector<16xf32>
        %mul3A_823 = arith.mulf %mul3A_797, %mul3A_798 : vector<16xf32>
        %add3A_824 = arith.addf %add3A_737, %mul3A_823 : vector<16xf32>
        %mul3A_825 = arith.mulf %mul3A_797, %mul3A_797 : vector<16xf32>
        %add3A_826 = arith.addf %add3A_739, %mul3A_825 : vector<16xf32>
        %mul3A_827 = arith.mulf %mul3A_798, %mul3A_798 : vector<16xf32>
        %add3A_828 = arith.addf %add3A_741, %mul3A_827 : vector<16xf32>
        %add3A_829 = arith.constant 48 : i32
        %add3A_830 = arith.addi %mul3A_570, %add3A_829 : i32
        %get3A_831 = arith.constant 0 : i32
        %get3A_832 = arith.constant 0 : i32
        %get3A_833 = arith.index_cast %get3A_831 : i32 to index
        %get3A_834 = arith.index_cast %get3A_832 : i32 to index
        %get3A_835 = arith.index_cast %add3A_830 : i32 to index
        %get3A_836 = tpu.vector_load %arg11[%get3A_833, %get3A_834, %get3A_835] {strides = array<i32>} : memref<2x4x2048xf32, #tpu.memory_space<vmem>>, vector<1x1x16xf32>,
        %get3A_837 = vector.shape_cast %get3A_836 : vector<1x1x16xf32> to vector<16xf32>
        %get3A_838 = arith.constant 0 : i32
        %get3A_839 = arith.constant 0 : i32
        %get3A_840 = arith.index_cast %get3A_838 : i32 to index
        %get3A_841 = arith.index_cast %get3A_839 : i32 to index
        %get3A_842 = arith.index_cast %add3A_830 : i32 to index
        %get3A_843 = tpu.vector_load %arg12[%get3A_840, %get3A_841, %get3A_842] {strides = array<i32>} : memref<2x4x2048xf32, #tpu.memory_space<vmem>>, vector<1x1x16xf32>,
        %get3A_844 = vector.shape_cast %get3A_843 : vector<1x1x16xf32> to vector<16xf32>
        %mul3A_845 = arith.mulf %get3A_837, %get3A_844 : vector<16xf32>
        %get3A_846 = arith.constant 0 : i32
        %get3A_847 = arith.constant 0 : i32
        %get3A_848 = arith.constant 0 : i32
        %get3A_849 = arith.index_cast %get3A_846 : i32 to index
        %get3A_850 = arith.index_cast %get3A_847 : i32 to index
        %get3A_851 = arith.index_cast %get3A_848 : i32 to index
        %get3A_852 = arith.index_cast %add3A_830 : i32 to index
        %get3A_853 = tpu.vector_load %arg8[%get3A_849, %get3A_850, %get3A_851, %get3A_852] {strides = array<i32>} : memref<2x4x2x2048xf32, #tpu.memory_space<vmem>>, vector<1x1x1x16xf32>,
        %get3A_854 = vector.shape_cast %get3A_853 : vector<1x1x1x16xf32> to vector<16xf32>
        %get3A_855 = arith.constant 0 : i32
        %get3A_856 = arith.constant 0 : i32
        %get3A_857 = arith.constant 1 : i32
        %get3A_858 = arith.index_cast %get3A_855 : i32 to index
        %get3A_859 = arith.index_cast %get3A_856 : i32 to index
        %get3A_860 = arith.index_cast %get3A_857 : i32 to index
        %get3A_861 = arith.index_cast %add3A_830 : i32 to index
        %get3A_862 = tpu.vector_load %arg8[%get3A_858, %get3A_859, %get3A_860, %get3A_861] {strides = array<i32>} : memref<2x4x2x2048xf32, #tpu.memory_space<vmem>>, vector<1x1x1x16xf32>,
        %get3A_863 = vector.shape_cast %get3A_862 : vector<1x1x1x16xf32> to vector<16xf32>
        %get3A_864 = arith.constant 0 : i32
        %get3A_865 = arith.constant 0 : i32
        %get3A_866 = arith.index_cast %get3A_864 : i32 to index
        %get3A_867 = arith.index_cast %get3A_865 : i32 to index
        %get3A_868 = arith.index_cast %add3A_830 : i32 to index
        %get3A_869 = tpu.vector_load %arg9[%get3A_866, %get3A_867, %get3A_868] {strides = array<i32>} : memref<2x4x2048xf32, #tpu.memory_space<vmem>>, vector<1x1x16xf32>,
        %get3A_870 = vector.shape_cast %get3A_869 : vector<1x1x16xf32> to vector<16xf32>
        %get3A_871 = arith.constant 0 : i32
        %get3A_872 = arith.constant 0 : i32
        %get3A_873 = arith.index_cast %get3A_871 : i32 to index
        %get3A_874 = arith.index_cast %get3A_872 : i32 to index
        %get3A_875 = arith.index_cast %add3A_830 : i32 to index
        %get3A_876 = tpu.vector_load %arg10[%get3A_873, %get3A_874, %get3A_875] {strides = array<i32>} : memref<2x4x2048xf32, #tpu.memory_space<vmem>>, vector<1x1x16xf32>,
        %get3A_877 = vector.shape_cast %get3A_876 : vector<1x1x16xf32> to vector<16xf32>
        %add3A_878 = arith.addf %get3A_854, %get3A_863 : vector<16xf32>
        %sub3A_879 = arith.subf %get3A_870, %get3A_877 : vector<16xf32>
        %mul3A_880 = arith.mulf %get3A_854, %get3A_844 : vector<16xf32>
        %mul3A_881 = arith.mulf %get3A_877, %get3A_844 : vector<16xf32>
        %mul3A_882 = arith.mulf %add3A_878, %get3A_837 : vector<16xf32>
        %mul3A_883 = arith.mulf %get3A_870, %get3A_837 : vector<16xf32>
        %mul3A_884 = arith.mulf %get3A_863, %mul3A_845 : vector<16xf32>
        %mul3A_885 = arith.mulf %sub3A_879, %mul3A_845 : vector<16xf32>
        %add3A_886 = arith.addf %add3A_799, %get3A_844 : vector<16xf32>
        %add3A_887 = arith.addf %add3A_800, %mul3A_880 : vector<16xf32>
        %add3A_888 = arith.addf %add3A_801, %mul3A_881 : vector<16xf32>
        %mul3A_889 = arith.mulf %mul3A_880, %mul3A_881 : vector<16xf32>
        %add3A_890 = arith.addf %add3A_803, %mul3A_889 : vector<16xf32>
        %mul3A_891 = arith.mulf %mul3A_880, %mul3A_880 : vector<16xf32>
        %add3A_892 = arith.addf %add3A_805, %mul3A_891 : vector<16xf32>
        %mul3A_893 = arith.mulf %mul3A_881, %mul3A_881 : vector<16xf32>
        %add3A_894 = arith.addf %add3A_807, %mul3A_893 : vector<16xf32>
        %add3A_895 = arith.addf %add3A_808, %get3A_837 : vector<16xf32>
        %add3A_896 = arith.addf %add3A_809, %mul3A_882 : vector<16xf32>
        %add3A_897 = arith.addf %add3A_810, %mul3A_883 : vector<16xf32>
        %mul3A_898 = arith.mulf %mul3A_882, %mul3A_883 : vector<16xf32>
        %add3A_899 = arith.addf %add3A_812, %mul3A_898 : vector<16xf32>
        %mul3A_900 = arith.mulf %mul3A_882, %mul3A_882 : vector<16xf32>
        %add3A_901 = arith.addf %add3A_814, %mul3A_900 : vector<16xf32>
        %mul3A_902 = arith.mulf %mul3A_883, %mul3A_883 : vector<16xf32>
        %add3A_903 = arith.addf %add3A_816, %mul3A_902 : vector<16xf32>
        %sub3A_904 = arith.subf %mul3A_882, %mul3A_883 : vector<16xf32>
        %abs3A_905 = math.absf %sub3A_904 : vector<16xf32>
        %add3A_906 = arith.addf %add3A_819, %abs3A_905 : vector<16xf32>
        %add3A_907 = arith.addf %add3A_820, %mul3A_845 : vector<16xf32>
        %add3A_908 = arith.addf %add3A_821, %mul3A_884 : vector<16xf32>
        %add3A_909 = arith.addf %add3A_822, %mul3A_885 : vector<16xf32>
        %mul3A_910 = arith.mulf %mul3A_884, %mul3A_885 : vector<16xf32>
        %add3A_911 = arith.addf %add3A_824, %mul3A_910 : vector<16xf32>
        %mul3A_912 = arith.mulf %mul3A_884, %mul3A_884 : vector<16xf32>
        %add3A_913 = arith.addf %add3A_826, %mul3A_912 : vector<16xf32>
        %mul3A_914 = arith.mulf %mul3A_885, %mul3A_885 : vector<16xf32>
        %add3A_915 = arith.addf %add3A_828, %mul3A_914 : vector<16xf32>
        scf.yield %add3A_886, %add3A_887, %add3A_888, %add3A_890, %add3A_892, %add3A_894, %add3A_895, %add3A_896, %add3A_897, %add3A_899, %add3A_901, %add3A_903, %add3A_906, %add3A_907, %add3A_908, %add3A_909, %add3A_911, %add3A_913, %add3A_915 : vector<16xf32>, vector<16xf32>, vector<16xf32>, vector<16xf32>, vector<16xf32>, vector<16xf32>, vector<16xf32>, vector<16xf32>, vector<16xf32>, vector<16xf32>, vector<16xf32>, vector<16xf32>, vector<16xf32>, vector<16xf32>, vector<16xf32>, vector<16xf32>, vector<16xf32>, vector<16xf32>, vector<16xf32>
      }
      %scan3A_411 = arith.constant 32 : i32
      %scan3A_412 = arith.constant 0 : i32
      %scan3A_413 = arith.constant 32 : i32
      %scan3A_414 = arith.addi %scan3A_412, %scan3A_413 : i32
      %scan3A_415 = arith.constant 1 : i32
      %scan3A_416:19 = scf.for %scan3A_549 = %scan3A_412 to %scan3A_414 step %scan3A_415 iter_args(%scan3A_550 = %scan3A_410#0, %scan3A_551 = %scan3A_410#1, %scan3A_552 = %scan3A_410#2, %scan3A_553 = %scan3A_410#3, %scan3A_554 = %scan3A_410#4, %scan3A_555 = %scan3A_410#5, %scan3A_556 = %scan3A_410#6, %scan3A_557 = %scan3A_410#7, %scan3A_558 = %scan3A_410#8, %scan3A_559 = %scan3A_410#9, %scan3A_560 = %scan3A_410#10, %scan3A_561 = %scan3A_410#11, %scan3A_562 = %scan3A_410#12, %scan3A_563 = %scan3A_410#13, %scan3A_564 = %scan3A_410#14, %scan3A_565 = %scan3A_410#15, %scan3A_566 = %scan3A_410#16, %scan3A_567 = %scan3A_410#17, %scan3A_568 = %scan3A_410#18) -> (vector<16xf32>, vector<16xf32>, vector<16xf32>, vector<16xf32>, vector<16xf32>, vector<16xf32>, vector<16xf32>, vector<16xf32>, vector<16xf32>, vector<16xf32>, vector<16xf32>, vector<16xf32>, vector<16xf32>, vector<16xf32>, vector<16xf32>, vector<16xf32>, vector<16xf32>, vector<16xf32>, vector<16xf32>)  : i32 {
        %mul3A_569 = arith.constant 64 : i32
        %mul3A_570 = arith.muli %scan3A_549, %mul3A_569 : i32
        %add3A_571 = arith.constant 0 : i32
        %add3A_572 = arith.addi %mul3A_570, %add3A_571 : i32
        %get3A = arith.constant 0 : i32
        %get3A_573 = arith.constant 1 : i32
        %get3A_574 = arith.index_cast %get3A : i32 to index
        %get3A_575 = arith.index_cast %get3A_573 : i32 to index
        %get3A_576 = arith.index_cast %add3A_572 : i32 to index
        %get3A_577 = tpu.vector_load %arg11[%get3A_574, %get3A_575, %get3A_576] {strides = array<i32>} : memref<2x4x2048xf32, #tpu.memory_space<vmem>>, vector<1x1x16xf32>,
        %get3A_578 = vector.shape_cast %get3A_577 : vector<1x1x16xf32> to vector<16xf32>
        %get3A_579 = arith.constant 0 : i32
        %get3A_580 = arith.constant 1 : i32
        %get3A_581 = arith.index_cast %get3A_579 : i32 to index
        %get3A_582 = arith.index_cast %get3A_580 : i32 to index
        %get3A_583 = arith.index_cast %add3A_572 : i32 to index
        %get3A_584 = tpu.vector_load %arg12[%get3A_581, %get3A_582, %get3A_583] {strides = array<i32>} : memref<2x4x2048xf32, #tpu.memory_space<vmem>>, vector<1x1x16xf32>,
        %get3A_585 = vector.shape_cast %get3A_584 : vector<1x1x16xf32> to vector<16xf32>
        %mul3A_586 = arith.mulf %get3A_578, %get3A_585 : vector<16xf32>
        %get3A_587 = arith.constant 0 : i32
        %get3A_588 = arith.constant 1 : i32
        %get3A_589 = arith.constant 0 : i32
        %get3A_590 = arith.index_cast %get3A_587 : i32 to index
        %get3A_591 = arith.index_cast %get3A_588 : i32 to index
        %get3A_592 = arith.index_cast %get3A_589 : i32 to index
        %get3A_593 = arith.index_cast %add3A_572 : i32 to index
        %get3A_594 = tpu.vector_load %arg8[%get3A_590, %get3A_591, %get3A_592, %get3A_593] {strides = array<i32>} : memref<2x4x2x2048xf32, #tpu.memory_space<vmem>>, vector<1x1x1x16xf32>,
        %get3A_595 = vector.shape_cast %get3A_594 : vector<1x1x1x16xf32> to vector<16xf32>
        %get3A_596 = arith.constant 0 : i32
        %get3A_597 = arith.constant 1 : i32
        %get3A_598 = arith.constant 1 : i32
        %get3A_599 = arith.index_cast %get3A_596 : i32 to index
        %get3A_600 = arith.index_cast %get3A_597 : i32 to index
        %get3A_601 = arith.index_cast %get3A_598 : i32 to index
        %get3A_602 = arith.index_cast %add3A_572 : i32 to index
        %get3A_603 = tpu.vector_load %arg8[%get3A_599, %get3A_600, %get3A_601, %get3A_602] {strides = array<i32>} : memref<2x4x2x2048xf32, #tpu.memory_space<vmem>>, vector<1x1x1x16xf32>,
        %get3A_604 = vector.shape_cast %get3A_603 : vector<1x1x1x16xf32> to vector<16xf32>
        %get3A_605 = arith.constant 0 : i32
        %get3A_606 = arith.constant 1 : i32
        %get3A_607 = arith.index_cast %get3A_605 : i32 to index
        %get3A_608 = arith.index_cast %get3A_606 : i32 to index
        %get3A_609 = arith.index_cast %add3A_572 : i32 to index
        %get3A_610 = tpu.vector_load %arg9[%get3A_607, %get3A_608, %get3A_609] {strides = array<i32>} : memref<2x4x2048xf32, #tpu.memory_space<vmem>>, vector<1x1x16xf32>,
        %get3A_611 = vector.shape_cast %get3A_610 : vector<1x1x16xf32> to vector<16xf32>
        %get3A_612 = arith.constant 0 : i32
        %get3A_613 = arith.constant 1 : i32
        %get3A_614 = arith.index_cast %get3A_612 : i32 to index
        %get3A_615 = arith.index_cast %get3A_613 : i32 to index
        %get3A_616 = arith.index_cast %add3A_572 : i32 to index
        %get3A_617 = tpu.vector_load %arg10[%get3A_614, %get3A_615, %get3A_616] {strides = array<i32>} : memref<2x4x2048xf32, #tpu.memory_space<vmem>>, vector<1x1x16xf32>,
        %get3A_618 = vector.shape_cast %get3A_617 : vector<1x1x16xf32> to vector<16xf32>
        %add3A_619 = arith.addf %get3A_595, %get3A_604 : vector<16xf32>
        %sub3A = arith.subf %get3A_611, %get3A_618 : vector<16xf32>
        %mul3A_620 = arith.mulf %get3A_595, %get3A_585 : vector<16xf32>
        %mul3A_621 = arith.mulf %get3A_618, %get3A_585 : vector<16xf32>
        %mul3A_622 = arith.mulf %add3A_619, %get3A_578 : vector<16xf32>
        %mul3A_623 = arith.mulf %get3A_611, %get3A_578 : vector<16xf32>
        %mul3A_624 = arith.mulf %get3A_604, %mul3A_586 : vector<16xf32>
        %mul3A_625 = arith.mulf %sub3A, %mul3A_586 : vector<16xf32>
        %add3A_626 = arith.addf %scan3A_550, %get3A_585 : vector<16xf32>
        %add3A_627 = arith.addf %scan3A_551, %mul3A_620 : vector<16xf32>
        %add3A_628 = arith.addf %scan3A_552, %mul3A_621 : vector<16xf32>
        %mul3A_629 = arith.mulf %mul3A_620, %mul3A_621 : vector<16xf32>
        %add3A_630 = arith.addf %scan3A_553, %mul3A_629 : vector<16xf32>
        %mul3A_631 = arith.mulf %mul3A_620, %mul3A_620 : vector<16xf32>
        %add3A_632 = arith.addf %scan3A_554, %mul3A_631 : vector<16xf32>
        %mul3A_633 = arith.mulf %mul3A_621, %mul3A_621 : vector<16xf32>
        %add3A_634 = arith.addf %scan3A_555, %mul3A_633 : vector<16xf32>
        %add3A_635 = arith.addf %scan3A_556, %get3A_578 : vector<16xf32>
        %add3A_636 = arith.addf %scan3A_557, %mul3A_622 : vector<16xf32>
        %add3A_637 = arith.addf %scan3A_558, %mul3A_623 : vector<16xf32>
        %mul3A_638 = arith.mulf %mul3A_622, %mul3A_623 : vector<16xf32>
        %add3A_639 = arith.addf %scan3A_559, %mul3A_638 : vector<16xf32>
        %mul3A_640 = arith.mulf %mul3A_622, %mul3A_622 : vector<16xf32>
        %add3A_641 = arith.addf %scan3A_560, %mul3A_640 : vector<16xf32>
        %mul3A_642 = arith.mulf %mul3A_623, %mul3A_623 : vector<16xf32>
        %add3A_643 = arith.addf %scan3A_561, %mul3A_642 : vector<16xf32>
        %sub3A_644 = arith.subf %mul3A_622, %mul3A_623 : vector<16xf32>
        %abs3A = math.absf %sub3A_644 : vector<16xf32>
        %add3A_645 = arith.addf %scan3A_562, %abs3A : vector<16xf32>
        %add3A_646 = arith.addf %scan3A_563, %mul3A_586 : vector<16xf32>
        %add3A_647 = arith.addf %scan3A_564, %mul3A_624 : vector<16xf32>
        %add3A_648 = arith.addf %scan3A_565, %mul3A_625 : vector<16xf32>
        %mul3A_649 = arith.mulf %mul3A_624, %mul3A_625 : vector<16xf32>
        %add3A_650 = arith.addf %scan3A_566, %mul3A_649 : vector<16xf32>
        %mul3A_651 = arith.mulf %mul3A_624, %mul3A_624 : vector<16xf32>
        %add3A_652 = arith.addf %scan3A_567, %mul3A_651 : vector<16xf32>
        %mul3A_653 = arith.mulf %mul3A_625, %mul3A_625 : vector<16xf32>
        %add3A_654 = arith.addf %scan3A_568, %mul3A_653 : vector<16xf32>
        %add3A_655 = arith.constant 16 : i32
        %add3A_656 = arith.addi %mul3A_570, %add3A_655 : i32
        %get3A_657 = arith.constant 0 : i32
        %get3A_658 = arith.constant 1 : i32
        %get3A_659 = arith.index_cast %get3A_657 : i32 to index
        %get3A_660 = arith.index_cast %get3A_658 : i32 to index
        %get3A_661 = arith.index_cast %add3A_656 : i32 to index
        %get3A_662 = tpu.vector_load %arg11[%get3A_659, %get3A_660, %get3A_661] {strides = array<i32>} : memref<2x4x2048xf32, #tpu.memory_space<vmem>>, vector<1x1x16xf32>,
        %get3A_663 = vector.shape_cast %get3A_662 : vector<1x1x16xf32> to vector<16xf32>
        %get3A_664 = arith.constant 0 : i32
        %get3A_665 = arith.constant 1 : i32
        %get3A_666 = arith.index_cast %get3A_664 : i32 to index
        %get3A_667 = arith.index_cast %get3A_665 : i32 to index
        %get3A_668 = arith.index_cast %add3A_656 : i32 to index
        %get3A_669 = tpu.vector_load %arg12[%get3A_666, %get3A_667, %get3A_668] {strides = array<i32>} : memref<2x4x2048xf32, #tpu.memory_space<vmem>>, vector<1x1x16xf32>,
        %get3A_670 = vector.shape_cast %get3A_669 : vector<1x1x16xf32> to vector<16xf32>
        %mul3A_671 = arith.mulf %get3A_663, %get3A_670 : vector<16xf32>
        %get3A_672 = arith.constant 0 : i32
        %get3A_673 = arith.constant 1 : i32
        %get3A_674 = arith.constant 0 : i32
        %get3A_675 = arith.index_cast %get3A_672 : i32 to index
        %get3A_676 = arith.index_cast %get3A_673 : i32 to index
        %get3A_677 = arith.index_cast %get3A_674 : i32 to index
        %get3A_678 = arith.index_cast %add3A_656 : i32 to index
        %get3A_679 = tpu.vector_load %arg8[%get3A_675, %get3A_676, %get3A_677, %get3A_678] {strides = array<i32>} : memref<2x4x2x2048xf32, #tpu.memory_space<vmem>>, vector<1x1x1x16xf32>,
        %get3A_680 = vector.shape_cast %get3A_679 : vector<1x1x1x16xf32> to vector<16xf32>
        %get3A_681 = arith.constant 0 : i32
        %get3A_682 = arith.constant 1 : i32
        %get3A_683 = arith.constant 1 : i32
        %get3A_684 = arith.index_cast %get3A_681 : i32 to index
        %get3A_685 = arith.index_cast %get3A_682 : i32 to index
        %get3A_686 = arith.index_cast %get3A_683 : i32 to index
        %get3A_687 = arith.index_cast %add3A_656 : i32 to index
        %get3A_688 = tpu.vector_load %arg8[%get3A_684, %get3A_685, %get3A_686, %get3A_687] {strides = array<i32>} : memref<2x4x2x2048xf32, #tpu.memory_space<vmem>>, vector<1x1x1x16xf32>,
        %get3A_689 = vector.shape_cast %get3A_688 : vector<1x1x1x16xf32> to vector<16xf32>
        %get3A_690 = arith.constant 0 : i32
        %get3A_691 = arith.constant 1 : i32
        %get3A_692 = arith.index_cast %get3A_690 : i32 to index
        %get3A_693 = arith.index_cast %get3A_691 : i32 to index
        %get3A_694 = arith.index_cast %add3A_656 : i32 to index
        %get3A_695 = tpu.vector_load %arg9[%get3A_692, %get3A_693, %get3A_694] {strides = array<i32>} : memref<2x4x2048xf32, #tpu.memory_space<vmem>>, vector<1x1x16xf32>,
        %get3A_696 = vector.shape_cast %get3A_695 : vector<1x1x16xf32> to vector<16xf32>
        %get3A_697 = arith.constant 0 : i32
        %get3A_698 = arith.constant 1 : i32
        %get3A_699 = arith.index_cast %get3A_697 : i32 to index
        %get3A_700 = arith.index_cast %get3A_698 : i32 to index
        %get3A_701 = arith.index_cast %add3A_656 : i32 to index
        %get3A_702 = tpu.vector_load %arg10[%get3A_699, %get3A_700, %get3A_701] {strides = array<i32>} : memref<2x4x2048xf32, #tpu.memory_space<vmem>>, vector<1x1x16xf32>,
        %get3A_703 = vector.shape_cast %get3A_702 : vector<1x1x16xf32> to vector<16xf32>
        %add3A_704 = arith.addf %get3A_680, %get3A_689 : vector<16xf32>
        %sub3A_705 = arith.subf %get3A_696, %get3A_703 : vector<16xf32>
        %mul3A_706 = arith.mulf %get3A_680, %get3A_670 : vector<16xf32>
        %mul3A_707 = arith.mulf %get3A_703, %get3A_670 : vector<16xf32>
        %mul3A_708 = arith.mulf %add3A_704, %get3A_663 : vector<16xf32>
        %mul3A_709 = arith.mulf %get3A_696, %get3A_663 : vector<16xf32>
        %mul3A_710 = arith.mulf %get3A_689, %mul3A_671 : vector<16xf32>
        %mul3A_711 = arith.mulf %sub3A_705, %mul3A_671 : vector<16xf32>
        %add3A_712 = arith.addf %add3A_626, %get3A_670 : vector<16xf32>
        %add3A_713 = arith.addf %add3A_627, %mul3A_706 : vector<16xf32>
        %add3A_714 = arith.addf %add3A_628, %mul3A_707 : vector<16xf32>
        %mul3A_715 = arith.mulf %mul3A_706, %mul3A_707 : vector<16xf32>
        %add3A_716 = arith.addf %add3A_630, %mul3A_715 : vector<16xf32>
        %mul3A_717 = arith.mulf %mul3A_706, %mul3A_706 : vector<16xf32>
        %add3A_718 = arith.addf %add3A_632, %mul3A_717 : vector<16xf32>
        %mul3A_719 = arith.mulf %mul3A_707, %mul3A_707 : vector<16xf32>
        %add3A_720 = arith.addf %add3A_634, %mul3A_719 : vector<16xf32>
        %add3A_721 = arith.addf %add3A_635, %get3A_663 : vector<16xf32>
        %add3A_722 = arith.addf %add3A_636, %mul3A_708 : vector<16xf32>
        %add3A_723 = arith.addf %add3A_637, %mul3A_709 : vector<16xf32>
        %mul3A_724 = arith.mulf %mul3A_708, %mul3A_709 : vector<16xf32>
        %add3A_725 = arith.addf %add3A_639, %mul3A_724 : vector<16xf32>
        %mul3A_726 = arith.mulf %mul3A_708, %mul3A_708 : vector<16xf32>
        %add3A_727 = arith.addf %add3A_641, %mul3A_726 : vector<16xf32>
        %mul3A_728 = arith.mulf %mul3A_709, %mul3A_709 : vector<16xf32>
        %add3A_729 = arith.addf %add3A_643, %mul3A_728 : vector<16xf32>
        %sub3A_730 = arith.subf %mul3A_708, %mul3A_709 : vector<16xf32>
        %abs3A_731 = math.absf %sub3A_730 : vector<16xf32>
        %add3A_732 = arith.addf %add3A_645, %abs3A_731 : vector<16xf32>
        %add3A_733 = arith.addf %add3A_646, %mul3A_671 : vector<16xf32>
        %add3A_734 = arith.addf %add3A_647, %mul3A_710 : vector<16xf32>
        %add3A_735 = arith.addf %add3A_648, %mul3A_711 : vector<16xf32>
        %mul3A_736 = arith.mulf %mul3A_710, %mul3A_711 : vector<16xf32>
        %add3A_737 = arith.addf %add3A_650, %mul3A_736 : vector<16xf32>
        %mul3A_738 = arith.mulf %mul3A_710, %mul3A_710 : vector<16xf32>
        %add3A_739 = arith.addf %add3A_652, %mul3A_738 : vector<16xf32>
        %mul3A_740 = arith.mulf %mul3A_711, %mul3A_711 : vector<16xf32>
        %add3A_741 = arith.addf %add3A_654, %mul3A_740 : vector<16xf32>
        %add3A_742 = arith.constant 32 : i32
        %add3A_743 = arith.addi %mul3A_570, %add3A_742 : i32
        %get3A_744 = arith.constant 0 : i32
        %get3A_745 = arith.constant 1 : i32
        %get3A_746 = arith.index_cast %get3A_744 : i32 to index
        %get3A_747 = arith.index_cast %get3A_745 : i32 to index
        %get3A_748 = arith.index_cast %add3A_743 : i32 to index
        %get3A_749 = tpu.vector_load %arg11[%get3A_746, %get3A_747, %get3A_748] {strides = array<i32>} : memref<2x4x2048xf32, #tpu.memory_space<vmem>>, vector<1x1x16xf32>,
        %get3A_750 = vector.shape_cast %get3A_749 : vector<1x1x16xf32> to vector<16xf32>
        %get3A_751 = arith.constant 0 : i32
        %get3A_752 = arith.constant 1 : i32
        %get3A_753 = arith.index_cast %get3A_751 : i32 to index
        %get3A_754 = arith.index_cast %get3A_752 : i32 to index
        %get3A_755 = arith.index_cast %add3A_743 : i32 to index
        %get3A_756 = tpu.vector_load %arg12[%get3A_753, %get3A_754, %get3A_755] {strides = array<i32>} : memref<2x4x2048xf32, #tpu.memory_space<vmem>>, vector<1x1x16xf32>,
        %get3A_757 = vector.shape_cast %get3A_756 : vector<1x1x16xf32> to vector<16xf32>
        %mul3A_758 = arith.mulf %get3A_750, %get3A_757 : vector<16xf32>
        %get3A_759 = arith.constant 0 : i32
        %get3A_760 = arith.constant 1 : i32
        %get3A_761 = arith.constant 0 : i32
        %get3A_762 = arith.index_cast %get3A_759 : i32 to index
        %get3A_763 = arith.index_cast %get3A_760 : i32 to index
        %get3A_764 = arith.index_cast %get3A_761 : i32 to index
        %get3A_765 = arith.index_cast %add3A_743 : i32 to index
        %get3A_766 = tpu.vector_load %arg8[%get3A_762, %get3A_763, %get3A_764, %get3A_765] {strides = array<i32>} : memref<2x4x2x2048xf32, #tpu.memory_space<vmem>>, vector<1x1x1x16xf32>,
        %get3A_767 = vector.shape_cast %get3A_766 : vector<1x1x1x16xf32> to vector<16xf32>
        %get3A_768 = arith.constant 0 : i32
        %get3A_769 = arith.constant 1 : i32
        %get3A_770 = arith.constant 1 : i32
        %get3A_771 = arith.index_cast %get3A_768 : i32 to index
        %get3A_772 = arith.index_cast %get3A_769 : i32 to index
        %get3A_773 = arith.index_cast %get3A_770 : i32 to index
        %get3A_774 = arith.index_cast %add3A_743 : i32 to index
        %get3A_775 = tpu.vector_load %arg8[%get3A_771, %get3A_772, %get3A_773, %get3A_774] {strides = array<i32>} : memref<2x4x2x2048xf32, #tpu.memory_space<vmem>>, vector<1x1x1x16xf32>,
        %get3A_776 = vector.shape_cast %get3A_775 : vector<1x1x1x16xf32> to vector<16xf32>
        %get3A_777 = arith.constant 0 : i32
        %get3A_778 = arith.constant 1 : i32
        %get3A_779 = arith.index_cast %get3A_777 : i32 to index
        %get3A_780 = arith.index_cast %get3A_778 : i32 to index
        %get3A_781 = arith.index_cast %add3A_743 : i32 to index
        %get3A_782 = tpu.vector_load %arg9[%get3A_779, %get3A_780, %get3A_781] {strides = array<i32>} : memref<2x4x2048xf32, #tpu.memory_space<vmem>>, vector<1x1x16xf32>,
        %get3A_783 = vector.shape_cast %get3A_782 : vector<1x1x16xf32> to vector<16xf32>
        %get3A_784 = arith.constant 0 : i32
        %get3A_785 = arith.constant 1 : i32
        %get3A_786 = arith.index_cast %get3A_784 : i32 to index
        %get3A_787 = arith.index_cast %get3A_785 : i32 to index
        %get3A_788 = arith.index_cast %add3A_743 : i32 to index
        %get3A_789 = tpu.vector_load %arg10[%get3A_786, %get3A_787, %get3A_788] {strides = array<i32>} : memref<2x4x2048xf32, #tpu.memory_space<vmem>>, vector<1x1x16xf32>,
        %get3A_790 = vector.shape_cast %get3A_789 : vector<1x1x16xf32> to vector<16xf32>
        %add3A_791 = arith.addf %get3A_767, %get3A_776 : vector<16xf32>
        %sub3A_792 = arith.subf %get3A_783, %get3A_790 : vector<16xf32>
        %mul3A_793 = arith.mulf %get3A_767, %get3A_757 : vector<16xf32>
        %mul3A_794 = arith.mulf %get3A_790, %get3A_757 : vector<16xf32>
        %mul3A_795 = arith.mulf %add3A_791, %get3A_750 : vector<16xf32>
        %mul3A_796 = arith.mulf %get3A_783, %get3A_750 : vector<16xf32>
        %mul3A_797 = arith.mulf %get3A_776, %mul3A_758 : vector<16xf32>
        %mul3A_798 = arith.mulf %sub3A_792, %mul3A_758 : vector<16xf32>
        %add3A_799 = arith.addf %add3A_712, %get3A_757 : vector<16xf32>
        %add3A_800 = arith.addf %add3A_713, %mul3A_793 : vector<16xf32>
        %add3A_801 = arith.addf %add3A_714, %mul3A_794 : vector<16xf32>
        %mul3A_802 = arith.mulf %mul3A_793, %mul3A_794 : vector<16xf32>
        %add3A_803 = arith.addf %add3A_716, %mul3A_802 : vector<16xf32>
        %mul3A_804 = arith.mulf %mul3A_793, %mul3A_793 : vector<16xf32>
        %add3A_805 = arith.addf %add3A_718, %mul3A_804 : vector<16xf32>
        %mul3A_806 = arith.mulf %mul3A_794, %mul3A_794 : vector<16xf32>
        %add3A_807 = arith.addf %add3A_720, %mul3A_806 : vector<16xf32>
        %add3A_808 = arith.addf %add3A_721, %get3A_750 : vector<16xf32>
        %add3A_809 = arith.addf %add3A_722, %mul3A_795 : vector<16xf32>
        %add3A_810 = arith.addf %add3A_723, %mul3A_796 : vector<16xf32>
        %mul3A_811 = arith.mulf %mul3A_795, %mul3A_796 : vector<16xf32>
        %add3A_812 = arith.addf %add3A_725, %mul3A_811 : vector<16xf32>
        %mul3A_813 = arith.mulf %mul3A_795, %mul3A_795 : vector<16xf32>
        %add3A_814 = arith.addf %add3A_727, %mul3A_813 : vector<16xf32>
        %mul3A_815 = arith.mulf %mul3A_796, %mul3A_796 : vector<16xf32>
        %add3A_816 = arith.addf %add3A_729, %mul3A_815 : vector<16xf32>
        %sub3A_817 = arith.subf %mul3A_795, %mul3A_796 : vector<16xf32>
        %abs3A_818 = math.absf %sub3A_817 : vector<16xf32>
        %add3A_819 = arith.addf %add3A_732, %abs3A_818 : vector<16xf32>
        %add3A_820 = arith.addf %add3A_733, %mul3A_758 : vector<16xf32>
        %add3A_821 = arith.addf %add3A_734, %mul3A_797 : vector<16xf32>
        %add3A_822 = arith.addf %add3A_735, %mul3A_798 : vector<16xf32>
        %mul3A_823 = arith.mulf %mul3A_797, %mul3A_798 : vector<16xf32>
        %add3A_824 = arith.addf %add3A_737, %mul3A_823 : vector<16xf32>
        %mul3A_825 = arith.mulf %mul3A_797, %mul3A_797 : vector<16xf32>
        %add3A_826 = arith.addf %add3A_739, %mul3A_825 : vector<16xf32>
        %mul3A_827 = arith.mulf %mul3A_798, %mul3A_798 : vector<16xf32>
        %add3A_828 = arith.addf %add3A_741, %mul3A_827 : vector<16xf32>
        %add3A_829 = arith.constant 48 : i32
        %add3A_830 = arith.addi %mul3A_570, %add3A_829 : i32
        %get3A_831 = arith.constant 0 : i32
        %get3A_832 = arith.constant 1 : i32
        %get3A_833 = arith.index_cast %get3A_831 : i32 to index
        %get3A_834 = arith.index_cast %get3A_832 : i32 to index
        %get3A_835 = arith.index_cast %add3A_830 : i32 to index
        %get3A_836 = tpu.vector_load %arg11[%get3A_833, %get3A_834, %get3A_835] {strides = array<i32>} : memref<2x4x2048xf32, #tpu.memory_space<vmem>>, vector<1x1x16xf32>,
        %get3A_837 = vector.shape_cast %get3A_836 : vector<1x1x16xf32> to vector<16xf32>
        %get3A_838 = arith.constant 0 : i32
        %get3A_839 = arith.constant 1 : i32
        %get3A_840 = arith.index_cast %get3A_838 : i32 to index
        %get3A_841 = arith.index_cast %get3A_839 : i32 to index
        %get3A_842 = arith.index_cast %add3A_830 : i32 to index
        %get3A_843 = tpu.vector_load %arg12[%get3A_840, %get3A_841, %get3A_842] {strides = array<i32>} : memref<2x4x2048xf32, #tpu.memory_space<vmem>>, vector<1x1x16xf32>,
        %get3A_844 = vector.shape_cast %get3A_843 : vector<1x1x16xf32> to vector<16xf32>
        %mul3A_845 = arith.mulf %get3A_837, %get3A_844 : vector<16xf32>
        %get3A_846 = arith.constant 0 : i32
        %get3A_847 = arith.constant 1 : i32
        %get3A_848 = arith.constant 0 : i32
        %get3A_849 = arith.index_cast %get3A_846 : i32 to index
        %get3A_850 = arith.index_cast %get3A_847 : i32 to index
        %get3A_851 = arith.index_cast %get3A_848 : i32 to index
        %get3A_852 = arith.index_cast %add3A_830 : i32 to index
        %get3A_853 = tpu.vector_load %arg8[%get3A_849, %get3A_850, %get3A_851, %get3A_852] {strides = array<i32>} : memref<2x4x2x2048xf32, #tpu.memory_space<vmem>>, vector<1x1x1x16xf32>,
        %get3A_854 = vector.shape_cast %get3A_853 : vector<1x1x1x16xf32> to vector<16xf32>
        %get3A_855 = arith.constant 0 : i32
        %get3A_856 = arith.constant 1 : i32
        %get3A_857 = arith.constant 1 : i32
        %get3A_858 = arith.index_cast %get3A_855 : i32 to index
        %get3A_859 = arith.index_cast %get3A_856 : i32 to index
        %get3A_860 = arith.index_cast %get3A_857 : i32 to index
        %get3A_861 = arith.index_cast %add3A_830 : i32 to index
        %get3A_862 = tpu.vector_load %arg8[%get3A_858, %get3A_859, %get3A_860, %get3A_861] {strides = array<i32>} : memref<2x4x2x2048xf32, #tpu.memory_space<vmem>>, vector<1x1x1x16xf32>,
        %get3A_863 = vector.shape_cast %get3A_862 : vector<1x1x1x16xf32> to vector<16xf32>
        %get3A_864 = arith.constant 0 : i32
        %get3A_865 = arith.constant 1 : i32
        %get3A_866 = arith.index_cast %get3A_864 : i32 to index
        %get3A_867 = arith.index_cast %get3A_865 : i32 to index
        %get3A_868 = arith.index_cast %add3A_830 : i32 to index
        %get3A_869 = tpu.vector_load %arg9[%get3A_866, %get3A_867, %get3A_868] {strides = array<i32>} : memref<2x4x2048xf32, #tpu.memory_space<vmem>>, vector<1x1x16xf32>,
        %get3A_870 = vector.shape_cast %get3A_869 : vector<1x1x16xf32> to vector<16xf32>
        %get3A_871 = arith.constant 0 : i32
        %get3A_872 = arith.constant 1 : i32
        %get3A_873 = arith.index_cast %get3A_871 : i32 to index
        %get3A_874 = arith.index_cast %get3A_872 : i32 to index
        %get3A_875 = arith.index_cast %add3A_830 : i32 to index
        %get3A_876 = tpu.vector_load %arg10[%get3A_873, %get3A_874, %get3A_875] {strides = array<i32>} : memref<2x4x2048xf32, #tpu.memory_space<vmem>>, vector<1x1x16xf32>,
        %get3A_877 = vector.shape_cast %get3A_876 : vector<1x1x16xf32> to vector<16xf32>
        %add3A_878 = arith.addf %get3A_854, %get3A_863 : vector<16xf32>
        %sub3A_879 = arith.subf %get3A_870, %get3A_877 : vector<16xf32>
        %mul3A_880 = arith.mulf %get3A_854, %get3A_844 : vector<16xf32>
        %mul3A_881 = arith.mulf %get3A_877, %get3A_844 : vector<16xf32>
        %mul3A_882 = arith.mulf %add3A_878, %get3A_837 : vector<16xf32>
        %mul3A_883 = arith.mulf %get3A_870, %get3A_837 : vector<16xf32>
        %mul3A_884 = arith.mulf %get3A_863, %mul3A_845 : vector<16xf32>
        %mul3A_885 = arith.mulf %sub3A_879, %mul3A_845 : vector<16xf32>
        %add3A_886 = arith.addf %add3A_799, %get3A_844 : vector<16xf32>
        %add3A_887 = arith.addf %add3A_800, %mul3A_880 : vector<16xf32>
        %add3A_888 = arith.addf %add3A_801, %mul3A_881 : vector<16xf32>
        %mul3A_889 = arith.mulf %mul3A_880, %mul3A_881 : vector<16xf32>
        %add3A_890 = arith.addf %add3A_803, %mul3A_889 : vector<16xf32>
        %mul3A_891 = arith.mulf %mul3A_880, %mul3A_880 : vector<16xf32>
        %add3A_892 = arith.addf %add3A_805, %mul3A_891 : vector<16xf32>
        %mul3A_893 = arith.mulf %mul3A_881, %mul3A_881 : vector<16xf32>
        %add3A_894 = arith.addf %add3A_807, %mul3A_893 : vector<16xf32>
        %add3A_895 = arith.addf %add3A_808, %get3A_837 : vector<16xf32>
        %add3A_896 = arith.addf %add3A_809, %mul3A_882 : vector<16xf32>
        %add3A_897 = arith.addf %add3A_810, %mul3A_883 : vector<16xf32>
        %mul3A_898 = arith.mulf %mul3A_882, %mul3A_883 : vector<16xf32>
        %add3A_899 = arith.addf %add3A_812, %mul3A_898 : vector<16xf32>
        %mul3A_900 = arith.mulf %mul3A_882, %mul3A_882 : vector<16xf32>
        %add3A_901 = arith.addf %add3A_814, %mul3A_900 : vector<16xf32>
        %mul3A_902 = arith.mulf %mul3A_883, %mul3A_883 : vector<16xf32>
        %add3A_903 = arith.addf %add3A_816, %mul3A_902 : vector<16xf32>
        %sub3A_904 = arith.subf %mul3A_882, %mul3A_883 : vector<16xf32>
        %abs3A_905 = math.absf %sub3A_904 : vector<16xf32>
        %add3A_906 = arith.addf %add3A_819, %abs3A_905 : vector<16xf32>
        %add3A_907 = arith.addf %add3A_820, %mul3A_845 : vector<16xf32>
        %add3A_908 = arith.addf %add3A_821, %mul3A_884 : vector<16xf32>
        %add3A_909 = arith.addf %add3A_822, %mul3A_885 : vector<16xf32>
        %mul3A_910 = arith.mulf %mul3A_884, %mul3A_885 : vector<16xf32>
        %add3A_911 = arith.addf %add3A_824, %mul3A_910 : vector<16xf32>
        %mul3A_912 = arith.mulf %mul3A_884, %mul3A_884 : vector<16xf32>
        %add3A_913 = arith.addf %add3A_826, %mul3A_912 : vector<16xf32>
        %mul3A_914 = arith.mulf %mul3A_885, %mul3A_885 : vector<16xf32>
        %add3A_915 = arith.addf %add3A_828, %mul3A_914 : vector<16xf32>
        scf.yield %add3A_886, %add3A_887, %add3A_888, %add3A_890, %add3A_892, %add3A_894, %add3A_895, %add3A_896, %add3A_897, %add3A_899, %add3A_901, %add3A_903, %add3A_906, %add3A_907, %add3A_908, %add3A_909, %add3A_911, %add3A_913, %add3A_915 : vector<16xf32>, vector<16xf32>, vector<16xf32>, vector<16xf32>, vector<16xf32>, vector<16xf32>, vector<16xf32>, vector<16xf32>, vector<16xf32>, vector<16xf32>, vector<16xf32>, vector<16xf32>, vector<16xf32>, vector<16xf32>, vector<16xf32>, vector<16xf32>, vector<16xf32>, vector<16xf32>, vector<16xf32>
      }
      %scan3A_417 = arith.constant 32 : i32
      %scan3A_418 = arith.constant 0 : i32
      %scan3A_419 = arith.constant 32 : i32
      %scan3A_420 = arith.addi %scan3A_418, %scan3A_419 : i32
      %scan3A_421 = arith.constant 1 : i32
      %scan3A_422:19 = scf.for %scan3A_549 = %scan3A_418 to %scan3A_420 step %scan3A_421 iter_args(%scan3A_550 = %scan3A_416#0, %scan3A_551 = %scan3A_416#1, %scan3A_552 = %scan3A_416#2, %scan3A_553 = %scan3A_416#3, %scan3A_554 = %scan3A_416#4, %scan3A_555 = %scan3A_416#5, %scan3A_556 = %scan3A_416#6, %scan3A_557 = %scan3A_416#7, %scan3A_558 = %scan3A_416#8, %scan3A_559 = %scan3A_416#9, %scan3A_560 = %scan3A_416#10, %scan3A_561 = %scan3A_416#11, %scan3A_562 = %scan3A_416#12, %scan3A_563 = %scan3A_416#13, %scan3A_564 = %scan3A_416#14, %scan3A_565 = %scan3A_416#15, %scan3A_566 = %scan3A_416#16, %scan3A_567 = %scan3A_416#17, %scan3A_568 = %scan3A_416#18) -> (vector<16xf32>, vector<16xf32>, vector<16xf32>, vector<16xf32>, vector<16xf32>, vector<16xf32>, vector<16xf32>, vector<16xf32>, vector<16xf32>, vector<16xf32>, vector<16xf32>, vector<16xf32>, vector<16xf32>, vector<16xf32>, vector<16xf32>, vector<16xf32>, vector<16xf32>, vector<16xf32>, vector<16xf32>)  : i32 {
        %mul3A_569 = arith.constant 64 : i32
        %mul3A_570 = arith.muli %scan3A_549, %mul3A_569 : i32
        %add3A_571 = arith.constant 0 : i32
        %add3A_572 = arith.addi %mul3A_570, %add3A_571 : i32
        %get3A = arith.constant 0 : i32
        %get3A_573 = arith.constant 2 : i32
        %get3A_574 = arith.index_cast %get3A : i32 to index
        %get3A_575 = arith.index_cast %get3A_573 : i32 to index
        %get3A_576 = arith.index_cast %add3A_572 : i32 to index
        %get3A_577 = tpu.vector_load %arg11[%get3A_574, %get3A_575, %get3A_576] {strides = array<i32>} : memref<2x4x2048xf32, #tpu.memory_space<vmem>>, vector<1x1x16xf32>,
        %get3A_578 = vector.shape_cast %get3A_577 : vector<1x1x16xf32> to vector<16xf32>
        %get3A_579 = arith.constant 0 : i32
        %get3A_580 = arith.constant 2 : i32
        %get3A_581 = arith.index_cast %get3A_579 : i32 to index
        %get3A_582 = arith.index_cast %get3A_580 : i32 to index
        %get3A_583 = arith.index_cast %add3A_572 : i32 to index
        %get3A_584 = tpu.vector_load %arg12[%get3A_581, %get3A_582, %get3A_583] {strides = array<i32>} : memref<2x4x2048xf32, #tpu.memory_space<vmem>>, vector<1x1x16xf32>,
        %get3A_585 = vector.shape_cast %get3A_584 : vector<1x1x16xf32> to vector<16xf32>
        %mul3A_586 = arith.mulf %get3A_578, %get3A_585 : vector<16xf32>
        %get3A_587 = arith.constant 0 : i32
        %get3A_588 = arith.constant 2 : i32
        %get3A_589 = arith.constant 0 : i32
        %get3A_590 = arith.index_cast %get3A_587 : i32 to index
        %get3A_591 = arith.index_cast %get3A_588 : i32 to index
        %get3A_592 = arith.index_cast %get3A_589 : i32 to index
        %get3A_593 = arith.index_cast %add3A_572 : i32 to index
        %get3A_594 = tpu.vector_load %arg8[%get3A_590, %get3A_591, %get3A_592, %get3A_593] {strides = array<i32>} : memref<2x4x2x2048xf32, #tpu.memory_space<vmem>>, vector<1x1x1x16xf32>,
        %get3A_595 = vector.shape_cast %get3A_594 : vector<1x1x1x16xf32> to vector<16xf32>
        %get3A_596 = arith.constant 0 : i32
        %get3A_597 = arith.constant 2 : i32
        %get3A_598 = arith.constant 1 : i32
        %get3A_599 = arith.index_cast %get3A_596 : i32 to index
        %get3A_600 = arith.index_cast %get3A_597 : i32 to index
        %get3A_601 = arith.index_cast %get3A_598 : i32 to index
        %get3A_602 = arith.index_cast %add3A_572 : i32 to index
        %get3A_603 = tpu.vector_load %arg8[%get3A_599, %get3A_600, %get3A_601, %get3A_602] {strides = array<i32>} : memref<2x4x2x2048xf32, #tpu.memory_space<vmem>>, vector<1x1x1x16xf32>,
        %get3A_604 = vector.shape_cast %get3A_603 : vector<1x1x1x16xf32> to vector<16xf32>
        %get3A_605 = arith.constant 0 : i32
        %get3A_606 = arith.constant 2 : i32
        %get3A_607 = arith.index_cast %get3A_605 : i32 to index
        %get3A_608 = arith.index_cast %get3A_606 : i32 to index
        %get3A_609 = arith.index_cast %add3A_572 : i32 to index
        %get3A_610 = tpu.vector_load %arg9[%get3A_607, %get3A_608, %get3A_609] {strides = array<i32>} : memref<2x4x2048xf32, #tpu.memory_space<vmem>>, vector<1x1x16xf32>,
        %get3A_611 = vector.shape_cast %get3A_610 : vector<1x1x16xf32> to vector<16xf32>
        %get3A_612 = arith.constant 0 : i32
        %get3A_613 = arith.constant 2 : i32
        %get3A_614 = arith.index_cast %get3A_612 : i32 to index
        %get3A_615 = arith.index_cast %get3A_613 : i32 to index
        %get3A_616 = arith.index_cast %add3A_572 : i32 to index
        %get3A_617 = tpu.vector_load %arg10[%get3A_614, %get3A_615, %get3A_616] {strides = array<i32>} : memref<2x4x2048xf32, #tpu.memory_space<vmem>>, vector<1x1x16xf32>,
        %get3A_618 = vector.shape_cast %get3A_617 : vector<1x1x16xf32> to vector<16xf32>
        %add3A_619 = arith.addf %get3A_595, %get3A_604 : vector<16xf32>
        %sub3A = arith.subf %get3A_611, %get3A_618 : vector<16xf32>
        %mul3A_620 = arith.mulf %get3A_595, %get3A_585 : vector<16xf32>
        %mul3A_621 = arith.mulf %get3A_618, %get3A_585 : vector<16xf32>
        %mul3A_622 = arith.mulf %add3A_619, %get3A_578 : vector<16xf32>
        %mul3A_623 = arith.mulf %get3A_611, %get3A_578 : vector<16xf32>
        %mul3A_624 = arith.mulf %get3A_604, %mul3A_586 : vector<16xf32>
        %mul3A_625 = arith.mulf %sub3A, %mul3A_586 : vector<16xf32>
        %add3A_626 = arith.addf %scan3A_550, %get3A_585 : vector<16xf32>
        %add3A_627 = arith.addf %scan3A_551, %mul3A_620 : vector<16xf32>
        %add3A_628 = arith.addf %scan3A_552, %mul3A_621 : vector<16xf32>
        %mul3A_629 = arith.mulf %mul3A_620, %mul3A_621 : vector<16xf32>
        %add3A_630 = arith.addf %scan3A_553, %mul3A_629 : vector<16xf32>
        %mul3A_631 = arith.mulf %mul3A_620, %mul3A_620 : vector<16xf32>
        %add3A_632 = arith.addf %scan3A_554, %mul3A_631 : vector<16xf32>
        %mul3A_633 = arith.mulf %mul3A_621, %mul3A_621 : vector<16xf32>
        %add3A_634 = arith.addf %scan3A_555, %mul3A_633 : vector<16xf32>
        %add3A_635 = arith.addf %scan3A_556, %get3A_578 : vector<16xf32>
        %add3A_636 = arith.addf %scan3A_557, %mul3A_622 : vector<16xf32>
        %add3A_637 = arith.addf %scan3A_558, %mul3A_623 : vector<16xf32>
        %mul3A_638 = arith.mulf %mul3A_622, %mul3A_623 : vector<16xf32>
        %add3A_639 = arith.addf %scan3A_559, %mul3A_638 : vector<16xf32>
        %mul3A_640 = arith.mulf %mul3A_622, %mul3A_622 : vector<16xf32>
        %add3A_641 = arith.addf %scan3A_560, %mul3A_640 : vector<16xf32>
        %mul3A_642 = arith.mulf %mul3A_623, %mul3A_623 : vector<16xf32>
        %add3A_643 = arith.addf %scan3A_561, %mul3A_642 : vector<16xf32>
        %sub3A_644 = arith.subf %mul3A_622, %mul3A_623 : vector<16xf32>
        %abs3A = math.absf %sub3A_644 : vector<16xf32>
        %add3A_645 = arith.addf %scan3A_562, %abs3A : vector<16xf32>
        %add3A_646 = arith.addf %scan3A_563, %mul3A_586 : vector<16xf32>
        %add3A_647 = arith.addf %scan3A_564, %mul3A_624 : vector<16xf32>
        %add3A_648 = arith.addf %scan3A_565, %mul3A_625 : vector<16xf32>
        %mul3A_649 = arith.mulf %mul3A_624, %mul3A_625 : vector<16xf32>
        %add3A_650 = arith.addf %scan3A_566, %mul3A_649 : vector<16xf32>
        %mul3A_651 = arith.mulf %mul3A_624, %mul3A_624 : vector<16xf32>
        %add3A_652 = arith.addf %scan3A_567, %mul3A_651 : vector<16xf32>
        %mul3A_653 = arith.mulf %mul3A_625, %mul3A_625 : vector<16xf32>
        %add3A_654 = arith.addf %scan3A_568, %mul3A_653 : vector<16xf32>
        %add3A_655 = arith.constant 16 : i32
        %add3A_656 = arith.addi %mul3A_570, %add3A_655 : i32
        %get3A_657 = arith.constant 0 : i32
        %get3A_658 = arith.constant 2 : i32
        %get3A_659 = arith.index_cast %get3A_657 : i32 to index
        %get3A_660 = arith.index_cast %get3A_658 : i32 to index
        %get3A_661 = arith.index_cast %add3A_656 : i32 to index
        %get3A_662 = tpu.vector_load %arg11[%get3A_659, %get3A_660, %get3A_661] {strides = array<i32>} : memref<2x4x2048xf32, #tpu.memory_space<vmem>>, vector<1x1x16xf32>,
        %get3A_663 = vector.shape_cast %get3A_662 : vector<1x1x16xf32> to vector<16xf32>
        %get3A_664 = arith.constant 0 : i32
        %get3A_665 = arith.constant 2 : i32
        %get3A_666 = arith.index_cast %get3A_664 : i32 to index
        %get3A_667 = arith.index_cast %get3A_665 : i32 to index
        %get3A_668 = arith.index_cast %add3A_656 : i32 to index
        %get3A_669 = tpu.vector_load %arg12[%get3A_666, %get3A_667, %get3A_668] {strides = array<i32>} : memref<2x4x2048xf32, #tpu.memory_space<vmem>>, vector<1x1x16xf32>,
        %get3A_670 = vector.shape_cast %get3A_669 : vector<1x1x16xf32> to vector<16xf32>
        %mul3A_671 = arith.mulf %get3A_663, %get3A_670 : vector<16xf32>
        %get3A_672 = arith.constant 0 : i32
        %get3A_673 = arith.constant 2 : i32
        %get3A_674 = arith.constant 0 : i32
        %get3A_675 = arith.index_cast %get3A_672 : i32 to index
        %get3A_676 = arith.index_cast %get3A_673 : i32 to index
        %get3A_677 = arith.index_cast %get3A_674 : i32 to index
        %get3A_678 = arith.index_cast %add3A_656 : i32 to index
        %get3A_679 = tpu.vector_load %arg8[%get3A_675, %get3A_676, %get3A_677, %get3A_678] {strides = array<i32>} : memref<2x4x2x2048xf32, #tpu.memory_space<vmem>>, vector<1x1x1x16xf32>,
        %get3A_680 = vector.shape_cast %get3A_679 : vector<1x1x1x16xf32> to vector<16xf32>
        %get3A_681 = arith.constant 0 : i32
        %get3A_682 = arith.constant 2 : i32
        %get3A_683 = arith.constant 1 : i32
        %get3A_684 = arith.index_cast %get3A_681 : i32 to index
        %get3A_685 = arith.index_cast %get3A_682 : i32 to index
        %get3A_686 = arith.index_cast %get3A_683 : i32 to index
        %get3A_687 = arith.index_cast %add3A_656 : i32 to index
        %get3A_688 = tpu.vector_load %arg8[%get3A_684, %get3A_685, %get3A_686, %get3A_687] {strides = array<i32>} : memref<2x4x2x2048xf32, #tpu.memory_space<vmem>>, vector<1x1x1x16xf32>,
        %get3A_689 = vector.shape_cast %get3A_688 : vector<1x1x1x16xf32> to vector<16xf32>
        %get3A_690 = arith.constant 0 : i32
        %get3A_691 = arith.constant 2 : i32
        %get3A_692 = arith.index_cast %get3A_690 : i32 to index
        %get3A_693 = arith.index_cast %get3A_691 : i32 to index
        %get3A_694 = arith.index_cast %add3A_656 : i32 to index
        %get3A_695 = tpu.vector_load %arg9[%get3A_692, %get3A_693, %get3A_694] {strides = array<i32>} : memref<2x4x2048xf32, #tpu.memory_space<vmem>>, vector<1x1x16xf32>,
        %get3A_696 = vector.shape_cast %get3A_695 : vector<1x1x16xf32> to vector<16xf32>
        %get3A_697 = arith.constant 0 : i32
        %get3A_698 = arith.constant 2 : i32
        %get3A_699 = arith.index_cast %get3A_697 : i32 to index
        %get3A_700 = arith.index_cast %get3A_698 : i32 to index
        %get3A_701 = arith.index_cast %add3A_656 : i32 to index
        %get3A_702 = tpu.vector_load %arg10[%get3A_699, %get3A_700, %get3A_701] {strides = array<i32>} : memref<2x4x2048xf32, #tpu.memory_space<vmem>>, vector<1x1x16xf32>,
        %get3A_703 = vector.shape_cast %get3A_702 : vector<1x1x16xf32> to vector<16xf32>
        %add3A_704 = arith.addf %get3A_680, %get3A_689 : vector<16xf32>
        %sub3A_705 = arith.subf %get3A_696, %get3A_703 : vector<16xf32>
        %mul3A_706 = arith.mulf %get3A_680, %get3A_670 : vector<16xf32>
        %mul3A_707 = arith.mulf %get3A_703, %get3A_670 : vector<16xf32>
        %mul3A_708 = arith.mulf %add3A_704, %get3A_663 : vector<16xf32>
        %mul3A_709 = arith.mulf %get3A_696, %get3A_663 : vector<16xf32>
        %mul3A_710 = arith.mulf %get3A_689, %mul3A_671 : vector<16xf32>
        %mul3A_711 = arith.mulf %sub3A_705, %mul3A_671 : vector<16xf32>
        %add3A_712 = arith.addf %add3A_626, %get3A_670 : vector<16xf32>
        %add3A_713 = arith.addf %add3A_627, %mul3A_706 : vector<16xf32>
        %add3A_714 = arith.addf %add3A_628, %mul3A_707 : vector<16xf32>
        %mul3A_715 = arith.mulf %mul3A_706, %mul3A_707 : vector<16xf32>
        %add3A_716 = arith.addf %add3A_630, %mul3A_715 : vector<16xf32>
        %mul3A_717 = arith.mulf %mul3A_706, %mul3A_706 : vector<16xf32>
        %add3A_718 = arith.addf %add3A_632, %mul3A_717 : vector<16xf32>
        %mul3A_719 = arith.mulf %mul3A_707, %mul3A_707 : vector<16xf32>
        %add3A_720 = arith.addf %add3A_634, %mul3A_719 : vector<16xf32>
        %add3A_721 = arith.addf %add3A_635, %get3A_663 : vector<16xf32>
        %add3A_722 = arith.addf %add3A_636, %mul3A_708 : vector<16xf32>
        %add3A_723 = arith.addf %add3A_637, %mul3A_709 : vector<16xf32>
        %mul3A_724 = arith.mulf %mul3A_708, %mul3A_709 : vector<16xf32>
        %add3A_725 = arith.addf %add3A_639, %mul3A_724 : vector<16xf32>
        %mul3A_726 = arith.mulf %mul3A_708, %mul3A_708 : vector<16xf32>
        %add3A_727 = arith.addf %add3A_641, %mul3A_726 : vector<16xf32>
        %mul3A_728 = arith.mulf %mul3A_709, %mul3A_709 : vector<16xf32>
        %add3A_729 = arith.addf %add3A_643, %mul3A_728 : vector<16xf32>
        %sub3A_730 = arith.subf %mul3A_708, %mul3A_709 : vector<16xf32>
        %abs3A_731 = math.absf %sub3A_730 : vector<16xf32>
        %add3A_732 = arith.addf %add3A_645, %abs3A_731 : vector<16xf32>
        %add3A_733 = arith.addf %add3A_646, %mul3A_671 : vector<16xf32>
        %add3A_734 = arith.addf %add3A_647, %mul3A_710 : vector<16xf32>
        %add3A_735 = arith.addf %add3A_648, %mul3A_711 : vector<16xf32>
        %mul3A_736 = arith.mulf %mul3A_710, %mul3A_711 : vector<16xf32>
        %add3A_737 = arith.addf %add3A_650, %mul3A_736 : vector<16xf32>
        %mul3A_738 = arith.mulf %mul3A_710, %mul3A_710 : vector<16xf32>
        %add3A_739 = arith.addf %add3A_652, %mul3A_738 : vector<16xf32>
        %mul3A_740 = arith.mulf %mul3A_711, %mul3A_711 : vector<16xf32>
        %add3A_741 = arith.addf %add3A_654, %mul3A_740 : vector<16xf32>
        %add3A_742 = arith.constant 32 : i32
        %add3A_743 = arith.addi %mul3A_570, %add3A_742 : i32
        %get3A_744 = arith.constant 0 : i32
        %get3A_745 = arith.constant 2 : i32
        %get3A_746 = arith.index_cast %get3A_744 : i32 to index
        %get3A_747 = arith.index_cast %get3A_745 : i32 to index
        %get3A_748 = arith.index_cast %add3A_743 : i32 to index
        %get3A_749 = tpu.vector_load %arg11[%get3A_746, %get3A_747, %get3A_748] {strides = array<i32>} : memref<2x4x2048xf32, #tpu.memory_space<vmem>>, vector<1x1x16xf32>,
        %get3A_750 = vector.shape_cast %get3A_749 : vector<1x1x16xf32> to vector<16xf32>
        %get3A_751 = arith.constant 0 : i32
        %get3A_752 = arith.constant 2 : i32
        %get3A_753 = arith.index_cast %get3A_751 : i32 to index
        %get3A_754 = arith.index_cast %get3A_752 : i32 to index
        %get3A_755 = arith.index_cast %add3A_743 : i32 to index
        %get3A_756 = tpu.vector_load %arg12[%get3A_753, %get3A_754, %get3A_755] {strides = array<i32>} : memref<2x4x2048xf32, #tpu.memory_space<vmem>>, vector<1x1x16xf32>,
        %get3A_757 = vector.shape_cast %get3A_756 : vector<1x1x16xf32> to vector<16xf32>
        %mul3A_758 = arith.mulf %get3A_750, %get3A_757 : vector<16xf32>
        %get3A_759 = arith.constant 0 : i32
        %get3A_760 = arith.constant 2 : i32
        %get3A_761 = arith.constant 0 : i32
        %get3A_762 = arith.index_cast %get3A_759 : i32 to index
        %get3A_763 = arith.index_cast %get3A_760 : i32 to index
        %get3A_764 = arith.index_cast %get3A_761 : i32 to index
        %get3A_765 = arith.index_cast %add3A_743 : i32 to index
        %get3A_766 = tpu.vector_load %arg8[%get3A_762, %get3A_763, %get3A_764, %get3A_765] {strides = array<i32>} : memref<2x4x2x2048xf32, #tpu.memory_space<vmem>>, vector<1x1x1x16xf32>,
        %get3A_767 = vector.shape_cast %get3A_766 : vector<1x1x1x16xf32> to vector<16xf32>
        %get3A_768 = arith.constant 0 : i32
        %get3A_769 = arith.constant 2 : i32
        %get3A_770 = arith.constant 1 : i32
        %get3A_771 = arith.index_cast %get3A_768 : i32 to index
        %get3A_772 = arith.index_cast %get3A_769 : i32 to index
        %get3A_773 = arith.index_cast %get3A_770 : i32 to index
        %get3A_774 = arith.index_cast %add3A_743 : i32 to index
        %get3A_775 = tpu.vector_load %arg8[%get3A_771, %get3A_772, %get3A_773, %get3A_774] {strides = array<i32>} : memref<2x4x2x2048xf32, #tpu.memory_space<vmem>>, vector<1x1x1x16xf32>,
        %get3A_776 = vector.shape_cast %get3A_775 : vector<1x1x1x16xf32> to vector<16xf32>
        %get3A_777 = arith.constant 0 : i32
        %get3A_778 = arith.constant 2 : i32
        %get3A_779 = arith.index_cast %get3A_777 : i32 to index
        %get3A_780 = arith.index_cast %get3A_778 : i32 to index
        %get3A_781 = arith.index_cast %add3A_743 : i32 to index
        %get3A_782 = tpu.vector_load %arg9[%get3A_779, %get3A_780, %get3A_781] {strides = array<i32>} : memref<2x4x2048xf32, #tpu.memory_space<vmem>>, vector<1x1x16xf32>,
        %get3A_783 = vector.shape_cast %get3A_782 : vector<1x1x16xf32> to vector<16xf32>
        %get3A_784 = arith.constant 0 : i32
        %get3A_785 = arith.constant 2 : i32
        %get3A_786 = arith.index_cast %get3A_784 : i32 to index
        %get3A_787 = arith.index_cast %get3A_785 : i32 to index
        %get3A_788 = arith.index_cast %add3A_743 : i32 to index
        %get3A_789 = tpu.vector_load %arg10[%get3A_786, %get3A_787, %get3A_788] {strides = array<i32>} : memref<2x4x2048xf32, #tpu.memory_space<vmem>>, vector<1x1x16xf32>,
        %get3A_790 = vector.shape_cast %get3A_789 : vector<1x1x16xf32> to vector<16xf32>
        %add3A_791 = arith.addf %get3A_767, %get3A_776 : vector<16xf32>
        %sub3A_792 = arith.subf %get3A_783, %get3A_790 : vector<16xf32>
        %mul3A_793 = arith.mulf %get3A_767, %get3A_757 : vector<16xf32>
        %mul3A_794 = arith.mulf %get3A_790, %get3A_757 : vector<16xf32>
        %mul3A_795 = arith.mulf %add3A_791, %get3A_750 : vector<16xf32>
        %mul3A_796 = arith.mulf %get3A_783, %get3A_750 : vector<16xf32>
        %mul3A_797 = arith.mulf %get3A_776, %mul3A_758 : vector<16xf32>
        %mul3A_798 = arith.mulf %sub3A_792, %mul3A_758 : vector<16xf32>
        %add3A_799 = arith.addf %add3A_712, %get3A_757 : vector<16xf32>
        %add3A_800 = arith.addf %add3A_713, %mul3A_793 : vector<16xf32>
        %add3A_801 = arith.addf %add3A_714, %mul3A_794 : vector<16xf32>
        %mul3A_802 = arith.mulf %mul3A_793, %mul3A_794 : vector<16xf32>
        %add3A_803 = arith.addf %add3A_716, %mul3A_802 : vector<16xf32>
        %mul3A_804 = arith.mulf %mul3A_793, %mul3A_793 : vector<16xf32>
        %add3A_805 = arith.addf %add3A_718, %mul3A_804 : vector<16xf32>
        %mul3A_806 = arith.mulf %mul3A_794, %mul3A_794 : vector<16xf32>
        %add3A_807 = arith.addf %add3A_720, %mul3A_806 : vector<16xf32>
        %add3A_808 = arith.addf %add3A_721, %get3A_750 : vector<16xf32>
        %add3A_809 = arith.addf %add3A_722, %mul3A_795 : vector<16xf32>
        %add3A_810 = arith.addf %add3A_723, %mul3A_796 : vector<16xf32>
        %mul3A_811 = arith.mulf %mul3A_795, %mul3A_796 : vector<16xf32>
        %add3A_812 = arith.addf %add3A_725, %mul3A_811 : vector<16xf32>
        %mul3A_813 = arith.mulf %mul3A_795, %mul3A_795 : vector<16xf32>
        %add3A_814 = arith.addf %add3A_727, %mul3A_813 : vector<16xf32>
        %mul3A_815 = arith.mulf %mul3A_796, %mul3A_796 : vector<16xf32>
        %add3A_816 = arith.addf %add3A_729, %mul3A_815 : vector<16xf32>
        %sub3A_817 = arith.subf %mul3A_795, %mul3A_796 : vector<16xf32>
        %abs3A_818 = math.absf %sub3A_817 : vector<16xf32>
        %add3A_819 = arith.addf %add3A_732, %abs3A_818 : vector<16xf32>
        %add3A_820 = arith.addf %add3A_733, %mul3A_758 : vector<16xf32>
        %add3A_821 = arith.addf %add3A_734, %mul3A_797 : vector<16xf32>
        %add3A_822 = arith.addf %add3A_735, %mul3A_798 : vector<16xf32>
        %mul3A_823 = arith.mulf %mul3A_797, %mul3A_798 : vector<16xf32>
        %add3A_824 = arith.addf %add3A_737, %mul3A_823 : vector<16xf32>
        %mul3A_825 = arith.mulf %mul3A_797, %mul3A_797 : vector<16xf32>
        %add3A_826 = arith.addf %add3A_739, %mul3A_825 : vector<16xf32>
        %mul3A_827 = arith.mulf %mul3A_798, %mul3A_798 : vector<16xf32>
        %add3A_828 = arith.addf %add3A_741, %mul3A_827 : vector<16xf32>
        %add3A_829 = arith.constant 48 : i32
        %add3A_830 = arith.addi %mul3A_570, %add3A_829 : i32
        %get3A_831 = arith.constant 0 : i32
        %get3A_832 = arith.constant 2 : i32
        %get3A_833 = arith.index_cast %get3A_831 : i32 to index
        %get3A_834 = arith.index_cast %get3A_832 : i32 to index
        %get3A_835 = arith.index_cast %add3A_830 : i32 to index
        %get3A_836 = tpu.vector_load %arg11[%get3A_833, %get3A_834, %get3A_835] {strides = array<i32>} : memref<2x4x2048xf32, #tpu.memory_space<vmem>>, vector<1x1x16xf32>,
        %get3A_837 = vector.shape_cast %get3A_836 : vector<1x1x16xf32> to vector<16xf32>
        %get3A_838 = arith.constant 0 : i32
        %get3A_839 = arith.constant 2 : i32
        %get3A_840 = arith.index_cast %get3A_838 : i32 to index
        %get3A_841 = arith.index_cast %get3A_839 : i32 to index
        %get3A_842 = arith.index_cast %add3A_830 : i32 to index
        %get3A_843 = tpu.vector_load %arg12[%get3A_840, %get3A_841, %get3A_842] {strides = array<i32>} : memref<2x4x2048xf32, #tpu.memory_space<vmem>>, vector<1x1x16xf32>,
        %get3A_844 = vector.shape_cast %get3A_843 : vector<1x1x16xf32> to vector<16xf32>
        %mul3A_845 = arith.mulf %get3A_837, %get3A_844 : vector<16xf32>
        %get3A_846 = arith.constant 0 : i32
        %get3A_847 = arith.constant 2 : i32
        %get3A_848 = arith.constant 0 : i32
        %get3A_849 = arith.index_cast %get3A_846 : i32 to index
        %get3A_850 = arith.index_cast %get3A_847 : i32 to index
        %get3A_851 = arith.index_cast %get3A_848 : i32 to index
        %get3A_852 = arith.index_cast %add3A_830 : i32 to index
        %get3A_853 = tpu.vector_load %arg8[%get3A_849, %get3A_850, %get3A_851, %get3A_852] {strides = array<i32>} : memref<2x4x2x2048xf32, #tpu.memory_space<vmem>>, vector<1x1x1x16xf32>,
        %get3A_854 = vector.shape_cast %get3A_853 : vector<1x1x1x16xf32> to vector<16xf32>
        %get3A_855 = arith.constant 0 : i32
        %get3A_856 = arith.constant 2 : i32
        %get3A_857 = arith.constant 1 : i32
        %get3A_858 = arith.index_cast %get3A_855 : i32 to index
        %get3A_859 = arith.index_cast %get3A_856 : i32 to index
        %get3A_860 = arith.index_cast %get3A_857 : i32 to index
        %get3A_861 = arith.index_cast %add3A_830 : i32 to index
        %get3A_862 = tpu.vector_load %arg8[%get3A_858, %get3A_859, %get3A_860, %get3A_861] {strides = array<i32>} : memref<2x4x2x2048xf32, #tpu.memory_space<vmem>>, vector<1x1x1x16xf32>,
        %get3A_863 = vector.shape_cast %get3A_862 : vector<1x1x1x16xf32> to vector<16xf32>
        %get3A_864 = arith.constant 0 : i32
        %get3A_865 = arith.constant 2 : i32
        %get3A_866 = arith.index_cast %get3A_864 : i32 to index
        %get3A_867 = arith.index_cast %get3A_865 : i32 to index
        %get3A_868 = arith.index_cast %add3A_830 : i32 to index
        %get3A_869 = tpu.vector_load %arg9[%get3A_866, %get3A_867, %get3A_868] {strides = array<i32>} : memref<2x4x2048xf32, #tpu.memory_space<vmem>>, vector<1x1x16xf32>,
        %get3A_870 = vector.shape_cast %get3A_869 : vector<1x1x16xf32> to vector<16xf32>
        %get3A_871 = arith.constant 0 : i32
        %get3A_872 = arith.constant 2 : i32
        %get3A_873 = arith.index_cast %get3A_871 : i32 to index
        %get3A_874 = arith.index_cast %get3A_872 : i32 to index
        %get3A_875 = arith.index_cast %add3A_830 : i32 to index
        %get3A_876 = tpu.vector_load %arg10[%get3A_873, %get3A_874, %get3A_875] {strides = array<i32>} : memref<2x4x2048xf32, #tpu.memory_space<vmem>>, vector<1x1x16xf32>,
        %get3A_877 = vector.shape_cast %get3A_876 : vector<1x1x16xf32> to vector<16xf32>
        %add3A_878 = arith.addf %get3A_854, %get3A_863 : vector<16xf32>
        %sub3A_879 = arith.subf %get3A_870, %get3A_877 : vector<16xf32>
        %mul3A_880 = arith.mulf %get3A_854, %get3A_844 : vector<16xf32>
        %mul3A_881 = arith.mulf %get3A_877, %get3A_844 : vector<16xf32>
        %mul3A_882 = arith.mulf %add3A_878, %get3A_837 : vector<16xf32>
        %mul3A_883 = arith.mulf %get3A_870, %get3A_837 : vector<16xf32>
        %mul3A_884 = arith.mulf %get3A_863, %mul3A_845 : vector<16xf32>
        %mul3A_885 = arith.mulf %sub3A_879, %mul3A_845 : vector<16xf32>
        %add3A_886 = arith.addf %add3A_799, %get3A_844 : vector<16xf32>
        %add3A_887 = arith.addf %add3A_800, %mul3A_880 : vector<16xf32>
        %add3A_888 = arith.addf %add3A_801, %mul3A_881 : vector<16xf32>
        %mul3A_889 = arith.mulf %mul3A_880, %mul3A_881 : vector<16xf32>
        %add3A_890 = arith.addf %add3A_803, %mul3A_889 : vector<16xf32>
        %mul3A_891 = arith.mulf %mul3A_880, %mul3A_880 : vector<16xf32>
        %add3A_892 = arith.addf %add3A_805, %mul3A_891 : vector<16xf32>
        %mul3A_893 = arith.mulf %mul3A_881, %mul3A_881 : vector<16xf32>
        %add3A_894 = arith.addf %add3A_807, %mul3A_893 : vector<16xf32>
        %add3A_895 = arith.addf %add3A_808, %get3A_837 : vector<16xf32>
        %add3A_896 = arith.addf %add3A_809, %mul3A_882 : vector<16xf32>
        %add3A_897 = arith.addf %add3A_810, %mul3A_883 : vector<16xf32>
        %mul3A_898 = arith.mulf %mul3A_882, %mul3A_883 : vector<16xf32>
        %add3A_899 = arith.addf %add3A_812, %mul3A_898 : vector<16xf32>
        %mul3A_900 = arith.mulf %mul3A_882, %mul3A_882 : vector<16xf32>
        %add3A_901 = arith.addf %add3A_814, %mul3A_900 : vector<16xf32>
        %mul3A_902 = arith.mulf %mul3A_883, %mul3A_883 : vector<16xf32>
        %add3A_903 = arith.addf %add3A_816, %mul3A_902 : vector<16xf32>
        %sub3A_904 = arith.subf %mul3A_882, %mul3A_883 : vector<16xf32>
        %abs3A_905 = math.absf %sub3A_904 : vector<16xf32>
        %add3A_906 = arith.addf %add3A_819, %abs3A_905 : vector<16xf32>
        %add3A_907 = arith.addf %add3A_820, %mul3A_845 : vector<16xf32>
        %add3A_908 = arith.addf %add3A_821, %mul3A_884 : vector<16xf32>
        %add3A_909 = arith.addf %add3A_822, %mul3A_885 : vector<16xf32>
        %mul3A_910 = arith.mulf %mul3A_884, %mul3A_885 : vector<16xf32>
        %add3A_911 = arith.addf %add3A_824, %mul3A_910 : vector<16xf32>
        %mul3A_912 = arith.mulf %mul3A_884, %mul3A_884 : vector<16xf32>
        %add3A_913 = arith.addf %add3A_826, %mul3A_912 : vector<16xf32>
        %mul3A_914 = arith.mulf %mul3A_885, %mul3A_885 : vector<16xf32>
        %add3A_915 = arith.addf %add3A_828, %mul3A_914 : vector<16xf32>
        scf.yield %add3A_886, %add3A_887, %add3A_888, %add3A_890, %add3A_892, %add3A_894, %add3A_895, %add3A_896, %add3A_897, %add3A_899, %add3A_901, %add3A_903, %add3A_906, %add3A_907, %add3A_908, %add3A_909, %add3A_911, %add3A_913, %add3A_915 : vector<16xf32>, vector<16xf32>, vector<16xf32>, vector<16xf32>, vector<16xf32>, vector<16xf32>, vector<16xf32>, vector<16xf32>, vector<16xf32>, vector<16xf32>, vector<16xf32>, vector<16xf32>, vector<16xf32>, vector<16xf32>, vector<16xf32>, vector<16xf32>, vector<16xf32>, vector<16xf32>, vector<16xf32>
      }
      %scan3A_423 = arith.constant 32 : i32
      %scan3A_424 = arith.constant 0 : i32
      %scan3A_425 = arith.constant 32 : i32
      %scan3A_426 = arith.addi %scan3A_424, %scan3A_425 : i32
      %scan3A_427 = arith.constant 1 : i32
      %scan3A_428:19 = scf.for %scan3A_549 = %scan3A_424 to %scan3A_426 step %scan3A_427 iter_args(%scan3A_550 = %scan3A_422#0, %scan3A_551 = %scan3A_422#1, %scan3A_552 = %scan3A_422#2, %scan3A_553 = %scan3A_422#3, %scan3A_554 = %scan3A_422#4, %scan3A_555 = %scan3A_422#5, %scan3A_556 = %scan3A_422#6, %scan3A_557 = %scan3A_422#7, %scan3A_558 = %scan3A_422#8, %scan3A_559 = %scan3A_422#9, %scan3A_560 = %scan3A_422#10, %scan3A_561 = %scan3A_422#11, %scan3A_562 = %scan3A_422#12, %scan3A_563 = %scan3A_422#13, %scan3A_564 = %scan3A_422#14, %scan3A_565 = %scan3A_422#15, %scan3A_566 = %scan3A_422#16, %scan3A_567 = %scan3A_422#17, %scan3A_568 = %scan3A_422#18) -> (vector<16xf32>, vector<16xf32>, vector<16xf32>, vector<16xf32>, vector<16xf32>, vector<16xf32>, vector<16xf32>, vector<16xf32>, vector<16xf32>, vector<16xf32>, vector<16xf32>, vector<16xf32>, vector<16xf32>, vector<16xf32>, vector<16xf32>, vector<16xf32>, vector<16xf32>, vector<16xf32>, vector<16xf32>)  : i32 {
        %mul3A_569 = arith.constant 64 : i32
        %mul3A_570 = arith.muli %scan3A_549, %mul3A_569 : i32
        %add3A_571 = arith.constant 0 : i32
        %add3A_572 = arith.addi %mul3A_570, %add3A_571 : i32
        %get3A = arith.constant 0 : i32
        %get3A_573 = arith.constant 3 : i32
        %get3A_574 = arith.index_cast %get3A : i32 to index
        %get3A_575 = arith.index_cast %get3A_573 : i32 to index
        %get3A_576 = arith.index_cast %add3A_572 : i32 to index
        %get3A_577 = tpu.vector_load %arg11[%get3A_574, %get3A_575, %get3A_576] {strides = array<i32>} : memref<2x4x2048xf32, #tpu.memory_space<vmem>>, vector<1x1x16xf32>,
        %get3A_578 = vector.shape_cast %get3A_577 : vector<1x1x16xf32> to vector<16xf32>
        %get3A_579 = arith.constant 0 : i32
        %get3A_580 = arith.constant 3 : i32
        %get3A_581 = arith.index_cast %get3A_579 : i32 to index
        %get3A_582 = arith.index_cast %get3A_580 : i32 to index
        %get3A_583 = arith.index_cast %add3A_572 : i32 to index
        %get3A_584 = tpu.vector_load %arg12[%get3A_581, %get3A_582, %get3A_583] {strides = array<i32>} : memref<2x4x2048xf32, #tpu.memory_space<vmem>>, vector<1x1x16xf32>,
        %get3A_585 = vector.shape_cast %get3A_584 : vector<1x1x16xf32> to vector<16xf32>
        %mul3A_586 = arith.mulf %get3A_578, %get3A_585 : vector<16xf32>
        %get3A_587 = arith.constant 0 : i32
        %get3A_588 = arith.constant 3 : i32
        %get3A_589 = arith.constant 0 : i32
        %get3A_590 = arith.index_cast %get3A_587 : i32 to index
        %get3A_591 = arith.index_cast %get3A_588 : i32 to index
        %get3A_592 = arith.index_cast %get3A_589 : i32 to index
        %get3A_593 = arith.index_cast %add3A_572 : i32 to index
        %get3A_594 = tpu.vector_load %arg8[%get3A_590, %get3A_591, %get3A_592, %get3A_593] {strides = array<i32>} : memref<2x4x2x2048xf32, #tpu.memory_space<vmem>>, vector<1x1x1x16xf32>,
        %get3A_595 = vector.shape_cast %get3A_594 : vector<1x1x1x16xf32> to vector<16xf32>
        %get3A_596 = arith.constant 0 : i32
        %get3A_597 = arith.constant 3 : i32
        %get3A_598 = arith.constant 1 : i32
        %get3A_599 = arith.index_cast %get3A_596 : i32 to index
        %get3A_600 = arith.index_cast %get3A_597 : i32 to index
        %get3A_601 = arith.index_cast %get3A_598 : i32 to index
        %get3A_602 = arith.index_cast %add3A_572 : i32 to index
        %get3A_603 = tpu.vector_load %arg8[%get3A_599, %get3A_600, %get3A_601, %get3A_602] {strides = array<i32>} : memref<2x4x2x2048xf32, #tpu.memory_space<vmem>>, vector<1x1x1x16xf32>,
        %get3A_604 = vector.shape_cast %get3A_603 : vector<1x1x1x16xf32> to vector<16xf32>
        %get3A_605 = arith.constant 0 : i32
        %get3A_606 = arith.constant 3 : i32
        %get3A_607 = arith.index_cast %get3A_605 : i32 to index
        %get3A_608 = arith.index_cast %get3A_606 : i32 to index
        %get3A_609 = arith.index_cast %add3A_572 : i32 to index
        %get3A_610 = tpu.vector_load %arg9[%get3A_607, %get3A_608, %get3A_609] {strides = array<i32>} : memref<2x4x2048xf32, #tpu.memory_space<vmem>>, vector<1x1x16xf32>,
        %get3A_611 = vector.shape_cast %get3A_610 : vector<1x1x16xf32> to vector<16xf32>
        %get3A_612 = arith.constant 0 : i32
        %get3A_613 = arith.constant 3 : i32
        %get3A_614 = arith.index_cast %get3A_612 : i32 to index
        %get3A_615 = arith.index_cast %get3A_613 : i32 to index
        %get3A_616 = arith.index_cast %add3A_572 : i32 to index
        %get3A_617 = tpu.vector_load %arg10[%get3A_614, %get3A_615, %get3A_616] {strides = array<i32>} : memref<2x4x2048xf32, #tpu.memory_space<vmem>>, vector<1x1x16xf32>,
        %get3A_618 = vector.shape_cast %get3A_617 : vector<1x1x16xf32> to vector<16xf32>
        %add3A_619 = arith.addf %get3A_595, %get3A_604 : vector<16xf32>
        %sub3A = arith.subf %get3A_611, %get3A_618 : vector<16xf32>
        %mul3A_620 = arith.mulf %get3A_595, %get3A_585 : vector<16xf32>
        %mul3A_621 = arith.mulf %get3A_618, %get3A_585 : vector<16xf32>
        %mul3A_622 = arith.mulf %add3A_619, %get3A_578 : vector<16xf32>
        %mul3A_623 = arith.mulf %get3A_611, %get3A_578 : vector<16xf32>
        %mul3A_624 = arith.mulf %get3A_604, %mul3A_586 : vector<16xf32>
        %mul3A_625 = arith.mulf %sub3A, %mul3A_586 : vector<16xf32>
        %add3A_626 = arith.addf %scan3A_550, %get3A_585 : vector<16xf32>
        %add3A_627 = arith.addf %scan3A_551, %mul3A_620 : vector<16xf32>
        %add3A_628 = arith.addf %scan3A_552, %mul3A_621 : vector<16xf32>
        %mul3A_629 = arith.mulf %mul3A_620, %mul3A_621 : vector<16xf32>
        %add3A_630 = arith.addf %scan3A_553, %mul3A_629 : vector<16xf32>
        %mul3A_631 = arith.mulf %mul3A_620, %mul3A_620 : vector<16xf32>
        %add3A_632 = arith.addf %scan3A_554, %mul3A_631 : vector<16xf32>
        %mul3A_633 = arith.mulf %mul3A_621, %mul3A_621 : vector<16xf32>
        %add3A_634 = arith.addf %scan3A_555, %mul3A_633 : vector<16xf32>
        %add3A_635 = arith.addf %scan3A_556, %get3A_578 : vector<16xf32>
        %add3A_636 = arith.addf %scan3A_557, %mul3A_622 : vector<16xf32>
        %add3A_637 = arith.addf %scan3A_558, %mul3A_623 : vector<16xf32>
        %mul3A_638 = arith.mulf %mul3A_622, %mul3A_623 : vector<16xf32>
        %add3A_639 = arith.addf %scan3A_559, %mul3A_638 : vector<16xf32>
        %mul3A_640 = arith.mulf %mul3A_622, %mul3A_622 : vector<16xf32>
        %add3A_641 = arith.addf %scan3A_560, %mul3A_640 : vector<16xf32>
        %mul3A_642 = arith.mulf %mul3A_623, %mul3A_623 : vector<16xf32>
        %add3A_643 = arith.addf %scan3A_561, %mul3A_642 : vector<16xf32>
        %sub3A_644 = arith.subf %mul3A_622, %mul3A_623 : vector<16xf32>
        %abs3A = math.absf %sub3A_644 : vector<16xf32>
        %add3A_645 = arith.addf %scan3A_562, %abs3A : vector<16xf32>
        %add3A_646 = arith.addf %scan3A_563, %mul3A_586 : vector<16xf32>
        %add3A_647 = arith.addf %scan3A_564, %mul3A_624 : vector<16xf32>
        %add3A_648 = arith.addf %scan3A_565, %mul3A_625 : vector<16xf32>
        %mul3A_649 = arith.mulf %mul3A_624, %mul3A_625 : vector<16xf32>
        %add3A_650 = arith.addf %scan3A_566, %mul3A_649 : vector<16xf32>
        %mul3A_651 = arith.mulf %mul3A_624, %mul3A_624 : vector<16xf32>
        %add3A_652 = arith.addf %scan3A_567, %mul3A_651 : vector<16xf32>
        %mul3A_653 = arith.mulf %mul3A_625, %mul3A_625 : vector<16xf32>
        %add3A_654 = arith.addf %scan3A_568, %mul3A_653 : vector<16xf32>
        %add3A_655 = arith.constant 16 : i32
        %add3A_656 = arith.addi %mul3A_570, %add3A_655 : i32
        %get3A_657 = arith.constant 0 : i32
        %get3A_658 = arith.constant 3 : i32
        %get3A_659 = arith.index_cast %get3A_657 : i32 to index
        %get3A_660 = arith.index_cast %get3A_658 : i32 to index
        %get3A_661 = arith.index_cast %add3A_656 : i32 to index
        %get3A_662 = tpu.vector_load %arg11[%get3A_659, %get3A_660, %get3A_661] {strides = array<i32>} : memref<2x4x2048xf32, #tpu.memory_space<vmem>>, vector<1x1x16xf32>,
        %get3A_663 = vector.shape_cast %get3A_662 : vector<1x1x16xf32> to vector<16xf32>
        %get3A_664 = arith.constant 0 : i32
        %get3A_665 = arith.constant 3 : i32
        %get3A_666 = arith.index_cast %get3A_664 : i32 to index
        %get3A_667 = arith.index_cast %get3A_665 : i32 to index
        %get3A_668 = arith.index_cast %add3A_656 : i32 to index
        %get3A_669 = tpu.vector_load %arg12[%get3A_666, %get3A_667, %get3A_668] {strides = array<i32>} : memref<2x4x2048xf32, #tpu.memory_space<vmem>>, vector<1x1x16xf32>,
        %get3A_670 = vector.shape_cast %get3A_669 : vector<1x1x16xf32> to vector<16xf32>
        %mul3A_671 = arith.mulf %get3A_663, %get3A_670 : vector<16xf32>
        %get3A_672 = arith.constant 0 : i32
        %get3A_673 = arith.constant 3 : i32
        %get3A_674 = arith.constant 0 : i32
        %get3A_675 = arith.index_cast %get3A_672 : i32 to index
        %get3A_676 = arith.index_cast %get3A_673 : i32 to index
        %get3A_677 = arith.index_cast %get3A_674 : i32 to index
        %get3A_678 = arith.index_cast %add3A_656 : i32 to index
        %get3A_679 = tpu.vector_load %arg8[%get3A_675, %get3A_676, %get3A_677, %get3A_678] {strides = array<i32>} : memref<2x4x2x2048xf32, #tpu.memory_space<vmem>>, vector<1x1x1x16xf32>,
        %get3A_680 = vector.shape_cast %get3A_679 : vector<1x1x1x16xf32> to vector<16xf32>
        %get3A_681 = arith.constant 0 : i32
        %get3A_682 = arith.constant 3 : i32
        %get3A_683 = arith.constant 1 : i32
        %get3A_684 = arith.index_cast %get3A_681 : i32 to index
        %get3A_685 = arith.index_cast %get3A_682 : i32 to index
        %get3A_686 = arith.index_cast %get3A_683 : i32 to index
        %get3A_687 = arith.index_cast %add3A_656 : i32 to index
        %get3A_688 = tpu.vector_load %arg8[%get3A_684, %get3A_685, %get3A_686, %get3A_687] {strides = array<i32>} : memref<2x4x2x2048xf32, #tpu.memory_space<vmem>>, vector<1x1x1x16xf32>,
        %get3A_689 = vector.shape_cast %get3A_688 : vector<1x1x1x16xf32> to vector<16xf32>
        %get3A_690 = arith.constant 0 : i32
        %get3A_691 = arith.constant 3 : i32
        %get3A_692 = arith.index_cast %get3A_690 : i32 to index
        %get3A_693 = arith.index_cast %get3A_691 : i32 to index
        %get3A_694 = arith.index_cast %add3A_656 : i32 to index
        %get3A_695 = tpu.vector_load %arg9[%get3A_692, %get3A_693, %get3A_694] {strides = array<i32>} : memref<2x4x2048xf32, #tpu.memory_space<vmem>>, vector<1x1x16xf32>,
        %get3A_696 = vector.shape_cast %get3A_695 : vector<1x1x16xf32> to vector<16xf32>
        %get3A_697 = arith.constant 0 : i32
        %get3A_698 = arith.constant 3 : i32
        %get3A_699 = arith.index_cast %get3A_697 : i32 to index
        %get3A_700 = arith.index_cast %get3A_698 : i32 to index
        %get3A_701 = arith.index_cast %add3A_656 : i32 to index
        %get3A_702 = tpu.vector_load %arg10[%get3A_699, %get3A_700, %get3A_701] {strides = array<i32>} : memref<2x4x2048xf32, #tpu.memory_space<vmem>>, vector<1x1x16xf32>,
        %get3A_703 = vector.shape_cast %get3A_702 : vector<1x1x16xf32> to vector<16xf32>
        %add3A_704 = arith.addf %get3A_680, %get3A_689 : vector<16xf32>
        %sub3A_705 = arith.subf %get3A_696, %get3A_703 : vector<16xf32>
        %mul3A_706 = arith.mulf %get3A_680, %get3A_670 : vector<16xf32>
        %mul3A_707 = arith.mulf %get3A_703, %get3A_670 : vector<16xf32>
        %mul3A_708 = arith.mulf %add3A_704, %get3A_663 : vector<16xf32>
        %mul3A_709 = arith.mulf %get3A_696, %get3A_663 : vector<16xf32>
        %mul3A_710 = arith.mulf %get3A_689, %mul3A_671 : vector<16xf32>
        %mul3A_711 = arith.mulf %sub3A_705, %mul3A_671 : vector<16xf32>
        %add3A_712 = arith.addf %add3A_626, %get3A_670 : vector<16xf32>
        %add3A_713 = arith.addf %add3A_627, %mul3A_706 : vector<16xf32>
        %add3A_714 = arith.addf %add3A_628, %mul3A_707 : vector<16xf32>
        %mul3A_715 = arith.mulf %mul3A_706, %mul3A_707 : vector<16xf32>
        %add3A_716 = arith.addf %add3A_630, %mul3A_715 : vector<16xf32>
        %mul3A_717 = arith.mulf %mul3A_706, %mul3A_706 : vector<16xf32>
        %add3A_718 = arith.addf %add3A_632, %mul3A_717 : vector<16xf32>
        %mul3A_719 = arith.mulf %mul3A_707, %mul3A_707 : vector<16xf32>
        %add3A_720 = arith.addf %add3A_634, %mul3A_719 : vector<16xf32>
        %add3A_721 = arith.addf %add3A_635, %get3A_663 : vector<16xf32>
        %add3A_722 = arith.addf %add3A_636, %mul3A_708 : vector<16xf32>
        %add3A_723 = arith.addf %add3A_637, %mul3A_709 : vector<16xf32>
        %mul3A_724 = arith.mulf %mul3A_708, %mul3A_709 : vector<16xf32>
        %add3A_725 = arith.addf %add3A_639, %mul3A_724 : vector<16xf32>
        %mul3A_726 = arith.mulf %mul3A_708, %mul3A_708 : vector<16xf32>
        %add3A_727 = arith.addf %add3A_641, %mul3A_726 : vector<16xf32>
        %mul3A_728 = arith.mulf %mul3A_709, %mul3A_709 : vector<16xf32>
        %add3A_729 = arith.addf %add3A_643, %mul3A_728 : vector<16xf32>
        %sub3A_730 = arith.subf %mul3A_708, %mul3A_709 : vector<16xf32>
        %abs3A_731 = math.absf %sub3A_730 : vector<16xf32>
        %add3A_732 = arith.addf %add3A_645, %abs3A_731 : vector<16xf32>
        %add3A_733 = arith.addf %add3A_646, %mul3A_671 : vector<16xf32>
        %add3A_734 = arith.addf %add3A_647, %mul3A_710 : vector<16xf32>
        %add3A_735 = arith.addf %add3A_648, %mul3A_711 : vector<16xf32>
        %mul3A_736 = arith.mulf %mul3A_710, %mul3A_711 : vector<16xf32>
        %add3A_737 = arith.addf %add3A_650, %mul3A_736 : vector<16xf32>
        %mul3A_738 = arith.mulf %mul3A_710, %mul3A_710 : vector<16xf32>
        %add3A_739 = arith.addf %add3A_652, %mul3A_738 : vector<16xf32>
        %mul3A_740 = arith.mulf %mul3A_711, %mul3A_711 : vector<16xf32>
        %add3A_741 = arith.addf %add3A_654, %mul3A_740 : vector<16xf32>
        %add3A_742 = arith.constant 32 : i32
        %add3A_743 = arith.addi %mul3A_570, %add3A_742 : i32
        %get3A_744 = arith.constant 0 : i32
        %get3A_745 = arith.constant 3 : i32
        %get3A_746 = arith.index_cast %get3A_744 : i32 to index
        %get3A_747 = arith.index_cast %get3A_745 : i32 to index
        %get3A_748 = arith.index_cast %add3A_743 : i32 to index
        %get3A_749 = tpu.vector_load %arg11[%get3A_746, %get3A_747, %get3A_748] {strides = array<i32>} : memref<2x4x2048xf32, #tpu.memory_space<vmem>>, vector<1x1x16xf32>,
        %get3A_750 = vector.shape_cast %get3A_749 : vector<1x1x16xf32> to vector<16xf32>
        %get3A_751 = arith.constant 0 : i32
        %get3A_752 = arith.constant 3 : i32
        %get3A_753 = arith.index_cast %get3A_751 : i32 to index
        %get3A_754 = arith.index_cast %get3A_752 : i32 to index
        %get3A_755 = arith.index_cast %add3A_743 : i32 to index
        %get3A_756 = tpu.vector_load %arg12[%get3A_753, %get3A_754, %get3A_755] {strides = array<i32>} : memref<2x4x2048xf32, #tpu.memory_space<vmem>>, vector<1x1x16xf32>,
        %get3A_757 = vector.shape_cast %get3A_756 : vector<1x1x16xf32> to vector<16xf32>
        %mul3A_758 = arith.mulf %get3A_750, %get3A_757 : vector<16xf32>
        %get3A_759 = arith.constant 0 : i32
        %get3A_760 = arith.constant 3 : i32
        %get3A_761 = arith.constant 0 : i32
        %get3A_762 = arith.index_cast %get3A_759 : i32 to index
        %get3A_763 = arith.index_cast %get3A_760 : i32 to index
        %get3A_764 = arith.index_cast %get3A_761 : i32 to index
        %get3A_765 = arith.index_cast %add3A_743 : i32 to index
        %get3A_766 = tpu.vector_load %arg8[%get3A_762, %get3A_763, %get3A_764, %get3A_765] {strides = array<i32>} : memref<2x4x2x2048xf32, #tpu.memory_space<vmem>>, vector<1x1x1x16xf32>,
        %get3A_767 = vector.shape_cast %get3A_766 : vector<1x1x1x16xf32> to vector<16xf32>
        %get3A_768 = arith.constant 0 : i32
        %get3A_769 = arith.constant 3 : i32
        %get3A_770 = arith.constant 1 : i32
        %get3A_771 = arith.index_cast %get3A_768 : i32 to index
        %get3A_772 = arith.index_cast %get3A_769 : i32 to index
        %get3A_773 = arith.index_cast %get3A_770 : i32 to index
        %get3A_774 = arith.index_cast %add3A_743 : i32 to index
        %get3A_775 = tpu.vector_load %arg8[%get3A_771, %get3A_772, %get3A_773, %get3A_774] {strides = array<i32>} : memref<2x4x2x2048xf32, #tpu.memory_space<vmem>>, vector<1x1x1x16xf32>,
        %get3A_776 = vector.shape_cast %get3A_775 : vector<1x1x1x16xf32> to vector<16xf32>
        %get3A_777 = arith.constant 0 : i32
        %get3A_778 = arith.constant 3 : i32
        %get3A_779 = arith.index_cast %get3A_777 : i32 to index
        %get3A_780 = arith.index_cast %get3A_778 : i32 to index
        %get3A_781 = arith.index_cast %add3A_743 : i32 to index
        %get3A_782 = tpu.vector_load %arg9[%get3A_779, %get3A_780, %get3A_781] {strides = array<i32>} : memref<2x4x2048xf32, #tpu.memory_space<vmem>>, vector<1x1x16xf32>,
        %get3A_783 = vector.shape_cast %get3A_782 : vector<1x1x16xf32> to vector<16xf32>
        %get3A_784 = arith.constant 0 : i32
        %get3A_785 = arith.constant 3 : i32
        %get3A_786 = arith.index_cast %get3A_784 : i32 to index
        %get3A_787 = arith.index_cast %get3A_785 : i32 to index
        %get3A_788 = arith.index_cast %add3A_743 : i32 to index
        %get3A_789 = tpu.vector_load %arg10[%get3A_786, %get3A_787, %get3A_788] {strides = array<i32>} : memref<2x4x2048xf32, #tpu.memory_space<vmem>>, vector<1x1x16xf32>,
        %get3A_790 = vector.shape_cast %get3A_789 : vector<1x1x16xf32> to vector<16xf32>
        %add3A_791 = arith.addf %get3A_767, %get3A_776 : vector<16xf32>
        %sub3A_792 = arith.subf %get3A_783, %get3A_790 : vector<16xf32>
        %mul3A_793 = arith.mulf %get3A_767, %get3A_757 : vector<16xf32>
        %mul3A_794 = arith.mulf %get3A_790, %get3A_757 : vector<16xf32>
        %mul3A_795 = arith.mulf %add3A_791, %get3A_750 : vector<16xf32>
        %mul3A_796 = arith.mulf %get3A_783, %get3A_750 : vector<16xf32>
        %mul3A_797 = arith.mulf %get3A_776, %mul3A_758 : vector<16xf32>
        %mul3A_798 = arith.mulf %sub3A_792, %mul3A_758 : vector<16xf32>
        %add3A_799 = arith.addf %add3A_712, %get3A_757 : vector<16xf32>
        %add3A_800 = arith.addf %add3A_713, %mul3A_793 : vector<16xf32>
        %add3A_801 = arith.addf %add3A_714, %mul3A_794 : vector<16xf32>
        %mul3A_802 = arith.mulf %mul3A_793, %mul3A_794 : vector<16xf32>
        %add3A_803 = arith.addf %add3A_716, %mul3A_802 : vector<16xf32>
        %mul3A_804 = arith.mulf %mul3A_793, %mul3A_793 : vector<16xf32>
        %add3A_805 = arith.addf %add3A_718, %mul3A_804 : vector<16xf32>
        %mul3A_806 = arith.mulf %mul3A_794, %mul3A_794 : vector<16xf32>
        %add3A_807 = arith.addf %add3A_720, %mul3A_806 : vector<16xf32>
        %add3A_808 = arith.addf %add3A_721, %get3A_750 : vector<16xf32>
        %add3A_809 = arith.addf %add3A_722, %mul3A_795 : vector<16xf32>
        %add3A_810 = arith.addf %add3A_723, %mul3A_796 : vector<16xf32>
        %mul3A_811 = arith.mulf %mul3A_795, %mul3A_796 : vector<16xf32>
        %add3A_812 = arith.addf %add3A_725, %mul3A_811 : vector<16xf32>
        %mul3A_813 = arith.mulf %mul3A_795, %mul3A_795 : vector<16xf32>
        %add3A_814 = arith.addf %add3A_727, %mul3A_813 : vector<16xf32>
        %mul3A_815 = arith.mulf %mul3A_796, %mul3A_796 : vector<16xf32>
        %add3A_816 = arith.addf %add3A_729, %mul3A_815 : vector<16xf32>
        %sub3A_817 = arith.subf %mul3A_795, %mul3A_796 : vector<16xf32>
        %abs3A_818 = math.absf %sub3A_817 : vector<16xf32>
        %add3A_819 = arith.addf %add3A_732, %abs3A_818 : vector<16xf32>
        %add3A_820 = arith.addf %add3A_733, %mul3A_758 : vector<16xf32>
        %add3A_821 = arith.addf %add3A_734, %mul3A_797 : vector<16xf32>
        %add3A_822 = arith.addf %add3A_735, %mul3A_798 : vector<16xf32>
        %mul3A_823 = arith.mulf %mul3A_797, %mul3A_798 : vector<16xf32>
        %add3A_824 = arith.addf %add3A_737, %mul3A_823 : vector<16xf32>
        %mul3A_825 = arith.mulf %mul3A_797, %mul3A_797 : vector<16xf32>
        %add3A_826 = arith.addf %add3A_739, %mul3A_825 : vector<16xf32>
        %mul3A_827 = arith.mulf %mul3A_798, %mul3A_798 : vector<16xf32>
        %add3A_828 = arith.addf %add3A_741, %mul3A_827 : vector<16xf32>
        %add3A_829 = arith.constant 48 : i32
        %add3A_830 = arith.addi %mul3A_570, %add3A_829 : i32
        %get3A_831 = arith.constant 0 : i32
        %get3A_832 = arith.constant 3 : i32
        %get3A_833 = arith.index_cast %get3A_831 : i32 to index
        %get3A_834 = arith.index_cast %get3A_832 : i32 to index
        %get3A_835 = arith.index_cast %add3A_830 : i32 to index
        %get3A_836 = tpu.vector_load %arg11[%get3A_833, %get3A_834, %get3A_835] {strides = array<i32>} : memref<2x4x2048xf32, #tpu.memory_space<vmem>>, vector<1x1x16xf32>,
        %get3A_837 = vector.shape_cast %get3A_836 : vector<1x1x16xf32> to vector<16xf32>
        %get3A_838 = arith.constant 0 : i32
        %get3A_839 = arith.constant 3 : i32
        %get3A_840 = arith.index_cast %get3A_838 : i32 to index
        %get3A_841 = arith.index_cast %get3A_839 : i32 to index
        %get3A_842 = arith.index_cast %add3A_830 : i32 to index
        %get3A_843 = tpu.vector_load %arg12[%get3A_840, %get3A_841, %get3A_842] {strides = array<i32>} : memref<2x4x2048xf32, #tpu.memory_space<vmem>>, vector<1x1x16xf32>,
        %get3A_844 = vector.shape_cast %get3A_843 : vector<1x1x16xf32> to vector<16xf32>
        %mul3A_845 = arith.mulf %get3A_837, %get3A_844 : vector<16xf32>
        %get3A_846 = arith.constant 0 : i32
        %get3A_847 = arith.constant 3 : i32
        %get3A_848 = arith.constant 0 : i32
        %get3A_849 = arith.index_cast %get3A_846 : i32 to index
        %get3A_850 = arith.index_cast %get3A_847 : i32 to index
        %get3A_851 = arith.index_cast %get3A_848 : i32 to index
        %get3A_852 = arith.index_cast %add3A_830 : i32 to index
        %get3A_853 = tpu.vector_load %arg8[%get3A_849, %get3A_850, %get3A_851, %get3A_852] {strides = array<i32>} : memref<2x4x2x2048xf32, #tpu.memory_space<vmem>>, vector<1x1x1x16xf32>,
        %get3A_854 = vector.shape_cast %get3A_853 : vector<1x1x1x16xf32> to vector<16xf32>
        %get3A_855 = arith.constant 0 : i32
        %get3A_856 = arith.constant 3 : i32
        %get3A_857 = arith.constant 1 : i32
        %get3A_858 = arith.index_cast %get3A_855 : i32 to index
        %get3A_859 = arith.index_cast %get3A_856 : i32 to index
        %get3A_860 = arith.index_cast %get3A_857 : i32 to index
        %get3A_861 = arith.index_cast %add3A_830 : i32 to index
        %get3A_862 = tpu.vector_load %arg8[%get3A_858, %get3A_859, %get3A_860, %get3A_861] {strides = array<i32>} : memref<2x4x2x2048xf32, #tpu.memory_space<vmem>>, vector<1x1x1x16xf32>,
        %get3A_863 = vector.shape_cast %get3A_862 : vector<1x1x1x16xf32> to vector<16xf32>
        %get3A_864 = arith.constant 0 : i32
        %get3A_865 = arith.constant 3 : i32
        %get3A_866 = arith.index_cast %get3A_864 : i32 to index
        %get3A_867 = arith.index_cast %get3A_865 : i32 to index
        %get3A_868 = arith.index_cast %add3A_830 : i32 to index
        %get3A_869 = tpu.vector_load %arg9[%get3A_866, %get3A_867, %get3A_868] {strides = array<i32>} : memref<2x4x2048xf32, #tpu.memory_space<vmem>>, vector<1x1x16xf32>,
        %get3A_870 = vector.shape_cast %get3A_869 : vector<1x1x16xf32> to vector<16xf32>
        %get3A_871 = arith.constant 0 : i32
        %get3A_872 = arith.constant 3 : i32
        %get3A_873 = arith.index_cast %get3A_871 : i32 to index
        %get3A_874 = arith.index_cast %get3A_872 : i32 to index
        %get3A_875 = arith.index_cast %add3A_830 : i32 to index
        %get3A_876 = tpu.vector_load %arg10[%get3A_873, %get3A_874, %get3A_875] {strides = array<i32>} : memref<2x4x2048xf32, #tpu.memory_space<vmem>>, vector<1x1x16xf32>,
        %get3A_877 = vector.shape_cast %get3A_876 : vector<1x1x16xf32> to vector<16xf32>
        %add3A_878 = arith.addf %get3A_854, %get3A_863 : vector<16xf32>
        %sub3A_879 = arith.subf %get3A_870, %get3A_877 : vector<16xf32>
        %mul3A_880 = arith.mulf %get3A_854, %get3A_844 : vector<16xf32>
        %mul3A_881 = arith.mulf %get3A_877, %get3A_844 : vector<16xf32>
        %mul3A_882 = arith.mulf %add3A_878, %get3A_837 : vector<16xf32>
        %mul3A_883 = arith.mulf %get3A_870, %get3A_837 : vector<16xf32>
        %mul3A_884 = arith.mulf %get3A_863, %mul3A_845 : vector<16xf32>
        %mul3A_885 = arith.mulf %sub3A_879, %mul3A_845 : vector<16xf32>
        %add3A_886 = arith.addf %add3A_799, %get3A_844 : vector<16xf32>
        %add3A_887 = arith.addf %add3A_800, %mul3A_880 : vector<16xf32>
        %add3A_888 = arith.addf %add3A_801, %mul3A_881 : vector<16xf32>
        %mul3A_889 = arith.mulf %mul3A_880, %mul3A_881 : vector<16xf32>
        %add3A_890 = arith.addf %add3A_803, %mul3A_889 : vector<16xf32>
        %mul3A_891 = arith.mulf %mul3A_880, %mul3A_880 : vector<16xf32>
        %add3A_892 = arith.addf %add3A_805, %mul3A_891 : vector<16xf32>
        %mul3A_893 = arith.mulf %mul3A_881, %mul3A_881 : vector<16xf32>
        %add3A_894 = arith.addf %add3A_807, %mul3A_893 : vector<16xf32>
        %add3A_895 = arith.addf %add3A_808, %get3A_837 : vector<16xf32>
        %add3A_896 = arith.addf %add3A_809, %mul3A_882 : vector<16xf32>
        %add3A_897 = arith.addf %add3A_810, %mul3A_883 : vector<16xf32>
        %mul3A_898 = arith.mulf %mul3A_882, %mul3A_883 : vector<16xf32>
        %add3A_899 = arith.addf %add3A_812, %mul3A_898 : vector<16xf32>
        %mul3A_900 = arith.mulf %mul3A_882, %mul3A_882 : vector<16xf32>
        %add3A_901 = arith.addf %add3A_814, %mul3A_900 : vector<16xf32>
        %mul3A_902 = arith.mulf %mul3A_883, %mul3A_883 : vector<16xf32>
        %add3A_903 = arith.addf %add3A_816, %mul3A_902 : vector<16xf32>
        %sub3A_904 = arith.subf %mul3A_882, %mul3A_883 : vector<16xf32>
        %abs3A_905 = math.absf %sub3A_904 : vector<16xf32>
        %add3A_906 = arith.addf %add3A_819, %abs3A_905 : vector<16xf32>
        %add3A_907 = arith.addf %add3A_820, %mul3A_845 : vector<16xf32>
        %add3A_908 = arith.addf %add3A_821, %mul3A_884 : vector<16xf32>
        %add3A_909 = arith.addf %add3A_822, %mul3A_885 : vector<16xf32>
        %mul3A_910 = arith.mulf %mul3A_884, %mul3A_885 : vector<16xf32>
        %add3A_911 = arith.addf %add3A_824, %mul3A_910 : vector<16xf32>
        %mul3A_912 = arith.mulf %mul3A_884, %mul3A_884 : vector<16xf32>
        %add3A_913 = arith.addf %add3A_826, %mul3A_912 : vector<16xf32>
        %mul3A_914 = arith.mulf %mul3A_885, %mul3A_885 : vector<16xf32>
        %add3A_915 = arith.addf %add3A_828, %mul3A_914 : vector<16xf32>
        scf.yield %add3A_886, %add3A_887, %add3A_888, %add3A_890, %add3A_892, %add3A_894, %add3A_895, %add3A_896, %add3A_897, %add3A_899, %add3A_901, %add3A_903, %add3A_906, %add3A_907, %add3A_908, %add3A_909, %add3A_911, %add3A_913, %add3A_915 : vector<16xf32>, vector<16xf32>, vector<16xf32>, vector<16xf32>, vector<16xf32>, vector<16xf32>, vector<16xf32>, vector<16xf32>, vector<16xf32>, vector<16xf32>, vector<16xf32>, vector<16xf32>, vector<16xf32>, vector<16xf32>, vector<16xf32>, vector<16xf32>, vector<16xf32>, vector<16xf32>, vector<16xf32>
      }
      %scan3A_429 = arith.constant 32 : i32
      %add3A_430 = arith.constant 2 : i32
      %add3A_431 = arith.addi %mul3A_322, %add3A_430 : i32
      %lt3A = arith.constant 16 : i32
      %lt3A_432 = arith.cmpi slt, %add3A_431, %lt3A : i32
      %convert_element_type3A = arith.extui %lt3A_432 : i1 to i32
      %cond3A = arith.constant 0 : i32
      %cond3A_433 = arith.cmpi ne, %convert_element_type3A, %cond3A : i32
      scf.if %cond3A_433 {
        %add3A_549 = arith.constant 2 : i32
        %add3A_550 = arith.addi %mul3A_322, %add3A_549 : i32
        %mul3A_551 = arith.constant 4 : i32
        %mul3A_552 = arith.muli %add3A_550, %mul3A_551 : i32
        %add3A_553 = arith.addi %add3A_4, %mul3A_552 : i32
        %mul3A_554 = arith.constant 4 : i32
        %mul3A_555 = arith.muli %add3A_550, %mul3A_554 : i32
        %add3A_556 = arith.addi %mul3A_6, %mul3A_555 : i32
        %dma_start3A_557 = arith.constant 0 : i32
        %dma_start3A_558 = arith.constant 0 : i32
        %dma_start3A_559 = arith.constant 0 : i32
        %dma_start3A_560 = arith.constant 0 : i32
        %dma_start3A_561 = arith.constant 0 : i32
        %dma_start3A_562 = tpu.memref_slice %arg8[%dma_start3A_557, %dma_start3A_559, %dma_start3A_560, %dma_start3A_561] : memref<2x4x2x2048xf32, #tpu.memory_space<vmem>> -> memref<1x4x2x2048xf32, #tpu.memory_space<vmem>>
        %dma_start3A_563 = tpu.memref_squeeze %dma_start3A_562 : memref<1x4x2x2048xf32, #tpu.memory_space<vmem>> -> memref<4x2x2048xf32, #tpu.memory_space<vmem>>
        %dma_start3A_564 = arith.constant 0 : i32
        %dma_start3A_565 = arith.constant 0 : i32
        %dma_start3A_566 = tpu.memref_slice %arg2[%add3A_553, %dma_start3A_564, %dma_start3A_565] : memref<4096x2x2048xf32, #tpu.memory_space<hbm>> -> memref<4x2x2048xf32, #tpu.memory_space<hbm>>
        %dma_start3A_567 = tpu.memref_slice %arg14[%dma_start3A_558] : memref<2x!tpu.dma_semaphore, #tpu.memory_space<semaphore_mem>> -> memref<1x!tpu.dma_semaphore, #tpu.memory_space<semaphore_mem>>
        %dma_start3A_568 = tpu.memref_squeeze %dma_start3A_567 : memref<1x!tpu.dma_semaphore, #tpu.memory_space<semaphore_mem>> -> memref<!tpu.dma_semaphore, #tpu.memory_space<semaphore_mem>>
        %dma_start3A_569 = arith.constant 0 : i32
        %dma_start3A_570 = arith.constant 0 : i32
        %dma_start3A_571 = arith.constant 0 : i32
        %dma_start3A_572 = tpu.memref_slice %arg8[%dma_start3A_557, %dma_start3A_569, %dma_start3A_570, %dma_start3A_571] : memref<2x4x2x2048xf32, #tpu.memory_space<vmem>> -> memref<1x4x2x2048xf32, #tpu.memory_space<vmem>>
        %dma_start3A_573 = tpu.memref_squeeze %dma_start3A_572 : memref<1x4x2x2048xf32, #tpu.memory_space<vmem>> -> memref<4x2x2048xf32, #tpu.memory_space<vmem>>
        %dma_start3A_574 = arith.constant 0 : i32
        %dma_start3A_575 = arith.constant 0 : i32
        %dma_start3A_576 = tpu.memref_slice %arg2[%add3A_553, %dma_start3A_574, %dma_start3A_575] : memref<4096x2x2048xf32, #tpu.memory_space<hbm>> -> memref<4x2x2048xf32, #tpu.memory_space<hbm>>
        tpu.enqueue_dma source(%dma_start3A_576 : memref<4x2x2048xf32, #tpu.memory_space<hbm>>) target(%dma_start3A_573 : memref<4x2x2048xf32, #tpu.memory_space<vmem>>) target_semaphore(%dma_start3A_568 : memref<!tpu.dma_semaphore, #tpu.memory_space<semaphore_mem>>)
        %dma_start3A_577 = arith.constant 0 : i32
        %dma_start3A_578 = arith.constant 0 : i32
        %dma_start3A_579 = arith.constant 0 : i32
        %dma_start3A_580 = arith.constant 0 : i32
        %dma_start3A_581 = tpu.memref_slice %arg9[%dma_start3A_577, %dma_start3A_579, %dma_start3A_580] : memref<2x4x2048xf32, #tpu.memory_space<vmem>> -> memref<1x4x2048xf32, #tpu.memory_space<vmem>>
        %dma_start3A_582 = tpu.memref_squeeze %dma_start3A_581 : memref<1x4x2048xf32, #tpu.memory_space<vmem>> -> memref<4x2048xf32, #tpu.memory_space<vmem>>
        %dma_start3A_583 = arith.constant 0 : i32
        %dma_start3A_584 = tpu.memref_slice %arg3[%add3A_553, %dma_start3A_583] : memref<4096x2048xf32, #tpu.memory_space<hbm>> -> memref<4x2048xf32, #tpu.memory_space<hbm>>
        %dma_start3A_585 = tpu.memref_slice %arg14[%dma_start3A_578] : memref<2x!tpu.dma_semaphore, #tpu.memory_space<semaphore_mem>> -> memref<1x!tpu.dma_semaphore, #tpu.memory_space<semaphore_mem>>
        %dma_start3A_586 = tpu.memref_squeeze %dma_start3A_585 : memref<1x!tpu.dma_semaphore, #tpu.memory_space<semaphore_mem>> -> memref<!tpu.dma_semaphore, #tpu.memory_space<semaphore_mem>>
        %dma_start3A_587 = arith.constant 0 : i32
        %dma_start3A_588 = arith.constant 0 : i32
        %dma_start3A_589 = tpu.memref_slice %arg9[%dma_start3A_577, %dma_start3A_587, %dma_start3A_588] : memref<2x4x2048xf32, #tpu.memory_space<vmem>> -> memref<1x4x2048xf32, #tpu.memory_space<vmem>>
        %dma_start3A_590 = tpu.memref_squeeze %dma_start3A_589 : memref<1x4x2048xf32, #tpu.memory_space<vmem>> -> memref<4x2048xf32, #tpu.memory_space<vmem>>
        %dma_start3A_591 = arith.constant 0 : i32
        %dma_start3A_592 = tpu.memref_slice %arg3[%add3A_553, %dma_start3A_591] : memref<4096x2048xf32, #tpu.memory_space<hbm>> -> memref<4x2048xf32, #tpu.memory_space<hbm>>
        tpu.enqueue_dma source(%dma_start3A_592 : memref<4x2048xf32, #tpu.memory_space<hbm>>) target(%dma_start3A_590 : memref<4x2048xf32, #tpu.memory_space<vmem>>) target_semaphore(%dma_start3A_586 : memref<!tpu.dma_semaphore, #tpu.memory_space<semaphore_mem>>)
        %dma_start3A_593 = arith.constant 0 : i32
        %dma_start3A_594 = arith.constant 0 : i32
        %dma_start3A_595 = arith.constant 0 : i32
        %dma_start3A_596 = arith.constant 0 : i32
        %dma_start3A_597 = tpu.memref_slice %arg10[%dma_start3A_593, %dma_start3A_595, %dma_start3A_596] : memref<2x4x2048xf32, #tpu.memory_space<vmem>> -> memref<1x4x2048xf32, #tpu.memory_space<vmem>>
        %dma_start3A_598 = tpu.memref_squeeze %dma_start3A_597 : memref<1x4x2048xf32, #tpu.memory_space<vmem>> -> memref<4x2048xf32, #tpu.memory_space<vmem>>
        %dma_start3A_599 = arith.constant 0 : i32
        %dma_start3A_600 = tpu.memref_slice %arg4[%add3A_553, %dma_start3A_599] : memref<4096x2048xf32, #tpu.memory_space<hbm>> -> memref<4x2048xf32, #tpu.memory_space<hbm>>
        %dma_start3A_601 = tpu.memref_slice %arg14[%dma_start3A_594] : memref<2x!tpu.dma_semaphore, #tpu.memory_space<semaphore_mem>> -> memref<1x!tpu.dma_semaphore, #tpu.memory_space<semaphore_mem>>
        %dma_start3A_602 = tpu.memref_squeeze %dma_start3A_601 : memref<1x!tpu.dma_semaphore, #tpu.memory_space<semaphore_mem>> -> memref<!tpu.dma_semaphore, #tpu.memory_space<semaphore_mem>>
        %dma_start3A_603 = arith.constant 0 : i32
        %dma_start3A_604 = arith.constant 0 : i32
        %dma_start3A_605 = tpu.memref_slice %arg10[%dma_start3A_593, %dma_start3A_603, %dma_start3A_604] : memref<2x4x2048xf32, #tpu.memory_space<vmem>> -> memref<1x4x2048xf32, #tpu.memory_space<vmem>>
        %dma_start3A_606 = tpu.memref_squeeze %dma_start3A_605 : memref<1x4x2048xf32, #tpu.memory_space<vmem>> -> memref<4x2048xf32, #tpu.memory_space<vmem>>
        %dma_start3A_607 = arith.constant 0 : i32
        %dma_start3A_608 = tpu.memref_slice %arg4[%add3A_553, %dma_start3A_607] : memref<4096x2048xf32, #tpu.memory_space<hbm>> -> memref<4x2048xf32, #tpu.memory_space<hbm>>
        tpu.enqueue_dma source(%dma_start3A_608 : memref<4x2048xf32, #tpu.memory_space<hbm>>) target(%dma_start3A_606 : memref<4x2048xf32, #tpu.memory_space<vmem>>) target_semaphore(%dma_start3A_602 : memref<!tpu.dma_semaphore, #tpu.memory_space<semaphore_mem>>)
        %dma_start3A_609 = arith.constant 0 : i32
        %dma_start3A_610 = arith.constant 0 : i32
        %dma_start3A_611 = arith.constant 0 : i32
        %dma_start3A_612 = arith.constant 0 : i32
        %dma_start3A_613 = tpu.memref_slice %arg11[%dma_start3A_609, %dma_start3A_611, %dma_start3A_612] : memref<2x4x2048xf32, #tpu.memory_space<vmem>> -> memref<1x4x2048xf32, #tpu.memory_space<vmem>>
        %dma_start3A_614 = tpu.memref_squeeze %dma_start3A_613 : memref<1x4x2048xf32, #tpu.memory_space<vmem>> -> memref<4x2048xf32, #tpu.memory_space<vmem>>
        %dma_start3A_615 = arith.constant 0 : i32
        %dma_start3A_616 = tpu.memref_slice %arg5[%add3A_556, %dma_start3A_615] : memref<2048x2048xf32, #tpu.memory_space<hbm>> -> memref<4x2048xf32, #tpu.memory_space<hbm>>
        %dma_start3A_617 = tpu.memref_slice %arg14[%dma_start3A_610] : memref<2x!tpu.dma_semaphore, #tpu.memory_space<semaphore_mem>> -> memref<1x!tpu.dma_semaphore, #tpu.memory_space<semaphore_mem>>
        %dma_start3A_618 = tpu.memref_squeeze %dma_start3A_617 : memref<1x!tpu.dma_semaphore, #tpu.memory_space<semaphore_mem>> -> memref<!tpu.dma_semaphore, #tpu.memory_space<semaphore_mem>>
        %dma_start3A_619 = arith.constant 0 : i32
        %dma_start3A_620 = arith.constant 0 : i32
        %dma_start3A_621 = tpu.memref_slice %arg11[%dma_start3A_609, %dma_start3A_619, %dma_start3A_620] : memref<2x4x2048xf32, #tpu.memory_space<vmem>> -> memref<1x4x2048xf32, #tpu.memory_space<vmem>>
        %dma_start3A_622 = tpu.memref_squeeze %dma_start3A_621 : memref<1x4x2048xf32, #tpu.memory_space<vmem>> -> memref<4x2048xf32, #tpu.memory_space<vmem>>
        %dma_start3A_623 = arith.constant 0 : i32
        %dma_start3A_624 = tpu.memref_slice %arg5[%add3A_556, %dma_start3A_623] : memref<2048x2048xf32, #tpu.memory_space<hbm>> -> memref<4x2048xf32, #tpu.memory_space<hbm>>
        tpu.enqueue_dma source(%dma_start3A_624 : memref<4x2048xf32, #tpu.memory_space<hbm>>) target(%dma_start3A_622 : memref<4x2048xf32, #tpu.memory_space<vmem>>) target_semaphore(%dma_start3A_618 : memref<!tpu.dma_semaphore, #tpu.memory_space<semaphore_mem>>)
        %dma_start3A_625 = arith.constant 0 : i32
        %dma_start3A_626 = arith.constant 0 : i32
        %dma_start3A_627 = arith.constant 0 : i32
        %dma_start3A_628 = arith.constant 0 : i32
        %dma_start3A_629 = tpu.memref_slice %arg12[%dma_start3A_625, %dma_start3A_627, %dma_start3A_628] : memref<2x4x2048xf32, #tpu.memory_space<vmem>> -> memref<1x4x2048xf32, #tpu.memory_space<vmem>>
        %dma_start3A_630 = tpu.memref_squeeze %dma_start3A_629 : memref<1x4x2048xf32, #tpu.memory_space<vmem>> -> memref<4x2048xf32, #tpu.memory_space<vmem>>
        %dma_start3A_631 = arith.constant 0 : i32
        %dma_start3A_632 = tpu.memref_slice %arg6[%add3A_556, %dma_start3A_631] : memref<2048x2048xf32, #tpu.memory_space<hbm>> -> memref<4x2048xf32, #tpu.memory_space<hbm>>
        %dma_start3A_633 = tpu.memref_slice %arg14[%dma_start3A_626] : memref<2x!tpu.dma_semaphore, #tpu.memory_space<semaphore_mem>> -> memref<1x!tpu.dma_semaphore, #tpu.memory_space<semaphore_mem>>
        %dma_start3A_634 = tpu.memref_squeeze %dma_start3A_633 : memref<1x!tpu.dma_semaphore, #tpu.memory_space<semaphore_mem>> -> memref<!tpu.dma_semaphore, #tpu.memory_space<semaphore_mem>>
        %dma_start3A_635 = arith.constant 0 : i32
        %dma_start3A_636 = arith.constant 0 : i32
        %dma_start3A_637 = tpu.memref_slice %arg12[%dma_start3A_625, %dma_start3A_635, %dma_start3A_636] : memref<2x4x2048xf32, #tpu.memory_space<vmem>> -> memref<1x4x2048xf32, #tpu.memory_space<vmem>>
        %dma_start3A_638 = tpu.memref_squeeze %dma_start3A_637 : memref<1x4x2048xf32, #tpu.memory_space<vmem>> -> memref<4x2048xf32, #tpu.memory_space<vmem>>
        %dma_start3A_639 = arith.constant 0 : i32
        %dma_start3A_640 = tpu.memref_slice %arg6[%add3A_556, %dma_start3A_639] : memref<2048x2048xf32, #tpu.memory_space<hbm>> -> memref<4x2048xf32, #tpu.memory_space<hbm>>
        tpu.enqueue_dma source(%dma_start3A_640 : memref<4x2048xf32, #tpu.memory_space<hbm>>) target(%dma_start3A_638 : memref<4x2048xf32, #tpu.memory_space<vmem>>) target_semaphore(%dma_start3A_634 : memref<!tpu.dma_semaphore, #tpu.memory_space<semaphore_mem>>)
      } else {
      }
      %dma_wait3A_434 = arith.constant 1 : i32
      %dma_wait3A_435 = arith.constant 1 : i32
      %dma_wait3A_436 = arith.constant 0 : i32
      %dma_wait3A_437 = arith.constant 0 : i32
      %dma_wait3A_438 = arith.constant 0 : i32
      %dma_wait3A_439 = tpu.memref_slice %arg8[%dma_wait3A_434, %dma_wait3A_436, %dma_wait3A_437, %dma_wait3A_438] : memref<2x4x2x2048xf32, #tpu.memory_space<vmem>> -> memref<1x4x2x2048xf32, #tpu.memory_space<vmem>>
      %dma_wait3A_440 = tpu.memref_squeeze %dma_wait3A_439 : memref<1x4x2x2048xf32, #tpu.memory_space<vmem>> -> memref<4x2x2048xf32, #tpu.memory_space<vmem>>
      %dma_wait3A_441 = arith.constant 0 : i32
      %dma_wait3A_442 = arith.constant 0 : i32
      %dma_wait3A_443 = tpu.memref_slice %arg2[%add3A_4, %dma_wait3A_441, %dma_wait3A_442] : memref<4096x2x2048xf32, #tpu.memory_space<hbm>> -> memref<4x2x2048xf32, #tpu.memory_space<hbm>>
      %dma_wait3A_444 = tpu.memref_slice %arg14[%dma_wait3A_435] : memref<2x!tpu.dma_semaphore, #tpu.memory_space<semaphore_mem>> -> memref<1x!tpu.dma_semaphore, #tpu.memory_space<semaphore_mem>>
      %dma_wait3A_445 = tpu.memref_squeeze %dma_wait3A_444 : memref<1x!tpu.dma_semaphore, #tpu.memory_space<semaphore_mem>> -> memref<!tpu.dma_semaphore, #tpu.memory_space<semaphore_mem>>
      %dma_wait3A_446 = arith.constant 0 : i32
      %dma_wait3A_447 = arith.constant 0 : i32
      %dma_wait3A_448 = arith.constant 0 : i32
      %dma_wait3A_449 = tpu.memref_slice %arg8[%dma_wait3A_434, %dma_wait3A_446, %dma_wait3A_447, %dma_wait3A_448] : memref<2x4x2x2048xf32, #tpu.memory_space<vmem>> -> memref<1x4x2x2048xf32, #tpu.memory_space<vmem>>
      %dma_wait3A_450 = tpu.memref_squeeze %dma_wait3A_449 : memref<1x4x2x2048xf32, #tpu.memory_space<vmem>> -> memref<4x2x2048xf32, #tpu.memory_space<vmem>>
      %dma_wait3A_451 = arith.constant 0 : i32
      %dma_wait3A_452 = arith.constant 0 : i32
      %dma_wait3A_453 = tpu.memref_slice %arg2[%add3A_4, %dma_wait3A_451, %dma_wait3A_452] : memref<4096x2x2048xf32, #tpu.memory_space<hbm>> -> memref<4x2x2048xf32, #tpu.memory_space<hbm>>
      tpu.wait_dma2 semaphore(%dma_wait3A_445 : memref<!tpu.dma_semaphore, #tpu.memory_space<semaphore_mem>>) src(%dma_wait3A_453 : memref<4x2x2048xf32, #tpu.memory_space<hbm>>) dst(%dma_wait3A_450 : memref<4x2x2048xf32, #tpu.memory_space<vmem>>)
      %dma_wait3A_454 = arith.constant 1 : i32
      %dma_wait3A_455 = arith.constant 1 : i32
      %dma_wait3A_456 = arith.constant 0 : i32
      %dma_wait3A_457 = arith.constant 0 : i32
      %dma_wait3A_458 = tpu.memref_slice %arg9[%dma_wait3A_454, %dma_wait3A_456, %dma_wait3A_457] : memref<2x4x2048xf32, #tpu.memory_space<vmem>> -> memref<1x4x2048xf32, #tpu.memory_space<vmem>>
      %dma_wait3A_459 = tpu.memref_squeeze %dma_wait3A_458 : memref<1x4x2048xf32, #tpu.memory_space<vmem>> -> memref<4x2048xf32, #tpu.memory_space<vmem>>
      %dma_wait3A_460 = arith.constant 0 : i32
      %dma_wait3A_461 = tpu.memref_slice %arg3[%add3A_4, %dma_wait3A_460] : memref<4096x2048xf32, #tpu.memory_space<hbm>> -> memref<4x2048xf32, #tpu.memory_space<hbm>>
      %dma_wait3A_462 = tpu.memref_slice %arg14[%dma_wait3A_455] : memref<2x!tpu.dma_semaphore, #tpu.memory_space<semaphore_mem>> -> memref<1x!tpu.dma_semaphore, #tpu.memory_space<semaphore_mem>>
      %dma_wait3A_463 = tpu.memref_squeeze %dma_wait3A_462 : memref<1x!tpu.dma_semaphore, #tpu.memory_space<semaphore_mem>> -> memref<!tpu.dma_semaphore, #tpu.memory_space<semaphore_mem>>
      %dma_wait3A_464 = arith.constant 0 : i32
      %dma_wait3A_465 = arith.constant 0 : i32
      %dma_wait3A_466 = tpu.memref_slice %arg9[%dma_wait3A_454, %dma_wait3A_464, %dma_wait3A_465] : memref<2x4x2048xf32, #tpu.memory_space<vmem>> -> memref<1x4x2048xf32, #tpu.memory_space<vmem>>
      %dma_wait3A_467 = tpu.memref_squeeze %dma_wait3A_466 : memref<1x4x2048xf32, #tpu.memory_space<vmem>> -> memref<4x2048xf32, #tpu.memory_space<vmem>>
      %dma_wait3A_468 = arith.constant 0 : i32
      %dma_wait3A_469 = tpu.memref_slice %arg3[%add3A_4, %dma_wait3A_468] : memref<4096x2048xf32, #tpu.memory_space<hbm>> -> memref<4x2048xf32, #tpu.memory_space<hbm>>
      tpu.wait_dma2 semaphore(%dma_wait3A_463 : memref<!tpu.dma_semaphore, #tpu.memory_space<semaphore_mem>>) src(%dma_wait3A_469 : memref<4x2048xf32, #tpu.memory_space<hbm>>) dst(%dma_wait3A_467 : memref<4x2048xf32, #tpu.memory_space<vmem>>)
      %dma_wait3A_470 = arith.constant 1 : i32
      %dma_wait3A_471 = arith.constant 1 : i32
      %dma_wait3A_472 = arith.constant 0 : i32
      %dma_wait3A_473 = arith.constant 0 : i32
      %dma_wait3A_474 = tpu.memref_slice %arg10[%dma_wait3A_470, %dma_wait3A_472, %dma_wait3A_473] : memref<2x4x2048xf32, #tpu.memory_space<vmem>> -> memref<1x4x2048xf32, #tpu.memory_space<vmem>>
      %dma_wait3A_475 = tpu.memref_squeeze %dma_wait3A_474 : memref<1x4x2048xf32, #tpu.memory_space<vmem>> -> memref<4x2048xf32, #tpu.memory_space<vmem>>
      %dma_wait3A_476 = arith.constant 0 : i32
      %dma_wait3A_477 = tpu.memref_slice %arg4[%add3A_4, %dma_wait3A_476] : memref<4096x2048xf32, #tpu.memory_space<hbm>> -> memref<4x2048xf32, #tpu.memory_space<hbm>>
      %dma_wait3A_478 = tpu.memref_slice %arg14[%dma_wait3A_471] : memref<2x!tpu.dma_semaphore, #tpu.memory_space<semaphore_mem>> -> memref<1x!tpu.dma_semaphore, #tpu.memory_space<semaphore_mem>>
      %dma_wait3A_479 = tpu.memref_squeeze %dma_wait3A_478 : memref<1x!tpu.dma_semaphore, #tpu.memory_space<semaphore_mem>> -> memref<!tpu.dma_semaphore, #tpu.memory_space<semaphore_mem>>
      %dma_wait3A_480 = arith.constant 0 : i32
      %dma_wait3A_481 = arith.constant 0 : i32
      %dma_wait3A_482 = tpu.memref_slice %arg10[%dma_wait3A_470, %dma_wait3A_480, %dma_wait3A_481] : memref<2x4x2048xf32, #tpu.memory_space<vmem>> -> memref<1x4x2048xf32, #tpu.memory_space<vmem>>
      %dma_wait3A_483 = tpu.memref_squeeze %dma_wait3A_482 : memref<1x4x2048xf32, #tpu.memory_space<vmem>> -> memref<4x2048xf32, #tpu.memory_space<vmem>>
      %dma_wait3A_484 = arith.constant 0 : i32
      %dma_wait3A_485 = tpu.memref_slice %arg4[%add3A_4, %dma_wait3A_484] : memref<4096x2048xf32, #tpu.memory_space<hbm>> -> memref<4x2048xf32, #tpu.memory_space<hbm>>
      tpu.wait_dma2 semaphore(%dma_wait3A_479 : memref<!tpu.dma_semaphore, #tpu.memory_space<semaphore_mem>>) src(%dma_wait3A_485 : memref<4x2048xf32, #tpu.memory_space<hbm>>) dst(%dma_wait3A_483 : memref<4x2048xf32, #tpu.memory_space<vmem>>)
      %dma_wait3A_486 = arith.constant 1 : i32
      %dma_wait3A_487 = arith.constant 1 : i32
      %dma_wait3A_488 = arith.constant 0 : i32
      %dma_wait3A_489 = arith.constant 0 : i32
      %dma_wait3A_490 = tpu.memref_slice %arg11[%dma_wait3A_486, %dma_wait3A_488, %dma_wait3A_489] : memref<2x4x2048xf32, #tpu.memory_space<vmem>> -> memref<1x4x2048xf32, #tpu.memory_space<vmem>>
      %dma_wait3A_491 = tpu.memref_squeeze %dma_wait3A_490 : memref<1x4x2048xf32, #tpu.memory_space<vmem>> -> memref<4x2048xf32, #tpu.memory_space<vmem>>
      %dma_wait3A_492 = arith.constant 0 : i32
      %dma_wait3A_493 = tpu.memref_slice %arg5[%add3A_4, %dma_wait3A_492] : memref<2048x2048xf32, #tpu.memory_space<hbm>> -> memref<4x2048xf32, #tpu.memory_space<hbm>>
      %dma_wait3A_494 = tpu.memref_slice %arg14[%dma_wait3A_487] : memref<2x!tpu.dma_semaphore, #tpu.memory_space<semaphore_mem>> -> memref<1x!tpu.dma_semaphore, #tpu.memory_space<semaphore_mem>>
      %dma_wait3A_495 = tpu.memref_squeeze %dma_wait3A_494 : memref<1x!tpu.dma_semaphore, #tpu.memory_space<semaphore_mem>> -> memref<!tpu.dma_semaphore, #tpu.memory_space<semaphore_mem>>
      %dma_wait3A_496 = arith.constant 0 : i32
      %dma_wait3A_497 = arith.constant 0 : i32
      %dma_wait3A_498 = tpu.memref_slice %arg11[%dma_wait3A_486, %dma_wait3A_496, %dma_wait3A_497] : memref<2x4x2048xf32, #tpu.memory_space<vmem>> -> memref<1x4x2048xf32, #tpu.memory_space<vmem>>
      %dma_wait3A_499 = tpu.memref_squeeze %dma_wait3A_498 : memref<1x4x2048xf32, #tpu.memory_space<vmem>> -> memref<4x2048xf32, #tpu.memory_space<vmem>>
      %dma_wait3A_500 = arith.constant 0 : i32
      %dma_wait3A_501 = tpu.memref_slice %arg5[%add3A_4, %dma_wait3A_500] : memref<2048x2048xf32, #tpu.memory_space<hbm>> -> memref<4x2048xf32, #tpu.memory_space<hbm>>
      tpu.wait_dma2 semaphore(%dma_wait3A_495 : memref<!tpu.dma_semaphore, #tpu.memory_space<semaphore_mem>>) src(%dma_wait3A_501 : memref<4x2048xf32, #tpu.memory_space<hbm>>) dst(%dma_wait3A_499 : memref<4x2048xf32, #tpu.memory_space<vmem>>)
      %dma_wait3A_502 = arith.constant 1 : i32
      %dma_wait3A_503 = arith.constant 1 : i32
      %dma_wait3A_504 = arith.constant 0 : i32
      %dma_wait3A_505 = arith.constant 0 : i32
      %dma_wait3A_506 = tpu.memref_slice %arg12[%dma_wait3A_502, %dma_wait3A_504, %dma_wait3A_505] : memref<2x4x2048xf32, #tpu.memory_space<vmem>> -> memref<1x4x2048xf32, #tpu.memory_space<vmem>>
      %dma_wait3A_507 = tpu.memref_squeeze %dma_wait3A_506 : memref<1x4x2048xf32, #tpu.memory_space<vmem>> -> memref<4x2048xf32, #tpu.memory_space<vmem>>
      %dma_wait3A_508 = arith.constant 0 : i32
      %dma_wait3A_509 = tpu.memref_slice %arg6[%add3A_4, %dma_wait3A_508] : memref<2048x2048xf32, #tpu.memory_space<hbm>> -> memref<4x2048xf32, #tpu.memory_space<hbm>>
      %dma_wait3A_510 = tpu.memref_slice %arg14[%dma_wait3A_503] : memref<2x!tpu.dma_semaphore, #tpu.memory_space<semaphore_mem>> -> memref<1x!tpu.dma_semaphore, #tpu.memory_space<semaphore_mem>>
      %dma_wait3A_511 = tpu.memref_squeeze %dma_wait3A_510 : memref<1x!tpu.dma_semaphore, #tpu.memory_space<semaphore_mem>> -> memref<!tpu.dma_semaphore, #tpu.memory_space<semaphore_mem>>
      %dma_wait3A_512 = arith.constant 0 : i32
      %dma_wait3A_513 = arith.constant 0 : i32
      %dma_wait3A_514 = tpu.memref_slice %arg12[%dma_wait3A_502, %dma_wait3A_512, %dma_wait3A_513] : memref<2x4x2048xf32, #tpu.memory_space<vmem>> -> memref<1x4x2048xf32, #tpu.memory_space<vmem>>
      %dma_wait3A_515 = tpu.memref_squeeze %dma_wait3A_514 : memref<1x4x2048xf32, #tpu.memory_space<vmem>> -> memref<4x2048xf32, #tpu.memory_space<vmem>>
      %dma_wait3A_516 = arith.constant 0 : i32
      %dma_wait3A_517 = tpu.memref_slice %arg6[%add3A_4, %dma_wait3A_516] : memref<2048x2048xf32, #tpu.memory_space<hbm>> -> memref<4x2048xf32, #tpu.memory_space<hbm>>
      tpu.wait_dma2 semaphore(%dma_wait3A_511 : memref<!tpu.dma_semaphore, #tpu.memory_space<semaphore_mem>>) src(%dma_wait3A_517 : memref<4x2048xf32, #tpu.memory_space<hbm>>) dst(%dma_wait3A_515 : memref<4x2048xf32, #tpu.memory_space<vmem>>)
      %scan3A_518 = arith.constant 0 : i32
      %scan3A_519 = arith.constant 32 : i32
      %scan3A_520 = arith.addi %scan3A_518, %scan3A_519 : i32
      %scan3A_521 = arith.constant 1 : i32
      %scan3A_522:19 = scf.for %scan3A_549 = %scan3A_518 to %scan3A_520 step %scan3A_521 iter_args(%scan3A_550 = %scan3A_428#0, %scan3A_551 = %scan3A_428#1, %scan3A_552 = %scan3A_428#2, %scan3A_553 = %scan3A_428#3, %scan3A_554 = %scan3A_428#4, %scan3A_555 = %scan3A_428#5, %scan3A_556 = %scan3A_428#6, %scan3A_557 = %scan3A_428#7, %scan3A_558 = %scan3A_428#8, %scan3A_559 = %scan3A_428#9, %scan3A_560 = %scan3A_428#10, %scan3A_561 = %scan3A_428#11, %scan3A_562 = %scan3A_428#12, %scan3A_563 = %scan3A_428#13, %scan3A_564 = %scan3A_428#14, %scan3A_565 = %scan3A_428#15, %scan3A_566 = %scan3A_428#16, %scan3A_567 = %scan3A_428#17, %scan3A_568 = %scan3A_428#18) -> (vector<16xf32>, vector<16xf32>, vector<16xf32>, vector<16xf32>, vector<16xf32>, vector<16xf32>, vector<16xf32>, vector<16xf32>, vector<16xf32>, vector<16xf32>, vector<16xf32>, vector<16xf32>, vector<16xf32>, vector<16xf32>, vector<16xf32>, vector<16xf32>, vector<16xf32>, vector<16xf32>, vector<16xf32>)  : i32 {
        %mul3A_569 = arith.constant 64 : i32
        %mul3A_570 = arith.muli %scan3A_549, %mul3A_569 : i32
        %add3A_571 = arith.constant 0 : i32
        %add3A_572 = arith.addi %mul3A_570, %add3A_571 : i32
        %get3A = arith.constant 1 : i32
        %get3A_573 = arith.constant 0 : i32
        %get3A_574 = arith.index_cast %get3A : i32 to index
        %get3A_575 = arith.index_cast %get3A_573 : i32 to index
        %get3A_576 = arith.index_cast %add3A_572 : i32 to index
        %get3A_577 = tpu.vector_load %arg11[%get3A_574, %get3A_575, %get3A_576] {strides = array<i32>} : memref<2x4x2048xf32, #tpu.memory_space<vmem>>, vector<1x1x16xf32>,
        %get3A_578 = vector.shape_cast %get3A_577 : vector<1x1x16xf32> to vector<16xf32>
        %get3A_579 = arith.constant 1 : i32
        %get3A_580 = arith.constant 0 : i32
        %get3A_581 = arith.index_cast %get3A_579 : i32 to index
        %get3A_582 = arith.index_cast %get3A_580 : i32 to index
        %get3A_583 = arith.index_cast %add3A_572 : i32 to index
        %get3A_584 = tpu.vector_load %arg12[%get3A_581, %get3A_582, %get3A_583] {strides = array<i32>} : memref<2x4x2048xf32, #tpu.memory_space<vmem>>, vector<1x1x16xf32>,
        %get3A_585 = vector.shape_cast %get3A_584 : vector<1x1x16xf32> to vector<16xf32>
        %mul3A_586 = arith.mulf %get3A_578, %get3A_585 : vector<16xf32>
        %get3A_587 = arith.constant 1 : i32
        %get3A_588 = arith.constant 0 : i32
        %get3A_589 = arith.constant 0 : i32
        %get3A_590 = arith.index_cast %get3A_587 : i32 to index
        %get3A_591 = arith.index_cast %get3A_588 : i32 to index
        %get3A_592 = arith.index_cast %get3A_589 : i32 to index
        %get3A_593 = arith.index_cast %add3A_572 : i32 to index
        %get3A_594 = tpu.vector_load %arg8[%get3A_590, %get3A_591, %get3A_592, %get3A_593] {strides = array<i32>} : memref<2x4x2x2048xf32, #tpu.memory_space<vmem>>, vector<1x1x1x16xf32>,
        %get3A_595 = vector.shape_cast %get3A_594 : vector<1x1x1x16xf32> to vector<16xf32>
        %get3A_596 = arith.constant 1 : i32
        %get3A_597 = arith.constant 0 : i32
        %get3A_598 = arith.constant 1 : i32
        %get3A_599 = arith.index_cast %get3A_596 : i32 to index
        %get3A_600 = arith.index_cast %get3A_597 : i32 to index
        %get3A_601 = arith.index_cast %get3A_598 : i32 to index
        %get3A_602 = arith.index_cast %add3A_572 : i32 to index
        %get3A_603 = tpu.vector_load %arg8[%get3A_599, %get3A_600, %get3A_601, %get3A_602] {strides = array<i32>} : memref<2x4x2x2048xf32, #tpu.memory_space<vmem>>, vector<1x1x1x16xf32>,
        %get3A_604 = vector.shape_cast %get3A_603 : vector<1x1x1x16xf32> to vector<16xf32>
        %get3A_605 = arith.constant 1 : i32
        %get3A_606 = arith.constant 0 : i32
        %get3A_607 = arith.index_cast %get3A_605 : i32 to index
        %get3A_608 = arith.index_cast %get3A_606 : i32 to index
        %get3A_609 = arith.index_cast %add3A_572 : i32 to index
        %get3A_610 = tpu.vector_load %arg9[%get3A_607, %get3A_608, %get3A_609] {strides = array<i32>} : memref<2x4x2048xf32, #tpu.memory_space<vmem>>, vector<1x1x16xf32>,
        %get3A_611 = vector.shape_cast %get3A_610 : vector<1x1x16xf32> to vector<16xf32>
        %get3A_612 = arith.constant 1 : i32
        %get3A_613 = arith.constant 0 : i32
        %get3A_614 = arith.index_cast %get3A_612 : i32 to index
        %get3A_615 = arith.index_cast %get3A_613 : i32 to index
        %get3A_616 = arith.index_cast %add3A_572 : i32 to index
        %get3A_617 = tpu.vector_load %arg10[%get3A_614, %get3A_615, %get3A_616] {strides = array<i32>} : memref<2x4x2048xf32, #tpu.memory_space<vmem>>, vector<1x1x16xf32>,
        %get3A_618 = vector.shape_cast %get3A_617 : vector<1x1x16xf32> to vector<16xf32>
        %add3A_619 = arith.addf %get3A_595, %get3A_604 : vector<16xf32>
        %sub3A = arith.subf %get3A_611, %get3A_618 : vector<16xf32>
        %mul3A_620 = arith.mulf %get3A_595, %get3A_585 : vector<16xf32>
        %mul3A_621 = arith.mulf %get3A_618, %get3A_585 : vector<16xf32>
        %mul3A_622 = arith.mulf %add3A_619, %get3A_578 : vector<16xf32>
        %mul3A_623 = arith.mulf %get3A_611, %get3A_578 : vector<16xf32>
        %mul3A_624 = arith.mulf %get3A_604, %mul3A_586 : vector<16xf32>
        %mul3A_625 = arith.mulf %sub3A, %mul3A_586 : vector<16xf32>
        %add3A_626 = arith.addf %scan3A_550, %get3A_585 : vector<16xf32>
        %add3A_627 = arith.addf %scan3A_551, %mul3A_620 : vector<16xf32>
        %add3A_628 = arith.addf %scan3A_552, %mul3A_621 : vector<16xf32>
        %mul3A_629 = arith.mulf %mul3A_620, %mul3A_621 : vector<16xf32>
        %add3A_630 = arith.addf %scan3A_553, %mul3A_629 : vector<16xf32>
        %mul3A_631 = arith.mulf %mul3A_620, %mul3A_620 : vector<16xf32>
        %add3A_632 = arith.addf %scan3A_554, %mul3A_631 : vector<16xf32>
        %mul3A_633 = arith.mulf %mul3A_621, %mul3A_621 : vector<16xf32>
        %add3A_634 = arith.addf %scan3A_555, %mul3A_633 : vector<16xf32>
        %add3A_635 = arith.addf %scan3A_556, %get3A_578 : vector<16xf32>
        %add3A_636 = arith.addf %scan3A_557, %mul3A_622 : vector<16xf32>
        %add3A_637 = arith.addf %scan3A_558, %mul3A_623 : vector<16xf32>
        %mul3A_638 = arith.mulf %mul3A_622, %mul3A_623 : vector<16xf32>
        %add3A_639 = arith.addf %scan3A_559, %mul3A_638 : vector<16xf32>
        %mul3A_640 = arith.mulf %mul3A_622, %mul3A_622 : vector<16xf32>
        %add3A_641 = arith.addf %scan3A_560, %mul3A_640 : vector<16xf32>
        %mul3A_642 = arith.mulf %mul3A_623, %mul3A_623 : vector<16xf32>
        %add3A_643 = arith.addf %scan3A_561, %mul3A_642 : vector<16xf32>
        %sub3A_644 = arith.subf %mul3A_622, %mul3A_623 : vector<16xf32>
        %abs3A = math.absf %sub3A_644 : vector<16xf32>
        %add3A_645 = arith.addf %scan3A_562, %abs3A : vector<16xf32>
        %add3A_646 = arith.addf %scan3A_563, %mul3A_586 : vector<16xf32>
        %add3A_647 = arith.addf %scan3A_564, %mul3A_624 : vector<16xf32>
        %add3A_648 = arith.addf %scan3A_565, %mul3A_625 : vector<16xf32>
        %mul3A_649 = arith.mulf %mul3A_624, %mul3A_625 : vector<16xf32>
        %add3A_650 = arith.addf %scan3A_566, %mul3A_649 : vector<16xf32>
        %mul3A_651 = arith.mulf %mul3A_624, %mul3A_624 : vector<16xf32>
        %add3A_652 = arith.addf %scan3A_567, %mul3A_651 : vector<16xf32>
        %mul3A_653 = arith.mulf %mul3A_625, %mul3A_625 : vector<16xf32>
        %add3A_654 = arith.addf %scan3A_568, %mul3A_653 : vector<16xf32>
        %add3A_655 = arith.constant 16 : i32
        %add3A_656 = arith.addi %mul3A_570, %add3A_655 : i32
        %get3A_657 = arith.constant 1 : i32
        %get3A_658 = arith.constant 0 : i32
        %get3A_659 = arith.index_cast %get3A_657 : i32 to index
        %get3A_660 = arith.index_cast %get3A_658 : i32 to index
        %get3A_661 = arith.index_cast %add3A_656 : i32 to index
        %get3A_662 = tpu.vector_load %arg11[%get3A_659, %get3A_660, %get3A_661] {strides = array<i32>} : memref<2x4x2048xf32, #tpu.memory_space<vmem>>, vector<1x1x16xf32>,
        %get3A_663 = vector.shape_cast %get3A_662 : vector<1x1x16xf32> to vector<16xf32>
        %get3A_664 = arith.constant 1 : i32
        %get3A_665 = arith.constant 0 : i32
        %get3A_666 = arith.index_cast %get3A_664 : i32 to index
        %get3A_667 = arith.index_cast %get3A_665 : i32 to index
        %get3A_668 = arith.index_cast %add3A_656 : i32 to index
        %get3A_669 = tpu.vector_load %arg12[%get3A_666, %get3A_667, %get3A_668] {strides = array<i32>} : memref<2x4x2048xf32, #tpu.memory_space<vmem>>, vector<1x1x16xf32>,
        %get3A_670 = vector.shape_cast %get3A_669 : vector<1x1x16xf32> to vector<16xf32>
        %mul3A_671 = arith.mulf %get3A_663, %get3A_670 : vector<16xf32>
        %get3A_672 = arith.constant 1 : i32
        %get3A_673 = arith.constant 0 : i32
        %get3A_674 = arith.constant 0 : i32
        %get3A_675 = arith.index_cast %get3A_672 : i32 to index
        %get3A_676 = arith.index_cast %get3A_673 : i32 to index
        %get3A_677 = arith.index_cast %get3A_674 : i32 to index
        %get3A_678 = arith.index_cast %add3A_656 : i32 to index
        %get3A_679 = tpu.vector_load %arg8[%get3A_675, %get3A_676, %get3A_677, %get3A_678] {strides = array<i32>} : memref<2x4x2x2048xf32, #tpu.memory_space<vmem>>, vector<1x1x1x16xf32>,
        %get3A_680 = vector.shape_cast %get3A_679 : vector<1x1x1x16xf32> to vector<16xf32>
        %get3A_681 = arith.constant 1 : i32
        %get3A_682 = arith.constant 0 : i32
        %get3A_683 = arith.constant 1 : i32
        %get3A_684 = arith.index_cast %get3A_681 : i32 to index
        %get3A_685 = arith.index_cast %get3A_682 : i32 to index
        %get3A_686 = arith.index_cast %get3A_683 : i32 to index
        %get3A_687 = arith.index_cast %add3A_656 : i32 to index
        %get3A_688 = tpu.vector_load %arg8[%get3A_684, %get3A_685, %get3A_686, %get3A_687] {strides = array<i32>} : memref<2x4x2x2048xf32, #tpu.memory_space<vmem>>, vector<1x1x1x16xf32>,
        %get3A_689 = vector.shape_cast %get3A_688 : vector<1x1x1x16xf32> to vector<16xf32>
        %get3A_690 = arith.constant 1 : i32
        %get3A_691 = arith.constant 0 : i32
        %get3A_692 = arith.index_cast %get3A_690 : i32 to index
        %get3A_693 = arith.index_cast %get3A_691 : i32 to index
        %get3A_694 = arith.index_cast %add3A_656 : i32 to index
        %get3A_695 = tpu.vector_load %arg9[%get3A_692, %get3A_693, %get3A_694] {strides = array<i32>} : memref<2x4x2048xf32, #tpu.memory_space<vmem>>, vector<1x1x16xf32>,
        %get3A_696 = vector.shape_cast %get3A_695 : vector<1x1x16xf32> to vector<16xf32>
        %get3A_697 = arith.constant 1 : i32
        %get3A_698 = arith.constant 0 : i32
        %get3A_699 = arith.index_cast %get3A_697 : i32 to index
        %get3A_700 = arith.index_cast %get3A_698 : i32 to index
        %get3A_701 = arith.index_cast %add3A_656 : i32 to index
        %get3A_702 = tpu.vector_load %arg10[%get3A_699, %get3A_700, %get3A_701] {strides = array<i32>} : memref<2x4x2048xf32, #tpu.memory_space<vmem>>, vector<1x1x16xf32>,
        %get3A_703 = vector.shape_cast %get3A_702 : vector<1x1x16xf32> to vector<16xf32>
        %add3A_704 = arith.addf %get3A_680, %get3A_689 : vector<16xf32>
        %sub3A_705 = arith.subf %get3A_696, %get3A_703 : vector<16xf32>
        %mul3A_706 = arith.mulf %get3A_680, %get3A_670 : vector<16xf32>
        %mul3A_707 = arith.mulf %get3A_703, %get3A_670 : vector<16xf32>
        %mul3A_708 = arith.mulf %add3A_704, %get3A_663 : vector<16xf32>
        %mul3A_709 = arith.mulf %get3A_696, %get3A_663 : vector<16xf32>
        %mul3A_710 = arith.mulf %get3A_689, %mul3A_671 : vector<16xf32>
        %mul3A_711 = arith.mulf %sub3A_705, %mul3A_671 : vector<16xf32>
        %add3A_712 = arith.addf %add3A_626, %get3A_670 : vector<16xf32>
        %add3A_713 = arith.addf %add3A_627, %mul3A_706 : vector<16xf32>
        %add3A_714 = arith.addf %add3A_628, %mul3A_707 : vector<16xf32>
        %mul3A_715 = arith.mulf %mul3A_706, %mul3A_707 : vector<16xf32>
        %add3A_716 = arith.addf %add3A_630, %mul3A_715 : vector<16xf32>
        %mul3A_717 = arith.mulf %mul3A_706, %mul3A_706 : vector<16xf32>
        %add3A_718 = arith.addf %add3A_632, %mul3A_717 : vector<16xf32>
        %mul3A_719 = arith.mulf %mul3A_707, %mul3A_707 : vector<16xf32>
        %add3A_720 = arith.addf %add3A_634, %mul3A_719 : vector<16xf32>
        %add3A_721 = arith.addf %add3A_635, %get3A_663 : vector<16xf32>
        %add3A_722 = arith.addf %add3A_636, %mul3A_708 : vector<16xf32>
        %add3A_723 = arith.addf %add3A_637, %mul3A_709 : vector<16xf32>
        %mul3A_724 = arith.mulf %mul3A_708, %mul3A_709 : vector<16xf32>
        %add3A_725 = arith.addf %add3A_639, %mul3A_724 : vector<16xf32>
        %mul3A_726 = arith.mulf %mul3A_708, %mul3A_708 : vector<16xf32>
        %add3A_727 = arith.addf %add3A_641, %mul3A_726 : vector<16xf32>
        %mul3A_728 = arith.mulf %mul3A_709, %mul3A_709 : vector<16xf32>
        %add3A_729 = arith.addf %add3A_643, %mul3A_728 : vector<16xf32>
        %sub3A_730 = arith.subf %mul3A_708, %mul3A_709 : vector<16xf32>
        %abs3A_731 = math.absf %sub3A_730 : vector<16xf32>
        %add3A_732 = arith.addf %add3A_645, %abs3A_731 : vector<16xf32>
        %add3A_733 = arith.addf %add3A_646, %mul3A_671 : vector<16xf32>
        %add3A_734 = arith.addf %add3A_647, %mul3A_710 : vector<16xf32>
        %add3A_735 = arith.addf %add3A_648, %mul3A_711 : vector<16xf32>
        %mul3A_736 = arith.mulf %mul3A_710, %mul3A_711 : vector<16xf32>
        %add3A_737 = arith.addf %add3A_650, %mul3A_736 : vector<16xf32>
        %mul3A_738 = arith.mulf %mul3A_710, %mul3A_710 : vector<16xf32>
        %add3A_739 = arith.addf %add3A_652, %mul3A_738 : vector<16xf32>
        %mul3A_740 = arith.mulf %mul3A_711, %mul3A_711 : vector<16xf32>
        %add3A_741 = arith.addf %add3A_654, %mul3A_740 : vector<16xf32>
        %add3A_742 = arith.constant 32 : i32
        %add3A_743 = arith.addi %mul3A_570, %add3A_742 : i32
        %get3A_744 = arith.constant 1 : i32
        %get3A_745 = arith.constant 0 : i32
        %get3A_746 = arith.index_cast %get3A_744 : i32 to index
        %get3A_747 = arith.index_cast %get3A_745 : i32 to index
        %get3A_748 = arith.index_cast %add3A_743 : i32 to index
        %get3A_749 = tpu.vector_load %arg11[%get3A_746, %get3A_747, %get3A_748] {strides = array<i32>} : memref<2x4x2048xf32, #tpu.memory_space<vmem>>, vector<1x1x16xf32>,
        %get3A_750 = vector.shape_cast %get3A_749 : vector<1x1x16xf32> to vector<16xf32>
        %get3A_751 = arith.constant 1 : i32
        %get3A_752 = arith.constant 0 : i32
        %get3A_753 = arith.index_cast %get3A_751 : i32 to index
        %get3A_754 = arith.index_cast %get3A_752 : i32 to index
        %get3A_755 = arith.index_cast %add3A_743 : i32 to index
        %get3A_756 = tpu.vector_load %arg12[%get3A_753, %get3A_754, %get3A_755] {strides = array<i32>} : memref<2x4x2048xf32, #tpu.memory_space<vmem>>, vector<1x1x16xf32>,
        %get3A_757 = vector.shape_cast %get3A_756 : vector<1x1x16xf32> to vector<16xf32>
        %mul3A_758 = arith.mulf %get3A_750, %get3A_757 : vector<16xf32>
        %get3A_759 = arith.constant 1 : i32
        %get3A_760 = arith.constant 0 : i32
        %get3A_761 = arith.constant 0 : i32
        %get3A_762 = arith.index_cast %get3A_759 : i32 to index
        %get3A_763 = arith.index_cast %get3A_760 : i32 to index
        %get3A_764 = arith.index_cast %get3A_761 : i32 to index
        %get3A_765 = arith.index_cast %add3A_743 : i32 to index
        %get3A_766 = tpu.vector_load %arg8[%get3A_762, %get3A_763, %get3A_764, %get3A_765] {strides = array<i32>} : memref<2x4x2x2048xf32, #tpu.memory_space<vmem>>, vector<1x1x1x16xf32>,
        %get3A_767 = vector.shape_cast %get3A_766 : vector<1x1x1x16xf32> to vector<16xf32>
        %get3A_768 = arith.constant 1 : i32
        %get3A_769 = arith.constant 0 : i32
        %get3A_770 = arith.constant 1 : i32
        %get3A_771 = arith.index_cast %get3A_768 : i32 to index
        %get3A_772 = arith.index_cast %get3A_769 : i32 to index
        %get3A_773 = arith.index_cast %get3A_770 : i32 to index
        %get3A_774 = arith.index_cast %add3A_743 : i32 to index
        %get3A_775 = tpu.vector_load %arg8[%get3A_771, %get3A_772, %get3A_773, %get3A_774] {strides = array<i32>} : memref<2x4x2x2048xf32, #tpu.memory_space<vmem>>, vector<1x1x1x16xf32>,
        %get3A_776 = vector.shape_cast %get3A_775 : vector<1x1x1x16xf32> to vector<16xf32>
        %get3A_777 = arith.constant 1 : i32
        %get3A_778 = arith.constant 0 : i32
        %get3A_779 = arith.index_cast %get3A_777 : i32 to index
        %get3A_780 = arith.index_cast %get3A_778 : i32 to index
        %get3A_781 = arith.index_cast %add3A_743 : i32 to index
        %get3A_782 = tpu.vector_load %arg9[%get3A_779, %get3A_780, %get3A_781] {strides = array<i32>} : memref<2x4x2048xf32, #tpu.memory_space<vmem>>, vector<1x1x16xf32>,
        %get3A_783 = vector.shape_cast %get3A_782 : vector<1x1x16xf32> to vector<16xf32>
        %get3A_784 = arith.constant 1 : i32
        %get3A_785 = arith.constant 0 : i32
        %get3A_786 = arith.index_cast %get3A_784 : i32 to index
        %get3A_787 = arith.index_cast %get3A_785 : i32 to index
        %get3A_788 = arith.index_cast %add3A_743 : i32 to index
        %get3A_789 = tpu.vector_load %arg10[%get3A_786, %get3A_787, %get3A_788] {strides = array<i32>} : memref<2x4x2048xf32, #tpu.memory_space<vmem>>, vector<1x1x16xf32>,
        %get3A_790 = vector.shape_cast %get3A_789 : vector<1x1x16xf32> to vector<16xf32>
        %add3A_791 = arith.addf %get3A_767, %get3A_776 : vector<16xf32>
        %sub3A_792 = arith.subf %get3A_783, %get3A_790 : vector<16xf32>
        %mul3A_793 = arith.mulf %get3A_767, %get3A_757 : vector<16xf32>
        %mul3A_794 = arith.mulf %get3A_790, %get3A_757 : vector<16xf32>
        %mul3A_795 = arith.mulf %add3A_791, %get3A_750 : vector<16xf32>
        %mul3A_796 = arith.mulf %get3A_783, %get3A_750 : vector<16xf32>
        %mul3A_797 = arith.mulf %get3A_776, %mul3A_758 : vector<16xf32>
        %mul3A_798 = arith.mulf %sub3A_792, %mul3A_758 : vector<16xf32>
        %add3A_799 = arith.addf %add3A_712, %get3A_757 : vector<16xf32>
        %add3A_800 = arith.addf %add3A_713, %mul3A_793 : vector<16xf32>
        %add3A_801 = arith.addf %add3A_714, %mul3A_794 : vector<16xf32>
        %mul3A_802 = arith.mulf %mul3A_793, %mul3A_794 : vector<16xf32>
        %add3A_803 = arith.addf %add3A_716, %mul3A_802 : vector<16xf32>
        %mul3A_804 = arith.mulf %mul3A_793, %mul3A_793 : vector<16xf32>
        %add3A_805 = arith.addf %add3A_718, %mul3A_804 : vector<16xf32>
        %mul3A_806 = arith.mulf %mul3A_794, %mul3A_794 : vector<16xf32>
        %add3A_807 = arith.addf %add3A_720, %mul3A_806 : vector<16xf32>
        %add3A_808 = arith.addf %add3A_721, %get3A_750 : vector<16xf32>
        %add3A_809 = arith.addf %add3A_722, %mul3A_795 : vector<16xf32>
        %add3A_810 = arith.addf %add3A_723, %mul3A_796 : vector<16xf32>
        %mul3A_811 = arith.mulf %mul3A_795, %mul3A_796 : vector<16xf32>
        %add3A_812 = arith.addf %add3A_725, %mul3A_811 : vector<16xf32>
        %mul3A_813 = arith.mulf %mul3A_795, %mul3A_795 : vector<16xf32>
        %add3A_814 = arith.addf %add3A_727, %mul3A_813 : vector<16xf32>
        %mul3A_815 = arith.mulf %mul3A_796, %mul3A_796 : vector<16xf32>
        %add3A_816 = arith.addf %add3A_729, %mul3A_815 : vector<16xf32>
        %sub3A_817 = arith.subf %mul3A_795, %mul3A_796 : vector<16xf32>
        %abs3A_818 = math.absf %sub3A_817 : vector<16xf32>
        %add3A_819 = arith.addf %add3A_732, %abs3A_818 : vector<16xf32>
        %add3A_820 = arith.addf %add3A_733, %mul3A_758 : vector<16xf32>
        %add3A_821 = arith.addf %add3A_734, %mul3A_797 : vector<16xf32>
        %add3A_822 = arith.addf %add3A_735, %mul3A_798 : vector<16xf32>
        %mul3A_823 = arith.mulf %mul3A_797, %mul3A_798 : vector<16xf32>
        %add3A_824 = arith.addf %add3A_737, %mul3A_823 : vector<16xf32>
        %mul3A_825 = arith.mulf %mul3A_797, %mul3A_797 : vector<16xf32>
        %add3A_826 = arith.addf %add3A_739, %mul3A_825 : vector<16xf32>
        %mul3A_827 = arith.mulf %mul3A_798, %mul3A_798 : vector<16xf32>
        %add3A_828 = arith.addf %add3A_741, %mul3A_827 : vector<16xf32>
        %add3A_829 = arith.constant 48 : i32
        %add3A_830 = arith.addi %mul3A_570, %add3A_829 : i32
        %get3A_831 = arith.constant 1 : i32
        %get3A_832 = arith.constant 0 : i32
        %get3A_833 = arith.index_cast %get3A_831 : i32 to index
        %get3A_834 = arith.index_cast %get3A_832 : i32 to index
        %get3A_835 = arith.index_cast %add3A_830 : i32 to index
        %get3A_836 = tpu.vector_load %arg11[%get3A_833, %get3A_834, %get3A_835] {strides = array<i32>} : memref<2x4x2048xf32, #tpu.memory_space<vmem>>, vector<1x1x16xf32>,
        %get3A_837 = vector.shape_cast %get3A_836 : vector<1x1x16xf32> to vector<16xf32>
        %get3A_838 = arith.constant 1 : i32
        %get3A_839 = arith.constant 0 : i32
        %get3A_840 = arith.index_cast %get3A_838 : i32 to index
        %get3A_841 = arith.index_cast %get3A_839 : i32 to index
        %get3A_842 = arith.index_cast %add3A_830 : i32 to index
        %get3A_843 = tpu.vector_load %arg12[%get3A_840, %get3A_841, %get3A_842] {strides = array<i32>} : memref<2x4x2048xf32, #tpu.memory_space<vmem>>, vector<1x1x16xf32>,
        %get3A_844 = vector.shape_cast %get3A_843 : vector<1x1x16xf32> to vector<16xf32>
        %mul3A_845 = arith.mulf %get3A_837, %get3A_844 : vector<16xf32>
        %get3A_846 = arith.constant 1 : i32
        %get3A_847 = arith.constant 0 : i32
        %get3A_848 = arith.constant 0 : i32
        %get3A_849 = arith.index_cast %get3A_846 : i32 to index
        %get3A_850 = arith.index_cast %get3A_847 : i32 to index
        %get3A_851 = arith.index_cast %get3A_848 : i32 to index
        %get3A_852 = arith.index_cast %add3A_830 : i32 to index
        %get3A_853 = tpu.vector_load %arg8[%get3A_849, %get3A_850, %get3A_851, %get3A_852] {strides = array<i32>} : memref<2x4x2x2048xf32, #tpu.memory_space<vmem>>, vector<1x1x1x16xf32>,
        %get3A_854 = vector.shape_cast %get3A_853 : vector<1x1x1x16xf32> to vector<16xf32>
        %get3A_855 = arith.constant 1 : i32
        %get3A_856 = arith.constant 0 : i32
        %get3A_857 = arith.constant 1 : i32
        %get3A_858 = arith.index_cast %get3A_855 : i32 to index
        %get3A_859 = arith.index_cast %get3A_856 : i32 to index
        %get3A_860 = arith.index_cast %get3A_857 : i32 to index
        %get3A_861 = arith.index_cast %add3A_830 : i32 to index
        %get3A_862 = tpu.vector_load %arg8[%get3A_858, %get3A_859, %get3A_860, %get3A_861] {strides = array<i32>} : memref<2x4x2x2048xf32, #tpu.memory_space<vmem>>, vector<1x1x1x16xf32>,
        %get3A_863 = vector.shape_cast %get3A_862 : vector<1x1x1x16xf32> to vector<16xf32>
        %get3A_864 = arith.constant 1 : i32
        %get3A_865 = arith.constant 0 : i32
        %get3A_866 = arith.index_cast %get3A_864 : i32 to index
        %get3A_867 = arith.index_cast %get3A_865 : i32 to index
        %get3A_868 = arith.index_cast %add3A_830 : i32 to index
        %get3A_869 = tpu.vector_load %arg9[%get3A_866, %get3A_867, %get3A_868] {strides = array<i32>} : memref<2x4x2048xf32, #tpu.memory_space<vmem>>, vector<1x1x16xf32>,
        %get3A_870 = vector.shape_cast %get3A_869 : vector<1x1x16xf32> to vector<16xf32>
        %get3A_871 = arith.constant 1 : i32
        %get3A_872 = arith.constant 0 : i32
        %get3A_873 = arith.index_cast %get3A_871 : i32 to index
        %get3A_874 = arith.index_cast %get3A_872 : i32 to index
        %get3A_875 = arith.index_cast %add3A_830 : i32 to index
        %get3A_876 = tpu.vector_load %arg10[%get3A_873, %get3A_874, %get3A_875] {strides = array<i32>} : memref<2x4x2048xf32, #tpu.memory_space<vmem>>, vector<1x1x16xf32>,
        %get3A_877 = vector.shape_cast %get3A_876 : vector<1x1x16xf32> to vector<16xf32>
        %add3A_878 = arith.addf %get3A_854, %get3A_863 : vector<16xf32>
        %sub3A_879 = arith.subf %get3A_870, %get3A_877 : vector<16xf32>
        %mul3A_880 = arith.mulf %get3A_854, %get3A_844 : vector<16xf32>
        %mul3A_881 = arith.mulf %get3A_877, %get3A_844 : vector<16xf32>
        %mul3A_882 = arith.mulf %add3A_878, %get3A_837 : vector<16xf32>
        %mul3A_883 = arith.mulf %get3A_870, %get3A_837 : vector<16xf32>
        %mul3A_884 = arith.mulf %get3A_863, %mul3A_845 : vector<16xf32>
        %mul3A_885 = arith.mulf %sub3A_879, %mul3A_845 : vector<16xf32>
        %add3A_886 = arith.addf %add3A_799, %get3A_844 : vector<16xf32>
        %add3A_887 = arith.addf %add3A_800, %mul3A_880 : vector<16xf32>
        %add3A_888 = arith.addf %add3A_801, %mul3A_881 : vector<16xf32>
        %mul3A_889 = arith.mulf %mul3A_880, %mul3A_881 : vector<16xf32>
        %add3A_890 = arith.addf %add3A_803, %mul3A_889 : vector<16xf32>
        %mul3A_891 = arith.mulf %mul3A_880, %mul3A_880 : vector<16xf32>
        %add3A_892 = arith.addf %add3A_805, %mul3A_891 : vector<16xf32>
        %mul3A_893 = arith.mulf %mul3A_881, %mul3A_881 : vector<16xf32>
        %add3A_894 = arith.addf %add3A_807, %mul3A_893 : vector<16xf32>
        %add3A_895 = arith.addf %add3A_808, %get3A_837 : vector<16xf32>
        %add3A_896 = arith.addf %add3A_809, %mul3A_882 : vector<16xf32>
        %add3A_897 = arith.addf %add3A_810, %mul3A_883 : vector<16xf32>
        %mul3A_898 = arith.mulf %mul3A_882, %mul3A_883 : vector<16xf32>
        %add3A_899 = arith.addf %add3A_812, %mul3A_898 : vector<16xf32>
        %mul3A_900 = arith.mulf %mul3A_882, %mul3A_882 : vector<16xf32>
        %add3A_901 = arith.addf %add3A_814, %mul3A_900 : vector<16xf32>
        %mul3A_902 = arith.mulf %mul3A_883, %mul3A_883 : vector<16xf32>
        %add3A_903 = arith.addf %add3A_816, %mul3A_902 : vector<16xf32>
        %sub3A_904 = arith.subf %mul3A_882, %mul3A_883 : vector<16xf32>
        %abs3A_905 = math.absf %sub3A_904 : vector<16xf32>
        %add3A_906 = arith.addf %add3A_819, %abs3A_905 : vector<16xf32>
        %add3A_907 = arith.addf %add3A_820, %mul3A_845 : vector<16xf32>
        %add3A_908 = arith.addf %add3A_821, %mul3A_884 : vector<16xf32>
        %add3A_909 = arith.addf %add3A_822, %mul3A_885 : vector<16xf32>
        %mul3A_910 = arith.mulf %mul3A_884, %mul3A_885 : vector<16xf32>
        %add3A_911 = arith.addf %add3A_824, %mul3A_910 : vector<16xf32>
        %mul3A_912 = arith.mulf %mul3A_884, %mul3A_884 : vector<16xf32>
        %add3A_913 = arith.addf %add3A_826, %mul3A_912 : vector<16xf32>
        %mul3A_914 = arith.mulf %mul3A_885, %mul3A_885 : vector<16xf32>
        %add3A_915 = arith.addf %add3A_828, %mul3A_914 : vector<16xf32>
        scf.yield %add3A_886, %add3A_887, %add3A_888, %add3A_890, %add3A_892, %add3A_894, %add3A_895, %add3A_896, %add3A_897, %add3A_899, %add3A_901, %add3A_903, %add3A_906, %add3A_907, %add3A_908, %add3A_909, %add3A_911, %add3A_913, %add3A_915 : vector<16xf32>, vector<16xf32>, vector<16xf32>, vector<16xf32>, vector<16xf32>, vector<16xf32>, vector<16xf32>, vector<16xf32>, vector<16xf32>, vector<16xf32>, vector<16xf32>, vector<16xf32>, vector<16xf32>, vector<16xf32>, vector<16xf32>, vector<16xf32>, vector<16xf32>, vector<16xf32>, vector<16xf32>
      }
      %scan3A_523 = arith.constant 32 : i32
      %scan3A_524 = arith.constant 0 : i32
      %scan3A_525 = arith.constant 32 : i32
      %scan3A_526 = arith.addi %scan3A_524, %scan3A_525 : i32
      %scan3A_527 = arith.constant 1 : i32
      %scan3A_528:19 = scf.for %scan3A_549 = %scan3A_524 to %scan3A_526 step %scan3A_527 iter_args(%scan3A_550 = %scan3A_522#0, %scan3A_551 = %scan3A_522#1, %scan3A_552 = %scan3A_522#2, %scan3A_553 = %scan3A_522#3, %scan3A_554 = %scan3A_522#4, %scan3A_555 = %scan3A_522#5, %scan3A_556 = %scan3A_522#6, %scan3A_557 = %scan3A_522#7, %scan3A_558 = %scan3A_522#8, %scan3A_559 = %scan3A_522#9, %scan3A_560 = %scan3A_522#10, %scan3A_561 = %scan3A_522#11, %scan3A_562 = %scan3A_522#12, %scan3A_563 = %scan3A_522#13, %scan3A_564 = %scan3A_522#14, %scan3A_565 = %scan3A_522#15, %scan3A_566 = %scan3A_522#16, %scan3A_567 = %scan3A_522#17, %scan3A_568 = %scan3A_522#18) -> (vector<16xf32>, vector<16xf32>, vector<16xf32>, vector<16xf32>, vector<16xf32>, vector<16xf32>, vector<16xf32>, vector<16xf32>, vector<16xf32>, vector<16xf32>, vector<16xf32>, vector<16xf32>, vector<16xf32>, vector<16xf32>, vector<16xf32>, vector<16xf32>, vector<16xf32>, vector<16xf32>, vector<16xf32>)  : i32 {
        %mul3A_569 = arith.constant 64 : i32
        %mul3A_570 = arith.muli %scan3A_549, %mul3A_569 : i32
        %add3A_571 = arith.constant 0 : i32
        %add3A_572 = arith.addi %mul3A_570, %add3A_571 : i32
        %get3A = arith.constant 1 : i32
        %get3A_573 = arith.constant 1 : i32
        %get3A_574 = arith.index_cast %get3A : i32 to index
        %get3A_575 = arith.index_cast %get3A_573 : i32 to index
        %get3A_576 = arith.index_cast %add3A_572 : i32 to index
        %get3A_577 = tpu.vector_load %arg11[%get3A_574, %get3A_575, %get3A_576] {strides = array<i32>} : memref<2x4x2048xf32, #tpu.memory_space<vmem>>, vector<1x1x16xf32>,
        %get3A_578 = vector.shape_cast %get3A_577 : vector<1x1x16xf32> to vector<16xf32>
        %get3A_579 = arith.constant 1 : i32
        %get3A_580 = arith.constant 1 : i32
        %get3A_581 = arith.index_cast %get3A_579 : i32 to index
        %get3A_582 = arith.index_cast %get3A_580 : i32 to index
        %get3A_583 = arith.index_cast %add3A_572 : i32 to index
        %get3A_584 = tpu.vector_load %arg12[%get3A_581, %get3A_582, %get3A_583] {strides = array<i32>} : memref<2x4x2048xf32, #tpu.memory_space<vmem>>, vector<1x1x16xf32>,
        %get3A_585 = vector.shape_cast %get3A_584 : vector<1x1x16xf32> to vector<16xf32>
        %mul3A_586 = arith.mulf %get3A_578, %get3A_585 : vector<16xf32>
        %get3A_587 = arith.constant 1 : i32
        %get3A_588 = arith.constant 1 : i32
        %get3A_589 = arith.constant 0 : i32
        %get3A_590 = arith.index_cast %get3A_587 : i32 to index
        %get3A_591 = arith.index_cast %get3A_588 : i32 to index
        %get3A_592 = arith.index_cast %get3A_589 : i32 to index
        %get3A_593 = arith.index_cast %add3A_572 : i32 to index
        %get3A_594 = tpu.vector_load %arg8[%get3A_590, %get3A_591, %get3A_592, %get3A_593] {strides = array<i32>} : memref<2x4x2x2048xf32, #tpu.memory_space<vmem>>, vector<1x1x1x16xf32>,
        %get3A_595 = vector.shape_cast %get3A_594 : vector<1x1x1x16xf32> to vector<16xf32>
        %get3A_596 = arith.constant 1 : i32
        %get3A_597 = arith.constant 1 : i32
        %get3A_598 = arith.constant 1 : i32
        %get3A_599 = arith.index_cast %get3A_596 : i32 to index
        %get3A_600 = arith.index_cast %get3A_597 : i32 to index
        %get3A_601 = arith.index_cast %get3A_598 : i32 to index
        %get3A_602 = arith.index_cast %add3A_572 : i32 to index
        %get3A_603 = tpu.vector_load %arg8[%get3A_599, %get3A_600, %get3A_601, %get3A_602] {strides = array<i32>} : memref<2x4x2x2048xf32, #tpu.memory_space<vmem>>, vector<1x1x1x16xf32>,
        %get3A_604 = vector.shape_cast %get3A_603 : vector<1x1x1x16xf32> to vector<16xf32>
        %get3A_605 = arith.constant 1 : i32
        %get3A_606 = arith.constant 1 : i32
        %get3A_607 = arith.index_cast %get3A_605 : i32 to index
        %get3A_608 = arith.index_cast %get3A_606 : i32 to index
        %get3A_609 = arith.index_cast %add3A_572 : i32 to index
        %get3A_610 = tpu.vector_load %arg9[%get3A_607, %get3A_608, %get3A_609] {strides = array<i32>} : memref<2x4x2048xf32, #tpu.memory_space<vmem>>, vector<1x1x16xf32>,
        %get3A_611 = vector.shape_cast %get3A_610 : vector<1x1x16xf32> to vector<16xf32>
        %get3A_612 = arith.constant 1 : i32
        %get3A_613 = arith.constant 1 : i32
        %get3A_614 = arith.index_cast %get3A_612 : i32 to index
        %get3A_615 = arith.index_cast %get3A_613 : i32 to index
        %get3A_616 = arith.index_cast %add3A_572 : i32 to index
        %get3A_617 = tpu.vector_load %arg10[%get3A_614, %get3A_615, %get3A_616] {strides = array<i32>} : memref<2x4x2048xf32, #tpu.memory_space<vmem>>, vector<1x1x16xf32>,
        %get3A_618 = vector.shape_cast %get3A_617 : vector<1x1x16xf32> to vector<16xf32>
        %add3A_619 = arith.addf %get3A_595, %get3A_604 : vector<16xf32>
        %sub3A = arith.subf %get3A_611, %get3A_618 : vector<16xf32>
        %mul3A_620 = arith.mulf %get3A_595, %get3A_585 : vector<16xf32>
        %mul3A_621 = arith.mulf %get3A_618, %get3A_585 : vector<16xf32>
        %mul3A_622 = arith.mulf %add3A_619, %get3A_578 : vector<16xf32>
        %mul3A_623 = arith.mulf %get3A_611, %get3A_578 : vector<16xf32>
        %mul3A_624 = arith.mulf %get3A_604, %mul3A_586 : vector<16xf32>
        %mul3A_625 = arith.mulf %sub3A, %mul3A_586 : vector<16xf32>
        %add3A_626 = arith.addf %scan3A_550, %get3A_585 : vector<16xf32>
        %add3A_627 = arith.addf %scan3A_551, %mul3A_620 : vector<16xf32>
        %add3A_628 = arith.addf %scan3A_552, %mul3A_621 : vector<16xf32>
        %mul3A_629 = arith.mulf %mul3A_620, %mul3A_621 : vector<16xf32>
        %add3A_630 = arith.addf %scan3A_553, %mul3A_629 : vector<16xf32>
        %mul3A_631 = arith.mulf %mul3A_620, %mul3A_620 : vector<16xf32>
        %add3A_632 = arith.addf %scan3A_554, %mul3A_631 : vector<16xf32>
        %mul3A_633 = arith.mulf %mul3A_621, %mul3A_621 : vector<16xf32>
        %add3A_634 = arith.addf %scan3A_555, %mul3A_633 : vector<16xf32>
        %add3A_635 = arith.addf %scan3A_556, %get3A_578 : vector<16xf32>
        %add3A_636 = arith.addf %scan3A_557, %mul3A_622 : vector<16xf32>
        %add3A_637 = arith.addf %scan3A_558, %mul3A_623 : vector<16xf32>
        %mul3A_638 = arith.mulf %mul3A_622, %mul3A_623 : vector<16xf32>
        %add3A_639 = arith.addf %scan3A_559, %mul3A_638 : vector<16xf32>
        %mul3A_640 = arith.mulf %mul3A_622, %mul3A_622 : vector<16xf32>
        %add3A_641 = arith.addf %scan3A_560, %mul3A_640 : vector<16xf32>
        %mul3A_642 = arith.mulf %mul3A_623, %mul3A_623 : vector<16xf32>
        %add3A_643 = arith.addf %scan3A_561, %mul3A_642 : vector<16xf32>
        %sub3A_644 = arith.subf %mul3A_622, %mul3A_623 : vector<16xf32>
        %abs3A = math.absf %sub3A_644 : vector<16xf32>
        %add3A_645 = arith.addf %scan3A_562, %abs3A : vector<16xf32>
        %add3A_646 = arith.addf %scan3A_563, %mul3A_586 : vector<16xf32>
        %add3A_647 = arith.addf %scan3A_564, %mul3A_624 : vector<16xf32>
        %add3A_648 = arith.addf %scan3A_565, %mul3A_625 : vector<16xf32>
        %mul3A_649 = arith.mulf %mul3A_624, %mul3A_625 : vector<16xf32>
        %add3A_650 = arith.addf %scan3A_566, %mul3A_649 : vector<16xf32>
        %mul3A_651 = arith.mulf %mul3A_624, %mul3A_624 : vector<16xf32>
        %add3A_652 = arith.addf %scan3A_567, %mul3A_651 : vector<16xf32>
        %mul3A_653 = arith.mulf %mul3A_625, %mul3A_625 : vector<16xf32>
        %add3A_654 = arith.addf %scan3A_568, %mul3A_653 : vector<16xf32>
        %add3A_655 = arith.constant 16 : i32
        %add3A_656 = arith.addi %mul3A_570, %add3A_655 : i32
        %get3A_657 = arith.constant 1 : i32
        %get3A_658 = arith.constant 1 : i32
        %get3A_659 = arith.index_cast %get3A_657 : i32 to index
        %get3A_660 = arith.index_cast %get3A_658 : i32 to index
        %get3A_661 = arith.index_cast %add3A_656 : i32 to index
        %get3A_662 = tpu.vector_load %arg11[%get3A_659, %get3A_660, %get3A_661] {strides = array<i32>} : memref<2x4x2048xf32, #tpu.memory_space<vmem>>, vector<1x1x16xf32>,
        %get3A_663 = vector.shape_cast %get3A_662 : vector<1x1x16xf32> to vector<16xf32>
        %get3A_664 = arith.constant 1 : i32
        %get3A_665 = arith.constant 1 : i32
        %get3A_666 = arith.index_cast %get3A_664 : i32 to index
        %get3A_667 = arith.index_cast %get3A_665 : i32 to index
        %get3A_668 = arith.index_cast %add3A_656 : i32 to index
        %get3A_669 = tpu.vector_load %arg12[%get3A_666, %get3A_667, %get3A_668] {strides = array<i32>} : memref<2x4x2048xf32, #tpu.memory_space<vmem>>, vector<1x1x16xf32>,
        %get3A_670 = vector.shape_cast %get3A_669 : vector<1x1x16xf32> to vector<16xf32>
        %mul3A_671 = arith.mulf %get3A_663, %get3A_670 : vector<16xf32>
        %get3A_672 = arith.constant 1 : i32
        %get3A_673 = arith.constant 1 : i32
        %get3A_674 = arith.constant 0 : i32
        %get3A_675 = arith.index_cast %get3A_672 : i32 to index
        %get3A_676 = arith.index_cast %get3A_673 : i32 to index
        %get3A_677 = arith.index_cast %get3A_674 : i32 to index
        %get3A_678 = arith.index_cast %add3A_656 : i32 to index
        %get3A_679 = tpu.vector_load %arg8[%get3A_675, %get3A_676, %get3A_677, %get3A_678] {strides = array<i32>} : memref<2x4x2x2048xf32, #tpu.memory_space<vmem>>, vector<1x1x1x16xf32>,
        %get3A_680 = vector.shape_cast %get3A_679 : vector<1x1x1x16xf32> to vector<16xf32>
        %get3A_681 = arith.constant 1 : i32
        %get3A_682 = arith.constant 1 : i32
        %get3A_683 = arith.constant 1 : i32
        %get3A_684 = arith.index_cast %get3A_681 : i32 to index
        %get3A_685 = arith.index_cast %get3A_682 : i32 to index
        %get3A_686 = arith.index_cast %get3A_683 : i32 to index
        %get3A_687 = arith.index_cast %add3A_656 : i32 to index
        %get3A_688 = tpu.vector_load %arg8[%get3A_684, %get3A_685, %get3A_686, %get3A_687] {strides = array<i32>} : memref<2x4x2x2048xf32, #tpu.memory_space<vmem>>, vector<1x1x1x16xf32>,
        %get3A_689 = vector.shape_cast %get3A_688 : vector<1x1x1x16xf32> to vector<16xf32>
        %get3A_690 = arith.constant 1 : i32
        %get3A_691 = arith.constant 1 : i32
        %get3A_692 = arith.index_cast %get3A_690 : i32 to index
        %get3A_693 = arith.index_cast %get3A_691 : i32 to index
        %get3A_694 = arith.index_cast %add3A_656 : i32 to index
        %get3A_695 = tpu.vector_load %arg9[%get3A_692, %get3A_693, %get3A_694] {strides = array<i32>} : memref<2x4x2048xf32, #tpu.memory_space<vmem>>, vector<1x1x16xf32>,
        %get3A_696 = vector.shape_cast %get3A_695 : vector<1x1x16xf32> to vector<16xf32>
        %get3A_697 = arith.constant 1 : i32
        %get3A_698 = arith.constant 1 : i32
        %get3A_699 = arith.index_cast %get3A_697 : i32 to index
        %get3A_700 = arith.index_cast %get3A_698 : i32 to index
        %get3A_701 = arith.index_cast %add3A_656 : i32 to index
        %get3A_702 = tpu.vector_load %arg10[%get3A_699, %get3A_700, %get3A_701] {strides = array<i32>} : memref<2x4x2048xf32, #tpu.memory_space<vmem>>, vector<1x1x16xf32>,
        %get3A_703 = vector.shape_cast %get3A_702 : vector<1x1x16xf32> to vector<16xf32>
        %add3A_704 = arith.addf %get3A_680, %get3A_689 : vector<16xf32>
        %sub3A_705 = arith.subf %get3A_696, %get3A_703 : vector<16xf32>
        %mul3A_706 = arith.mulf %get3A_680, %get3A_670 : vector<16xf32>
        %mul3A_707 = arith.mulf %get3A_703, %get3A_670 : vector<16xf32>
        %mul3A_708 = arith.mulf %add3A_704, %get3A_663 : vector<16xf32>
        %mul3A_709 = arith.mulf %get3A_696, %get3A_663 : vector<16xf32>
        %mul3A_710 = arith.mulf %get3A_689, %mul3A_671 : vector<16xf32>
        %mul3A_711 = arith.mulf %sub3A_705, %mul3A_671 : vector<16xf32>
        %add3A_712 = arith.addf %add3A_626, %get3A_670 : vector<16xf32>
        %add3A_713 = arith.addf %add3A_627, %mul3A_706 : vector<16xf32>
        %add3A_714 = arith.addf %add3A_628, %mul3A_707 : vector<16xf32>
        %mul3A_715 = arith.mulf %mul3A_706, %mul3A_707 : vector<16xf32>
        %add3A_716 = arith.addf %add3A_630, %mul3A_715 : vector<16xf32>
        %mul3A_717 = arith.mulf %mul3A_706, %mul3A_706 : vector<16xf32>
        %add3A_718 = arith.addf %add3A_632, %mul3A_717 : vector<16xf32>
        %mul3A_719 = arith.mulf %mul3A_707, %mul3A_707 : vector<16xf32>
        %add3A_720 = arith.addf %add3A_634, %mul3A_719 : vector<16xf32>
        %add3A_721 = arith.addf %add3A_635, %get3A_663 : vector<16xf32>
        %add3A_722 = arith.addf %add3A_636, %mul3A_708 : vector<16xf32>
        %add3A_723 = arith.addf %add3A_637, %mul3A_709 : vector<16xf32>
        %mul3A_724 = arith.mulf %mul3A_708, %mul3A_709 : vector<16xf32>
        %add3A_725 = arith.addf %add3A_639, %mul3A_724 : vector<16xf32>
        %mul3A_726 = arith.mulf %mul3A_708, %mul3A_708 : vector<16xf32>
        %add3A_727 = arith.addf %add3A_641, %mul3A_726 : vector<16xf32>
        %mul3A_728 = arith.mulf %mul3A_709, %mul3A_709 : vector<16xf32>
        %add3A_729 = arith.addf %add3A_643, %mul3A_728 : vector<16xf32>
        %sub3A_730 = arith.subf %mul3A_708, %mul3A_709 : vector<16xf32>
        %abs3A_731 = math.absf %sub3A_730 : vector<16xf32>
        %add3A_732 = arith.addf %add3A_645, %abs3A_731 : vector<16xf32>
        %add3A_733 = arith.addf %add3A_646, %mul3A_671 : vector<16xf32>
        %add3A_734 = arith.addf %add3A_647, %mul3A_710 : vector<16xf32>
        %add3A_735 = arith.addf %add3A_648, %mul3A_711 : vector<16xf32>
        %mul3A_736 = arith.mulf %mul3A_710, %mul3A_711 : vector<16xf32>
        %add3A_737 = arith.addf %add3A_650, %mul3A_736 : vector<16xf32>
        %mul3A_738 = arith.mulf %mul3A_710, %mul3A_710 : vector<16xf32>
        %add3A_739 = arith.addf %add3A_652, %mul3A_738 : vector<16xf32>
        %mul3A_740 = arith.mulf %mul3A_711, %mul3A_711 : vector<16xf32>
        %add3A_741 = arith.addf %add3A_654, %mul3A_740 : vector<16xf32>
        %add3A_742 = arith.constant 32 : i32
        %add3A_743 = arith.addi %mul3A_570, %add3A_742 : i32
        %get3A_744 = arith.constant 1 : i32
        %get3A_745 = arith.constant 1 : i32
        %get3A_746 = arith.index_cast %get3A_744 : i32 to index
        %get3A_747 = arith.index_cast %get3A_745 : i32 to index
        %get3A_748 = arith.index_cast %add3A_743 : i32 to index
        %get3A_749 = tpu.vector_load %arg11[%get3A_746, %get3A_747, %get3A_748] {strides = array<i32>} : memref<2x4x2048xf32, #tpu.memory_space<vmem>>, vector<1x1x16xf32>,
        %get3A_750 = vector.shape_cast %get3A_749 : vector<1x1x16xf32> to vector<16xf32>
        %get3A_751 = arith.constant 1 : i32
        %get3A_752 = arith.constant 1 : i32
        %get3A_753 = arith.index_cast %get3A_751 : i32 to index
        %get3A_754 = arith.index_cast %get3A_752 : i32 to index
        %get3A_755 = arith.index_cast %add3A_743 : i32 to index
        %get3A_756 = tpu.vector_load %arg12[%get3A_753, %get3A_754, %get3A_755] {strides = array<i32>} : memref<2x4x2048xf32, #tpu.memory_space<vmem>>, vector<1x1x16xf32>,
        %get3A_757 = vector.shape_cast %get3A_756 : vector<1x1x16xf32> to vector<16xf32>
        %mul3A_758 = arith.mulf %get3A_750, %get3A_757 : vector<16xf32>
        %get3A_759 = arith.constant 1 : i32
        %get3A_760 = arith.constant 1 : i32
        %get3A_761 = arith.constant 0 : i32
        %get3A_762 = arith.index_cast %get3A_759 : i32 to index
        %get3A_763 = arith.index_cast %get3A_760 : i32 to index
        %get3A_764 = arith.index_cast %get3A_761 : i32 to index
        %get3A_765 = arith.index_cast %add3A_743 : i32 to index
        %get3A_766 = tpu.vector_load %arg8[%get3A_762, %get3A_763, %get3A_764, %get3A_765] {strides = array<i32>} : memref<2x4x2x2048xf32, #tpu.memory_space<vmem>>, vector<1x1x1x16xf32>,
        %get3A_767 = vector.shape_cast %get3A_766 : vector<1x1x1x16xf32> to vector<16xf32>
        %get3A_768 = arith.constant 1 : i32
        %get3A_769 = arith.constant 1 : i32
        %get3A_770 = arith.constant 1 : i32
        %get3A_771 = arith.index_cast %get3A_768 : i32 to index
        %get3A_772 = arith.index_cast %get3A_769 : i32 to index
        %get3A_773 = arith.index_cast %get3A_770 : i32 to index
        %get3A_774 = arith.index_cast %add3A_743 : i32 to index
        %get3A_775 = tpu.vector_load %arg8[%get3A_771, %get3A_772, %get3A_773, %get3A_774] {strides = array<i32>} : memref<2x4x2x2048xf32, #tpu.memory_space<vmem>>, vector<1x1x1x16xf32>,
        %get3A_776 = vector.shape_cast %get3A_775 : vector<1x1x1x16xf32> to vector<16xf32>
        %get3A_777 = arith.constant 1 : i32
        %get3A_778 = arith.constant 1 : i32
        %get3A_779 = arith.index_cast %get3A_777 : i32 to index
        %get3A_780 = arith.index_cast %get3A_778 : i32 to index
        %get3A_781 = arith.index_cast %add3A_743 : i32 to index
        %get3A_782 = tpu.vector_load %arg9[%get3A_779, %get3A_780, %get3A_781] {strides = array<i32>} : memref<2x4x2048xf32, #tpu.memory_space<vmem>>, vector<1x1x16xf32>,
        %get3A_783 = vector.shape_cast %get3A_782 : vector<1x1x16xf32> to vector<16xf32>
        %get3A_784 = arith.constant 1 : i32
        %get3A_785 = arith.constant 1 : i32
        %get3A_786 = arith.index_cast %get3A_784 : i32 to index
        %get3A_787 = arith.index_cast %get3A_785 : i32 to index
        %get3A_788 = arith.index_cast %add3A_743 : i32 to index
        %get3A_789 = tpu.vector_load %arg10[%get3A_786, %get3A_787, %get3A_788] {strides = array<i32>} : memref<2x4x2048xf32, #tpu.memory_space<vmem>>, vector<1x1x16xf32>,
        %get3A_790 = vector.shape_cast %get3A_789 : vector<1x1x16xf32> to vector<16xf32>
        %add3A_791 = arith.addf %get3A_767, %get3A_776 : vector<16xf32>
        %sub3A_792 = arith.subf %get3A_783, %get3A_790 : vector<16xf32>
        %mul3A_793 = arith.mulf %get3A_767, %get3A_757 : vector<16xf32>
        %mul3A_794 = arith.mulf %get3A_790, %get3A_757 : vector<16xf32>
        %mul3A_795 = arith.mulf %add3A_791, %get3A_750 : vector<16xf32>
        %mul3A_796 = arith.mulf %get3A_783, %get3A_750 : vector<16xf32>
        %mul3A_797 = arith.mulf %get3A_776, %mul3A_758 : vector<16xf32>
        %mul3A_798 = arith.mulf %sub3A_792, %mul3A_758 : vector<16xf32>
        %add3A_799 = arith.addf %add3A_712, %get3A_757 : vector<16xf32>
        %add3A_800 = arith.addf %add3A_713, %mul3A_793 : vector<16xf32>
        %add3A_801 = arith.addf %add3A_714, %mul3A_794 : vector<16xf32>
        %mul3A_802 = arith.mulf %mul3A_793, %mul3A_794 : vector<16xf32>
        %add3A_803 = arith.addf %add3A_716, %mul3A_802 : vector<16xf32>
        %mul3A_804 = arith.mulf %mul3A_793, %mul3A_793 : vector<16xf32>
        %add3A_805 = arith.addf %add3A_718, %mul3A_804 : vector<16xf32>
        %mul3A_806 = arith.mulf %mul3A_794, %mul3A_794 : vector<16xf32>
        %add3A_807 = arith.addf %add3A_720, %mul3A_806 : vector<16xf32>
        %add3A_808 = arith.addf %add3A_721, %get3A_750 : vector<16xf32>
        %add3A_809 = arith.addf %add3A_722, %mul3A_795 : vector<16xf32>
        %add3A_810 = arith.addf %add3A_723, %mul3A_796 : vector<16xf32>
        %mul3A_811 = arith.mulf %mul3A_795, %mul3A_796 : vector<16xf32>
        %add3A_812 = arith.addf %add3A_725, %mul3A_811 : vector<16xf32>
        %mul3A_813 = arith.mulf %mul3A_795, %mul3A_795 : vector<16xf32>
        %add3A_814 = arith.addf %add3A_727, %mul3A_813 : vector<16xf32>
        %mul3A_815 = arith.mulf %mul3A_796, %mul3A_796 : vector<16xf32>
        %add3A_816 = arith.addf %add3A_729, %mul3A_815 : vector<16xf32>
        %sub3A_817 = arith.subf %mul3A_795, %mul3A_796 : vector<16xf32>
        %abs3A_818 = math.absf %sub3A_817 : vector<16xf32>
        %add3A_819 = arith.addf %add3A_732, %abs3A_818 : vector<16xf32>
        %add3A_820 = arith.addf %add3A_733, %mul3A_758 : vector<16xf32>
        %add3A_821 = arith.addf %add3A_734, %mul3A_797 : vector<16xf32>
        %add3A_822 = arith.addf %add3A_735, %mul3A_798 : vector<16xf32>
        %mul3A_823 = arith.mulf %mul3A_797, %mul3A_798 : vector<16xf32>
        %add3A_824 = arith.addf %add3A_737, %mul3A_823 : vector<16xf32>
        %mul3A_825 = arith.mulf %mul3A_797, %mul3A_797 : vector<16xf32>
        %add3A_826 = arith.addf %add3A_739, %mul3A_825 : vector<16xf32>
        %mul3A_827 = arith.mulf %mul3A_798, %mul3A_798 : vector<16xf32>
        %add3A_828 = arith.addf %add3A_741, %mul3A_827 : vector<16xf32>
        %add3A_829 = arith.constant 48 : i32
        %add3A_830 = arith.addi %mul3A_570, %add3A_829 : i32
        %get3A_831 = arith.constant 1 : i32
        %get3A_832 = arith.constant 1 : i32
        %get3A_833 = arith.index_cast %get3A_831 : i32 to index
        %get3A_834 = arith.index_cast %get3A_832 : i32 to index
        %get3A_835 = arith.index_cast %add3A_830 : i32 to index
        %get3A_836 = tpu.vector_load %arg11[%get3A_833, %get3A_834, %get3A_835] {strides = array<i32>} : memref<2x4x2048xf32, #tpu.memory_space<vmem>>, vector<1x1x16xf32>,
        %get3A_837 = vector.shape_cast %get3A_836 : vector<1x1x16xf32> to vector<16xf32>
        %get3A_838 = arith.constant 1 : i32
        %get3A_839 = arith.constant 1 : i32
        %get3A_840 = arith.index_cast %get3A_838 : i32 to index
        %get3A_841 = arith.index_cast %get3A_839 : i32 to index
        %get3A_842 = arith.index_cast %add3A_830 : i32 to index
        %get3A_843 = tpu.vector_load %arg12[%get3A_840, %get3A_841, %get3A_842] {strides = array<i32>} : memref<2x4x2048xf32, #tpu.memory_space<vmem>>, vector<1x1x16xf32>,
        %get3A_844 = vector.shape_cast %get3A_843 : vector<1x1x16xf32> to vector<16xf32>
        %mul3A_845 = arith.mulf %get3A_837, %get3A_844 : vector<16xf32>
        %get3A_846 = arith.constant 1 : i32
        %get3A_847 = arith.constant 1 : i32
        %get3A_848 = arith.constant 0 : i32
        %get3A_849 = arith.index_cast %get3A_846 : i32 to index
        %get3A_850 = arith.index_cast %get3A_847 : i32 to index
        %get3A_851 = arith.index_cast %get3A_848 : i32 to index
        %get3A_852 = arith.index_cast %add3A_830 : i32 to index
        %get3A_853 = tpu.vector_load %arg8[%get3A_849, %get3A_850, %get3A_851, %get3A_852] {strides = array<i32>} : memref<2x4x2x2048xf32, #tpu.memory_space<vmem>>, vector<1x1x1x16xf32>,
        %get3A_854 = vector.shape_cast %get3A_853 : vector<1x1x1x16xf32> to vector<16xf32>
        %get3A_855 = arith.constant 1 : i32
        %get3A_856 = arith.constant 1 : i32
        %get3A_857 = arith.constant 1 : i32
        %get3A_858 = arith.index_cast %get3A_855 : i32 to index
        %get3A_859 = arith.index_cast %get3A_856 : i32 to index
        %get3A_860 = arith.index_cast %get3A_857 : i32 to index
        %get3A_861 = arith.index_cast %add3A_830 : i32 to index
        %get3A_862 = tpu.vector_load %arg8[%get3A_858, %get3A_859, %get3A_860, %get3A_861] {strides = array<i32>} : memref<2x4x2x2048xf32, #tpu.memory_space<vmem>>, vector<1x1x1x16xf32>,
        %get3A_863 = vector.shape_cast %get3A_862 : vector<1x1x1x16xf32> to vector<16xf32>
        %get3A_864 = arith.constant 1 : i32
        %get3A_865 = arith.constant 1 : i32
        %get3A_866 = arith.index_cast %get3A_864 : i32 to index
        %get3A_867 = arith.index_cast %get3A_865 : i32 to index
        %get3A_868 = arith.index_cast %add3A_830 : i32 to index
        %get3A_869 = tpu.vector_load %arg9[%get3A_866, %get3A_867, %get3A_868] {strides = array<i32>} : memref<2x4x2048xf32, #tpu.memory_space<vmem>>, vector<1x1x16xf32>,
        %get3A_870 = vector.shape_cast %get3A_869 : vector<1x1x16xf32> to vector<16xf32>
        %get3A_871 = arith.constant 1 : i32
        %get3A_872 = arith.constant 1 : i32
        %get3A_873 = arith.index_cast %get3A_871 : i32 to index
        %get3A_874 = arith.index_cast %get3A_872 : i32 to index
        %get3A_875 = arith.index_cast %add3A_830 : i32 to index
        %get3A_876 = tpu.vector_load %arg10[%get3A_873, %get3A_874, %get3A_875] {strides = array<i32>} : memref<2x4x2048xf32, #tpu.memory_space<vmem>>, vector<1x1x16xf32>,
        %get3A_877 = vector.shape_cast %get3A_876 : vector<1x1x16xf32> to vector<16xf32>
        %add3A_878 = arith.addf %get3A_854, %get3A_863 : vector<16xf32>
        %sub3A_879 = arith.subf %get3A_870, %get3A_877 : vector<16xf32>
        %mul3A_880 = arith.mulf %get3A_854, %get3A_844 : vector<16xf32>
        %mul3A_881 = arith.mulf %get3A_877, %get3A_844 : vector<16xf32>
        %mul3A_882 = arith.mulf %add3A_878, %get3A_837 : vector<16xf32>
        %mul3A_883 = arith.mulf %get3A_870, %get3A_837 : vector<16xf32>
        %mul3A_884 = arith.mulf %get3A_863, %mul3A_845 : vector<16xf32>
        %mul3A_885 = arith.mulf %sub3A_879, %mul3A_845 : vector<16xf32>
        %add3A_886 = arith.addf %add3A_799, %get3A_844 : vector<16xf32>
        %add3A_887 = arith.addf %add3A_800, %mul3A_880 : vector<16xf32>
        %add3A_888 = arith.addf %add3A_801, %mul3A_881 : vector<16xf32>
        %mul3A_889 = arith.mulf %mul3A_880, %mul3A_881 : vector<16xf32>
        %add3A_890 = arith.addf %add3A_803, %mul3A_889 : vector<16xf32>
        %mul3A_891 = arith.mulf %mul3A_880, %mul3A_880 : vector<16xf32>
        %add3A_892 = arith.addf %add3A_805, %mul3A_891 : vector<16xf32>
        %mul3A_893 = arith.mulf %mul3A_881, %mul3A_881 : vector<16xf32>
        %add3A_894 = arith.addf %add3A_807, %mul3A_893 : vector<16xf32>
        %add3A_895 = arith.addf %add3A_808, %get3A_837 : vector<16xf32>
        %add3A_896 = arith.addf %add3A_809, %mul3A_882 : vector<16xf32>
        %add3A_897 = arith.addf %add3A_810, %mul3A_883 : vector<16xf32>
        %mul3A_898 = arith.mulf %mul3A_882, %mul3A_883 : vector<16xf32>
        %add3A_899 = arith.addf %add3A_812, %mul3A_898 : vector<16xf32>
        %mul3A_900 = arith.mulf %mul3A_882, %mul3A_882 : vector<16xf32>
        %add3A_901 = arith.addf %add3A_814, %mul3A_900 : vector<16xf32>
        %mul3A_902 = arith.mulf %mul3A_883, %mul3A_883 : vector<16xf32>
        %add3A_903 = arith.addf %add3A_816, %mul3A_902 : vector<16xf32>
        %sub3A_904 = arith.subf %mul3A_882, %mul3A_883 : vector<16xf32>
        %abs3A_905 = math.absf %sub3A_904 : vector<16xf32>
        %add3A_906 = arith.addf %add3A_819, %abs3A_905 : vector<16xf32>
        %add3A_907 = arith.addf %add3A_820, %mul3A_845 : vector<16xf32>
        %add3A_908 = arith.addf %add3A_821, %mul3A_884 : vector<16xf32>
        %add3A_909 = arith.addf %add3A_822, %mul3A_885 : vector<16xf32>
        %mul3A_910 = arith.mulf %mul3A_884, %mul3A_885 : vector<16xf32>
        %add3A_911 = arith.addf %add3A_824, %mul3A_910 : vector<16xf32>
        %mul3A_912 = arith.mulf %mul3A_884, %mul3A_884 : vector<16xf32>
        %add3A_913 = arith.addf %add3A_826, %mul3A_912 : vector<16xf32>
        %mul3A_914 = arith.mulf %mul3A_885, %mul3A_885 : vector<16xf32>
        %add3A_915 = arith.addf %add3A_828, %mul3A_914 : vector<16xf32>
        scf.yield %add3A_886, %add3A_887, %add3A_888, %add3A_890, %add3A_892, %add3A_894, %add3A_895, %add3A_896, %add3A_897, %add3A_899, %add3A_901, %add3A_903, %add3A_906, %add3A_907, %add3A_908, %add3A_909, %add3A_911, %add3A_913, %add3A_915 : vector<16xf32>, vector<16xf32>, vector<16xf32>, vector<16xf32>, vector<16xf32>, vector<16xf32>, vector<16xf32>, vector<16xf32>, vector<16xf32>, vector<16xf32>, vector<16xf32>, vector<16xf32>, vector<16xf32>, vector<16xf32>, vector<16xf32>, vector<16xf32>, vector<16xf32>, vector<16xf32>, vector<16xf32>
      }
      %scan3A_529 = arith.constant 32 : i32
      %scan3A_530 = arith.constant 0 : i32
      %scan3A_531 = arith.constant 32 : i32
      %scan3A_532 = arith.addi %scan3A_530, %scan3A_531 : i32
      %scan3A_533 = arith.constant 1 : i32
      %scan3A_534:19 = scf.for %scan3A_549 = %scan3A_530 to %scan3A_532 step %scan3A_533 iter_args(%scan3A_550 = %scan3A_528#0, %scan3A_551 = %scan3A_528#1, %scan3A_552 = %scan3A_528#2, %scan3A_553 = %scan3A_528#3, %scan3A_554 = %scan3A_528#4, %scan3A_555 = %scan3A_528#5, %scan3A_556 = %scan3A_528#6, %scan3A_557 = %scan3A_528#7, %scan3A_558 = %scan3A_528#8, %scan3A_559 = %scan3A_528#9, %scan3A_560 = %scan3A_528#10, %scan3A_561 = %scan3A_528#11, %scan3A_562 = %scan3A_528#12, %scan3A_563 = %scan3A_528#13, %scan3A_564 = %scan3A_528#14, %scan3A_565 = %scan3A_528#15, %scan3A_566 = %scan3A_528#16, %scan3A_567 = %scan3A_528#17, %scan3A_568 = %scan3A_528#18) -> (vector<16xf32>, vector<16xf32>, vector<16xf32>, vector<16xf32>, vector<16xf32>, vector<16xf32>, vector<16xf32>, vector<16xf32>, vector<16xf32>, vector<16xf32>, vector<16xf32>, vector<16xf32>, vector<16xf32>, vector<16xf32>, vector<16xf32>, vector<16xf32>, vector<16xf32>, vector<16xf32>, vector<16xf32>)  : i32 {
        %mul3A_569 = arith.constant 64 : i32
        %mul3A_570 = arith.muli %scan3A_549, %mul3A_569 : i32
        %add3A_571 = arith.constant 0 : i32
        %add3A_572 = arith.addi %mul3A_570, %add3A_571 : i32
        %get3A = arith.constant 1 : i32
        %get3A_573 = arith.constant 2 : i32
        %get3A_574 = arith.index_cast %get3A : i32 to index
        %get3A_575 = arith.index_cast %get3A_573 : i32 to index
        %get3A_576 = arith.index_cast %add3A_572 : i32 to index
        %get3A_577 = tpu.vector_load %arg11[%get3A_574, %get3A_575, %get3A_576] {strides = array<i32>} : memref<2x4x2048xf32, #tpu.memory_space<vmem>>, vector<1x1x16xf32>,
        %get3A_578 = vector.shape_cast %get3A_577 : vector<1x1x16xf32> to vector<16xf32>
        %get3A_579 = arith.constant 1 : i32
        %get3A_580 = arith.constant 2 : i32
        %get3A_581 = arith.index_cast %get3A_579 : i32 to index
        %get3A_582 = arith.index_cast %get3A_580 : i32 to index
        %get3A_583 = arith.index_cast %add3A_572 : i32 to index
        %get3A_584 = tpu.vector_load %arg12[%get3A_581, %get3A_582, %get3A_583] {strides = array<i32>} : memref<2x4x2048xf32, #tpu.memory_space<vmem>>, vector<1x1x16xf32>,
        %get3A_585 = vector.shape_cast %get3A_584 : vector<1x1x16xf32> to vector<16xf32>
        %mul3A_586 = arith.mulf %get3A_578, %get3A_585 : vector<16xf32>
        %get3A_587 = arith.constant 1 : i32
        %get3A_588 = arith.constant 2 : i32
        %get3A_589 = arith.constant 0 : i32
        %get3A_590 = arith.index_cast %get3A_587 : i32 to index
        %get3A_591 = arith.index_cast %get3A_588 : i32 to index
        %get3A_592 = arith.index_cast %get3A_589 : i32 to index
        %get3A_593 = arith.index_cast %add3A_572 : i32 to index
        %get3A_594 = tpu.vector_load %arg8[%get3A_590, %get3A_591, %get3A_592, %get3A_593] {strides = array<i32>} : memref<2x4x2x2048xf32, #tpu.memory_space<vmem>>, vector<1x1x1x16xf32>,
        %get3A_595 = vector.shape_cast %get3A_594 : vector<1x1x1x16xf32> to vector<16xf32>
        %get3A_596 = arith.constant 1 : i32
        %get3A_597 = arith.constant 2 : i32
        %get3A_598 = arith.constant 1 : i32
        %get3A_599 = arith.index_cast %get3A_596 : i32 to index
        %get3A_600 = arith.index_cast %get3A_597 : i32 to index
        %get3A_601 = arith.index_cast %get3A_598 : i32 to index
        %get3A_602 = arith.index_cast %add3A_572 : i32 to index
        %get3A_603 = tpu.vector_load %arg8[%get3A_599, %get3A_600, %get3A_601, %get3A_602] {strides = array<i32>} : memref<2x4x2x2048xf32, #tpu.memory_space<vmem>>, vector<1x1x1x16xf32>,
        %get3A_604 = vector.shape_cast %get3A_603 : vector<1x1x1x16xf32> to vector<16xf32>
        %get3A_605 = arith.constant 1 : i32
        %get3A_606 = arith.constant 2 : i32
        %get3A_607 = arith.index_cast %get3A_605 : i32 to index
        %get3A_608 = arith.index_cast %get3A_606 : i32 to index
        %get3A_609 = arith.index_cast %add3A_572 : i32 to index
        %get3A_610 = tpu.vector_load %arg9[%get3A_607, %get3A_608, %get3A_609] {strides = array<i32>} : memref<2x4x2048xf32, #tpu.memory_space<vmem>>, vector<1x1x16xf32>,
        %get3A_611 = vector.shape_cast %get3A_610 : vector<1x1x16xf32> to vector<16xf32>
        %get3A_612 = arith.constant 1 : i32
        %get3A_613 = arith.constant 2 : i32
        %get3A_614 = arith.index_cast %get3A_612 : i32 to index
        %get3A_615 = arith.index_cast %get3A_613 : i32 to index
        %get3A_616 = arith.index_cast %add3A_572 : i32 to index
        %get3A_617 = tpu.vector_load %arg10[%get3A_614, %get3A_615, %get3A_616] {strides = array<i32>} : memref<2x4x2048xf32, #tpu.memory_space<vmem>>, vector<1x1x16xf32>,
        %get3A_618 = vector.shape_cast %get3A_617 : vector<1x1x16xf32> to vector<16xf32>
        %add3A_619 = arith.addf %get3A_595, %get3A_604 : vector<16xf32>
        %sub3A = arith.subf %get3A_611, %get3A_618 : vector<16xf32>
        %mul3A_620 = arith.mulf %get3A_595, %get3A_585 : vector<16xf32>
        %mul3A_621 = arith.mulf %get3A_618, %get3A_585 : vector<16xf32>
        %mul3A_622 = arith.mulf %add3A_619, %get3A_578 : vector<16xf32>
        %mul3A_623 = arith.mulf %get3A_611, %get3A_578 : vector<16xf32>
        %mul3A_624 = arith.mulf %get3A_604, %mul3A_586 : vector<16xf32>
        %mul3A_625 = arith.mulf %sub3A, %mul3A_586 : vector<16xf32>
        %add3A_626 = arith.addf %scan3A_550, %get3A_585 : vector<16xf32>
        %add3A_627 = arith.addf %scan3A_551, %mul3A_620 : vector<16xf32>
        %add3A_628 = arith.addf %scan3A_552, %mul3A_621 : vector<16xf32>
        %mul3A_629 = arith.mulf %mul3A_620, %mul3A_621 : vector<16xf32>
        %add3A_630 = arith.addf %scan3A_553, %mul3A_629 : vector<16xf32>
        %mul3A_631 = arith.mulf %mul3A_620, %mul3A_620 : vector<16xf32>
        %add3A_632 = arith.addf %scan3A_554, %mul3A_631 : vector<16xf32>
        %mul3A_633 = arith.mulf %mul3A_621, %mul3A_621 : vector<16xf32>
        %add3A_634 = arith.addf %scan3A_555, %mul3A_633 : vector<16xf32>
        %add3A_635 = arith.addf %scan3A_556, %get3A_578 : vector<16xf32>
        %add3A_636 = arith.addf %scan3A_557, %mul3A_622 : vector<16xf32>
        %add3A_637 = arith.addf %scan3A_558, %mul3A_623 : vector<16xf32>
        %mul3A_638 = arith.mulf %mul3A_622, %mul3A_623 : vector<16xf32>
        %add3A_639 = arith.addf %scan3A_559, %mul3A_638 : vector<16xf32>
        %mul3A_640 = arith.mulf %mul3A_622, %mul3A_622 : vector<16xf32>
        %add3A_641 = arith.addf %scan3A_560, %mul3A_640 : vector<16xf32>
        %mul3A_642 = arith.mulf %mul3A_623, %mul3A_623 : vector<16xf32>
        %add3A_643 = arith.addf %scan3A_561, %mul3A_642 : vector<16xf32>
        %sub3A_644 = arith.subf %mul3A_622, %mul3A_623 : vector<16xf32>
        %abs3A = math.absf %sub3A_644 : vector<16xf32>
        %add3A_645 = arith.addf %scan3A_562, %abs3A : vector<16xf32>
        %add3A_646 = arith.addf %scan3A_563, %mul3A_586 : vector<16xf32>
        %add3A_647 = arith.addf %scan3A_564, %mul3A_624 : vector<16xf32>
        %add3A_648 = arith.addf %scan3A_565, %mul3A_625 : vector<16xf32>
        %mul3A_649 = arith.mulf %mul3A_624, %mul3A_625 : vector<16xf32>
        %add3A_650 = arith.addf %scan3A_566, %mul3A_649 : vector<16xf32>
        %mul3A_651 = arith.mulf %mul3A_624, %mul3A_624 : vector<16xf32>
        %add3A_652 = arith.addf %scan3A_567, %mul3A_651 : vector<16xf32>
        %mul3A_653 = arith.mulf %mul3A_625, %mul3A_625 : vector<16xf32>
        %add3A_654 = arith.addf %scan3A_568, %mul3A_653 : vector<16xf32>
        %add3A_655 = arith.constant 16 : i32
        %add3A_656 = arith.addi %mul3A_570, %add3A_655 : i32
        %get3A_657 = arith.constant 1 : i32
        %get3A_658 = arith.constant 2 : i32
        %get3A_659 = arith.index_cast %get3A_657 : i32 to index
        %get3A_660 = arith.index_cast %get3A_658 : i32 to index
        %get3A_661 = arith.index_cast %add3A_656 : i32 to index
        %get3A_662 = tpu.vector_load %arg11[%get3A_659, %get3A_660, %get3A_661] {strides = array<i32>} : memref<2x4x2048xf32, #tpu.memory_space<vmem>>, vector<1x1x16xf32>,
        %get3A_663 = vector.shape_cast %get3A_662 : vector<1x1x16xf32> to vector<16xf32>
        %get3A_664 = arith.constant 1 : i32
        %get3A_665 = arith.constant 2 : i32
        %get3A_666 = arith.index_cast %get3A_664 : i32 to index
        %get3A_667 = arith.index_cast %get3A_665 : i32 to index
        %get3A_668 = arith.index_cast %add3A_656 : i32 to index
        %get3A_669 = tpu.vector_load %arg12[%get3A_666, %get3A_667, %get3A_668] {strides = array<i32>} : memref<2x4x2048xf32, #tpu.memory_space<vmem>>, vector<1x1x16xf32>,
        %get3A_670 = vector.shape_cast %get3A_669 : vector<1x1x16xf32> to vector<16xf32>
        %mul3A_671 = arith.mulf %get3A_663, %get3A_670 : vector<16xf32>
        %get3A_672 = arith.constant 1 : i32
        %get3A_673 = arith.constant 2 : i32
        %get3A_674 = arith.constant 0 : i32
        %get3A_675 = arith.index_cast %get3A_672 : i32 to index
        %get3A_676 = arith.index_cast %get3A_673 : i32 to index
        %get3A_677 = arith.index_cast %get3A_674 : i32 to index
        %get3A_678 = arith.index_cast %add3A_656 : i32 to index
        %get3A_679 = tpu.vector_load %arg8[%get3A_675, %get3A_676, %get3A_677, %get3A_678] {strides = array<i32>} : memref<2x4x2x2048xf32, #tpu.memory_space<vmem>>, vector<1x1x1x16xf32>,
        %get3A_680 = vector.shape_cast %get3A_679 : vector<1x1x1x16xf32> to vector<16xf32>
        %get3A_681 = arith.constant 1 : i32
        %get3A_682 = arith.constant 2 : i32
        %get3A_683 = arith.constant 1 : i32
        %get3A_684 = arith.index_cast %get3A_681 : i32 to index
        %get3A_685 = arith.index_cast %get3A_682 : i32 to index
        %get3A_686 = arith.index_cast %get3A_683 : i32 to index
        %get3A_687 = arith.index_cast %add3A_656 : i32 to index
        %get3A_688 = tpu.vector_load %arg8[%get3A_684, %get3A_685, %get3A_686, %get3A_687] {strides = array<i32>} : memref<2x4x2x2048xf32, #tpu.memory_space<vmem>>, vector<1x1x1x16xf32>,
        %get3A_689 = vector.shape_cast %get3A_688 : vector<1x1x1x16xf32> to vector<16xf32>
        %get3A_690 = arith.constant 1 : i32
        %get3A_691 = arith.constant 2 : i32
        %get3A_692 = arith.index_cast %get3A_690 : i32 to index
        %get3A_693 = arith.index_cast %get3A_691 : i32 to index
        %get3A_694 = arith.index_cast %add3A_656 : i32 to index
        %get3A_695 = tpu.vector_load %arg9[%get3A_692, %get3A_693, %get3A_694] {strides = array<i32>} : memref<2x4x2048xf32, #tpu.memory_space<vmem>>, vector<1x1x16xf32>,
        %get3A_696 = vector.shape_cast %get3A_695 : vector<1x1x16xf32> to vector<16xf32>
        %get3A_697 = arith.constant 1 : i32
        %get3A_698 = arith.constant 2 : i32
        %get3A_699 = arith.index_cast %get3A_697 : i32 to index
        %get3A_700 = arith.index_cast %get3A_698 : i32 to index
        %get3A_701 = arith.index_cast %add3A_656 : i32 to index
        %get3A_702 = tpu.vector_load %arg10[%get3A_699, %get3A_700, %get3A_701] {strides = array<i32>} : memref<2x4x2048xf32, #tpu.memory_space<vmem>>, vector<1x1x16xf32>,
        %get3A_703 = vector.shape_cast %get3A_702 : vector<1x1x16xf32> to vector<16xf32>
        %add3A_704 = arith.addf %get3A_680, %get3A_689 : vector<16xf32>
        %sub3A_705 = arith.subf %get3A_696, %get3A_703 : vector<16xf32>
        %mul3A_706 = arith.mulf %get3A_680, %get3A_670 : vector<16xf32>
        %mul3A_707 = arith.mulf %get3A_703, %get3A_670 : vector<16xf32>
        %mul3A_708 = arith.mulf %add3A_704, %get3A_663 : vector<16xf32>
        %mul3A_709 = arith.mulf %get3A_696, %get3A_663 : vector<16xf32>
        %mul3A_710 = arith.mulf %get3A_689, %mul3A_671 : vector<16xf32>
        %mul3A_711 = arith.mulf %sub3A_705, %mul3A_671 : vector<16xf32>
        %add3A_712 = arith.addf %add3A_626, %get3A_670 : vector<16xf32>
        %add3A_713 = arith.addf %add3A_627, %mul3A_706 : vector<16xf32>
        %add3A_714 = arith.addf %add3A_628, %mul3A_707 : vector<16xf32>
        %mul3A_715 = arith.mulf %mul3A_706, %mul3A_707 : vector<16xf32>
        %add3A_716 = arith.addf %add3A_630, %mul3A_715 : vector<16xf32>
        %mul3A_717 = arith.mulf %mul3A_706, %mul3A_706 : vector<16xf32>
        %add3A_718 = arith.addf %add3A_632, %mul3A_717 : vector<16xf32>
        %mul3A_719 = arith.mulf %mul3A_707, %mul3A_707 : vector<16xf32>
        %add3A_720 = arith.addf %add3A_634, %mul3A_719 : vector<16xf32>
        %add3A_721 = arith.addf %add3A_635, %get3A_663 : vector<16xf32>
        %add3A_722 = arith.addf %add3A_636, %mul3A_708 : vector<16xf32>
        %add3A_723 = arith.addf %add3A_637, %mul3A_709 : vector<16xf32>
        %mul3A_724 = arith.mulf %mul3A_708, %mul3A_709 : vector<16xf32>
        %add3A_725 = arith.addf %add3A_639, %mul3A_724 : vector<16xf32>
        %mul3A_726 = arith.mulf %mul3A_708, %mul3A_708 : vector<16xf32>
        %add3A_727 = arith.addf %add3A_641, %mul3A_726 : vector<16xf32>
        %mul3A_728 = arith.mulf %mul3A_709, %mul3A_709 : vector<16xf32>
        %add3A_729 = arith.addf %add3A_643, %mul3A_728 : vector<16xf32>
        %sub3A_730 = arith.subf %mul3A_708, %mul3A_709 : vector<16xf32>
        %abs3A_731 = math.absf %sub3A_730 : vector<16xf32>
        %add3A_732 = arith.addf %add3A_645, %abs3A_731 : vector<16xf32>
        %add3A_733 = arith.addf %add3A_646, %mul3A_671 : vector<16xf32>
        %add3A_734 = arith.addf %add3A_647, %mul3A_710 : vector<16xf32>
        %add3A_735 = arith.addf %add3A_648, %mul3A_711 : vector<16xf32>
        %mul3A_736 = arith.mulf %mul3A_710, %mul3A_711 : vector<16xf32>
        %add3A_737 = arith.addf %add3A_650, %mul3A_736 : vector<16xf32>
        %mul3A_738 = arith.mulf %mul3A_710, %mul3A_710 : vector<16xf32>
        %add3A_739 = arith.addf %add3A_652, %mul3A_738 : vector<16xf32>
        %mul3A_740 = arith.mulf %mul3A_711, %mul3A_711 : vector<16xf32>
        %add3A_741 = arith.addf %add3A_654, %mul3A_740 : vector<16xf32>
        %add3A_742 = arith.constant 32 : i32
        %add3A_743 = arith.addi %mul3A_570, %add3A_742 : i32
        %get3A_744 = arith.constant 1 : i32
        %get3A_745 = arith.constant 2 : i32
        %get3A_746 = arith.index_cast %get3A_744 : i32 to index
        %get3A_747 = arith.index_cast %get3A_745 : i32 to index
        %get3A_748 = arith.index_cast %add3A_743 : i32 to index
        %get3A_749 = tpu.vector_load %arg11[%get3A_746, %get3A_747, %get3A_748] {strides = array<i32>} : memref<2x4x2048xf32, #tpu.memory_space<vmem>>, vector<1x1x16xf32>,
        %get3A_750 = vector.shape_cast %get3A_749 : vector<1x1x16xf32> to vector<16xf32>
        %get3A_751 = arith.constant 1 : i32
        %get3A_752 = arith.constant 2 : i32
        %get3A_753 = arith.index_cast %get3A_751 : i32 to index
        %get3A_754 = arith.index_cast %get3A_752 : i32 to index
        %get3A_755 = arith.index_cast %add3A_743 : i32 to index
        %get3A_756 = tpu.vector_load %arg12[%get3A_753, %get3A_754, %get3A_755] {strides = array<i32>} : memref<2x4x2048xf32, #tpu.memory_space<vmem>>, vector<1x1x16xf32>,
        %get3A_757 = vector.shape_cast %get3A_756 : vector<1x1x16xf32> to vector<16xf32>
        %mul3A_758 = arith.mulf %get3A_750, %get3A_757 : vector<16xf32>
        %get3A_759 = arith.constant 1 : i32
        %get3A_760 = arith.constant 2 : i32
        %get3A_761 = arith.constant 0 : i32
        %get3A_762 = arith.index_cast %get3A_759 : i32 to index
        %get3A_763 = arith.index_cast %get3A_760 : i32 to index
        %get3A_764 = arith.index_cast %get3A_761 : i32 to index
        %get3A_765 = arith.index_cast %add3A_743 : i32 to index
        %get3A_766 = tpu.vector_load %arg8[%get3A_762, %get3A_763, %get3A_764, %get3A_765] {strides = array<i32>} : memref<2x4x2x2048xf32, #tpu.memory_space<vmem>>, vector<1x1x1x16xf32>,
        %get3A_767 = vector.shape_cast %get3A_766 : vector<1x1x1x16xf32> to vector<16xf32>
        %get3A_768 = arith.constant 1 : i32
        %get3A_769 = arith.constant 2 : i32
        %get3A_770 = arith.constant 1 : i32
        %get3A_771 = arith.index_cast %get3A_768 : i32 to index
        %get3A_772 = arith.index_cast %get3A_769 : i32 to index
        %get3A_773 = arith.index_cast %get3A_770 : i32 to index
        %get3A_774 = arith.index_cast %add3A_743 : i32 to index
        %get3A_775 = tpu.vector_load %arg8[%get3A_771, %get3A_772, %get3A_773, %get3A_774] {strides = array<i32>} : memref<2x4x2x2048xf32, #tpu.memory_space<vmem>>, vector<1x1x1x16xf32>,
        %get3A_776 = vector.shape_cast %get3A_775 : vector<1x1x1x16xf32> to vector<16xf32>
        %get3A_777 = arith.constant 1 : i32
        %get3A_778 = arith.constant 2 : i32
        %get3A_779 = arith.index_cast %get3A_777 : i32 to index
        %get3A_780 = arith.index_cast %get3A_778 : i32 to index
        %get3A_781 = arith.index_cast %add3A_743 : i32 to index
        %get3A_782 = tpu.vector_load %arg9[%get3A_779, %get3A_780, %get3A_781] {strides = array<i32>} : memref<2x4x2048xf32, #tpu.memory_space<vmem>>, vector<1x1x16xf32>,
        %get3A_783 = vector.shape_cast %get3A_782 : vector<1x1x16xf32> to vector<16xf32>
        %get3A_784 = arith.constant 1 : i32
        %get3A_785 = arith.constant 2 : i32
        %get3A_786 = arith.index_cast %get3A_784 : i32 to index
        %get3A_787 = arith.index_cast %get3A_785 : i32 to index
        %get3A_788 = arith.index_cast %add3A_743 : i32 to index
        %get3A_789 = tpu.vector_load %arg10[%get3A_786, %get3A_787, %get3A_788] {strides = array<i32>} : memref<2x4x2048xf32, #tpu.memory_space<vmem>>, vector<1x1x16xf32>,
        %get3A_790 = vector.shape_cast %get3A_789 : vector<1x1x16xf32> to vector<16xf32>
        %add3A_791 = arith.addf %get3A_767, %get3A_776 : vector<16xf32>
        %sub3A_792 = arith.subf %get3A_783, %get3A_790 : vector<16xf32>
        %mul3A_793 = arith.mulf %get3A_767, %get3A_757 : vector<16xf32>
        %mul3A_794 = arith.mulf %get3A_790, %get3A_757 : vector<16xf32>
        %mul3A_795 = arith.mulf %add3A_791, %get3A_750 : vector<16xf32>
        %mul3A_796 = arith.mulf %get3A_783, %get3A_750 : vector<16xf32>
        %mul3A_797 = arith.mulf %get3A_776, %mul3A_758 : vector<16xf32>
        %mul3A_798 = arith.mulf %sub3A_792, %mul3A_758 : vector<16xf32>
        %add3A_799 = arith.addf %add3A_712, %get3A_757 : vector<16xf32>
        %add3A_800 = arith.addf %add3A_713, %mul3A_793 : vector<16xf32>
        %add3A_801 = arith.addf %add3A_714, %mul3A_794 : vector<16xf32>
        %mul3A_802 = arith.mulf %mul3A_793, %mul3A_794 : vector<16xf32>
        %add3A_803 = arith.addf %add3A_716, %mul3A_802 : vector<16xf32>
        %mul3A_804 = arith.mulf %mul3A_793, %mul3A_793 : vector<16xf32>
        %add3A_805 = arith.addf %add3A_718, %mul3A_804 : vector<16xf32>
        %mul3A_806 = arith.mulf %mul3A_794, %mul3A_794 : vector<16xf32>
        %add3A_807 = arith.addf %add3A_720, %mul3A_806 : vector<16xf32>
        %add3A_808 = arith.addf %add3A_721, %get3A_750 : vector<16xf32>
        %add3A_809 = arith.addf %add3A_722, %mul3A_795 : vector<16xf32>
        %add3A_810 = arith.addf %add3A_723, %mul3A_796 : vector<16xf32>
        %mul3A_811 = arith.mulf %mul3A_795, %mul3A_796 : vector<16xf32>
        %add3A_812 = arith.addf %add3A_725, %mul3A_811 : vector<16xf32>
        %mul3A_813 = arith.mulf %mul3A_795, %mul3A_795 : vector<16xf32>
        %add3A_814 = arith.addf %add3A_727, %mul3A_813 : vector<16xf32>
        %mul3A_815 = arith.mulf %mul3A_796, %mul3A_796 : vector<16xf32>
        %add3A_816 = arith.addf %add3A_729, %mul3A_815 : vector<16xf32>
        %sub3A_817 = arith.subf %mul3A_795, %mul3A_796 : vector<16xf32>
        %abs3A_818 = math.absf %sub3A_817 : vector<16xf32>
        %add3A_819 = arith.addf %add3A_732, %abs3A_818 : vector<16xf32>
        %add3A_820 = arith.addf %add3A_733, %mul3A_758 : vector<16xf32>
        %add3A_821 = arith.addf %add3A_734, %mul3A_797 : vector<16xf32>
        %add3A_822 = arith.addf %add3A_735, %mul3A_798 : vector<16xf32>
        %mul3A_823 = arith.mulf %mul3A_797, %mul3A_798 : vector<16xf32>
        %add3A_824 = arith.addf %add3A_737, %mul3A_823 : vector<16xf32>
        %mul3A_825 = arith.mulf %mul3A_797, %mul3A_797 : vector<16xf32>
        %add3A_826 = arith.addf %add3A_739, %mul3A_825 : vector<16xf32>
        %mul3A_827 = arith.mulf %mul3A_798, %mul3A_798 : vector<16xf32>
        %add3A_828 = arith.addf %add3A_741, %mul3A_827 : vector<16xf32>
        %add3A_829 = arith.constant 48 : i32
        %add3A_830 = arith.addi %mul3A_570, %add3A_829 : i32
        %get3A_831 = arith.constant 1 : i32
        %get3A_832 = arith.constant 2 : i32
        %get3A_833 = arith.index_cast %get3A_831 : i32 to index
        %get3A_834 = arith.index_cast %get3A_832 : i32 to index
        %get3A_835 = arith.index_cast %add3A_830 : i32 to index
        %get3A_836 = tpu.vector_load %arg11[%get3A_833, %get3A_834, %get3A_835] {strides = array<i32>} : memref<2x4x2048xf32, #tpu.memory_space<vmem>>, vector<1x1x16xf32>,
        %get3A_837 = vector.shape_cast %get3A_836 : vector<1x1x16xf32> to vector<16xf32>
        %get3A_838 = arith.constant 1 : i32
        %get3A_839 = arith.constant 2 : i32
        %get3A_840 = arith.index_cast %get3A_838 : i32 to index
        %get3A_841 = arith.index_cast %get3A_839 : i32 to index
        %get3A_842 = arith.index_cast %add3A_830 : i32 to index
        %get3A_843 = tpu.vector_load %arg12[%get3A_840, %get3A_841, %get3A_842] {strides = array<i32>} : memref<2x4x2048xf32, #tpu.memory_space<vmem>>, vector<1x1x16xf32>,
        %get3A_844 = vector.shape_cast %get3A_843 : vector<1x1x16xf32> to vector<16xf32>
        %mul3A_845 = arith.mulf %get3A_837, %get3A_844 : vector<16xf32>
        %get3A_846 = arith.constant 1 : i32
        %get3A_847 = arith.constant 2 : i32
        %get3A_848 = arith.constant 0 : i32
        %get3A_849 = arith.index_cast %get3A_846 : i32 to index
        %get3A_850 = arith.index_cast %get3A_847 : i32 to index
        %get3A_851 = arith.index_cast %get3A_848 : i32 to index
        %get3A_852 = arith.index_cast %add3A_830 : i32 to index
        %get3A_853 = tpu.vector_load %arg8[%get3A_849, %get3A_850, %get3A_851, %get3A_852] {strides = array<i32>} : memref<2x4x2x2048xf32, #tpu.memory_space<vmem>>, vector<1x1x1x16xf32>,
        %get3A_854 = vector.shape_cast %get3A_853 : vector<1x1x1x16xf32> to vector<16xf32>
        %get3A_855 = arith.constant 1 : i32
        %get3A_856 = arith.constant 2 : i32
        %get3A_857 = arith.constant 1 : i32
        %get3A_858 = arith.index_cast %get3A_855 : i32 to index
        %get3A_859 = arith.index_cast %get3A_856 : i32 to index
        %get3A_860 = arith.index_cast %get3A_857 : i32 to index
        %get3A_861 = arith.index_cast %add3A_830 : i32 to index
        %get3A_862 = tpu.vector_load %arg8[%get3A_858, %get3A_859, %get3A_860, %get3A_861] {strides = array<i32>} : memref<2x4x2x2048xf32, #tpu.memory_space<vmem>>, vector<1x1x1x16xf32>,
        %get3A_863 = vector.shape_cast %get3A_862 : vector<1x1x1x16xf32> to vector<16xf32>
        %get3A_864 = arith.constant 1 : i32
        %get3A_865 = arith.constant 2 : i32
        %get3A_866 = arith.index_cast %get3A_864 : i32 to index
        %get3A_867 = arith.index_cast %get3A_865 : i32 to index
        %get3A_868 = arith.index_cast %add3A_830 : i32 to index
        %get3A_869 = tpu.vector_load %arg9[%get3A_866, %get3A_867, %get3A_868] {strides = array<i32>} : memref<2x4x2048xf32, #tpu.memory_space<vmem>>, vector<1x1x16xf32>,
        %get3A_870 = vector.shape_cast %get3A_869 : vector<1x1x16xf32> to vector<16xf32>
        %get3A_871 = arith.constant 1 : i32
        %get3A_872 = arith.constant 2 : i32
        %get3A_873 = arith.index_cast %get3A_871 : i32 to index
        %get3A_874 = arith.index_cast %get3A_872 : i32 to index
        %get3A_875 = arith.index_cast %add3A_830 : i32 to index
        %get3A_876 = tpu.vector_load %arg10[%get3A_873, %get3A_874, %get3A_875] {strides = array<i32>} : memref<2x4x2048xf32, #tpu.memory_space<vmem>>, vector<1x1x16xf32>,
        %get3A_877 = vector.shape_cast %get3A_876 : vector<1x1x16xf32> to vector<16xf32>
        %add3A_878 = arith.addf %get3A_854, %get3A_863 : vector<16xf32>
        %sub3A_879 = arith.subf %get3A_870, %get3A_877 : vector<16xf32>
        %mul3A_880 = arith.mulf %get3A_854, %get3A_844 : vector<16xf32>
        %mul3A_881 = arith.mulf %get3A_877, %get3A_844 : vector<16xf32>
        %mul3A_882 = arith.mulf %add3A_878, %get3A_837 : vector<16xf32>
        %mul3A_883 = arith.mulf %get3A_870, %get3A_837 : vector<16xf32>
        %mul3A_884 = arith.mulf %get3A_863, %mul3A_845 : vector<16xf32>
        %mul3A_885 = arith.mulf %sub3A_879, %mul3A_845 : vector<16xf32>
        %add3A_886 = arith.addf %add3A_799, %get3A_844 : vector<16xf32>
        %add3A_887 = arith.addf %add3A_800, %mul3A_880 : vector<16xf32>
        %add3A_888 = arith.addf %add3A_801, %mul3A_881 : vector<16xf32>
        %mul3A_889 = arith.mulf %mul3A_880, %mul3A_881 : vector<16xf32>
        %add3A_890 = arith.addf %add3A_803, %mul3A_889 : vector<16xf32>
        %mul3A_891 = arith.mulf %mul3A_880, %mul3A_880 : vector<16xf32>
        %add3A_892 = arith.addf %add3A_805, %mul3A_891 : vector<16xf32>
        %mul3A_893 = arith.mulf %mul3A_881, %mul3A_881 : vector<16xf32>
        %add3A_894 = arith.addf %add3A_807, %mul3A_893 : vector<16xf32>
        %add3A_895 = arith.addf %add3A_808, %get3A_837 : vector<16xf32>
        %add3A_896 = arith.addf %add3A_809, %mul3A_882 : vector<16xf32>
        %add3A_897 = arith.addf %add3A_810, %mul3A_883 : vector<16xf32>
        %mul3A_898 = arith.mulf %mul3A_882, %mul3A_883 : vector<16xf32>
        %add3A_899 = arith.addf %add3A_812, %mul3A_898 : vector<16xf32>
        %mul3A_900 = arith.mulf %mul3A_882, %mul3A_882 : vector<16xf32>
        %add3A_901 = arith.addf %add3A_814, %mul3A_900 : vector<16xf32>
        %mul3A_902 = arith.mulf %mul3A_883, %mul3A_883 : vector<16xf32>
        %add3A_903 = arith.addf %add3A_816, %mul3A_902 : vector<16xf32>
        %sub3A_904 = arith.subf %mul3A_882, %mul3A_883 : vector<16xf32>
        %abs3A_905 = math.absf %sub3A_904 : vector<16xf32>
        %add3A_906 = arith.addf %add3A_819, %abs3A_905 : vector<16xf32>
        %add3A_907 = arith.addf %add3A_820, %mul3A_845 : vector<16xf32>
        %add3A_908 = arith.addf %add3A_821, %mul3A_884 : vector<16xf32>
        %add3A_909 = arith.addf %add3A_822, %mul3A_885 : vector<16xf32>
        %mul3A_910 = arith.mulf %mul3A_884, %mul3A_885 : vector<16xf32>
        %add3A_911 = arith.addf %add3A_824, %mul3A_910 : vector<16xf32>
        %mul3A_912 = arith.mulf %mul3A_884, %mul3A_884 : vector<16xf32>
        %add3A_913 = arith.addf %add3A_826, %mul3A_912 : vector<16xf32>
        %mul3A_914 = arith.mulf %mul3A_885, %mul3A_885 : vector<16xf32>
        %add3A_915 = arith.addf %add3A_828, %mul3A_914 : vector<16xf32>
        scf.yield %add3A_886, %add3A_887, %add3A_888, %add3A_890, %add3A_892, %add3A_894, %add3A_895, %add3A_896, %add3A_897, %add3A_899, %add3A_901, %add3A_903, %add3A_906, %add3A_907, %add3A_908, %add3A_909, %add3A_911, %add3A_913, %add3A_915 : vector<16xf32>, vector<16xf32>, vector<16xf32>, vector<16xf32>, vector<16xf32>, vector<16xf32>, vector<16xf32>, vector<16xf32>, vector<16xf32>, vector<16xf32>, vector<16xf32>, vector<16xf32>, vector<16xf32>, vector<16xf32>, vector<16xf32>, vector<16xf32>, vector<16xf32>, vector<16xf32>, vector<16xf32>
      }
      %scan3A_535 = arith.constant 32 : i32
      %scan3A_536 = arith.constant 0 : i32
      %scan3A_537 = arith.constant 32 : i32
      %scan3A_538 = arith.addi %scan3A_536, %scan3A_537 : i32
      %scan3A_539 = arith.constant 1 : i32
      %scan3A_540:19 = scf.for %scan3A_549 = %scan3A_536 to %scan3A_538 step %scan3A_539 iter_args(%scan3A_550 = %scan3A_534#0, %scan3A_551 = %scan3A_534#1, %scan3A_552 = %scan3A_534#2, %scan3A_553 = %scan3A_534#3, %scan3A_554 = %scan3A_534#4, %scan3A_555 = %scan3A_534#5, %scan3A_556 = %scan3A_534#6, %scan3A_557 = %scan3A_534#7, %scan3A_558 = %scan3A_534#8, %scan3A_559 = %scan3A_534#9, %scan3A_560 = %scan3A_534#10, %scan3A_561 = %scan3A_534#11, %scan3A_562 = %scan3A_534#12, %scan3A_563 = %scan3A_534#13, %scan3A_564 = %scan3A_534#14, %scan3A_565 = %scan3A_534#15, %scan3A_566 = %scan3A_534#16, %scan3A_567 = %scan3A_534#17, %scan3A_568 = %scan3A_534#18) -> (vector<16xf32>, vector<16xf32>, vector<16xf32>, vector<16xf32>, vector<16xf32>, vector<16xf32>, vector<16xf32>, vector<16xf32>, vector<16xf32>, vector<16xf32>, vector<16xf32>, vector<16xf32>, vector<16xf32>, vector<16xf32>, vector<16xf32>, vector<16xf32>, vector<16xf32>, vector<16xf32>, vector<16xf32>)  : i32 {
        %mul3A_569 = arith.constant 64 : i32
        %mul3A_570 = arith.muli %scan3A_549, %mul3A_569 : i32
        %add3A_571 = arith.constant 0 : i32
        %add3A_572 = arith.addi %mul3A_570, %add3A_571 : i32
        %get3A = arith.constant 1 : i32
        %get3A_573 = arith.constant 3 : i32
        %get3A_574 = arith.index_cast %get3A : i32 to index
        %get3A_575 = arith.index_cast %get3A_573 : i32 to index
        %get3A_576 = arith.index_cast %add3A_572 : i32 to index
        %get3A_577 = tpu.vector_load %arg11[%get3A_574, %get3A_575, %get3A_576] {strides = array<i32>} : memref<2x4x2048xf32, #tpu.memory_space<vmem>>, vector<1x1x16xf32>,
        %get3A_578 = vector.shape_cast %get3A_577 : vector<1x1x16xf32> to vector<16xf32>
        %get3A_579 = arith.constant 1 : i32
        %get3A_580 = arith.constant 3 : i32
        %get3A_581 = arith.index_cast %get3A_579 : i32 to index
        %get3A_582 = arith.index_cast %get3A_580 : i32 to index
        %get3A_583 = arith.index_cast %add3A_572 : i32 to index
        %get3A_584 = tpu.vector_load %arg12[%get3A_581, %get3A_582, %get3A_583] {strides = array<i32>} : memref<2x4x2048xf32, #tpu.memory_space<vmem>>, vector<1x1x16xf32>,
        %get3A_585 = vector.shape_cast %get3A_584 : vector<1x1x16xf32> to vector<16xf32>
        %mul3A_586 = arith.mulf %get3A_578, %get3A_585 : vector<16xf32>
        %get3A_587 = arith.constant 1 : i32
        %get3A_588 = arith.constant 3 : i32
        %get3A_589 = arith.constant 0 : i32
        %get3A_590 = arith.index_cast %get3A_587 : i32 to index
        %get3A_591 = arith.index_cast %get3A_588 : i32 to index
        %get3A_592 = arith.index_cast %get3A_589 : i32 to index
        %get3A_593 = arith.index_cast %add3A_572 : i32 to index
        %get3A_594 = tpu.vector_load %arg8[%get3A_590, %get3A_591, %get3A_592, %get3A_593] {strides = array<i32>} : memref<2x4x2x2048xf32, #tpu.memory_space<vmem>>, vector<1x1x1x16xf32>,
        %get3A_595 = vector.shape_cast %get3A_594 : vector<1x1x1x16xf32> to vector<16xf32>
        %get3A_596 = arith.constant 1 : i32
        %get3A_597 = arith.constant 3 : i32
        %get3A_598 = arith.constant 1 : i32
        %get3A_599 = arith.index_cast %get3A_596 : i32 to index
        %get3A_600 = arith.index_cast %get3A_597 : i32 to index
        %get3A_601 = arith.index_cast %get3A_598 : i32 to index
        %get3A_602 = arith.index_cast %add3A_572 : i32 to index
        %get3A_603 = tpu.vector_load %arg8[%get3A_599, %get3A_600, %get3A_601, %get3A_602] {strides = array<i32>} : memref<2x4x2x2048xf32, #tpu.memory_space<vmem>>, vector<1x1x1x16xf32>,
        %get3A_604 = vector.shape_cast %get3A_603 : vector<1x1x1x16xf32> to vector<16xf32>
        %get3A_605 = arith.constant 1 : i32
        %get3A_606 = arith.constant 3 : i32
        %get3A_607 = arith.index_cast %get3A_605 : i32 to index
        %get3A_608 = arith.index_cast %get3A_606 : i32 to index
        %get3A_609 = arith.index_cast %add3A_572 : i32 to index
        %get3A_610 = tpu.vector_load %arg9[%get3A_607, %get3A_608, %get3A_609] {strides = array<i32>} : memref<2x4x2048xf32, #tpu.memory_space<vmem>>, vector<1x1x16xf32>,
        %get3A_611 = vector.shape_cast %get3A_610 : vector<1x1x16xf32> to vector<16xf32>
        %get3A_612 = arith.constant 1 : i32
        %get3A_613 = arith.constant 3 : i32
        %get3A_614 = arith.index_cast %get3A_612 : i32 to index
        %get3A_615 = arith.index_cast %get3A_613 : i32 to index
        %get3A_616 = arith.index_cast %add3A_572 : i32 to index
        %get3A_617 = tpu.vector_load %arg10[%get3A_614, %get3A_615, %get3A_616] {strides = array<i32>} : memref<2x4x2048xf32, #tpu.memory_space<vmem>>, vector<1x1x16xf32>,
        %get3A_618 = vector.shape_cast %get3A_617 : vector<1x1x16xf32> to vector<16xf32>
        %add3A_619 = arith.addf %get3A_595, %get3A_604 : vector<16xf32>
        %sub3A = arith.subf %get3A_611, %get3A_618 : vector<16xf32>
        %mul3A_620 = arith.mulf %get3A_595, %get3A_585 : vector<16xf32>
        %mul3A_621 = arith.mulf %get3A_618, %get3A_585 : vector<16xf32>
        %mul3A_622 = arith.mulf %add3A_619, %get3A_578 : vector<16xf32>
        %mul3A_623 = arith.mulf %get3A_611, %get3A_578 : vector<16xf32>
        %mul3A_624 = arith.mulf %get3A_604, %mul3A_586 : vector<16xf32>
        %mul3A_625 = arith.mulf %sub3A, %mul3A_586 : vector<16xf32>
        %add3A_626 = arith.addf %scan3A_550, %get3A_585 : vector<16xf32>
        %add3A_627 = arith.addf %scan3A_551, %mul3A_620 : vector<16xf32>
        %add3A_628 = arith.addf %scan3A_552, %mul3A_621 : vector<16xf32>
        %mul3A_629 = arith.mulf %mul3A_620, %mul3A_621 : vector<16xf32>
        %add3A_630 = arith.addf %scan3A_553, %mul3A_629 : vector<16xf32>
        %mul3A_631 = arith.mulf %mul3A_620, %mul3A_620 : vector<16xf32>
        %add3A_632 = arith.addf %scan3A_554, %mul3A_631 : vector<16xf32>
        %mul3A_633 = arith.mulf %mul3A_621, %mul3A_621 : vector<16xf32>
        %add3A_634 = arith.addf %scan3A_555, %mul3A_633 : vector<16xf32>
        %add3A_635 = arith.addf %scan3A_556, %get3A_578 : vector<16xf32>
        %add3A_636 = arith.addf %scan3A_557, %mul3A_622 : vector<16xf32>
        %add3A_637 = arith.addf %scan3A_558, %mul3A_623 : vector<16xf32>
        %mul3A_638 = arith.mulf %mul3A_622, %mul3A_623 : vector<16xf32>
        %add3A_639 = arith.addf %scan3A_559, %mul3A_638 : vector<16xf32>
        %mul3A_640 = arith.mulf %mul3A_622, %mul3A_622 : vector<16xf32>
        %add3A_641 = arith.addf %scan3A_560, %mul3A_640 : vector<16xf32>
        %mul3A_642 = arith.mulf %mul3A_623, %mul3A_623 : vector<16xf32>
        %add3A_643 = arith.addf %scan3A_561, %mul3A_642 : vector<16xf32>
        %sub3A_644 = arith.subf %mul3A_622, %mul3A_623 : vector<16xf32>
        %abs3A = math.absf %sub3A_644 : vector<16xf32>
        %add3A_645 = arith.addf %scan3A_562, %abs3A : vector<16xf32>
        %add3A_646 = arith.addf %scan3A_563, %mul3A_586 : vector<16xf32>
        %add3A_647 = arith.addf %scan3A_564, %mul3A_624 : vector<16xf32>
        %add3A_648 = arith.addf %scan3A_565, %mul3A_625 : vector<16xf32>
        %mul3A_649 = arith.mulf %mul3A_624, %mul3A_625 : vector<16xf32>
        %add3A_650 = arith.addf %scan3A_566, %mul3A_649 : vector<16xf32>
        %mul3A_651 = arith.mulf %mul3A_624, %mul3A_624 : vector<16xf32>
        %add3A_652 = arith.addf %scan3A_567, %mul3A_651 : vector<16xf32>
        %mul3A_653 = arith.mulf %mul3A_625, %mul3A_625 : vector<16xf32>
        %add3A_654 = arith.addf %scan3A_568, %mul3A_653 : vector<16xf32>
        %add3A_655 = arith.constant 16 : i32
        %add3A_656 = arith.addi %mul3A_570, %add3A_655 : i32
        %get3A_657 = arith.constant 1 : i32
        %get3A_658 = arith.constant 3 : i32
        %get3A_659 = arith.index_cast %get3A_657 : i32 to index
        %get3A_660 = arith.index_cast %get3A_658 : i32 to index
        %get3A_661 = arith.index_cast %add3A_656 : i32 to index
        %get3A_662 = tpu.vector_load %arg11[%get3A_659, %get3A_660, %get3A_661] {strides = array<i32>} : memref<2x4x2048xf32, #tpu.memory_space<vmem>>, vector<1x1x16xf32>,
        %get3A_663 = vector.shape_cast %get3A_662 : vector<1x1x16xf32> to vector<16xf32>
        %get3A_664 = arith.constant 1 : i32
        %get3A_665 = arith.constant 3 : i32
        %get3A_666 = arith.index_cast %get3A_664 : i32 to index
        %get3A_667 = arith.index_cast %get3A_665 : i32 to index
        %get3A_668 = arith.index_cast %add3A_656 : i32 to index
        %get3A_669 = tpu.vector_load %arg12[%get3A_666, %get3A_667, %get3A_668] {strides = array<i32>} : memref<2x4x2048xf32, #tpu.memory_space<vmem>>, vector<1x1x16xf32>,
        %get3A_670 = vector.shape_cast %get3A_669 : vector<1x1x16xf32> to vector<16xf32>
        %mul3A_671 = arith.mulf %get3A_663, %get3A_670 : vector<16xf32>
        %get3A_672 = arith.constant 1 : i32
        %get3A_673 = arith.constant 3 : i32
        %get3A_674 = arith.constant 0 : i32
        %get3A_675 = arith.index_cast %get3A_672 : i32 to index
        %get3A_676 = arith.index_cast %get3A_673 : i32 to index
        %get3A_677 = arith.index_cast %get3A_674 : i32 to index
        %get3A_678 = arith.index_cast %add3A_656 : i32 to index
        %get3A_679 = tpu.vector_load %arg8[%get3A_675, %get3A_676, %get3A_677, %get3A_678] {strides = array<i32>} : memref<2x4x2x2048xf32, #tpu.memory_space<vmem>>, vector<1x1x1x16xf32>,
        %get3A_680 = vector.shape_cast %get3A_679 : vector<1x1x1x16xf32> to vector<16xf32>
        %get3A_681 = arith.constant 1 : i32
        %get3A_682 = arith.constant 3 : i32
        %get3A_683 = arith.constant 1 : i32
        %get3A_684 = arith.index_cast %get3A_681 : i32 to index
        %get3A_685 = arith.index_cast %get3A_682 : i32 to index
        %get3A_686 = arith.index_cast %get3A_683 : i32 to index
        %get3A_687 = arith.index_cast %add3A_656 : i32 to index
        %get3A_688 = tpu.vector_load %arg8[%get3A_684, %get3A_685, %get3A_686, %get3A_687] {strides = array<i32>} : memref<2x4x2x2048xf32, #tpu.memory_space<vmem>>, vector<1x1x1x16xf32>,
        %get3A_689 = vector.shape_cast %get3A_688 : vector<1x1x1x16xf32> to vector<16xf32>
        %get3A_690 = arith.constant 1 : i32
        %get3A_691 = arith.constant 3 : i32
        %get3A_692 = arith.index_cast %get3A_690 : i32 to index
        %get3A_693 = arith.index_cast %get3A_691 : i32 to index
        %get3A_694 = arith.index_cast %add3A_656 : i32 to index
        %get3A_695 = tpu.vector_load %arg9[%get3A_692, %get3A_693, %get3A_694] {strides = array<i32>} : memref<2x4x2048xf32, #tpu.memory_space<vmem>>, vector<1x1x16xf32>,
        %get3A_696 = vector.shape_cast %get3A_695 : vector<1x1x16xf32> to vector<16xf32>
        %get3A_697 = arith.constant 1 : i32
        %get3A_698 = arith.constant 3 : i32
        %get3A_699 = arith.index_cast %get3A_697 : i32 to index
        %get3A_700 = arith.index_cast %get3A_698 : i32 to index
        %get3A_701 = arith.index_cast %add3A_656 : i32 to index
        %get3A_702 = tpu.vector_load %arg10[%get3A_699, %get3A_700, %get3A_701] {strides = array<i32>} : memref<2x4x2048xf32, #tpu.memory_space<vmem>>, vector<1x1x16xf32>,
        %get3A_703 = vector.shape_cast %get3A_702 : vector<1x1x16xf32> to vector<16xf32>
        %add3A_704 = arith.addf %get3A_680, %get3A_689 : vector<16xf32>
        %sub3A_705 = arith.subf %get3A_696, %get3A_703 : vector<16xf32>
        %mul3A_706 = arith.mulf %get3A_680, %get3A_670 : vector<16xf32>
        %mul3A_707 = arith.mulf %get3A_703, %get3A_670 : vector<16xf32>
        %mul3A_708 = arith.mulf %add3A_704, %get3A_663 : vector<16xf32>
        %mul3A_709 = arith.mulf %get3A_696, %get3A_663 : vector<16xf32>
        %mul3A_710 = arith.mulf %get3A_689, %mul3A_671 : vector<16xf32>
        %mul3A_711 = arith.mulf %sub3A_705, %mul3A_671 : vector<16xf32>
        %add3A_712 = arith.addf %add3A_626, %get3A_670 : vector<16xf32>
        %add3A_713 = arith.addf %add3A_627, %mul3A_706 : vector<16xf32>
        %add3A_714 = arith.addf %add3A_628, %mul3A_707 : vector<16xf32>
        %mul3A_715 = arith.mulf %mul3A_706, %mul3A_707 : vector<16xf32>
        %add3A_716 = arith.addf %add3A_630, %mul3A_715 : vector<16xf32>
        %mul3A_717 = arith.mulf %mul3A_706, %mul3A_706 : vector<16xf32>
        %add3A_718 = arith.addf %add3A_632, %mul3A_717 : vector<16xf32>
        %mul3A_719 = arith.mulf %mul3A_707, %mul3A_707 : vector<16xf32>
        %add3A_720 = arith.addf %add3A_634, %mul3A_719 : vector<16xf32>
        %add3A_721 = arith.addf %add3A_635, %get3A_663 : vector<16xf32>
        %add3A_722 = arith.addf %add3A_636, %mul3A_708 : vector<16xf32>
        %add3A_723 = arith.addf %add3A_637, %mul3A_709 : vector<16xf32>
        %mul3A_724 = arith.mulf %mul3A_708, %mul3A_709 : vector<16xf32>
        %add3A_725 = arith.addf %add3A_639, %mul3A_724 : vector<16xf32>
        %mul3A_726 = arith.mulf %mul3A_708, %mul3A_708 : vector<16xf32>
        %add3A_727 = arith.addf %add3A_641, %mul3A_726 : vector<16xf32>
        %mul3A_728 = arith.mulf %mul3A_709, %mul3A_709 : vector<16xf32>
        %add3A_729 = arith.addf %add3A_643, %mul3A_728 : vector<16xf32>
        %sub3A_730 = arith.subf %mul3A_708, %mul3A_709 : vector<16xf32>
        %abs3A_731 = math.absf %sub3A_730 : vector<16xf32>
        %add3A_732 = arith.addf %add3A_645, %abs3A_731 : vector<16xf32>
        %add3A_733 = arith.addf %add3A_646, %mul3A_671 : vector<16xf32>
        %add3A_734 = arith.addf %add3A_647, %mul3A_710 : vector<16xf32>
        %add3A_735 = arith.addf %add3A_648, %mul3A_711 : vector<16xf32>
        %mul3A_736 = arith.mulf %mul3A_710, %mul3A_711 : vector<16xf32>
        %add3A_737 = arith.addf %add3A_650, %mul3A_736 : vector<16xf32>
        %mul3A_738 = arith.mulf %mul3A_710, %mul3A_710 : vector<16xf32>
        %add3A_739 = arith.addf %add3A_652, %mul3A_738 : vector<16xf32>
        %mul3A_740 = arith.mulf %mul3A_711, %mul3A_711 : vector<16xf32>
        %add3A_741 = arith.addf %add3A_654, %mul3A_740 : vector<16xf32>
        %add3A_742 = arith.constant 32 : i32
        %add3A_743 = arith.addi %mul3A_570, %add3A_742 : i32
        %get3A_744 = arith.constant 1 : i32
        %get3A_745 = arith.constant 3 : i32
        %get3A_746 = arith.index_cast %get3A_744 : i32 to index
        %get3A_747 = arith.index_cast %get3A_745 : i32 to index
        %get3A_748 = arith.index_cast %add3A_743 : i32 to index
        %get3A_749 = tpu.vector_load %arg11[%get3A_746, %get3A_747, %get3A_748] {strides = array<i32>} : memref<2x4x2048xf32, #tpu.memory_space<vmem>>, vector<1x1x16xf32>,
        %get3A_750 = vector.shape_cast %get3A_749 : vector<1x1x16xf32> to vector<16xf32>
        %get3A_751 = arith.constant 1 : i32
        %get3A_752 = arith.constant 3 : i32
        %get3A_753 = arith.index_cast %get3A_751 : i32 to index
        %get3A_754 = arith.index_cast %get3A_752 : i32 to index
        %get3A_755 = arith.index_cast %add3A_743 : i32 to index
        %get3A_756 = tpu.vector_load %arg12[%get3A_753, %get3A_754, %get3A_755] {strides = array<i32>} : memref<2x4x2048xf32, #tpu.memory_space<vmem>>, vector<1x1x16xf32>,
        %get3A_757 = vector.shape_cast %get3A_756 : vector<1x1x16xf32> to vector<16xf32>
        %mul3A_758 = arith.mulf %get3A_750, %get3A_757 : vector<16xf32>
        %get3A_759 = arith.constant 1 : i32
        %get3A_760 = arith.constant 3 : i32
        %get3A_761 = arith.constant 0 : i32
        %get3A_762 = arith.index_cast %get3A_759 : i32 to index
        %get3A_763 = arith.index_cast %get3A_760 : i32 to index
        %get3A_764 = arith.index_cast %get3A_761 : i32 to index
        %get3A_765 = arith.index_cast %add3A_743 : i32 to index
        %get3A_766 = tpu.vector_load %arg8[%get3A_762, %get3A_763, %get3A_764, %get3A_765] {strides = array<i32>} : memref<2x4x2x2048xf32, #tpu.memory_space<vmem>>, vector<1x1x1x16xf32>,
        %get3A_767 = vector.shape_cast %get3A_766 : vector<1x1x1x16xf32> to vector<16xf32>
        %get3A_768 = arith.constant 1 : i32
        %get3A_769 = arith.constant 3 : i32
        %get3A_770 = arith.constant 1 : i32
        %get3A_771 = arith.index_cast %get3A_768 : i32 to index
        %get3A_772 = arith.index_cast %get3A_769 : i32 to index
        %get3A_773 = arith.index_cast %get3A_770 : i32 to index
        %get3A_774 = arith.index_cast %add3A_743 : i32 to index
        %get3A_775 = tpu.vector_load %arg8[%get3A_771, %get3A_772, %get3A_773, %get3A_774] {strides = array<i32>} : memref<2x4x2x2048xf32, #tpu.memory_space<vmem>>, vector<1x1x1x16xf32>,
        %get3A_776 = vector.shape_cast %get3A_775 : vector<1x1x1x16xf32> to vector<16xf32>
        %get3A_777 = arith.constant 1 : i32
        %get3A_778 = arith.constant 3 : i32
        %get3A_779 = arith.index_cast %get3A_777 : i32 to index
        %get3A_780 = arith.index_cast %get3A_778 : i32 to index
        %get3A_781 = arith.index_cast %add3A_743 : i32 to index
        %get3A_782 = tpu.vector_load %arg9[%get3A_779, %get3A_780, %get3A_781] {strides = array<i32>} : memref<2x4x2048xf32, #tpu.memory_space<vmem>>, vector<1x1x16xf32>,
        %get3A_783 = vector.shape_cast %get3A_782 : vector<1x1x16xf32> to vector<16xf32>
        %get3A_784 = arith.constant 1 : i32
        %get3A_785 = arith.constant 3 : i32
        %get3A_786 = arith.index_cast %get3A_784 : i32 to index
        %get3A_787 = arith.index_cast %get3A_785 : i32 to index
        %get3A_788 = arith.index_cast %add3A_743 : i32 to index
        %get3A_789 = tpu.vector_load %arg10[%get3A_786, %get3A_787, %get3A_788] {strides = array<i32>} : memref<2x4x2048xf32, #tpu.memory_space<vmem>>, vector<1x1x16xf32>,
        %get3A_790 = vector.shape_cast %get3A_789 : vector<1x1x16xf32> to vector<16xf32>
        %add3A_791 = arith.addf %get3A_767, %get3A_776 : vector<16xf32>
        %sub3A_792 = arith.subf %get3A_783, %get3A_790 : vector<16xf32>
        %mul3A_793 = arith.mulf %get3A_767, %get3A_757 : vector<16xf32>
        %mul3A_794 = arith.mulf %get3A_790, %get3A_757 : vector<16xf32>
        %mul3A_795 = arith.mulf %add3A_791, %get3A_750 : vector<16xf32>
        %mul3A_796 = arith.mulf %get3A_783, %get3A_750 : vector<16xf32>
        %mul3A_797 = arith.mulf %get3A_776, %mul3A_758 : vector<16xf32>
        %mul3A_798 = arith.mulf %sub3A_792, %mul3A_758 : vector<16xf32>
        %add3A_799 = arith.addf %add3A_712, %get3A_757 : vector<16xf32>
        %add3A_800 = arith.addf %add3A_713, %mul3A_793 : vector<16xf32>
        %add3A_801 = arith.addf %add3A_714, %mul3A_794 : vector<16xf32>
        %mul3A_802 = arith.mulf %mul3A_793, %mul3A_794 : vector<16xf32>
        %add3A_803 = arith.addf %add3A_716, %mul3A_802 : vector<16xf32>
        %mul3A_804 = arith.mulf %mul3A_793, %mul3A_793 : vector<16xf32>
        %add3A_805 = arith.addf %add3A_718, %mul3A_804 : vector<16xf32>
        %mul3A_806 = arith.mulf %mul3A_794, %mul3A_794 : vector<16xf32>
        %add3A_807 = arith.addf %add3A_720, %mul3A_806 : vector<16xf32>
        %add3A_808 = arith.addf %add3A_721, %get3A_750 : vector<16xf32>
        %add3A_809 = arith.addf %add3A_722, %mul3A_795 : vector<16xf32>
        %add3A_810 = arith.addf %add3A_723, %mul3A_796 : vector<16xf32>
        %mul3A_811 = arith.mulf %mul3A_795, %mul3A_796 : vector<16xf32>
        %add3A_812 = arith.addf %add3A_725, %mul3A_811 : vector<16xf32>
        %mul3A_813 = arith.mulf %mul3A_795, %mul3A_795 : vector<16xf32>
        %add3A_814 = arith.addf %add3A_727, %mul3A_813 : vector<16xf32>
        %mul3A_815 = arith.mulf %mul3A_796, %mul3A_796 : vector<16xf32>
        %add3A_816 = arith.addf %add3A_729, %mul3A_815 : vector<16xf32>
        %sub3A_817 = arith.subf %mul3A_795, %mul3A_796 : vector<16xf32>
        %abs3A_818 = math.absf %sub3A_817 : vector<16xf32>
        %add3A_819 = arith.addf %add3A_732, %abs3A_818 : vector<16xf32>
        %add3A_820 = arith.addf %add3A_733, %mul3A_758 : vector<16xf32>
        %add3A_821 = arith.addf %add3A_734, %mul3A_797 : vector<16xf32>
        %add3A_822 = arith.addf %add3A_735, %mul3A_798 : vector<16xf32>
        %mul3A_823 = arith.mulf %mul3A_797, %mul3A_798 : vector<16xf32>
        %add3A_824 = arith.addf %add3A_737, %mul3A_823 : vector<16xf32>
        %mul3A_825 = arith.mulf %mul3A_797, %mul3A_797 : vector<16xf32>
        %add3A_826 = arith.addf %add3A_739, %mul3A_825 : vector<16xf32>
        %mul3A_827 = arith.mulf %mul3A_798, %mul3A_798 : vector<16xf32>
        %add3A_828 = arith.addf %add3A_741, %mul3A_827 : vector<16xf32>
        %add3A_829 = arith.constant 48 : i32
        %add3A_830 = arith.addi %mul3A_570, %add3A_829 : i32
        %get3A_831 = arith.constant 1 : i32
        %get3A_832 = arith.constant 3 : i32
        %get3A_833 = arith.index_cast %get3A_831 : i32 to index
        %get3A_834 = arith.index_cast %get3A_832 : i32 to index
        %get3A_835 = arith.index_cast %add3A_830 : i32 to index
        %get3A_836 = tpu.vector_load %arg11[%get3A_833, %get3A_834, %get3A_835] {strides = array<i32>} : memref<2x4x2048xf32, #tpu.memory_space<vmem>>, vector<1x1x16xf32>,
        %get3A_837 = vector.shape_cast %get3A_836 : vector<1x1x16xf32> to vector<16xf32>
        %get3A_838 = arith.constant 1 : i32
        %get3A_839 = arith.constant 3 : i32
        %get3A_840 = arith.index_cast %get3A_838 : i32 to index
        %get3A_841 = arith.index_cast %get3A_839 : i32 to index
        %get3A_842 = arith.index_cast %add3A_830 : i32 to index
        %get3A_843 = tpu.vector_load %arg12[%get3A_840, %get3A_841, %get3A_842] {strides = array<i32>} : memref<2x4x2048xf32, #tpu.memory_space<vmem>>, vector<1x1x16xf32>,
        %get3A_844 = vector.shape_cast %get3A_843 : vector<1x1x16xf32> to vector<16xf32>
        %mul3A_845 = arith.mulf %get3A_837, %get3A_844 : vector<16xf32>
        %get3A_846 = arith.constant 1 : i32
        %get3A_847 = arith.constant 3 : i32
        %get3A_848 = arith.constant 0 : i32
        %get3A_849 = arith.index_cast %get3A_846 : i32 to index
        %get3A_850 = arith.index_cast %get3A_847 : i32 to index
        %get3A_851 = arith.index_cast %get3A_848 : i32 to index
        %get3A_852 = arith.index_cast %add3A_830 : i32 to index
        %get3A_853 = tpu.vector_load %arg8[%get3A_849, %get3A_850, %get3A_851, %get3A_852] {strides = array<i32>} : memref<2x4x2x2048xf32, #tpu.memory_space<vmem>>, vector<1x1x1x16xf32>,
        %get3A_854 = vector.shape_cast %get3A_853 : vector<1x1x1x16xf32> to vector<16xf32>
        %get3A_855 = arith.constant 1 : i32
        %get3A_856 = arith.constant 3 : i32
        %get3A_857 = arith.constant 1 : i32
        %get3A_858 = arith.index_cast %get3A_855 : i32 to index
        %get3A_859 = arith.index_cast %get3A_856 : i32 to index
        %get3A_860 = arith.index_cast %get3A_857 : i32 to index
        %get3A_861 = arith.index_cast %add3A_830 : i32 to index
        %get3A_862 = tpu.vector_load %arg8[%get3A_858, %get3A_859, %get3A_860, %get3A_861] {strides = array<i32>} : memref<2x4x2x2048xf32, #tpu.memory_space<vmem>>, vector<1x1x1x16xf32>,
        %get3A_863 = vector.shape_cast %get3A_862 : vector<1x1x1x16xf32> to vector<16xf32>
        %get3A_864 = arith.constant 1 : i32
        %get3A_865 = arith.constant 3 : i32
        %get3A_866 = arith.index_cast %get3A_864 : i32 to index
        %get3A_867 = arith.index_cast %get3A_865 : i32 to index
        %get3A_868 = arith.index_cast %add3A_830 : i32 to index
        %get3A_869 = tpu.vector_load %arg9[%get3A_866, %get3A_867, %get3A_868] {strides = array<i32>} : memref<2x4x2048xf32, #tpu.memory_space<vmem>>, vector<1x1x16xf32>,
        %get3A_870 = vector.shape_cast %get3A_869 : vector<1x1x16xf32> to vector<16xf32>
        %get3A_871 = arith.constant 1 : i32
        %get3A_872 = arith.constant 3 : i32
        %get3A_873 = arith.index_cast %get3A_871 : i32 to index
        %get3A_874 = arith.index_cast %get3A_872 : i32 to index
        %get3A_875 = arith.index_cast %add3A_830 : i32 to index
        %get3A_876 = tpu.vector_load %arg10[%get3A_873, %get3A_874, %get3A_875] {strides = array<i32>} : memref<2x4x2048xf32, #tpu.memory_space<vmem>>, vector<1x1x16xf32>,
        %get3A_877 = vector.shape_cast %get3A_876 : vector<1x1x16xf32> to vector<16xf32>
        %add3A_878 = arith.addf %get3A_854, %get3A_863 : vector<16xf32>
        %sub3A_879 = arith.subf %get3A_870, %get3A_877 : vector<16xf32>
        %mul3A_880 = arith.mulf %get3A_854, %get3A_844 : vector<16xf32>
        %mul3A_881 = arith.mulf %get3A_877, %get3A_844 : vector<16xf32>
        %mul3A_882 = arith.mulf %add3A_878, %get3A_837 : vector<16xf32>
        %mul3A_883 = arith.mulf %get3A_870, %get3A_837 : vector<16xf32>
        %mul3A_884 = arith.mulf %get3A_863, %mul3A_845 : vector<16xf32>
        %mul3A_885 = arith.mulf %sub3A_879, %mul3A_845 : vector<16xf32>
        %add3A_886 = arith.addf %add3A_799, %get3A_844 : vector<16xf32>
        %add3A_887 = arith.addf %add3A_800, %mul3A_880 : vector<16xf32>
        %add3A_888 = arith.addf %add3A_801, %mul3A_881 : vector<16xf32>
        %mul3A_889 = arith.mulf %mul3A_880, %mul3A_881 : vector<16xf32>
        %add3A_890 = arith.addf %add3A_803, %mul3A_889 : vector<16xf32>
        %mul3A_891 = arith.mulf %mul3A_880, %mul3A_880 : vector<16xf32>
        %add3A_892 = arith.addf %add3A_805, %mul3A_891 : vector<16xf32>
        %mul3A_893 = arith.mulf %mul3A_881, %mul3A_881 : vector<16xf32>
        %add3A_894 = arith.addf %add3A_807, %mul3A_893 : vector<16xf32>
        %add3A_895 = arith.addf %add3A_808, %get3A_837 : vector<16xf32>
        %add3A_896 = arith.addf %add3A_809, %mul3A_882 : vector<16xf32>
        %add3A_897 = arith.addf %add3A_810, %mul3A_883 : vector<16xf32>
        %mul3A_898 = arith.mulf %mul3A_882, %mul3A_883 : vector<16xf32>
        %add3A_899 = arith.addf %add3A_812, %mul3A_898 : vector<16xf32>
        %mul3A_900 = arith.mulf %mul3A_882, %mul3A_882 : vector<16xf32>
        %add3A_901 = arith.addf %add3A_814, %mul3A_900 : vector<16xf32>
        %mul3A_902 = arith.mulf %mul3A_883, %mul3A_883 : vector<16xf32>
        %add3A_903 = arith.addf %add3A_816, %mul3A_902 : vector<16xf32>
        %sub3A_904 = arith.subf %mul3A_882, %mul3A_883 : vector<16xf32>
        %abs3A_905 = math.absf %sub3A_904 : vector<16xf32>
        %add3A_906 = arith.addf %add3A_819, %abs3A_905 : vector<16xf32>
        %add3A_907 = arith.addf %add3A_820, %mul3A_845 : vector<16xf32>
        %add3A_908 = arith.addf %add3A_821, %mul3A_884 : vector<16xf32>
        %add3A_909 = arith.addf %add3A_822, %mul3A_885 : vector<16xf32>
        %mul3A_910 = arith.mulf %mul3A_884, %mul3A_885 : vector<16xf32>
        %add3A_911 = arith.addf %add3A_824, %mul3A_910 : vector<16xf32>
        %mul3A_912 = arith.mulf %mul3A_884, %mul3A_884 : vector<16xf32>
        %add3A_913 = arith.addf %add3A_826, %mul3A_912 : vector<16xf32>
        %mul3A_914 = arith.mulf %mul3A_885, %mul3A_885 : vector<16xf32>
        %add3A_915 = arith.addf %add3A_828, %mul3A_914 : vector<16xf32>
        scf.yield %add3A_886, %add3A_887, %add3A_888, %add3A_890, %add3A_892, %add3A_894, %add3A_895, %add3A_896, %add3A_897, %add3A_899, %add3A_901, %add3A_903, %add3A_906, %add3A_907, %add3A_908, %add3A_909, %add3A_911, %add3A_913, %add3A_915 : vector<16xf32>, vector<16xf32>, vector<16xf32>, vector<16xf32>, vector<16xf32>, vector<16xf32>, vector<16xf32>, vector<16xf32>, vector<16xf32>, vector<16xf32>, vector<16xf32>, vector<16xf32>, vector<16xf32>, vector<16xf32>, vector<16xf32>, vector<16xf32>, vector<16xf32>, vector<16xf32>, vector<16xf32>
      }
      %scan3A_541 = arith.constant 32 : i32
      %add3A_542 = arith.constant 3 : i32
      %add3A_543 = arith.addi %mul3A_322, %add3A_542 : i32
      %lt3A_544 = arith.constant 16 : i32
      %lt3A_545 = arith.cmpi slt, %add3A_543, %lt3A_544 : i32
      %convert_element_type3A_546 = arith.extui %lt3A_545 : i1 to i32
      %cond3A_547 = arith.constant 0 : i32
      %cond3A_548 = arith.cmpi ne, %convert_element_type3A_546, %cond3A_547 : i32
      scf.if %cond3A_548 {
        %add3A_549 = arith.constant 3 : i32
        %add3A_550 = arith.addi %mul3A_322, %add3A_549 : i32
        %mul3A_551 = arith.constant 4 : i32
        %mul3A_552 = arith.muli %add3A_550, %mul3A_551 : i32
        %add3A_553 = arith.addi %add3A_4, %mul3A_552 : i32
        %mul3A_554 = arith.constant 4 : i32
        %mul3A_555 = arith.muli %add3A_550, %mul3A_554 : i32
        %add3A_556 = arith.addi %mul3A_6, %mul3A_555 : i32
        %dma_start3A_557 = arith.constant 1 : i32
        %dma_start3A_558 = arith.constant 1 : i32
        %dma_start3A_559 = arith.constant 0 : i32
        %dma_start3A_560 = arith.constant 0 : i32
        %dma_start3A_561 = arith.constant 0 : i32
        %dma_start3A_562 = tpu.memref_slice %arg8[%dma_start3A_557, %dma_start3A_559, %dma_start3A_560, %dma_start3A_561] : memref<2x4x2x2048xf32, #tpu.memory_space<vmem>> -> memref<1x4x2x2048xf32, #tpu.memory_space<vmem>>
        %dma_start3A_563 = tpu.memref_squeeze %dma_start3A_562 : memref<1x4x2x2048xf32, #tpu.memory_space<vmem>> -> memref<4x2x2048xf32, #tpu.memory_space<vmem>>
        %dma_start3A_564 = arith.constant 0 : i32
        %dma_start3A_565 = arith.constant 0 : i32
        %dma_start3A_566 = tpu.memref_slice %arg2[%add3A_553, %dma_start3A_564, %dma_start3A_565] : memref<4096x2x2048xf32, #tpu.memory_space<hbm>> -> memref<4x2x2048xf32, #tpu.memory_space<hbm>>
        %dma_start3A_567 = tpu.memref_slice %arg14[%dma_start3A_558] : memref<2x!tpu.dma_semaphore, #tpu.memory_space<semaphore_mem>> -> memref<1x!tpu.dma_semaphore, #tpu.memory_space<semaphore_mem>>
        %dma_start3A_568 = tpu.memref_squeeze %dma_start3A_567 : memref<1x!tpu.dma_semaphore, #tpu.memory_space<semaphore_mem>> -> memref<!tpu.dma_semaphore, #tpu.memory_space<semaphore_mem>>
        %dma_start3A_569 = arith.constant 0 : i32
        %dma_start3A_570 = arith.constant 0 : i32
        %dma_start3A_571 = arith.constant 0 : i32
        %dma_start3A_572 = tpu.memref_slice %arg8[%dma_start3A_557, %dma_start3A_569, %dma_start3A_570, %dma_start3A_571] : memref<2x4x2x2048xf32, #tpu.memory_space<vmem>> -> memref<1x4x2x2048xf32, #tpu.memory_space<vmem>>
        %dma_start3A_573 = tpu.memref_squeeze %dma_start3A_572 : memref<1x4x2x2048xf32, #tpu.memory_space<vmem>> -> memref<4x2x2048xf32, #tpu.memory_space<vmem>>
        %dma_start3A_574 = arith.constant 0 : i32
        %dma_start3A_575 = arith.constant 0 : i32
        %dma_start3A_576 = tpu.memref_slice %arg2[%add3A_553, %dma_start3A_574, %dma_start3A_575] : memref<4096x2x2048xf32, #tpu.memory_space<hbm>> -> memref<4x2x2048xf32, #tpu.memory_space<hbm>>
        tpu.enqueue_dma source(%dma_start3A_576 : memref<4x2x2048xf32, #tpu.memory_space<hbm>>) target(%dma_start3A_573 : memref<4x2x2048xf32, #tpu.memory_space<vmem>>) target_semaphore(%dma_start3A_568 : memref<!tpu.dma_semaphore, #tpu.memory_space<semaphore_mem>>)
        %dma_start3A_577 = arith.constant 1 : i32
        %dma_start3A_578 = arith.constant 1 : i32
        %dma_start3A_579 = arith.constant 0 : i32
        %dma_start3A_580 = arith.constant 0 : i32
        %dma_start3A_581 = tpu.memref_slice %arg9[%dma_start3A_577, %dma_start3A_579, %dma_start3A_580] : memref<2x4x2048xf32, #tpu.memory_space<vmem>> -> memref<1x4x2048xf32, #tpu.memory_space<vmem>>
        %dma_start3A_582 = tpu.memref_squeeze %dma_start3A_581 : memref<1x4x2048xf32, #tpu.memory_space<vmem>> -> memref<4x2048xf32, #tpu.memory_space<vmem>>
        %dma_start3A_583 = arith.constant 0 : i32
        %dma_start3A_584 = tpu.memref_slice %arg3[%add3A_553, %dma_start3A_583] : memref<4096x2048xf32, #tpu.memory_space<hbm>> -> memref<4x2048xf32, #tpu.memory_space<hbm>>
        %dma_start3A_585 = tpu.memref_slice %arg14[%dma_start3A_578] : memref<2x!tpu.dma_semaphore, #tpu.memory_space<semaphore_mem>> -> memref<1x!tpu.dma_semaphore, #tpu.memory_space<semaphore_mem>>
        %dma_start3A_586 = tpu.memref_squeeze %dma_start3A_585 : memref<1x!tpu.dma_semaphore, #tpu.memory_space<semaphore_mem>> -> memref<!tpu.dma_semaphore, #tpu.memory_space<semaphore_mem>>
        %dma_start3A_587 = arith.constant 0 : i32
        %dma_start3A_588 = arith.constant 0 : i32
        %dma_start3A_589 = tpu.memref_slice %arg9[%dma_start3A_577, %dma_start3A_587, %dma_start3A_588] : memref<2x4x2048xf32, #tpu.memory_space<vmem>> -> memref<1x4x2048xf32, #tpu.memory_space<vmem>>
        %dma_start3A_590 = tpu.memref_squeeze %dma_start3A_589 : memref<1x4x2048xf32, #tpu.memory_space<vmem>> -> memref<4x2048xf32, #tpu.memory_space<vmem>>
        %dma_start3A_591 = arith.constant 0 : i32
        %dma_start3A_592 = tpu.memref_slice %arg3[%add3A_553, %dma_start3A_591] : memref<4096x2048xf32, #tpu.memory_space<hbm>> -> memref<4x2048xf32, #tpu.memory_space<hbm>>
        tpu.enqueue_dma source(%dma_start3A_592 : memref<4x2048xf32, #tpu.memory_space<hbm>>) target(%dma_start3A_590 : memref<4x2048xf32, #tpu.memory_space<vmem>>) target_semaphore(%dma_start3A_586 : memref<!tpu.dma_semaphore, #tpu.memory_space<semaphore_mem>>)
        %dma_start3A_593 = arith.constant 1 : i32
        %dma_start3A_594 = arith.constant 1 : i32
        %dma_start3A_595 = arith.constant 0 : i32
        %dma_start3A_596 = arith.constant 0 : i32
        %dma_start3A_597 = tpu.memref_slice %arg10[%dma_start3A_593, %dma_start3A_595, %dma_start3A_596] : memref<2x4x2048xf32, #tpu.memory_space<vmem>> -> memref<1x4x2048xf32, #tpu.memory_space<vmem>>
        %dma_start3A_598 = tpu.memref_squeeze %dma_start3A_597 : memref<1x4x2048xf32, #tpu.memory_space<vmem>> -> memref<4x2048xf32, #tpu.memory_space<vmem>>
        %dma_start3A_599 = arith.constant 0 : i32
        %dma_start3A_600 = tpu.memref_slice %arg4[%add3A_553, %dma_start3A_599] : memref<4096x2048xf32, #tpu.memory_space<hbm>> -> memref<4x2048xf32, #tpu.memory_space<hbm>>
        %dma_start3A_601 = tpu.memref_slice %arg14[%dma_start3A_594] : memref<2x!tpu.dma_semaphore, #tpu.memory_space<semaphore_mem>> -> memref<1x!tpu.dma_semaphore, #tpu.memory_space<semaphore_mem>>
        %dma_start3A_602 = tpu.memref_squeeze %dma_start3A_601 : memref<1x!tpu.dma_semaphore, #tpu.memory_space<semaphore_mem>> -> memref<!tpu.dma_semaphore, #tpu.memory_space<semaphore_mem>>
        %dma_start3A_603 = arith.constant 0 : i32
        %dma_start3A_604 = arith.constant 0 : i32
        %dma_start3A_605 = tpu.memref_slice %arg10[%dma_start3A_593, %dma_start3A_603, %dma_start3A_604] : memref<2x4x2048xf32, #tpu.memory_space<vmem>> -> memref<1x4x2048xf32, #tpu.memory_space<vmem>>
        %dma_start3A_606 = tpu.memref_squeeze %dma_start3A_605 : memref<1x4x2048xf32, #tpu.memory_space<vmem>> -> memref<4x2048xf32, #tpu.memory_space<vmem>>
        %dma_start3A_607 = arith.constant 0 : i32
        %dma_start3A_608 = tpu.memref_slice %arg4[%add3A_553, %dma_start3A_607] : memref<4096x2048xf32, #tpu.memory_space<hbm>> -> memref<4x2048xf32, #tpu.memory_space<hbm>>
        tpu.enqueue_dma source(%dma_start3A_608 : memref<4x2048xf32, #tpu.memory_space<hbm>>) target(%dma_start3A_606 : memref<4x2048xf32, #tpu.memory_space<vmem>>) target_semaphore(%dma_start3A_602 : memref<!tpu.dma_semaphore, #tpu.memory_space<semaphore_mem>>)
        %dma_start3A_609 = arith.constant 1 : i32
        %dma_start3A_610 = arith.constant 1 : i32
        %dma_start3A_611 = arith.constant 0 : i32
        %dma_start3A_612 = arith.constant 0 : i32
        %dma_start3A_613 = tpu.memref_slice %arg11[%dma_start3A_609, %dma_start3A_611, %dma_start3A_612] : memref<2x4x2048xf32, #tpu.memory_space<vmem>> -> memref<1x4x2048xf32, #tpu.memory_space<vmem>>
        %dma_start3A_614 = tpu.memref_squeeze %dma_start3A_613 : memref<1x4x2048xf32, #tpu.memory_space<vmem>> -> memref<4x2048xf32, #tpu.memory_space<vmem>>
        %dma_start3A_615 = arith.constant 0 : i32
        %dma_start3A_616 = tpu.memref_slice %arg5[%add3A_556, %dma_start3A_615] : memref<2048x2048xf32, #tpu.memory_space<hbm>> -> memref<4x2048xf32, #tpu.memory_space<hbm>>
        %dma_start3A_617 = tpu.memref_slice %arg14[%dma_start3A_610] : memref<2x!tpu.dma_semaphore, #tpu.memory_space<semaphore_mem>> -> memref<1x!tpu.dma_semaphore, #tpu.memory_space<semaphore_mem>>
        %dma_start3A_618 = tpu.memref_squeeze %dma_start3A_617 : memref<1x!tpu.dma_semaphore, #tpu.memory_space<semaphore_mem>> -> memref<!tpu.dma_semaphore, #tpu.memory_space<semaphore_mem>>
        %dma_start3A_619 = arith.constant 0 : i32
        %dma_start3A_620 = arith.constant 0 : i32
        %dma_start3A_621 = tpu.memref_slice %arg11[%dma_start3A_609, %dma_start3A_619, %dma_start3A_620] : memref<2x4x2048xf32, #tpu.memory_space<vmem>> -> memref<1x4x2048xf32, #tpu.memory_space<vmem>>
        %dma_start3A_622 = tpu.memref_squeeze %dma_start3A_621 : memref<1x4x2048xf32, #tpu.memory_space<vmem>> -> memref<4x2048xf32, #tpu.memory_space<vmem>>
        %dma_start3A_623 = arith.constant 0 : i32
        %dma_start3A_624 = tpu.memref_slice %arg5[%add3A_556, %dma_start3A_623] : memref<2048x2048xf32, #tpu.memory_space<hbm>> -> memref<4x2048xf32, #tpu.memory_space<hbm>>
        tpu.enqueue_dma source(%dma_start3A_624 : memref<4x2048xf32, #tpu.memory_space<hbm>>) target(%dma_start3A_622 : memref<4x2048xf32, #tpu.memory_space<vmem>>) target_semaphore(%dma_start3A_618 : memref<!tpu.dma_semaphore, #tpu.memory_space<semaphore_mem>>)
        %dma_start3A_625 = arith.constant 1 : i32
        %dma_start3A_626 = arith.constant 1 : i32
        %dma_start3A_627 = arith.constant 0 : i32
        %dma_start3A_628 = arith.constant 0 : i32
        %dma_start3A_629 = tpu.memref_slice %arg12[%dma_start3A_625, %dma_start3A_627, %dma_start3A_628] : memref<2x4x2048xf32, #tpu.memory_space<vmem>> -> memref<1x4x2048xf32, #tpu.memory_space<vmem>>
        %dma_start3A_630 = tpu.memref_squeeze %dma_start3A_629 : memref<1x4x2048xf32, #tpu.memory_space<vmem>> -> memref<4x2048xf32, #tpu.memory_space<vmem>>
        %dma_start3A_631 = arith.constant 0 : i32
        %dma_start3A_632 = tpu.memref_slice %arg6[%add3A_556, %dma_start3A_631] : memref<2048x2048xf32, #tpu.memory_space<hbm>> -> memref<4x2048xf32, #tpu.memory_space<hbm>>
        %dma_start3A_633 = tpu.memref_slice %arg14[%dma_start3A_626] : memref<2x!tpu.dma_semaphore, #tpu.memory_space<semaphore_mem>> -> memref<1x!tpu.dma_semaphore, #tpu.memory_space<semaphore_mem>>
        %dma_start3A_634 = tpu.memref_squeeze %dma_start3A_633 : memref<1x!tpu.dma_semaphore, #tpu.memory_space<semaphore_mem>> -> memref<!tpu.dma_semaphore, #tpu.memory_space<semaphore_mem>>
        %dma_start3A_635 = arith.constant 0 : i32
        %dma_start3A_636 = arith.constant 0 : i32
        %dma_start3A_637 = tpu.memref_slice %arg12[%dma_start3A_625, %dma_start3A_635, %dma_start3A_636] : memref<2x4x2048xf32, #tpu.memory_space<vmem>> -> memref<1x4x2048xf32, #tpu.memory_space<vmem>>
        %dma_start3A_638 = tpu.memref_squeeze %dma_start3A_637 : memref<1x4x2048xf32, #tpu.memory_space<vmem>> -> memref<4x2048xf32, #tpu.memory_space<vmem>>
        %dma_start3A_639 = arith.constant 0 : i32
        %dma_start3A_640 = tpu.memref_slice %arg6[%add3A_556, %dma_start3A_639] : memref<2048x2048xf32, #tpu.memory_space<hbm>> -> memref<4x2048xf32, #tpu.memory_space<hbm>>
        tpu.enqueue_dma source(%dma_start3A_640 : memref<4x2048xf32, #tpu.memory_space<hbm>>) target(%dma_start3A_638 : memref<4x2048xf32, #tpu.memory_space<vmem>>) target_semaphore(%dma_start3A_634 : memref<!tpu.dma_semaphore, #tpu.memory_space<semaphore_mem>>)
      } else {
      }
      scf.yield %scan3A_540#0, %scan3A_540#1, %scan3A_540#2, %scan3A_540#3, %scan3A_540#4, %scan3A_540#5, %scan3A_540#6, %scan3A_540#7, %scan3A_540#8, %scan3A_540#9, %scan3A_540#10, %scan3A_540#11, %scan3A_540#12, %scan3A_540#13, %scan3A_540#14, %scan3A_540#15, %scan3A_540#16, %scan3A_540#17, %scan3A_540#18 : vector<16xf32>, vector<16xf32>, vector<16xf32>, vector<16xf32>, vector<16xf32>, vector<16xf32>, vector<16xf32>, vector<16xf32>, vector<16xf32>, vector<16xf32>, vector<16xf32>, vector<16xf32>, vector<16xf32>, vector<16xf32>, vector<16xf32>, vector<16xf32>, vector<16xf32>, vector<16xf32>, vector<16xf32>
    }
    %scan3A_187 = arith.constant 8 : i32
    %swap3A = arith.constant 0 : i32
    %swap3A_188 = arith.index_cast %swap3A : i32 to index
    %swap3A_189 = arith.constant 0 : index
    %swap3A_190 = tpu.vector_load %arg13[%swap3A_188, %swap3A_189] {strides = array<i32>} : memref<19x16xf32, #tpu.memory_space<vmem>>, vector<1x16xf32>,
    %swap3A_191 = vector.shape_cast %swap3A_190 : vector<1x16xf32> to vector<16xf32>
    %swap3A_192 = vector.shape_cast %scan3A_186#0 : vector<16xf32> to vector<1x16xf32>
    tpu.vector_store %arg13[%swap3A_188, %swap3A_189], %swap3A_192 {strides = array<i32>} : memref<19x16xf32, #tpu.memory_space<vmem>>, vector<1x16xf32>,
    %swap3A_193 = arith.constant 1 : i32
    %swap3A_194 = arith.index_cast %swap3A_193 : i32 to index
    %swap3A_195 = arith.constant 0 : index
    %swap3A_196 = tpu.vector_load %arg13[%swap3A_194, %swap3A_195] {strides = array<i32>} : memref<19x16xf32, #tpu.memory_space<vmem>>, vector<1x16xf32>,
    %swap3A_197 = vector.shape_cast %swap3A_196 : vector<1x16xf32> to vector<16xf32>
    %swap3A_198 = vector.shape_cast %scan3A_186#1 : vector<16xf32> to vector<1x16xf32>
    tpu.vector_store %arg13[%swap3A_194, %swap3A_195], %swap3A_198 {strides = array<i32>} : memref<19x16xf32, #tpu.memory_space<vmem>>, vector<1x16xf32>,
    %swap3A_199 = arith.constant 2 : i32
    %swap3A_200 = arith.index_cast %swap3A_199 : i32 to index
    %swap3A_201 = arith.constant 0 : index
    %swap3A_202 = tpu.vector_load %arg13[%swap3A_200, %swap3A_201] {strides = array<i32>} : memref<19x16xf32, #tpu.memory_space<vmem>>, vector<1x16xf32>,
    %swap3A_203 = vector.shape_cast %swap3A_202 : vector<1x16xf32> to vector<16xf32>
    %swap3A_204 = vector.shape_cast %scan3A_186#2 : vector<16xf32> to vector<1x16xf32>
    tpu.vector_store %arg13[%swap3A_200, %swap3A_201], %swap3A_204 {strides = array<i32>} : memref<19x16xf32, #tpu.memory_space<vmem>>, vector<1x16xf32>,
    %swap3A_205 = arith.constant 3 : i32
    %swap3A_206 = arith.index_cast %swap3A_205 : i32 to index
    %swap3A_207 = arith.constant 0 : index
    %swap3A_208 = tpu.vector_load %arg13[%swap3A_206, %swap3A_207] {strides = array<i32>} : memref<19x16xf32, #tpu.memory_space<vmem>>, vector<1x16xf32>,
    %swap3A_209 = vector.shape_cast %swap3A_208 : vector<1x16xf32> to vector<16xf32>
    %swap3A_210 = vector.shape_cast %scan3A_186#3 : vector<16xf32> to vector<1x16xf32>
    tpu.vector_store %arg13[%swap3A_206, %swap3A_207], %swap3A_210 {strides = array<i32>} : memref<19x16xf32, #tpu.memory_space<vmem>>, vector<1x16xf32>,
    %swap3A_211 = arith.constant 4 : i32
    %swap3A_212 = arith.index_cast %swap3A_211 : i32 to index
    %swap3A_213 = arith.constant 0 : index
    %swap3A_214 = tpu.vector_load %arg13[%swap3A_212, %swap3A_213] {strides = array<i32>} : memref<19x16xf32, #tpu.memory_space<vmem>>, vector<1x16xf32>,
    %swap3A_215 = vector.shape_cast %swap3A_214 : vector<1x16xf32> to vector<16xf32>
    %swap3A_216 = vector.shape_cast %scan3A_186#4 : vector<16xf32> to vector<1x16xf32>
    tpu.vector_store %arg13[%swap3A_212, %swap3A_213], %swap3A_216 {strides = array<i32>} : memref<19x16xf32, #tpu.memory_space<vmem>>, vector<1x16xf32>,
    %swap3A_217 = arith.constant 5 : i32
    %swap3A_218 = arith.index_cast %swap3A_217 : i32 to index
    %swap3A_219 = arith.constant 0 : index
    %swap3A_220 = tpu.vector_load %arg13[%swap3A_218, %swap3A_219] {strides = array<i32>} : memref<19x16xf32, #tpu.memory_space<vmem>>, vector<1x16xf32>,
    %swap3A_221 = vector.shape_cast %swap3A_220 : vector<1x16xf32> to vector<16xf32>
    %swap3A_222 = vector.shape_cast %scan3A_186#5 : vector<16xf32> to vector<1x16xf32>
    tpu.vector_store %arg13[%swap3A_218, %swap3A_219], %swap3A_222 {strides = array<i32>} : memref<19x16xf32, #tpu.memory_space<vmem>>, vector<1x16xf32>,
    %swap3A_223 = arith.constant 6 : i32
    %swap3A_224 = arith.index_cast %swap3A_223 : i32 to index
    %swap3A_225 = arith.constant 0 : index
    %swap3A_226 = tpu.vector_load %arg13[%swap3A_224, %swap3A_225] {strides = array<i32>} : memref<19x16xf32, #tpu.memory_space<vmem>>, vector<1x16xf32>,
    %swap3A_227 = vector.shape_cast %swap3A_226 : vector<1x16xf32> to vector<16xf32>
    %swap3A_228 = vector.shape_cast %scan3A_186#6 : vector<16xf32> to vector<1x16xf32>
    tpu.vector_store %arg13[%swap3A_224, %swap3A_225], %swap3A_228 {strides = array<i32>} : memref<19x16xf32, #tpu.memory_space<vmem>>, vector<1x16xf32>,
    %swap3A_229 = arith.constant 7 : i32
    %swap3A_230 = arith.index_cast %swap3A_229 : i32 to index
    %swap3A_231 = arith.constant 0 : index
    %swap3A_232 = tpu.vector_load %arg13[%swap3A_230, %swap3A_231] {strides = array<i32>} : memref<19x16xf32, #tpu.memory_space<vmem>>, vector<1x16xf32>,
    %swap3A_233 = vector.shape_cast %swap3A_232 : vector<1x16xf32> to vector<16xf32>
    %swap3A_234 = vector.shape_cast %scan3A_186#7 : vector<16xf32> to vector<1x16xf32>
    tpu.vector_store %arg13[%swap3A_230, %swap3A_231], %swap3A_234 {strides = array<i32>} : memref<19x16xf32, #tpu.memory_space<vmem>>, vector<1x16xf32>,
    %swap3A_235 = arith.constant 8 : i32
    %swap3A_236 = arith.index_cast %swap3A_235 : i32 to index
    %swap3A_237 = arith.constant 0 : index
    %swap3A_238 = tpu.vector_load %arg13[%swap3A_236, %swap3A_237] {strides = array<i32>} : memref<19x16xf32, #tpu.memory_space<vmem>>, vector<1x16xf32>,
    %swap3A_239 = vector.shape_cast %swap3A_238 : vector<1x16xf32> to vector<16xf32>
    %swap3A_240 = vector.shape_cast %scan3A_186#8 : vector<16xf32> to vector<1x16xf32>
    tpu.vector_store %arg13[%swap3A_236, %swap3A_237], %swap3A_240 {strides = array<i32>} : memref<19x16xf32, #tpu.memory_space<vmem>>, vector<1x16xf32>,
    %swap3A_241 = arith.constant 9 : i32
    %swap3A_242 = arith.index_cast %swap3A_241 : i32 to index
    %swap3A_243 = arith.constant 0 : index
    %swap3A_244 = tpu.vector_load %arg13[%swap3A_242, %swap3A_243] {strides = array<i32>} : memref<19x16xf32, #tpu.memory_space<vmem>>, vector<1x16xf32>,
    %swap3A_245 = vector.shape_cast %swap3A_244 : vector<1x16xf32> to vector<16xf32>
    %swap3A_246 = vector.shape_cast %scan3A_186#9 : vector<16xf32> to vector<1x16xf32>
    tpu.vector_store %arg13[%swap3A_242, %swap3A_243], %swap3A_246 {strides = array<i32>} : memref<19x16xf32, #tpu.memory_space<vmem>>, vector<1x16xf32>,
    %swap3A_247 = arith.constant 10 : i32
    %swap3A_248 = arith.index_cast %swap3A_247 : i32 to index
    %swap3A_249 = arith.constant 0 : index
    %swap3A_250 = tpu.vector_load %arg13[%swap3A_248, %swap3A_249] {strides = array<i32>} : memref<19x16xf32, #tpu.memory_space<vmem>>, vector<1x16xf32>,
    %swap3A_251 = vector.shape_cast %swap3A_250 : vector<1x16xf32> to vector<16xf32>
    %swap3A_252 = vector.shape_cast %scan3A_186#10 : vector<16xf32> to vector<1x16xf32>
    tpu.vector_store %arg13[%swap3A_248, %swap3A_249], %swap3A_252 {strides = array<i32>} : memref<19x16xf32, #tpu.memory_space<vmem>>, vector<1x16xf32>,
    %swap3A_253 = arith.constant 11 : i32
    %swap3A_254 = arith.index_cast %swap3A_253 : i32 to index
    %swap3A_255 = arith.constant 0 : index
    %swap3A_256 = tpu.vector_load %arg13[%swap3A_254, %swap3A_255] {strides = array<i32>} : memref<19x16xf32, #tpu.memory_space<vmem>>, vector<1x16xf32>,
    %swap3A_257 = vector.shape_cast %swap3A_256 : vector<1x16xf32> to vector<16xf32>
    %swap3A_258 = vector.shape_cast %scan3A_186#11 : vector<16xf32> to vector<1x16xf32>
    tpu.vector_store %arg13[%swap3A_254, %swap3A_255], %swap3A_258 {strides = array<i32>} : memref<19x16xf32, #tpu.memory_space<vmem>>, vector<1x16xf32>,
    %swap3A_259 = arith.constant 12 : i32
    %swap3A_260 = arith.index_cast %swap3A_259 : i32 to index
    %swap3A_261 = arith.constant 0 : index
    %swap3A_262 = tpu.vector_load %arg13[%swap3A_260, %swap3A_261] {strides = array<i32>} : memref<19x16xf32, #tpu.memory_space<vmem>>, vector<1x16xf32>,
    %swap3A_263 = vector.shape_cast %swap3A_262 : vector<1x16xf32> to vector<16xf32>
    %swap3A_264 = vector.shape_cast %scan3A_186#12 : vector<16xf32> to vector<1x16xf32>
    tpu.vector_store %arg13[%swap3A_260, %swap3A_261], %swap3A_264 {strides = array<i32>} : memref<19x16xf32, #tpu.memory_space<vmem>>, vector<1x16xf32>,
    %swap3A_265 = arith.constant 13 : i32
    %swap3A_266 = arith.index_cast %swap3A_265 : i32 to index
    %swap3A_267 = arith.constant 0 : index
    %swap3A_268 = tpu.vector_load %arg13[%swap3A_266, %swap3A_267] {strides = array<i32>} : memref<19x16xf32, #tpu.memory_space<vmem>>, vector<1x16xf32>,
    %swap3A_269 = vector.shape_cast %swap3A_268 : vector<1x16xf32> to vector<16xf32>
    %swap3A_270 = vector.shape_cast %scan3A_186#13 : vector<16xf32> to vector<1x16xf32>
    tpu.vector_store %arg13[%swap3A_266, %swap3A_267], %swap3A_270 {strides = array<i32>} : memref<19x16xf32, #tpu.memory_space<vmem>>, vector<1x16xf32>,
    %swap3A_271 = arith.constant 14 : i32
    %swap3A_272 = arith.index_cast %swap3A_271 : i32 to index
    %swap3A_273 = arith.constant 0 : index
    %swap3A_274 = tpu.vector_load %arg13[%swap3A_272, %swap3A_273] {strides = array<i32>} : memref<19x16xf32, #tpu.memory_space<vmem>>, vector<1x16xf32>,
    %swap3A_275 = vector.shape_cast %swap3A_274 : vector<1x16xf32> to vector<16xf32>
    %swap3A_276 = vector.shape_cast %scan3A_186#14 : vector<16xf32> to vector<1x16xf32>
    tpu.vector_store %arg13[%swap3A_272, %swap3A_273], %swap3A_276 {strides = array<i32>} : memref<19x16xf32, #tpu.memory_space<vmem>>, vector<1x16xf32>,
    %swap3A_277 = arith.constant 15 : i32
    %swap3A_278 = arith.index_cast %swap3A_277 : i32 to index
    %swap3A_279 = arith.constant 0 : index
    %swap3A_280 = tpu.vector_load %arg13[%swap3A_278, %swap3A_279] {strides = array<i32>} : memref<19x16xf32, #tpu.memory_space<vmem>>, vector<1x16xf32>,
    %swap3A_281 = vector.shape_cast %swap3A_280 : vector<1x16xf32> to vector<16xf32>
    %swap3A_282 = vector.shape_cast %scan3A_186#15 : vector<16xf32> to vector<1x16xf32>
    tpu.vector_store %arg13[%swap3A_278, %swap3A_279], %swap3A_282 {strides = array<i32>} : memref<19x16xf32, #tpu.memory_space<vmem>>, vector<1x16xf32>,
    %swap3A_283 = arith.constant 16 : i32
    %swap3A_284 = arith.index_cast %swap3A_283 : i32 to index
    %swap3A_285 = arith.constant 0 : index
    %swap3A_286 = tpu.vector_load %arg13[%swap3A_284, %swap3A_285] {strides = array<i32>} : memref<19x16xf32, #tpu.memory_space<vmem>>, vector<1x16xf32>,
    %swap3A_287 = vector.shape_cast %swap3A_286 : vector<1x16xf32> to vector<16xf32>
    %swap3A_288 = vector.shape_cast %scan3A_186#16 : vector<16xf32> to vector<1x16xf32>
    tpu.vector_store %arg13[%swap3A_284, %swap3A_285], %swap3A_288 {strides = array<i32>} : memref<19x16xf32, #tpu.memory_space<vmem>>, vector<1x16xf32>,
    %swap3A_289 = arith.constant 17 : i32
    %swap3A_290 = arith.index_cast %swap3A_289 : i32 to index
    %swap3A_291 = arith.constant 0 : index
    %swap3A_292 = tpu.vector_load %arg13[%swap3A_290, %swap3A_291] {strides = array<i32>} : memref<19x16xf32, #tpu.memory_space<vmem>>, vector<1x16xf32>,
    %swap3A_293 = vector.shape_cast %swap3A_292 : vector<1x16xf32> to vector<16xf32>
    %swap3A_294 = vector.shape_cast %scan3A_186#17 : vector<16xf32> to vector<1x16xf32>
    tpu.vector_store %arg13[%swap3A_290, %swap3A_291], %swap3A_294 {strides = array<i32>} : memref<19x16xf32, #tpu.memory_space<vmem>>, vector<1x16xf32>,
    %swap3A_295 = arith.constant 18 : i32
    %swap3A_296 = arith.index_cast %swap3A_295 : i32 to index
    %swap3A_297 = arith.constant 0 : index
    %swap3A_298 = tpu.vector_load %arg13[%swap3A_296, %swap3A_297] {strides = array<i32>} : memref<19x16xf32, #tpu.memory_space<vmem>>, vector<1x16xf32>,
    %swap3A_299 = vector.shape_cast %swap3A_298 : vector<1x16xf32> to vector<16xf32>
    %swap3A_300 = vector.shape_cast %scan3A_186#18 : vector<16xf32> to vector<1x16xf32>
    tpu.vector_store %arg13[%swap3A_296, %swap3A_297], %swap3A_300 {strides = array<i32>} : memref<19x16xf32, #tpu.memory_space<vmem>>, vector<1x16xf32>,
    "tpu.region"() ({
      %run_scoped3A = tpu.sem_alloc : memref<!tpu.dma_semaphore, #tpu.memory_space<semaphore_mem>>
      %dma_start3A_301 = arith.constant 0 : i32
      %dma_start3A_302 = arith.constant 0 : i32
      %dma_start3A_303 = tpu.memref_slice %arg7[%add3A, %dma_start3A_301, %dma_start3A_302] : memref<32x19x16xf32, #tpu.memory_space<hbm>> -> memref<1x19x16xf32, #tpu.memory_space<hbm>>
      %dma_start3A_304 = tpu.memref_squeeze %dma_start3A_303 : memref<1x19x16xf32, #tpu.memory_space<hbm>> -> memref<19x16xf32, #tpu.memory_space<hbm>>
      %dma_start3A_305 = arith.constant 0 : i32
      %dma_start3A_306 = arith.constant 0 : i32
      %dma_start3A_307 = tpu.memref_slice %arg7[%add3A, %dma_start3A_305, %dma_start3A_306] : memref<32x19x16xf32, #tpu.memory_space<hbm>> -> memref<1x19x16xf32, #tpu.memory_space<hbm>>
      %dma_start3A_308 = tpu.memref_squeeze %dma_start3A_307 : memref<1x19x16xf32, #tpu.memory_space<hbm>> -> memref<19x16xf32, #tpu.memory_space<hbm>>
      tpu.enqueue_dma source(%arg13 : memref<19x16xf32, #tpu.memory_space<vmem>>) target(%dma_start3A_308 : memref<19x16xf32, #tpu.memory_space<hbm>>) target_semaphore(%run_scoped3A : memref<!tpu.dma_semaphore, #tpu.memory_space<semaphore_mem>>)
      %dma_wait3A = arith.constant 0 : i32
      %dma_wait3A_309 = arith.constant 0 : i32
      %dma_wait3A_310 = tpu.memref_slice %arg7[%add3A, %dma_wait3A, %dma_wait3A_309] : memref<32x19x16xf32, #tpu.memory_space<hbm>> -> memref<1x19x16xf32, #tpu.memory_space<hbm>>
      %dma_wait3A_311 = tpu.memref_squeeze %dma_wait3A_310 : memref<1x19x16xf32, #tpu.memory_space<hbm>> -> memref<19x16xf32, #tpu.memory_space<hbm>>
      %dma_wait3A_312 = arith.constant 0 : i32
      %dma_wait3A_313 = arith.constant 0 : i32
      %dma_wait3A_314 = tpu.memref_slice %arg7[%add3A, %dma_wait3A_312, %dma_wait3A_313] : memref<32x19x16xf32, #tpu.memory_space<hbm>> -> memref<1x19x16xf32, #tpu.memory_space<hbm>>
      %dma_wait3A_315 = tpu.memref_squeeze %dma_wait3A_314 : memref<1x19x16xf32, #tpu.memory_space<hbm>> -> memref<19x16xf32, #tpu.memory_space<hbm>>
      tpu.wait_dma2 semaphore(%run_scoped3A : memref<!tpu.dma_semaphore, #tpu.memory_space<semaphore_mem>>) src(%arg13 : memref<19x16xf32, #tpu.memory_space<vmem>>) dst(%dma_wait3A_315 : memref<19x16xf32, #tpu.memory_space<hbm>>)
      tpu.yield
    }) : () -> ()
    return
  }
}

module attributes {stable_mosaic.version = 14 : i64} {
  func.func @_tc_body(%arg0: i32, %arg1: memref<128x2x2048xf32, #tpu.memory_space<vmem>>, %arg2: memref<128x2048xf32, #tpu.memory_space<vmem>>, %arg3: memref<128x2048xf32, #tpu.memory_space<vmem>>, %arg4: memref<128x2048xi32, #tpu.memory_space<vmem>>, %arg5: memref<128x2048xi32, #tpu.memory_space<vmem>>, %arg6: memref<19x8x128xf32, #tpu.memory_space<vmem>>, %arg7: memref<19x8x2048xf32, #tpu.memory_space<vmem>>) attributes {dimension_semantics = [#tpu.dimension_semantics<arbitrary>], iteration_bounds = array<i64: 16>, scalar_prefetch = 0 : i64, scratch_operands = 1 : i64, tpu.core_type = #tpu.core_type<tc>, window_params = [{transform_indices = @transform_0, window_bounds = array<i64: 128, 2, 2048>}, {transform_indices = @transform_1, window_bounds = array<i64: 128, 2048>}, {transform_indices = @transform_2, window_bounds = array<i64: 128, 2048>}, {transform_indices = @transform_3, window_bounds = array<i64: 128, 2048>}, {transform_indices = @transform_4, window_bounds = array<i64: 128, 2048>}, {pipeline_mode = #tpu.pipeline_mode<synchronous>, transform_indices = @transform_5, window_bounds = array<i64: 19, 8, 128>}]} {
    %eq3A = arith.constant 0 : i32
    %eq3A_0 = arith.cmpi eq, %arg0, %eq3A : i32
    %convert_element_type3A = arith.extui %eq3A_0 : i1 to i32
    %cond3A = arith.constant 0 : i32
    %cond3A_1 = arith.cmpi ne, %convert_element_type3A, %cond3A : i32
    scf.if %cond3A_1 {
      %broadcast_in_dim3A_353 = arith.constant 0.000000e+00 : f32
      %broadcast_in_dim3A_354 = vector.broadcast %broadcast_in_dim3A_353 : f32 to vector<19x8x2048xf32>
      %swap3A_355 = arith.constant 0 : index
      %swap3A_356 = arith.constant 0 : index
      %swap3A_357 = arith.constant 0 : index
      %swap3A_358 = vector.load %arg7[%swap3A_355, %swap3A_356, %swap3A_357] : memref<19x8x2048xf32, #tpu.memory_space<vmem>>, vector<19x8x2048xf32>
      tpu.vector_store %arg7[%swap3A_355, %swap3A_356, %swap3A_357], %broadcast_in_dim3A_354 {strides = array<i32>} : memref<19x8x2048xf32, #tpu.memory_space<vmem>>, vector<19x8x2048xf32>,
    } else {
    }
    %get3A = arith.constant 0 : index
    %get3A_2 = arith.constant 0 : index
    %get3A_3 = arith.constant 0 : index
    %get3A_4 = vector.load %arg1[%get3A, %get3A_2, %get3A_3] : memref<128x2x2048xf32, #tpu.memory_space<vmem>>, vector<128x1x2048xf32>
    %get3A_5 = vector.shape_cast %get3A_4 : vector<128x1x2048xf32> to vector<128x2048xf32>
    %get3A_6 = arith.constant 0 : index
    %get3A_7 = arith.constant 1 : index
    %get3A_8 = arith.constant 0 : index
    %get3A_9 = vector.load %arg1[%get3A_6, %get3A_7, %get3A_8] : memref<128x2x2048xf32, #tpu.memory_space<vmem>>, vector<128x1x2048xf32>
    %get3A_10 = vector.shape_cast %get3A_9 : vector<128x1x2048xf32> to vector<128x2048xf32>
    %get3A_11 = arith.constant 0 : index
    %get3A_12 = arith.constant 0 : index
    %get3A_13 = vector.load %arg2[%get3A_11, %get3A_12] : memref<128x2048xf32, #tpu.memory_space<vmem>>, vector<128x2048xf32>
    %get3A_14 = arith.constant 0 : index
    %get3A_15 = arith.constant 0 : index
    %get3A_16 = vector.load %arg3[%get3A_14, %get3A_15] : memref<128x2048xf32, #tpu.memory_space<vmem>>, vector<128x2048xf32>
    %get3A_17 = arith.constant 0 : index
    %get3A_18 = arith.constant 0 : index
    %get3A_19 = vector.load %arg4[%get3A_17, %get3A_18] : memref<128x2048xi32, #tpu.memory_space<vmem>>, vector<128x2048xi32>
    %get3A_20 = arith.constant dense<0> : vector<128x2048xi32>
    %get3A_21 = arith.cmpi ne, %get3A_19, %get3A_20 : vector<128x2048xi32>
    %get3A_22 = arith.constant 0 : index
    %get3A_23 = arith.constant 0 : index
    %get3A_24 = vector.load %arg5[%get3A_22, %get3A_23] : memref<128x2048xi32, #tpu.memory_space<vmem>>, vector<128x2048xi32>
    %get3A_25 = arith.constant dense<0> : vector<128x2048xi32>
    %get3A_26 = arith.cmpi ne, %get3A_24, %get3A_25 : vector<128x2048xi32>
    %and3A = arith.andi %get3A_21, %get3A_26 : vector<128x2048xi1>
    %add3A = arith.addf %get3A_5, %get3A_10 : vector<128x2048xf32>
    %sub3A = arith.subf %get3A_13, %get3A_16 : vector<128x2048xf32>
    %jit3A = arith.constant 0.000000e+00 : f32
    %broadcast_in_dim3A = vector.broadcast %jit3A : f32 to vector<128x2048xf32>
    %select_n3A = arith.select %get3A_26, %get3A_5, %broadcast_in_dim3A : vector<128x2048xi1>, vector<128x2048xf32>
    %jit3A_27 = arith.constant 0.000000e+00 : f32
    %broadcast_in_dim3A_28 = vector.broadcast %jit3A_27 : f32 to vector<128x2048xf32>
    %select_n3A_29 = arith.select %get3A_26, %get3A_16, %broadcast_in_dim3A_28 : vector<128x2048xi1>, vector<128x2048xf32>
    %get3A_30 = arith.constant 0 : index
    %get3A_31 = arith.constant 0 : index
    %get3A_32 = arith.constant 0 : index
    %get3A_33 = vector.load %arg7[%get3A_30, %get3A_31, %get3A_32] : memref<19x8x2048xf32, #tpu.memory_space<vmem>>, vector<1x8x2048xf32>
    %get3A_34 = vector.shape_cast %get3A_33 : vector<1x8x2048xf32> to vector<8x2048xf32>
    %jit3A_35 = arith.constant 1.000000e+00 : f32
    %jit3A_36 = arith.constant 0.000000e+00 : f32
    %broadcast_in_dim3A_37 = vector.broadcast %jit3A_35 : f32 to vector<128x2048xf32>
    %broadcast_in_dim3A_38 = vector.broadcast %jit3A_36 : f32 to vector<128x2048xf32>
    %select_n3A_39 = arith.select %get3A_26, %broadcast_in_dim3A_37, %broadcast_in_dim3A_38 : vector<128x2048xi1>, vector<128x2048xf32>
    %reshape3A = vector.shape_cast %select_n3A_39 : vector<128x2048xf32> to vector<16x8x2048xf32>
    %reduce_sum3A = arith.constant dense<0.000000e+00> : vector<8x2048xf32>
    %reduce_sum3A_40 = vector.multi_reduction <add>, %reshape3A, %reduce_sum3A [0] : vector<16x8x2048xf32> to vector<8x2048xf32>
    %add3A_41 = arith.addf %get3A_34, %reduce_sum3A_40 : vector<8x2048xf32>
    %swap3A = arith.constant 0 : index
    %swap3A_42 = arith.constant 0 : index
    %swap3A_43 = arith.constant 0 : index
    %swap3A_44 = vector.load %arg7[%swap3A, %swap3A_42, %swap3A_43] : memref<19x8x2048xf32, #tpu.memory_space<vmem>>, vector<1x8x2048xf32>
    %swap3A_45 = vector.shape_cast %swap3A_44 : vector<1x8x2048xf32> to vector<8x2048xf32>
    %swap3A_46 = vector.shape_cast %add3A_41 : vector<8x2048xf32> to vector<1x8x2048xf32>
    tpu.vector_store %arg7[%swap3A, %swap3A_42, %swap3A_43], %swap3A_46 {strides = array<i32>} : memref<19x8x2048xf32, #tpu.memory_space<vmem>>, vector<1x8x2048xf32>,
    %get3A_47 = arith.constant 1 : index
    %get3A_48 = arith.constant 0 : index
    %get3A_49 = arith.constant 0 : index
    %get3A_50 = vector.load %arg7[%get3A_47, %get3A_48, %get3A_49] : memref<19x8x2048xf32, #tpu.memory_space<vmem>>, vector<1x8x2048xf32>
    %get3A_51 = vector.shape_cast %get3A_50 : vector<1x8x2048xf32> to vector<8x2048xf32>
    %reshape3A_52 = vector.shape_cast %select_n3A : vector<128x2048xf32> to vector<16x8x2048xf32>
    %reduce_sum3A_53 = arith.constant dense<0.000000e+00> : vector<8x2048xf32>
    %reduce_sum3A_54 = vector.multi_reduction <add>, %reshape3A_52, %reduce_sum3A_53 [0] : vector<16x8x2048xf32> to vector<8x2048xf32>
    %add3A_55 = arith.addf %get3A_51, %reduce_sum3A_54 : vector<8x2048xf32>
    %swap3A_56 = arith.constant 1 : index
    %swap3A_57 = arith.constant 0 : index
    %swap3A_58 = arith.constant 0 : index
    %swap3A_59 = vector.load %arg7[%swap3A_56, %swap3A_57, %swap3A_58] : memref<19x8x2048xf32, #tpu.memory_space<vmem>>, vector<1x8x2048xf32>
    %swap3A_60 = vector.shape_cast %swap3A_59 : vector<1x8x2048xf32> to vector<8x2048xf32>
    %swap3A_61 = vector.shape_cast %add3A_55 : vector<8x2048xf32> to vector<1x8x2048xf32>
    tpu.vector_store %arg7[%swap3A_56, %swap3A_57, %swap3A_58], %swap3A_61 {strides = array<i32>} : memref<19x8x2048xf32, #tpu.memory_space<vmem>>, vector<1x8x2048xf32>,
    %get3A_62 = arith.constant 2 : index
    %get3A_63 = arith.constant 0 : index
    %get3A_64 = arith.constant 0 : index
    %get3A_65 = vector.load %arg7[%get3A_62, %get3A_63, %get3A_64] : memref<19x8x2048xf32, #tpu.memory_space<vmem>>, vector<1x8x2048xf32>
    %get3A_66 = vector.shape_cast %get3A_65 : vector<1x8x2048xf32> to vector<8x2048xf32>
    %reshape3A_67 = vector.shape_cast %select_n3A_29 : vector<128x2048xf32> to vector<16x8x2048xf32>
    %reduce_sum3A_68 = arith.constant dense<0.000000e+00> : vector<8x2048xf32>
    %reduce_sum3A_69 = vector.multi_reduction <add>, %reshape3A_67, %reduce_sum3A_68 [0] : vector<16x8x2048xf32> to vector<8x2048xf32>
    %add3A_70 = arith.addf %get3A_66, %reduce_sum3A_69 : vector<8x2048xf32>
    %swap3A_71 = arith.constant 2 : index
    %swap3A_72 = arith.constant 0 : index
    %swap3A_73 = arith.constant 0 : index
    %swap3A_74 = vector.load %arg7[%swap3A_71, %swap3A_72, %swap3A_73] : memref<19x8x2048xf32, #tpu.memory_space<vmem>>, vector<1x8x2048xf32>
    %swap3A_75 = vector.shape_cast %swap3A_74 : vector<1x8x2048xf32> to vector<8x2048xf32>
    %swap3A_76 = vector.shape_cast %add3A_70 : vector<8x2048xf32> to vector<1x8x2048xf32>
    tpu.vector_store %arg7[%swap3A_71, %swap3A_72, %swap3A_73], %swap3A_76 {strides = array<i32>} : memref<19x8x2048xf32, #tpu.memory_space<vmem>>, vector<1x8x2048xf32>,
    %get3A_77 = arith.constant 3 : index
    %get3A_78 = arith.constant 0 : index
    %get3A_79 = arith.constant 0 : index
    %get3A_80 = vector.load %arg7[%get3A_77, %get3A_78, %get3A_79] : memref<19x8x2048xf32, #tpu.memory_space<vmem>>, vector<1x8x2048xf32>
    %get3A_81 = vector.shape_cast %get3A_80 : vector<1x8x2048xf32> to vector<8x2048xf32>
    %mul3A = arith.mulf %select_n3A, %select_n3A_29 : vector<128x2048xf32>
    %reshape3A_82 = vector.shape_cast %mul3A : vector<128x2048xf32> to vector<16x8x2048xf32>
    %reduce_sum3A_83 = arith.constant dense<0.000000e+00> : vector<8x2048xf32>
    %reduce_sum3A_84 = vector.multi_reduction <add>, %reshape3A_82, %reduce_sum3A_83 [0] : vector<16x8x2048xf32> to vector<8x2048xf32>
    %add3A_85 = arith.addf %get3A_81, %reduce_sum3A_84 : vector<8x2048xf32>
    %swap3A_86 = arith.constant 3 : index
    %swap3A_87 = arith.constant 0 : index
    %swap3A_88 = arith.constant 0 : index
    %swap3A_89 = vector.load %arg7[%swap3A_86, %swap3A_87, %swap3A_88] : memref<19x8x2048xf32, #tpu.memory_space<vmem>>, vector<1x8x2048xf32>
    %swap3A_90 = vector.shape_cast %swap3A_89 : vector<1x8x2048xf32> to vector<8x2048xf32>
    %swap3A_91 = vector.shape_cast %add3A_85 : vector<8x2048xf32> to vector<1x8x2048xf32>
    tpu.vector_store %arg7[%swap3A_86, %swap3A_87, %swap3A_88], %swap3A_91 {strides = array<i32>} : memref<19x8x2048xf32, #tpu.memory_space<vmem>>, vector<1x8x2048xf32>,
    %get3A_92 = arith.constant 4 : index
    %get3A_93 = arith.constant 0 : index
    %get3A_94 = arith.constant 0 : index
    %get3A_95 = vector.load %arg7[%get3A_92, %get3A_93, %get3A_94] : memref<19x8x2048xf32, #tpu.memory_space<vmem>>, vector<1x8x2048xf32>
    %get3A_96 = vector.shape_cast %get3A_95 : vector<1x8x2048xf32> to vector<8x2048xf32>
    %mul3A_97 = arith.mulf %select_n3A, %select_n3A : vector<128x2048xf32>
    %reshape3A_98 = vector.shape_cast %mul3A_97 : vector<128x2048xf32> to vector<16x8x2048xf32>
    %reduce_sum3A_99 = arith.constant dense<0.000000e+00> : vector<8x2048xf32>
    %reduce_sum3A_100 = vector.multi_reduction <add>, %reshape3A_98, %reduce_sum3A_99 [0] : vector<16x8x2048xf32> to vector<8x2048xf32>
    %add3A_101 = arith.addf %get3A_96, %reduce_sum3A_100 : vector<8x2048xf32>
    %swap3A_102 = arith.constant 4 : index
    %swap3A_103 = arith.constant 0 : index
    %swap3A_104 = arith.constant 0 : index
    %swap3A_105 = vector.load %arg7[%swap3A_102, %swap3A_103, %swap3A_104] : memref<19x8x2048xf32, #tpu.memory_space<vmem>>, vector<1x8x2048xf32>
    %swap3A_106 = vector.shape_cast %swap3A_105 : vector<1x8x2048xf32> to vector<8x2048xf32>
    %swap3A_107 = vector.shape_cast %add3A_101 : vector<8x2048xf32> to vector<1x8x2048xf32>
    tpu.vector_store %arg7[%swap3A_102, %swap3A_103, %swap3A_104], %swap3A_107 {strides = array<i32>} : memref<19x8x2048xf32, #tpu.memory_space<vmem>>, vector<1x8x2048xf32>,
    %get3A_108 = arith.constant 5 : index
    %get3A_109 = arith.constant 0 : index
    %get3A_110 = arith.constant 0 : index
    %get3A_111 = vector.load %arg7[%get3A_108, %get3A_109, %get3A_110] : memref<19x8x2048xf32, #tpu.memory_space<vmem>>, vector<1x8x2048xf32>
    %get3A_112 = vector.shape_cast %get3A_111 : vector<1x8x2048xf32> to vector<8x2048xf32>
    %mul3A_113 = arith.mulf %select_n3A_29, %select_n3A_29 : vector<128x2048xf32>
    %reshape3A_114 = vector.shape_cast %mul3A_113 : vector<128x2048xf32> to vector<16x8x2048xf32>
    %reduce_sum3A_115 = arith.constant dense<0.000000e+00> : vector<8x2048xf32>
    %reduce_sum3A_116 = vector.multi_reduction <add>, %reshape3A_114, %reduce_sum3A_115 [0] : vector<16x8x2048xf32> to vector<8x2048xf32>
    %add3A_117 = arith.addf %get3A_112, %reduce_sum3A_116 : vector<8x2048xf32>
    %swap3A_118 = arith.constant 5 : index
    %swap3A_119 = arith.constant 0 : index
    %swap3A_120 = arith.constant 0 : index
    %swap3A_121 = vector.load %arg7[%swap3A_118, %swap3A_119, %swap3A_120] : memref<19x8x2048xf32, #tpu.memory_space<vmem>>, vector<1x8x2048xf32>
    %swap3A_122 = vector.shape_cast %swap3A_121 : vector<1x8x2048xf32> to vector<8x2048xf32>
    %swap3A_123 = vector.shape_cast %add3A_117 : vector<8x2048xf32> to vector<1x8x2048xf32>
    tpu.vector_store %arg7[%swap3A_118, %swap3A_119, %swap3A_120], %swap3A_123 {strides = array<i32>} : memref<19x8x2048xf32, #tpu.memory_space<vmem>>, vector<1x8x2048xf32>,
    %jit3A_124 = arith.constant 0.000000e+00 : f32
    %broadcast_in_dim3A_125 = vector.broadcast %jit3A_124 : f32 to vector<128x2048xf32>
    %select_n3A_126 = arith.select %get3A_21, %add3A, %broadcast_in_dim3A_125 : vector<128x2048xi1>, vector<128x2048xf32>
    %jit3A_127 = arith.constant 0.000000e+00 : f32
    %broadcast_in_dim3A_128 = vector.broadcast %jit3A_127 : f32 to vector<128x2048xf32>
    %select_n3A_129 = arith.select %get3A_21, %get3A_13, %broadcast_in_dim3A_128 : vector<128x2048xi1>, vector<128x2048xf32>
    %get3A_130 = arith.constant 6 : index
    %get3A_131 = arith.constant 0 : index
    %get3A_132 = arith.constant 0 : index
    %get3A_133 = vector.load %arg7[%get3A_130, %get3A_131, %get3A_132] : memref<19x8x2048xf32, #tpu.memory_space<vmem>>, vector<1x8x2048xf32>
    %get3A_134 = vector.shape_cast %get3A_133 : vector<1x8x2048xf32> to vector<8x2048xf32>
    %jit3A_135 = arith.constant 1.000000e+00 : f32
    %jit3A_136 = arith.constant 0.000000e+00 : f32
    %broadcast_in_dim3A_137 = vector.broadcast %jit3A_135 : f32 to vector<128x2048xf32>
    %broadcast_in_dim3A_138 = vector.broadcast %jit3A_136 : f32 to vector<128x2048xf32>
    %select_n3A_139 = arith.select %get3A_21, %broadcast_in_dim3A_137, %broadcast_in_dim3A_138 : vector<128x2048xi1>, vector<128x2048xf32>
    %reshape3A_140 = vector.shape_cast %select_n3A_139 : vector<128x2048xf32> to vector<16x8x2048xf32>
    %reduce_sum3A_141 = arith.constant dense<0.000000e+00> : vector<8x2048xf32>
    %reduce_sum3A_142 = vector.multi_reduction <add>, %reshape3A_140, %reduce_sum3A_141 [0] : vector<16x8x2048xf32> to vector<8x2048xf32>
    %add3A_143 = arith.addf %get3A_134, %reduce_sum3A_142 : vector<8x2048xf32>
    %swap3A_144 = arith.constant 6 : index
    %swap3A_145 = arith.constant 0 : index
    %swap3A_146 = arith.constant 0 : index
    %swap3A_147 = vector.load %arg7[%swap3A_144, %swap3A_145, %swap3A_146] : memref<19x8x2048xf32, #tpu.memory_space<vmem>>, vector<1x8x2048xf32>
    %swap3A_148 = vector.shape_cast %swap3A_147 : vector<1x8x2048xf32> to vector<8x2048xf32>
    %swap3A_149 = vector.shape_cast %add3A_143 : vector<8x2048xf32> to vector<1x8x2048xf32>
    tpu.vector_store %arg7[%swap3A_144, %swap3A_145, %swap3A_146], %swap3A_149 {strides = array<i32>} : memref<19x8x2048xf32, #tpu.memory_space<vmem>>, vector<1x8x2048xf32>,
    %get3A_150 = arith.constant 7 : index
    %get3A_151 = arith.constant 0 : index
    %get3A_152 = arith.constant 0 : index
    %get3A_153 = vector.load %arg7[%get3A_150, %get3A_151, %get3A_152] : memref<19x8x2048xf32, #tpu.memory_space<vmem>>, vector<1x8x2048xf32>
    %get3A_154 = vector.shape_cast %get3A_153 : vector<1x8x2048xf32> to vector<8x2048xf32>
    %reshape3A_155 = vector.shape_cast %select_n3A_126 : vector<128x2048xf32> to vector<16x8x2048xf32>
    %reduce_sum3A_156 = arith.constant dense<0.000000e+00> : vector<8x2048xf32>
    %reduce_sum3A_157 = vector.multi_reduction <add>, %reshape3A_155, %reduce_sum3A_156 [0] : vector<16x8x2048xf32> to vector<8x2048xf32>
    %add3A_158 = arith.addf %get3A_154, %reduce_sum3A_157 : vector<8x2048xf32>
    %swap3A_159 = arith.constant 7 : index
    %swap3A_160 = arith.constant 0 : index
    %swap3A_161 = arith.constant 0 : index
    %swap3A_162 = vector.load %arg7[%swap3A_159, %swap3A_160, %swap3A_161] : memref<19x8x2048xf32, #tpu.memory_space<vmem>>, vector<1x8x2048xf32>
    %swap3A_163 = vector.shape_cast %swap3A_162 : vector<1x8x2048xf32> to vector<8x2048xf32>
    %swap3A_164 = vector.shape_cast %add3A_158 : vector<8x2048xf32> to vector<1x8x2048xf32>
    tpu.vector_store %arg7[%swap3A_159, %swap3A_160, %swap3A_161], %swap3A_164 {strides = array<i32>} : memref<19x8x2048xf32, #tpu.memory_space<vmem>>, vector<1x8x2048xf32>,
    %get3A_165 = arith.constant 8 : index
    %get3A_166 = arith.constant 0 : index
    %get3A_167 = arith.constant 0 : index
    %get3A_168 = vector.load %arg7[%get3A_165, %get3A_166, %get3A_167] : memref<19x8x2048xf32, #tpu.memory_space<vmem>>, vector<1x8x2048xf32>
    %get3A_169 = vector.shape_cast %get3A_168 : vector<1x8x2048xf32> to vector<8x2048xf32>
    %reshape3A_170 = vector.shape_cast %select_n3A_129 : vector<128x2048xf32> to vector<16x8x2048xf32>
    %reduce_sum3A_171 = arith.constant dense<0.000000e+00> : vector<8x2048xf32>
    %reduce_sum3A_172 = vector.multi_reduction <add>, %reshape3A_170, %reduce_sum3A_171 [0] : vector<16x8x2048xf32> to vector<8x2048xf32>
    %add3A_173 = arith.addf %get3A_169, %reduce_sum3A_172 : vector<8x2048xf32>
    %swap3A_174 = arith.constant 8 : index
    %swap3A_175 = arith.constant 0 : index
    %swap3A_176 = arith.constant 0 : index
    %swap3A_177 = vector.load %arg7[%swap3A_174, %swap3A_175, %swap3A_176] : memref<19x8x2048xf32, #tpu.memory_space<vmem>>, vector<1x8x2048xf32>
    %swap3A_178 = vector.shape_cast %swap3A_177 : vector<1x8x2048xf32> to vector<8x2048xf32>
    %swap3A_179 = vector.shape_cast %add3A_173 : vector<8x2048xf32> to vector<1x8x2048xf32>
    tpu.vector_store %arg7[%swap3A_174, %swap3A_175, %swap3A_176], %swap3A_179 {strides = array<i32>} : memref<19x8x2048xf32, #tpu.memory_space<vmem>>, vector<1x8x2048xf32>,
    %get3A_180 = arith.constant 9 : index
    %get3A_181 = arith.constant 0 : index
    %get3A_182 = arith.constant 0 : index
    %get3A_183 = vector.load %arg7[%get3A_180, %get3A_181, %get3A_182] : memref<19x8x2048xf32, #tpu.memory_space<vmem>>, vector<1x8x2048xf32>
    %get3A_184 = vector.shape_cast %get3A_183 : vector<1x8x2048xf32> to vector<8x2048xf32>
    %mul3A_185 = arith.mulf %select_n3A_126, %select_n3A_129 : vector<128x2048xf32>
    %reshape3A_186 = vector.shape_cast %mul3A_185 : vector<128x2048xf32> to vector<16x8x2048xf32>
    %reduce_sum3A_187 = arith.constant dense<0.000000e+00> : vector<8x2048xf32>
    %reduce_sum3A_188 = vector.multi_reduction <add>, %reshape3A_186, %reduce_sum3A_187 [0] : vector<16x8x2048xf32> to vector<8x2048xf32>
    %add3A_189 = arith.addf %get3A_184, %reduce_sum3A_188 : vector<8x2048xf32>
    %swap3A_190 = arith.constant 9 : index
    %swap3A_191 = arith.constant 0 : index
    %swap3A_192 = arith.constant 0 : index
    %swap3A_193 = vector.load %arg7[%swap3A_190, %swap3A_191, %swap3A_192] : memref<19x8x2048xf32, #tpu.memory_space<vmem>>, vector<1x8x2048xf32>
    %swap3A_194 = vector.shape_cast %swap3A_193 : vector<1x8x2048xf32> to vector<8x2048xf32>
    %swap3A_195 = vector.shape_cast %add3A_189 : vector<8x2048xf32> to vector<1x8x2048xf32>
    tpu.vector_store %arg7[%swap3A_190, %swap3A_191, %swap3A_192], %swap3A_195 {strides = array<i32>} : memref<19x8x2048xf32, #tpu.memory_space<vmem>>, vector<1x8x2048xf32>,
    %get3A_196 = arith.constant 10 : index
    %get3A_197 = arith.constant 0 : index
    %get3A_198 = arith.constant 0 : index
    %get3A_199 = vector.load %arg7[%get3A_196, %get3A_197, %get3A_198] : memref<19x8x2048xf32, #tpu.memory_space<vmem>>, vector<1x8x2048xf32>
    %get3A_200 = vector.shape_cast %get3A_199 : vector<1x8x2048xf32> to vector<8x2048xf32>
    %mul3A_201 = arith.mulf %select_n3A_126, %select_n3A_126 : vector<128x2048xf32>
    %reshape3A_202 = vector.shape_cast %mul3A_201 : vector<128x2048xf32> to vector<16x8x2048xf32>
    %reduce_sum3A_203 = arith.constant dense<0.000000e+00> : vector<8x2048xf32>
    %reduce_sum3A_204 = vector.multi_reduction <add>, %reshape3A_202, %reduce_sum3A_203 [0] : vector<16x8x2048xf32> to vector<8x2048xf32>
    %add3A_205 = arith.addf %get3A_200, %reduce_sum3A_204 : vector<8x2048xf32>
    %swap3A_206 = arith.constant 10 : index
    %swap3A_207 = arith.constant 0 : index
    %swap3A_208 = arith.constant 0 : index
    %swap3A_209 = vector.load %arg7[%swap3A_206, %swap3A_207, %swap3A_208] : memref<19x8x2048xf32, #tpu.memory_space<vmem>>, vector<1x8x2048xf32>
    %swap3A_210 = vector.shape_cast %swap3A_209 : vector<1x8x2048xf32> to vector<8x2048xf32>
    %swap3A_211 = vector.shape_cast %add3A_205 : vector<8x2048xf32> to vector<1x8x2048xf32>
    tpu.vector_store %arg7[%swap3A_206, %swap3A_207, %swap3A_208], %swap3A_211 {strides = array<i32>} : memref<19x8x2048xf32, #tpu.memory_space<vmem>>, vector<1x8x2048xf32>,
    %get3A_212 = arith.constant 11 : index
    %get3A_213 = arith.constant 0 : index
    %get3A_214 = arith.constant 0 : index
    %get3A_215 = vector.load %arg7[%get3A_212, %get3A_213, %get3A_214] : memref<19x8x2048xf32, #tpu.memory_space<vmem>>, vector<1x8x2048xf32>
    %get3A_216 = vector.shape_cast %get3A_215 : vector<1x8x2048xf32> to vector<8x2048xf32>
    %mul3A_217 = arith.mulf %select_n3A_129, %select_n3A_129 : vector<128x2048xf32>
    %reshape3A_218 = vector.shape_cast %mul3A_217 : vector<128x2048xf32> to vector<16x8x2048xf32>
    %reduce_sum3A_219 = arith.constant dense<0.000000e+00> : vector<8x2048xf32>
    %reduce_sum3A_220 = vector.multi_reduction <add>, %reshape3A_218, %reduce_sum3A_219 [0] : vector<16x8x2048xf32> to vector<8x2048xf32>
    %add3A_221 = arith.addf %get3A_216, %reduce_sum3A_220 : vector<8x2048xf32>
    %swap3A_222 = arith.constant 11 : index
    %swap3A_223 = arith.constant 0 : index
    %swap3A_224 = arith.constant 0 : index
    %swap3A_225 = vector.load %arg7[%swap3A_222, %swap3A_223, %swap3A_224] : memref<19x8x2048xf32, #tpu.memory_space<vmem>>, vector<1x8x2048xf32>
    %swap3A_226 = vector.shape_cast %swap3A_225 : vector<1x8x2048xf32> to vector<8x2048xf32>
    %swap3A_227 = vector.shape_cast %add3A_221 : vector<8x2048xf32> to vector<1x8x2048xf32>
    tpu.vector_store %arg7[%swap3A_222, %swap3A_223, %swap3A_224], %swap3A_227 {strides = array<i32>} : memref<19x8x2048xf32, #tpu.memory_space<vmem>>, vector<1x8x2048xf32>,
    %get3A_228 = arith.constant 12 : index
    %get3A_229 = arith.constant 0 : index
    %get3A_230 = arith.constant 0 : index
    %get3A_231 = vector.load %arg7[%get3A_228, %get3A_229, %get3A_230] : memref<19x8x2048xf32, #tpu.memory_space<vmem>>, vector<1x8x2048xf32>
    %get3A_232 = vector.shape_cast %get3A_231 : vector<1x8x2048xf32> to vector<8x2048xf32>
    %sub3A_233 = arith.subf %select_n3A_126, %select_n3A_129 : vector<128x2048xf32>
    %abs3A = math.absf %sub3A_233 : vector<128x2048xf32>
    %reshape3A_234 = vector.shape_cast %abs3A : vector<128x2048xf32> to vector<16x8x2048xf32>
    %reduce_sum3A_235 = arith.constant dense<0.000000e+00> : vector<8x2048xf32>
    %reduce_sum3A_236 = vector.multi_reduction <add>, %reshape3A_234, %reduce_sum3A_235 [0] : vector<16x8x2048xf32> to vector<8x2048xf32>
    %add3A_237 = arith.addf %get3A_232, %reduce_sum3A_236 : vector<8x2048xf32>
    %swap3A_238 = arith.constant 12 : index
    %swap3A_239 = arith.constant 0 : index
    %swap3A_240 = arith.constant 0 : index
    %swap3A_241 = vector.load %arg7[%swap3A_238, %swap3A_239, %swap3A_240] : memref<19x8x2048xf32, #tpu.memory_space<vmem>>, vector<1x8x2048xf32>
    %swap3A_242 = vector.shape_cast %swap3A_241 : vector<1x8x2048xf32> to vector<8x2048xf32>
    %swap3A_243 = vector.shape_cast %add3A_237 : vector<8x2048xf32> to vector<1x8x2048xf32>
    tpu.vector_store %arg7[%swap3A_238, %swap3A_239, %swap3A_240], %swap3A_243 {strides = array<i32>} : memref<19x8x2048xf32, #tpu.memory_space<vmem>>, vector<1x8x2048xf32>,
    %jit3A_244 = arith.constant 0.000000e+00 : f32
    %broadcast_in_dim3A_245 = vector.broadcast %jit3A_244 : f32 to vector<128x2048xf32>
    %select_n3A_246 = arith.select %and3A, %get3A_10, %broadcast_in_dim3A_245 : vector<128x2048xi1>, vector<128x2048xf32>
    %jit3A_247 = arith.constant 0.000000e+00 : f32
    %broadcast_in_dim3A_248 = vector.broadcast %jit3A_247 : f32 to vector<128x2048xf32>
    %select_n3A_249 = arith.select %and3A, %sub3A, %broadcast_in_dim3A_248 : vector<128x2048xi1>, vector<128x2048xf32>
    %get3A_250 = arith.constant 13 : index
    %get3A_251 = arith.constant 0 : index
    %get3A_252 = arith.constant 0 : index
    %get3A_253 = vector.load %arg7[%get3A_250, %get3A_251, %get3A_252] : memref<19x8x2048xf32, #tpu.memory_space<vmem>>, vector<1x8x2048xf32>
    %get3A_254 = vector.shape_cast %get3A_253 : vector<1x8x2048xf32> to vector<8x2048xf32>
    %jit3A_255 = arith.constant 1.000000e+00 : f32
    %jit3A_256 = arith.constant 0.000000e+00 : f32
    %broadcast_in_dim3A_257 = vector.broadcast %jit3A_255 : f32 to vector<128x2048xf32>
    %broadcast_in_dim3A_258 = vector.broadcast %jit3A_256 : f32 to vector<128x2048xf32>
    %select_n3A_259 = arith.select %and3A, %broadcast_in_dim3A_257, %broadcast_in_dim3A_258 : vector<128x2048xi1>, vector<128x2048xf32>
    %reshape3A_260 = vector.shape_cast %select_n3A_259 : vector<128x2048xf32> to vector<16x8x2048xf32>
    %reduce_sum3A_261 = arith.constant dense<0.000000e+00> : vector<8x2048xf32>
    %reduce_sum3A_262 = vector.multi_reduction <add>, %reshape3A_260, %reduce_sum3A_261 [0] : vector<16x8x2048xf32> to vector<8x2048xf32>
    %add3A_263 = arith.addf %get3A_254, %reduce_sum3A_262 : vector<8x2048xf32>
    %swap3A_264 = arith.constant 13 : index
    %swap3A_265 = arith.constant 0 : index
    %swap3A_266 = arith.constant 0 : index
    %swap3A_267 = vector.load %arg7[%swap3A_264, %swap3A_265, %swap3A_266] : memref<19x8x2048xf32, #tpu.memory_space<vmem>>, vector<1x8x2048xf32>
    %swap3A_268 = vector.shape_cast %swap3A_267 : vector<1x8x2048xf32> to vector<8x2048xf32>
    %swap3A_269 = vector.shape_cast %add3A_263 : vector<8x2048xf32> to vector<1x8x2048xf32>
    tpu.vector_store %arg7[%swap3A_264, %swap3A_265, %swap3A_266], %swap3A_269 {strides = array<i32>} : memref<19x8x2048xf32, #tpu.memory_space<vmem>>, vector<1x8x2048xf32>,
    %get3A_270 = arith.constant 14 : index
    %get3A_271 = arith.constant 0 : index
    %get3A_272 = arith.constant 0 : index
    %get3A_273 = vector.load %arg7[%get3A_270, %get3A_271, %get3A_272] : memref<19x8x2048xf32, #tpu.memory_space<vmem>>, vector<1x8x2048xf32>
    %get3A_274 = vector.shape_cast %get3A_273 : vector<1x8x2048xf32> to vector<8x2048xf32>
    %reshape3A_275 = vector.shape_cast %select_n3A_246 : vector<128x2048xf32> to vector<16x8x2048xf32>
    %reduce_sum3A_276 = arith.constant dense<0.000000e+00> : vector<8x2048xf32>
    %reduce_sum3A_277 = vector.multi_reduction <add>, %reshape3A_275, %reduce_sum3A_276 [0] : vector<16x8x2048xf32> to vector<8x2048xf32>
    %add3A_278 = arith.addf %get3A_274, %reduce_sum3A_277 : vector<8x2048xf32>
    %swap3A_279 = arith.constant 14 : index
    %swap3A_280 = arith.constant 0 : index
    %swap3A_281 = arith.constant 0 : index
    %swap3A_282 = vector.load %arg7[%swap3A_279, %swap3A_280, %swap3A_281] : memref<19x8x2048xf32, #tpu.memory_space<vmem>>, vector<1x8x2048xf32>
    %swap3A_283 = vector.shape_cast %swap3A_282 : vector<1x8x2048xf32> to vector<8x2048xf32>
    %swap3A_284 = vector.shape_cast %add3A_278 : vector<8x2048xf32> to vector<1x8x2048xf32>
    tpu.vector_store %arg7[%swap3A_279, %swap3A_280, %swap3A_281], %swap3A_284 {strides = array<i32>} : memref<19x8x2048xf32, #tpu.memory_space<vmem>>, vector<1x8x2048xf32>,
    %get3A_285 = arith.constant 15 : index
    %get3A_286 = arith.constant 0 : index
    %get3A_287 = arith.constant 0 : index
    %get3A_288 = vector.load %arg7[%get3A_285, %get3A_286, %get3A_287] : memref<19x8x2048xf32, #tpu.memory_space<vmem>>, vector<1x8x2048xf32>
    %get3A_289 = vector.shape_cast %get3A_288 : vector<1x8x2048xf32> to vector<8x2048xf32>
    %reshape3A_290 = vector.shape_cast %select_n3A_249 : vector<128x2048xf32> to vector<16x8x2048xf32>
    %reduce_sum3A_291 = arith.constant dense<0.000000e+00> : vector<8x2048xf32>
    %reduce_sum3A_292 = vector.multi_reduction <add>, %reshape3A_290, %reduce_sum3A_291 [0] : vector<16x8x2048xf32> to vector<8x2048xf32>
    %add3A_293 = arith.addf %get3A_289, %reduce_sum3A_292 : vector<8x2048xf32>
    %swap3A_294 = arith.constant 15 : index
    %swap3A_295 = arith.constant 0 : index
    %swap3A_296 = arith.constant 0 : index
    %swap3A_297 = vector.load %arg7[%swap3A_294, %swap3A_295, %swap3A_296] : memref<19x8x2048xf32, #tpu.memory_space<vmem>>, vector<1x8x2048xf32>
    %swap3A_298 = vector.shape_cast %swap3A_297 : vector<1x8x2048xf32> to vector<8x2048xf32>
    %swap3A_299 = vector.shape_cast %add3A_293 : vector<8x2048xf32> to vector<1x8x2048xf32>
    tpu.vector_store %arg7[%swap3A_294, %swap3A_295, %swap3A_296], %swap3A_299 {strides = array<i32>} : memref<19x8x2048xf32, #tpu.memory_space<vmem>>, vector<1x8x2048xf32>,
    %get3A_300 = arith.constant 16 : index
    %get3A_301 = arith.constant 0 : index
    %get3A_302 = arith.constant 0 : index
    %get3A_303 = vector.load %arg7[%get3A_300, %get3A_301, %get3A_302] : memref<19x8x2048xf32, #tpu.memory_space<vmem>>, vector<1x8x2048xf32>
    %get3A_304 = vector.shape_cast %get3A_303 : vector<1x8x2048xf32> to vector<8x2048xf32>
    %mul3A_305 = arith.mulf %select_n3A_246, %select_n3A_249 : vector<128x2048xf32>
    %reshape3A_306 = vector.shape_cast %mul3A_305 : vector<128x2048xf32> to vector<16x8x2048xf32>
    %reduce_sum3A_307 = arith.constant dense<0.000000e+00> : vector<8x2048xf32>
    %reduce_sum3A_308 = vector.multi_reduction <add>, %reshape3A_306, %reduce_sum3A_307 [0] : vector<16x8x2048xf32> to vector<8x2048xf32>
    %add3A_309 = arith.addf %get3A_304, %reduce_sum3A_308 : vector<8x2048xf32>
    %swap3A_310 = arith.constant 16 : index
    %swap3A_311 = arith.constant 0 : index
    %swap3A_312 = arith.constant 0 : index
    %swap3A_313 = vector.load %arg7[%swap3A_310, %swap3A_311, %swap3A_312] : memref<19x8x2048xf32, #tpu.memory_space<vmem>>, vector<1x8x2048xf32>
    %swap3A_314 = vector.shape_cast %swap3A_313 : vector<1x8x2048xf32> to vector<8x2048xf32>
    %swap3A_315 = vector.shape_cast %add3A_309 : vector<8x2048xf32> to vector<1x8x2048xf32>
    tpu.vector_store %arg7[%swap3A_310, %swap3A_311, %swap3A_312], %swap3A_315 {strides = array<i32>} : memref<19x8x2048xf32, #tpu.memory_space<vmem>>, vector<1x8x2048xf32>,
    %get3A_316 = arith.constant 17 : index
    %get3A_317 = arith.constant 0 : index
    %get3A_318 = arith.constant 0 : index
    %get3A_319 = vector.load %arg7[%get3A_316, %get3A_317, %get3A_318] : memref<19x8x2048xf32, #tpu.memory_space<vmem>>, vector<1x8x2048xf32>
    %get3A_320 = vector.shape_cast %get3A_319 : vector<1x8x2048xf32> to vector<8x2048xf32>
    %mul3A_321 = arith.mulf %select_n3A_246, %select_n3A_246 : vector<128x2048xf32>
    %reshape3A_322 = vector.shape_cast %mul3A_321 : vector<128x2048xf32> to vector<16x8x2048xf32>
    %reduce_sum3A_323 = arith.constant dense<0.000000e+00> : vector<8x2048xf32>
    %reduce_sum3A_324 = vector.multi_reduction <add>, %reshape3A_322, %reduce_sum3A_323 [0] : vector<16x8x2048xf32> to vector<8x2048xf32>
    %add3A_325 = arith.addf %get3A_320, %reduce_sum3A_324 : vector<8x2048xf32>
    %swap3A_326 = arith.constant 17 : index
    %swap3A_327 = arith.constant 0 : index
    %swap3A_328 = arith.constant 0 : index
    %swap3A_329 = vector.load %arg7[%swap3A_326, %swap3A_327, %swap3A_328] : memref<19x8x2048xf32, #tpu.memory_space<vmem>>, vector<1x8x2048xf32>
    %swap3A_330 = vector.shape_cast %swap3A_329 : vector<1x8x2048xf32> to vector<8x2048xf32>
    %swap3A_331 = vector.shape_cast %add3A_325 : vector<8x2048xf32> to vector<1x8x2048xf32>
    tpu.vector_store %arg7[%swap3A_326, %swap3A_327, %swap3A_328], %swap3A_331 {strides = array<i32>} : memref<19x8x2048xf32, #tpu.memory_space<vmem>>, vector<1x8x2048xf32>,
    %get3A_332 = arith.constant 18 : index
    %get3A_333 = arith.constant 0 : index
    %get3A_334 = arith.constant 0 : index
    %get3A_335 = vector.load %arg7[%get3A_332, %get3A_333, %get3A_334] : memref<19x8x2048xf32, #tpu.memory_space<vmem>>, vector<1x8x2048xf32>
    %get3A_336 = vector.shape_cast %get3A_335 : vector<1x8x2048xf32> to vector<8x2048xf32>
    %mul3A_337 = arith.mulf %select_n3A_249, %select_n3A_249 : vector<128x2048xf32>
    %reshape3A_338 = vector.shape_cast %mul3A_337 : vector<128x2048xf32> to vector<16x8x2048xf32>
    %reduce_sum3A_339 = arith.constant dense<0.000000e+00> : vector<8x2048xf32>
    %reduce_sum3A_340 = vector.multi_reduction <add>, %reshape3A_338, %reduce_sum3A_339 [0] : vector<16x8x2048xf32> to vector<8x2048xf32>
    %add3A_341 = arith.addf %get3A_336, %reduce_sum3A_340 : vector<8x2048xf32>
    %swap3A_342 = arith.constant 18 : index
    %swap3A_343 = arith.constant 0 : index
    %swap3A_344 = arith.constant 0 : index
    %swap3A_345 = vector.load %arg7[%swap3A_342, %swap3A_343, %swap3A_344] : memref<19x8x2048xf32, #tpu.memory_space<vmem>>, vector<1x8x2048xf32>
    %swap3A_346 = vector.shape_cast %swap3A_345 : vector<1x8x2048xf32> to vector<8x2048xf32>
    %swap3A_347 = vector.shape_cast %add3A_341 : vector<8x2048xf32> to vector<1x8x2048xf32>
    tpu.vector_store %arg7[%swap3A_342, %swap3A_343, %swap3A_344], %swap3A_347 {strides = array<i32>} : memref<19x8x2048xf32, #tpu.memory_space<vmem>>, vector<1x8x2048xf32>,
    %eq3A_348 = arith.constant 15 : i32
    %eq3A_349 = arith.cmpi eq, %arg0, %eq3A_348 : i32
    %convert_element_type3A_350 = arith.extui %eq3A_349 : i1 to i32
    %cond3A_351 = arith.constant 0 : i32
    %cond3A_352 = arith.cmpi ne, %convert_element_type3A_350, %cond3A_351 : i32
    scf.if %cond3A_352 {
      %get3A_353 = arith.constant 0 : index
      %get3A_354 = arith.constant 0 : index
      %get3A_355 = arith.constant 0 : index
      %get3A_356 = vector.load %arg7[%get3A_353, %get3A_354, %get3A_355] : memref<19x8x2048xf32, #tpu.memory_space<vmem>>, vector<19x8x2048xf32>
      %reshape3A_357 = vector.shape_cast %get3A_356 : vector<19x8x2048xf32> to vector<19x8x16x128xf32>
      %reduce_sum3A_358 = arith.constant dense<0.000000e+00> : vector<19x8x128xf32>
      %reduce_sum3A_359 = vector.multi_reduction <add>, %reshape3A_357, %reduce_sum3A_358 [2] : vector<19x8x16x128xf32> to vector<19x8x128xf32>
      %swap3A_360 = arith.constant 0 : index
      %swap3A_361 = arith.constant 0 : index
      %swap3A_362 = arith.constant 0 : index
      %swap3A_363 = vector.load %arg6[%swap3A_360, %swap3A_361, %swap3A_362] : memref<19x8x128xf32, #tpu.memory_space<vmem>>, vector<19x8x128xf32>
      tpu.vector_store %arg6[%swap3A_360, %swap3A_361, %swap3A_362], %reduce_sum3A_359 {strides = array<i32>} : memref<19x8x128xf32, #tpu.memory_space<vmem>>, vector<19x8x128xf32>,
    } else {
    }
    return
  }
  func.func @transform_0(%arg0: i32) -> (i32, i32, i32) {
    %c0_i32 = arith.constant 0 : i32
    %c0_i32_0 = arith.constant 0 : i32
    %c0_i32_1 = arith.constant 0 : i32
    return %arg0, %c0_i32, %c0_i32_0 : i32, i32, i32
  }
  func.func @transform_1(%arg0: i32) -> (i32, i32) {
    %c0_i32 = arith.constant 0 : i32
    %c0_i32_0 = arith.constant 0 : i32
    return %arg0, %c0_i32 : i32, i32
  }
  func.func @transform_2(%arg0: i32) -> (i32, i32) {
    %c0_i32 = arith.constant 0 : i32
    %c0_i32_0 = arith.constant 0 : i32
    return %arg0, %c0_i32 : i32, i32
  }
  func.func @transform_3(%arg0: i32) -> (i32, i32) {
    %c0_i32 = arith.constant 0 : i32
    %c0_i32_0 = arith.constant 0 : i32
    return %arg0, %c0_i32 : i32, i32
  }
  func.func @transform_4(%arg0: i32) -> (i32, i32) {
    %c0_i32 = arith.constant 0 : i32
    %c0_i32_0 = arith.constant 0 : i32
    return %arg0, %c0_i32 : i32, i32
  }
  func.func @transform_5(%arg0: i32) -> (i32, i32, i32) {
    %c0_i32 = arith.constant 0 : i32
    %c0_i32_0 = arith.constant 0 : i32
    %c0_i32_1 = arith.constant 0 : i32
    %c0_i32_2 = arith.constant 0 : i32
    return %c0_i32, %c0_i32_0, %c0_i32_1 : i32, i32, i32
  }
}

module attributes {stable_mosaic.version = 14 : i64} {
  func.func @_fin_body(%arg0: memref<19x8x128xf32, #tpu.memory_space<vmem>>, %arg1: memref<32x19x16xf32, #tpu.memory_space<vmem>>, %arg2: memref<8xf32, #tpu.memory_space<smem>>) attributes {dimension_semantics = [], scalar_prefetch = 0 : i64, scratch_operands = 0 : i64, tpu.core_type = #tpu.core_type<tc>} {
    %get3A = arith.constant 0 : index
    %get3A_0 = arith.constant 0 : index
    %get3A_1 = arith.constant 0 : index
    %get3A_2 = vector.load %arg0[%get3A, %get3A_0, %get3A_1] : memref<19x8x128xf32, #tpu.memory_space<vmem>>, vector<19x8x128xf32>
    %reduce_sum3A = arith.constant dense<0.000000e+00> : vector<19xf32>
    %reduce_sum3A_3 = vector.multi_reduction <add>, %get3A_2, %reduce_sum3A [1, 2] : vector<19x8x128xf32> to vector<19xf32>
    %get3A_4 = arith.constant 0 : index
    %get3A_5 = arith.constant 0 : index
    %get3A_6 = arith.constant 0 : index
    %get3A_7 = vector.load %arg1[%get3A_4, %get3A_5, %get3A_6] : memref<32x19x16xf32, #tpu.memory_space<vmem>>, vector<32x19x16xf32>
    %reduce_sum3A_8 = arith.constant dense<0.000000e+00> : vector<19xf32>
    %reduce_sum3A_9 = vector.multi_reduction <add>, %get3A_7, %reduce_sum3A_8 [0, 2] : vector<32x19x16xf32> to vector<19xf32>
    %add3A = arith.addf %reduce_sum3A_3, %reduce_sum3A_9 : vector<19xf32>
    %slice3A = vector.extract_strided_slice %add3A {offsets = [0], sizes = [1], strides = [1]} : vector<19xf32> to vector<1xf32>
    %squeeze3A = vector.extract %slice3A[0] : f32 from vector<1xf32>
    %slice3A_10 = vector.extract_strided_slice %add3A {offsets = [1], sizes = [1], strides = [1]} : vector<19xf32> to vector<1xf32>
    %squeeze3A_11 = vector.extract %slice3A_10[0] : f32 from vector<1xf32>
    %slice3A_12 = vector.extract_strided_slice %add3A {offsets = [2], sizes = [1], strides = [1]} : vector<19xf32> to vector<1xf32>
    %squeeze3A_13 = vector.extract %slice3A_12[0] : f32 from vector<1xf32>
    %slice3A_14 = vector.extract_strided_slice %add3A {offsets = [3], sizes = [1], strides = [1]} : vector<19xf32> to vector<1xf32>
    %squeeze3A_15 = vector.extract %slice3A_14[0] : f32 from vector<1xf32>
    %slice3A_16 = vector.extract_strided_slice %add3A {offsets = [4], sizes = [1], strides = [1]} : vector<19xf32> to vector<1xf32>
    %squeeze3A_17 = vector.extract %slice3A_16[0] : f32 from vector<1xf32>
    %slice3A_18 = vector.extract_strided_slice %add3A {offsets = [5], sizes = [1], strides = [1]} : vector<19xf32> to vector<1xf32>
    %squeeze3A_19 = vector.extract %slice3A_18[0] : f32 from vector<1xf32>
    %mul3A = arith.mulf %squeeze3A_11, %squeeze3A_13 : f32
    %div3A = arith.divf %mul3A, %squeeze3A : f32
    %sub3A = arith.subf %squeeze3A_15, %div3A : f32
    %mul3A_20 = arith.mulf %squeeze3A_11, %squeeze3A_11 : f32
    %div3A_21 = arith.divf %mul3A_20, %squeeze3A : f32
    %sub3A_22 = arith.subf %squeeze3A_17, %div3A_21 : f32
    %sqrt3A = math.sqrt %sub3A_22 : f32
    %mul3A_23 = arith.mulf %squeeze3A_13, %squeeze3A_13 : f32
    %div3A_24 = arith.divf %mul3A_23, %squeeze3A : f32
    %sub3A_25 = arith.subf %squeeze3A_19, %div3A_24 : f32
    %sqrt3A_26 = math.sqrt %sub3A_25 : f32
    %max3A = arith.constant 9.99999997E-7 : f32
    %max3A_27 = arith.maximumf %sqrt3A, %max3A : f32
    %max3A_28 = arith.constant 9.99999997E-7 : f32
    %max3A_29 = arith.maximumf %sqrt3A_26, %max3A_28 : f32
    %mul3A_30 = arith.mulf %max3A_27, %max3A_29 : f32
    %div3A_31 = arith.divf %sub3A, %mul3A_30 : f32
    %slice3A_32 = vector.extract_strided_slice %add3A {offsets = [6], sizes = [1], strides = [1]} : vector<19xf32> to vector<1xf32>
    %squeeze3A_33 = vector.extract %slice3A_32[0] : f32 from vector<1xf32>
    %slice3A_34 = vector.extract_strided_slice %add3A {offsets = [7], sizes = [1], strides = [1]} : vector<19xf32> to vector<1xf32>
    %squeeze3A_35 = vector.extract %slice3A_34[0] : f32 from vector<1xf32>
    %slice3A_36 = vector.extract_strided_slice %add3A {offsets = [8], sizes = [1], strides = [1]} : vector<19xf32> to vector<1xf32>
    %squeeze3A_37 = vector.extract %slice3A_36[0] : f32 from vector<1xf32>
    %slice3A_38 = vector.extract_strided_slice %add3A {offsets = [9], sizes = [1], strides = [1]} : vector<19xf32> to vector<1xf32>
    %squeeze3A_39 = vector.extract %slice3A_38[0] : f32 from vector<1xf32>
    %slice3A_40 = vector.extract_strided_slice %add3A {offsets = [10], sizes = [1], strides = [1]} : vector<19xf32> to vector<1xf32>
    %squeeze3A_41 = vector.extract %slice3A_40[0] : f32 from vector<1xf32>
    %slice3A_42 = vector.extract_strided_slice %add3A {offsets = [11], sizes = [1], strides = [1]} : vector<19xf32> to vector<1xf32>
    %squeeze3A_43 = vector.extract %slice3A_42[0] : f32 from vector<1xf32>
    %mul3A_44 = arith.mulf %squeeze3A_35, %squeeze3A_37 : f32
    %div3A_45 = arith.divf %mul3A_44, %squeeze3A_33 : f32
    %sub3A_46 = arith.subf %squeeze3A_39, %div3A_45 : f32
    %mul3A_47 = arith.mulf %squeeze3A_35, %squeeze3A_35 : f32
    %div3A_48 = arith.divf %mul3A_47, %squeeze3A_33 : f32
    %sub3A_49 = arith.subf %squeeze3A_41, %div3A_48 : f32
    %sqrt3A_50 = math.sqrt %sub3A_49 : f32
    %mul3A_51 = arith.mulf %squeeze3A_37, %squeeze3A_37 : f32
    %div3A_52 = arith.divf %mul3A_51, %squeeze3A_33 : f32
    %sub3A_53 = arith.subf %squeeze3A_43, %div3A_52 : f32
    %sqrt3A_54 = math.sqrt %sub3A_53 : f32
    %max3A_55 = arith.constant 9.99999997E-7 : f32
    %max3A_56 = arith.maximumf %sqrt3A_50, %max3A_55 : f32
    %max3A_57 = arith.constant 9.99999997E-7 : f32
    %max3A_58 = arith.maximumf %sqrt3A_54, %max3A_57 : f32
    %mul3A_59 = arith.mulf %max3A_56, %max3A_58 : f32
    %div3A_60 = arith.divf %sub3A_46, %mul3A_59 : f32
    %slice3A_61 = vector.extract_strided_slice %add3A {offsets = [13], sizes = [1], strides = [1]} : vector<19xf32> to vector<1xf32>
    %squeeze3A_62 = vector.extract %slice3A_61[0] : f32 from vector<1xf32>
    %slice3A_63 = vector.extract_strided_slice %add3A {offsets = [14], sizes = [1], strides = [1]} : vector<19xf32> to vector<1xf32>
    %squeeze3A_64 = vector.extract %slice3A_63[0] : f32 from vector<1xf32>
    %slice3A_65 = vector.extract_strided_slice %add3A {offsets = [15], sizes = [1], strides = [1]} : vector<19xf32> to vector<1xf32>
    %squeeze3A_66 = vector.extract %slice3A_65[0] : f32 from vector<1xf32>
    %slice3A_67 = vector.extract_strided_slice %add3A {offsets = [16], sizes = [1], strides = [1]} : vector<19xf32> to vector<1xf32>
    %squeeze3A_68 = vector.extract %slice3A_67[0] : f32 from vector<1xf32>
    %slice3A_69 = vector.extract_strided_slice %add3A {offsets = [17], sizes = [1], strides = [1]} : vector<19xf32> to vector<1xf32>
    %squeeze3A_70 = vector.extract %slice3A_69[0] : f32 from vector<1xf32>
    %slice3A_71 = vector.extract_strided_slice %add3A {offsets = [18], sizes = [1], strides = [1]} : vector<19xf32> to vector<1xf32>
    %squeeze3A_72 = vector.extract %slice3A_71[0] : f32 from vector<1xf32>
    %mul3A_73 = arith.mulf %squeeze3A_64, %squeeze3A_66 : f32
    %div3A_74 = arith.divf %mul3A_73, %squeeze3A_62 : f32
    %sub3A_75 = arith.subf %squeeze3A_68, %div3A_74 : f32
    %mul3A_76 = arith.mulf %squeeze3A_64, %squeeze3A_64 : f32
    %div3A_77 = arith.divf %mul3A_76, %squeeze3A_62 : f32
    %sub3A_78 = arith.subf %squeeze3A_70, %div3A_77 : f32
    %sqrt3A_79 = math.sqrt %sub3A_78 : f32
    %mul3A_80 = arith.mulf %squeeze3A_66, %squeeze3A_66 : f32
    %div3A_81 = arith.divf %mul3A_80, %squeeze3A_62 : f32
    %sub3A_82 = arith.subf %squeeze3A_72, %div3A_81 : f32
    %sqrt3A_83 = math.sqrt %sub3A_82 : f32
    %max3A_84 = arith.constant 9.99999997E-7 : f32
    %max3A_85 = arith.maximumf %sqrt3A_79, %max3A_84 : f32
    %max3A_86 = arith.constant 9.99999997E-7 : f32
    %max3A_87 = arith.maximumf %sqrt3A_83, %max3A_86 : f32
    %mul3A_88 = arith.mulf %max3A_85, %max3A_87 : f32
    %div3A_89 = arith.divf %sub3A_75, %mul3A_88 : f32
    %slice3A_90 = vector.extract_strided_slice %add3A {offsets = [12], sizes = [1], strides = [1]} : vector<19xf32> to vector<1xf32>
    %squeeze3A_91 = vector.extract %slice3A_90[0] : f32 from vector<1xf32>
    %div3A_92 = arith.divf %squeeze3A_91, %squeeze3A_33 : f32
    %sqrt3A_93 = math.sqrt %div3A_92 : f32
    %sub3A_94 = arith.constant 1.000000e+00 : f32
    %sub3A_95 = arith.subf %sub3A_94, %div3A_31 : f32
    %swap3A = arith.constant 0 : index
    %swap3A_96 = memref.load %arg2[%swap3A] : memref<8xf32, #tpu.memory_space<smem>>
    memref.store %sub3A_95, %arg2[%swap3A] : memref<8xf32, #tpu.memory_space<smem>>
    %sub3A_97 = arith.constant 1.000000e+00 : f32
    %sub3A_98 = arith.subf %sub3A_97, %div3A_60 : f32
    %add3A_99 = arith.addf %sub3A_98, %sqrt3A_93 : f32
    %swap3A_100 = arith.constant 1 : index
    %swap3A_101 = memref.load %arg2[%swap3A_100] : memref<8xf32, #tpu.memory_space<smem>>
    memref.store %add3A_99, %arg2[%swap3A_100] : memref<8xf32, #tpu.memory_space<smem>>
    %swap3A_102 = arith.constant 2 : index
    %swap3A_103 = memref.load %arg2[%swap3A_102] : memref<8xf32, #tpu.memory_space<smem>>
    memref.store %div3A_60, %arg2[%swap3A_102] : memref<8xf32, #tpu.memory_space<smem>>
    %swap3A_104 = arith.constant 3 : index
    %swap3A_105 = memref.load %arg2[%swap3A_104] : memref<8xf32, #tpu.memory_space<smem>>
    memref.store %sqrt3A_93, %arg2[%swap3A_104] : memref<8xf32, #tpu.memory_space<smem>>
    %sub3A_106 = arith.constant 1.000000e+00 : f32
    %sub3A_107 = arith.subf %sub3A_106, %div3A_89 : f32
    %swap3A_108 = arith.constant 4 : index
    %swap3A_109 = memref.load %arg2[%swap3A_108] : memref<8xf32, #tpu.memory_space<smem>>
    memref.store %sub3A_107, %arg2[%swap3A_108] : memref<8xf32, #tpu.memory_space<smem>>
    return
  }
}

</mosaic_0001>

<sc_bundles>
// kernel: _reduce.5.cloned.1.call-start
scs
__scs_entry_jumppad:
0x0: {  	(pc) =	sbr.rel $0x88, $3  }
0x1: {  	(tag) =	ssettag $0x0;
	lr =	simm.s32 $0x1  }
0x2: {  	[smem:$0x3F9C] =	sst lr;
	_ =	strace $0xD0000000  }
0x3: {  	_ = 	snop  }
0x4: {  	_ = 	snop  }
0x5: {  	_ = 	snop  }
0x6: {  	_ = 	snop  }
0x7: {  	_ = 	snop  }
__scs_overlays_trampoline_lowered:
0x8: {  	[smem:$0x3FAB] =	sst s0  }
0x9: {  	[smem:$0x3FAC] =	sst s1  }
0xa: {  	[smem:$0x3FAD] =	sst s2  }
0xb: {  	[smem:$0x3FAE] =	sst s3  }
0xc: {  	[smem:$0x3FAF] =	sst s4  }
0xd: {  	[smem:$0x3FB0] =	sst s5  }
0xe: {  	[smem:$0x3FB1] =	sst s6  }
0xf: {  	[smem:$0x3FB2] =	sst s7  }
0x10: {  	[smem:$0x3FB3] =	sst s8  }
0x11: {  	[smem:$0x3FB4] =	sst s9;
	s0 =	simm.s32 @!p0 $0x0  }
0x12: {  	s1 =	sld [smem:$0x3F9A];
	s0 =	simm.s32 @p0 $0x1  }
0x13: {  	[smem:$0x3FB5] =	sst s0;
	s0 =	simm.s32 @!p1 $0x0  }
0x14: {  	s2 =	sld [smem:$0x3F99];
	s0 =	simm.s32 @p1 $0x1  }
0x15: {  	[smem:$0x3FB6] =	sst s0;
	s0 =	simm.s32 @!p2 $0x0  }
0x16: {  	s3 =	sld [smem:$0x3FDB];
	s0 =	simm.s32 @p2 $0x1  }
0x17: {  	s4 =	simm.s32 $0x1BF5;
	[smem:$0x3FB8] =	sst s0  }
0x18: {  	s0 =	sld [smem:$0x3F9B];
	_ =	swait.ge [sflag:s4], $0x0  }
0x19: {  	s7 =	sld [smem:$0x3F9C]  }
0x1a: {  	s8 =	sadd.s32 $0xFFFFE003, lr  }
0x1b: {  	s9 =	sadd.s32 $0xFFFFFEF7, lr;
	s5 =	simm.s32 $0xFFFFFFFF;
	p2 =	slt.u32 s8, $0xFFFFF086  }
0x1c: {  	p1 =	slt.u32 s9, $0xF7A;
	s5 =	simm.s32 @!p2 $0x0  }
0x1d: {  	s5 =	simm.s32 @p1 $0x1;
	p0 =	seq.s32 s7, s2  }
0x1e: {  	s7 =	smul.u32 @!p0 $0xF7A, s2;
	p2 =	seq.s32 @!p0 s5, $0x0  }
0x1f: {  	s9 =	smul.u32 $0xF7A, s1;
	s8 =	simm.s32 @!p0 $0x1BF5;
	p2 =	por !p2, p0  }
0x20: {  	[sflag:s8] =	ssyncset.s32 @!p0 $0xFFFFF086;
	s6 =	sadd.s32 @!p0 s3, s7;
	s7 =	simm.s32 @!p0 $0x108  }
0x21: {  	s3 =	sadd.s32 s3, s9;
	s6 =	sadd.s32 @!p0 $0x88, s6;
	s7 =	simm.s32 @p2 $0x1082  }
0x22: {  	[simem:s7], [sflag:s8] =	dma.local @!p0 [hbm:s6], $0xF7A  }
0x23: {  	s9 =	sor.u32 $0xD0000000, s2;
	s6 =	simm.s32 $0x108;
	_ =	swait.ge @!p0 [sflag:s8], $0x0  }
0x24: {  	s3 =	sadd.s32 $0x88, s3;
	s6 =	simm.s32 @!p1 $0x1082;
	[sflag:s4] =	ssyncset.s32 $0xFFFFF086  }
0x25: {  	[simem:s6], [sflag:s4] =	dma.local [hbm:s3], $0xF7A  }
0x26: {  	[smem:$0x3F9C] =	sst s1;
	(tag) =	ssettag s2;
	_ =	strace s9  }
0x27: {  	s1 =	sld [smem:$0x3FAC]  }
0x28: {  	s2 =	sld [smem:$0x3FAD]  }
0x29: {  	s4 =	sld [smem:$0x3FAF]  }
0x2a: {  	p0 =	seq.s32 s5, $0x0;
	s5 =	sld [smem:$0x3FB0]  }
0x2b: {  	s6 =	sld [smem:$0x3FB1]  }
0x2c: {  	s7 =	sld [smem:$0x3FB2]  }
0x2d: {  	s3 =	simm.s32 $0x108;
	s8 =	sld [smem:$0x3FB3]  }
0x2e: {  	s3 =	simm.s32 @!p0 $0x1082;
	s9 =	sld [smem:$0x3FB4]  }
0x2f: {  	lr =	sadd.s32 s0, s3;
	s0 =	sld [smem:$0x3FAB]  }
0x30: {  	s3 =	sld [smem:$0x3FAE]  }
0x31: {  	[smem:$0x3FB7] =	sst s10  }
0x32: {  	s10 =	sld [smem:$0x3FB5];
	_ =	sdelay $0x3  }
0x33: {  	p0 =	seq.s32 s10, $0x1;
	s10 =	sld [smem:$0x3FB7];
	_ =	sdelay $0x3  }
0x34: {  	[smem:$0x3FB7] =	sst s10  }
0x35: {  	s10 =	sld [smem:$0x3FB6];
	_ =	sdelay $0x3  }
0x36: {  	p1 =	seq.s32 s10, $0x1;
	s10 =	sld [smem:$0x3FB7];
	_ =	sdelay $0x3  }
0x37: {  	[smem:$0x3FB7] =	sst s10  }
0x38: {  	s10 =	sld [smem:$0x3FB8]  }
0x39: {  	_ = 	snop;
	(pc) =	sbr.ind lr, $3  }
0x3a: {  	_ = 	snop  }
0x3b: {  	_ = 	snop  }
0x3c: {  	p2 =	seq.s32 s10, $0x1;
	s10 =	sld [smem:$0x3FB7]  }
0x3d: {  	_ =	shalt  }
0x3e: {  	_ =	shalt  }
0x3f: {  	_ =	shalt  }
0x40: {  	_ =	shalt  }
0x41: {  	_ =	shalt  }
0x42: {  	_ =	shalt  }
0x43: {  	_ =	shalt  }
0x44: {  	_ =	shalt  }
0x45: {  	_ =	shalt  }
0x46: {  	_ =	shalt  }
0x47: {  	_ =	shalt  }
0x48: {  	_ =	shalt  }
0x49: {  	_ =	shalt  }
0x4a: {  	_ =	shalt  }
0x4b: {  	_ =	shalt  }
0x4c: {  	_ =	shalt  }
0x4d: {  	_ =	shalt  }
0x4e: {  	_ =	shalt  }
0x4f: {  	_ =	shalt  }
0x50: {  	_ =	shalt  }
0x51: {  	_ =	shalt  }
0x52: {  	_ =	shalt  }
0x53: {  	_ =	shalt  }
0x54: {  	_ =	shalt  }
0x55: {  	_ =	shalt  }
0x56: {  	_ =	shalt  }
0x57: {  	_ =	shalt  }
0x58: {  	_ =	shalt  }
0x59: {  	_ =	shalt  }
0x5a: {  	_ =	shalt  }
0x5b: {  	_ =	shalt  }
0x5c: {  	_ =	shalt  }
0x5d: {  	_ =	shalt  }
0x5e: {  	_ =	shalt  }
0x5f: {  	_ =	shalt  }
0x60: {  	_ =	shalt  }
0x61: {  	_ =	shalt  }
0x62: {  	_ =	shalt  }
0x63: {  	_ =	shalt  }
0x64: {  	_ =	shalt  }
0x65: {  	_ =	shalt  }
0x66: {  	_ =	shalt  }
0x67: {  	_ =	shalt  }
0x68: {  	_ =	shalt  }
0x69: {  	_ =	shalt  }
0x6a: {  	_ =	shalt  }
0x6b: {  	_ =	shalt  }
0x6c: {  	_ =	shalt  }
0x6d: {  	_ =	shalt  }
0x6e: {  	_ =	shalt  }
0x6f: {  	_ =	shalt  }
0x70: {  	_ =	shalt  }
0x71: {  	_ =	shalt  }
0x72: {  	_ =	shalt  }
0x73: {  	_ =	shalt  }
0x74: {  	_ =	shalt  }
0x75: {  	_ =	shalt  }
0x76: {  	_ =	shalt  }
0x77: {  	_ =	shalt  }
0x78: {  	_ =	shalt  }
0x79: {  	_ =	shalt  }
0x7a: {  	_ =	shalt  }
0x7b: {  	_ =	shalt  }
0x7c: {  	_ =	shalt  }
0x7d: {  	_ =	shalt  }
0x7e: {  	_ =	shalt  }
0x7f: {  	_ =	shalt  }
0x80: {  	_ =	shalt  }
0x81: {  	_ =	shalt  }
0x82: {  	_ =	shalt  }
0x83: {  	_ =	shalt  }
0x84: {  	_ =	shalt  }
0x85: {  	_ =	shalt  }
0x86: {  	_ =	shalt  }
0x87: {  	_ =	shalt  }
.Lfunc_end0:
.L_simem_size_0:
called_computation_lowered:
.L_overlay_start_0:
0x88: {  	s2 =	sld [smem:$0x3FD9]  }
0x89: {  	s3 =	sld [smem:$0x3FFE];
	_ =	sdelay $0x1  }
0x8a: {  	s1 =	srdreg.scid  }
0x8b: {  	s0 =	sand.u32 $0x1, s1  }
0x8c: {  	s17 =	sshll.u32 s0, $0xA;
	s2 =	sadd.s32 s3, s2  }
0x8d: {  	s2 =	sadd.s32 s2, s17  }
0x8e: {  	[smem:$0x3FC3] =	sst s2  }
0x8f: {  	_ = 	snop  }
0x90: {  	s2 =	sld [smem:$0x3FC9]  }
0x91: {  	s18 =	sld [smem:$0x3FC8]  }
0x92: {  	s4 =	sld [smem:$0x3FC7];
	(tm) =	ssettm $0x1  }
0x93: {  	s5 =	sld [smem:$0x3FFB];
	_ =	sdelay $0x3  }
0x94: {  	_ =	strace s5  }
0x95: {  	s5 =	sld [smem:$0x3FFC];
	_ =	sdelay $0x3  }
0x96: {  	_ =	strace s5  }
0x97: {  	s5 =	sld [smem:$0x3FFD];
	_ =	sdelay $0x3  }
0x98: {  	_ =	strace s5  }
0x99: {  	_ =	strace $0x8FFFFFFF  }
0x9a: {  	s19 =	sld [smem:$0x3FDB];
	_ =	sdelay $0x1  }
0x9b: {  	s6 =	simm.s32 $_scs_section_size  }
0x9c: {  	s7 =	simm.s32 $_size__tile_overlayer_lowered;
	s8 =	simm.s32 $_tile_overlayer_lowered  }
0x9d: {  	s22 =	simm.s32 $0x1BFF;
	s21 =	sshll.u32 s8, $0x1;
	s5 =	sadd.s32 s6, s19  }
0x9e: {  	s9 =	simm.s32 $0x0;
	s20 =	sshll.u32 s7, $0x1;
	s7 =	sadd.s32 s21, s5  }
0x9f: {  	[timem:s9], [sflag:s22] =	dma.local [hbm:s7], s20  }
0xa0: {  	_ =	swait.ge [sflag:s22], s20  }
0xa1: {  	s6 =	ssub.s32 $0x0, s20;
	[sflag:s22] =	ssyncset.done $0x0  }
0xa2: {  	[sflag:s22] =	ssyncadd.s32 s6;
	_ =	sdelay $0x1  }
0xa3: {  	s23 =	simm.s32 $0x1B8B  }
0xa4: {  	_ =	swait.ge [sflag:s23], $0x1  }
0xa5: {  	[sflag:s23] =	ssyncset.done $0x0  }
0xa6: {  	s25 =	simm.s32 $0x1B8E;
	s24 =	sld [smem:$0x3FFE];
	[sflag:s23] =	ssyncadd.s32 $0xFFFFFFFF  }
0xa7: {  	s26 =	simm.s32 $execute0_lowered;
	[smem:$0x3FD2] =	sst s25  }
0xa8: {  	s7 =	sshll.u32 s26, $0x1;
	_ =	strace $0x80000046;
	[dreg:$0x1] =	wrdreg $0xFFFFFFFF  }
0xa9: {  	s28 =	simm.s32 $_size_execute0_lowered;
	s5 =	sadd.s32 s5, s7;
	[dreg:$0x0] =	wrdreg $0x0  }
0xaa: {  	s7 =	sshll.u32 s28, $0x1;
	[dreg:$0x2] =	wrdreg s5  }
0xab: {  	[dreg:$0x3] =	wrdreg s7  }
0xac: {  	[dreg:$0x4] =	wrdreg $0xC0  }
0xad: {  	_ =	task [dreg:s9], $0x5FFFF  }
0xae: {  	[dreg:$0x1] =	wrdreg $0xFFFFFFFF  }
0xaf: {  	[dreg:$0x0] =	wrdreg $0x60  }
0xb0: {  	[dreg:$0x2] =	wrdreg s2  }
0xb1: {  	[dreg:$0x3] =	wrdreg s18  }
0xb2: {  	[dreg:$0x4] =	wrdreg s4  }
0xb3: {  	[dreg:$0x5] =	wrdreg s24  }
0xb4: {  	[dreg:$0x6] =	wrdreg $0x9  }
0xb5: {  	_ =	task.clear_ibuf [dreg:s9], $0x7FFFF;
	_ =	strace $0x90000046  }
0xb6: {  	s29 =	simm.s32 $0x9;
	_ =	strace $0x80000048  }
0xb7: {  	_ =	swait.ge [sflag:s29], $0x1  }
0xb8: {  	[sflag:s29] =	ssyncadd.s32 $0xFFFFFFFF  }
0xb9: {  	_ =	strace $0x90000048  }
0xba: {  	_ =	sfence  }
0xbb: {  	s30 =	sld [smem:$0x0];
	_ =	sdelay $0x2  }
0xbc: {  	s31 =	sshll.u32 s1, $0xD;
	s1 =	sshrl.u32 s1, $0x2  }
0xbd: {  	s3 =	sand.u32 $0x4000, s31;
	s1 =	sadd.s32 s1, s30  }
0xbe: {  	s0 =	sor.u32 s3, s0;
	s1 =	sshll.u32 s1, $0x11  }
0xbf: {  	s0 =	sor.u32 s1, s0  }
0xc0: {  	s0 =	sadd.s32 $0x8F2B, s0  }
0xc1: {  	[sflag:s0] =	ssyncadd.remote.s32 $0x1  }
0xc2: {  	_ =	sfence.sel $0xFFFF  }
0xc3: {  	[dreg:$0x0] =	wrdreg $0xFFFFFFFF;
	(pc) =	sbr.abs _section_cstart, $3  }
0xc4: {  	[dreg:$0x1] =	wrdreg $0xFFFFFFFF  }
0xc5: {  	_ =	task.clear_ibuf [dreg:s9], $0x2FFFF;
	_ =	strace $0x9FFFFFFF  }
0xc6: {  	(tm) =	ssettm $0x7FFFFFFF  }
0xc7: {  	_ =	shalt  }
tec
execute0_lowered:
.L_overlay_start_1:
0x0: {  	(tag) =	ssettag $0x1  }
0x1: {  	s1 =	rddreg [dreg:$0x0]  }
0x2: {  	s2 =	rddreg [dreg:$0x1]  }
0x3: {  	s5 =	rddreg [dreg:$0x2]  }
0x4: {  	s0 =	rddreg [dreg:$0x3]  }
0x5: {  	s14 =	simm.s32 $0x0;
	s4 =	srdreg.scid;
	s3 =	stileid.u32  }
0x6: {  	[smem:$0x7FF] =	sst s14;
	s4 =	sand.u32 $0x1, s4;
	s7 =	sshll.u32 s3, $0x1  }
0x7: {  	s6 =	sadd.s32 $0x80C00, s0;
	s8 =	sadd.s32 $0xC00, s0;
	s3 =	smov.u32 s5  }
0x8: {  	_ =	strace $0x80000047;
	s10 =	sor.u32 s4, s7;
	s4 =	ssub.s32 $0x2, s4  }
0x9: {  	s11 =	smul.u32 $0x180, s10;
	s7 =	sshll.u32 s10, $0x6;
	s12 =	sshrl.u32 s4, $0x1  }
0xa: {  	s10 =	sshll.u32 s10, $0xE;
	s9 =	sor.u32 $0x800, s7;
	s4 =	ssub.s32 s4, s12  }
0xb: {  	s20 =	sor.u32 $0x804, s7;
	s23 =	sadd.s32 s6, s10;
	s25 =	sadd.s32 s8, s10  }
0xc: {  	s10 =	sor.u32 $0x40, s10;
	s0 =	sadd.s32 s11, s0;
	[dreg:$0x8] =	wrdreg s23  }
0xd: {  	s17 =	sshll.u32 s9, $0x9;
	[dreg:$0x9] =	wrdreg s25;
	s29 =	sadd.s32 s6, s10  }
0xe: {  	s19 =	sshll.u32 s9, $0x8;
	s30 =	sadd.s32 s8, s10;
	[dreg:$0xd] =	wrdreg s29  }
0xf: {  	s13 =	sshll.u32 s20, $0x8;
	s31 =	smax.u32 s4, $0x1;
	[dreg:$0xe] =	wrdreg s30  }
0x10: {  	s12 =	sshll.u32 s20, $0x9;
	s18 =	sadd.s32 s1, s17;
	[dreg:$0x10] =	wrdreg s31  }
0x11: {  	s23 =	simm.s32 $0x400;
	s21 =	sadd.s32 s2, s19;
	[dreg:$0x5] =	wrdreg s18  }
0x12: {  	s22 =	sadd.s32 s5, s19;
	s24 =	sand.u32 $0xFC000, s13;
	[dreg:$0x6] =	wrdreg s21  }
.Ltmp0:
0x13: {  	s1 =	sadd.s32 s1, s12;
	[dreg:$0x7] =	wrdreg s22;
	(pc) =	sbr.rel .LBB2_1-.Ltmp0, $4  }
0x14: {  	s0 =	sadd.s32 $0x100C00, s0;
	s11 =	sor.u32 $0x40, s24;
	[dreg:$0xa] =	wrdreg s1  }
0x15: {  	s25 =	simm.s32 $0x2;
	[dreg:$0xf] =	wrdreg s0;
	s26 =	sadd.s32 s2, s11  }
0x16: {  	s22 =	simm.s32 $0x200;
	s28 =	sadd.s32 s5, s11;
	[dreg:$0xb] =	wrdreg s26  }
0x17: {  	s24 =	simm.s32 $0x1;
	s2 =	simm.s32 $0x0;
	[dreg:$0xc] =	wrdreg s28  }
.LBB2_20:
0x18: {  	[tilespmem:$0x18000] =	vst v38  }
0x19: {  	[tilespmem:$0x18080] =	vst v14  }
0x1a: {  	[tilespmem:$0x18100] =	vst v13  }
0x1b: {  	[tilespmem:$0x18180] =	vst v49  }
0x1c: {  	[tilespmem:$0x18200] =	vst v51  }
0x1d: {  	[tilespmem:$0x18280] =	vst v50  }
0x1e: {  	[tilespmem:$0x18300] =	vst v46  }
0x1f: {  	[tilespmem:$0x18380] =	vst v28  }
0x20: {  	[tilespmem:$0x18400] =	vst v27  }
0x21: {  	[tilespmem:$0x18480] =	vst v25  }
0x22: {  	[tilespmem:$0x18500] =	vst v23  }
0x23: {  	[tilespmem:$0x18580] =	vst v12  }
0x24: {  	[tilespmem:$0x18600] =	vst v11  }
0x25: {  	[tilespmem:$0x18680] =	vst v10  }
0x26: {  	[tilespmem:$0x18700] =	vst v9  }
0x27: {  	[tilespmem:$0x18780] =	vst v6  }
0x28: {  	[tilespmem:$0x18800] =	vst v0  }
0x29: {  	[tilespmem:$0x18880] =	vst v2;
	s14 =	simm.s32 $0x0  }
0x2a: {  	[tilespmem:$0x18900] =	vst v1;
	s0 =	rddreg [dreg:$0xf];
	s1 =	simm.s32 $0x18000;
	s30 =	simm.s32 $0x3  }
0x2b: {  	[hbm4b:s0+s14] =	stream.linear.scatter [tilespmem:s1], [sflag:$0x3], $0x980, $0x38;
	[tilespmem:$0x18C00] =	vst v63  }
0x2c: {  	_ =	swait.ge [sflag:s30], $0x980  }
0x2d: {  	s2 =	rddreg [dreg:$0x11]  }
0x2e: {  	s31 =	rddreg [dreg:$0x10];
	s2 =	sadd.s32 $0x1, s2  }
0x2f: {  	p0 =	sne.s32 s2, s31  }
.Ltmp1:
0x30: {  	_ = 	snop;
	(pc) =	sbr.rel @!p0 .LBB2_21-.Ltmp1, $3  }
0x31: {  	_ =	sdelay $0x1  }
0x32: {  	[sflag:s30] =	ssyncset.done $0x0  }
0x33: {  	[sflag:s30] =	ssyncadd.s32 $0xFFFFF680  }
.LBB2_1:
0x34: {  	[dreg:$0x11] =	wrdreg s2  }
0x35: {  	s0 =	rddreg [dreg:$0x5]  }
0x36: {  	[tilespmem:s14], [sflag:$0x1] =	stream.linear.gather [hbm4b:s0+s14], $0x4000, $0x38;
	[tilespmem:$0x18C00] =	vst v63  }
0x37: {  	s5 =	rddreg [dreg:$0x6];
	s1 =	simm.s32 $0x8000  }
0x38: {  	[tilespmem:s1], [sflag:$0x1] =	stream.strided.gather [hbm4b:s5+s22], $0x2000, s23, s22, $0x38;
	[tilespmem:$0x18C00] =	vst v63  }
0x39: {  	s10 =	rddreg [dreg:$0x7];
	s11 =	simm.s32 $0xC000  }
0x3a: {  	[tilespmem:s11], [sflag:$0x1] =	stream.strided.gather [hbm4b:s10+s22], $0x2000, s23, s22, $0x38;
	[tilespmem:$0x18C00] =	vst v63  }
0x3b: {  	s12 =	rddreg [dreg:$0x8];
	s13 =	simm.s32 $0x10000  }
0x3c: {  	[tilespmem:s13], [sflag:$0x1] =	stream.strided.gather [hbm4b:s12+s22], $0x2000, s23, s22, $0x38;
	[tilespmem:$0x18C00] =	vst v63  }
0x3d: {  	s15 =	rddreg [dreg:$0x9];
	s16 =	simm.s32 $0x14000  }
0x3e: {  	[tilespmem:s16], [sflag:$0x1] =	stream.strided.gather [hbm4b:s15+s22], $0x2000, s23, s22, $0x38;
	[tilespmem:$0x18C00] =	vst v63  }
0x3f: {  	s17 =	rddreg [dreg:$0xa];
	s18 =	simm.s32 $0x4000  }
0x40: {  	v0 =	vimm.f32 $0.0e+00;
	[tilespmem:s18], [sflag:$0x2] =	stream.linear.gather [hbm4b:s17+s14], $0x4000, $0x38;
	[tilespmem:$0x18C00] =	vst v63  }
0x41: {  	s19 =	rddreg [dreg:$0xb];
	s20 =	simm.s32 $0xA000;
	[tilespmem:$0x1FFC0] =	vst v0  }
0x42: {  	v0 =	vimm.f32 $0.0e+00;
	[tilespmem:s20], [sflag:$0x2] =	stream.strided.gather [hbm4b:s19+s22], $0x2000, s23, s22, $0x38;
	[tilespmem:$0x18C00] =	vst v63  }
0x43: {  	s21 =	rddreg [dreg:$0xc];
	s26 =	simm.s32 $0xE000;
	v1 =	vimm.f32 $0.0e+00;
	v2 =	vimm.f32 $0.0e+00;
	[tilespmem:$0x1FFD0] =	vst v0  }
0x44: {  	v9 =	vimm.f32 $0.0e+00;
	v10 =	vimm.f32 $0.0e+00;
	v0 =	vimm.f32 $0.0e+00;
	[tilespmem:s26], [sflag:$0x2] =	stream.strided.gather [hbm4b:s21+s22], $0x2000, s23, s22, $0x38;
	[tilespmem:$0x18C00] =	vst v63  }
0x45: {  	s28 =	rddreg [dreg:$0xd];
	s29 =	simm.s32 $0x12000;
	v11 =	vimm.f32 $0.0e+00;
	v12 =	vimm.f32 $0.0e+00;
	v3 =	vimm.f32 $0.0e+00;
	[tilespmem:$0x1FFE0] =	vst v0  }
0x46: {  	v4 =	vimm.f32 $0.0e+00;
	v5 =	vimm.f32 $0.0e+00;
	v0 =	vimm.f32 $0.0e+00;
	[tilespmem:s29], [sflag:$0x2] =	stream.strided.gather [hbm4b:s28+s22], $0x2000, s23, s22, $0x38;
	[tilespmem:$0x18C00] =	vst v63  }
0x47: {  	s30 =	rddreg [dreg:$0xe];
	s31 =	simm.s32 $0x16000;
	v7 =	vimm.f32 $0.0e+00;
	v8 =	vimm.f32 $0.0e+00;
	v6 =	vimm.f32 $0.0e+00;
	[tilespmem:$0x1FFF0] =	vst v0;
	s10 =	simm.s32 $0x0  }
0x48: {  	v13 =	vimm.f32 $0.0e+00;
	v14 =	vimm.f32 $0.0e+00;
	v0 =	vimm.f32 $0.0e+00;
	[tilespmem:s31], [sflag:$0x2] =	stream.strided.gather [hbm4b:s30+s22], $0x2000, s23, s22, $0x38;
	[tilespmem:$0x18C00] =	vst v63  }
.LBB2_2:
0x49: {  	_ =	swait.ge [sflag:s24], $0x4000  }
0x4a: {  	[sflag:s24] =	ssyncset.done $0x0  }
0x4b: {  	[sflag:s24] =	ssyncadd.s32 $0xFFFFC000  }
0x4c: {  	_ =	swait.ge [sflag:s24], $0x2000  }
0x4d: {  	[sflag:s24] =	ssyncset.done $0x0  }
0x4e: {  	[sflag:s24] =	ssyncadd.s32 $0xFFFFE000  }
0x4f: {  	_ =	swait.ge [sflag:s24], $0x2000  }
0x50: {  	[sflag:s24] =	ssyncset.done $0x0  }
0x51: {  	[sflag:s24] =	ssyncadd.s32 $0xFFFFE000  }
0x52: {  	_ =	swait.ge [sflag:s24], $0x2000  }
0x53: {  	[sflag:s24] =	ssyncset.done $0x0  }
0x54: {  	[sflag:s24] =	ssyncadd.s32 $0xFFFFE000  }
0x55: {  	s11 =	simm.s32 $0x0;
	s0 =	simm.s32 $0x0;
	_ =	swait.ge [sflag:s24], $0x2000  }
0x56: {  	s12 =	sand.u32 $0x40, s11;
	s17 =	sand.u32 $0xFFFFFE00, s0;
	[sflag:s24] =	ssyncset.done $0x0  }
0x57: {  	s18 =	sor.u32 s12, s17;
	[sflag:s24] =	ssyncadd.s32 $0xFFFFE000  }
0x58: {  	v28 =	vld [tilespmem:s18+$0x10000]  }
0x59: {  	s29 =	simm.s32 $0x0;
	v15 =	vld [tilespmem:s18+$0x14000]  }
0x5a: {  	s15 =	sand.u32 $0x3FFFFF00, s29;
	v17 =	vld [tilespmem:s18+$0x8000]  }
0x5b: {  	s0 =	sor.u32 s12, s15;
	s14 =	sor.u32 $0x30, s12;
	v18 =	vld [tilespmem:s18+$0xC000]  }
0x5c: {  	s4 =	sor.u32 s17, s14;
	v19 =	vld [tilespmem:s0+$0x0]  }
0x5d: {  	v47 =	vld [tilespmem:s4+$0x10000]  }
0x5e: {  	v34 =	vld [tilespmem:s4+$0x14000]  }
0x5f: {  	v21 =	vld [tilespmem:s4+$0x8000]  }
0x60: {  	s13 =	sor.u32 $0x20, s12;
	s19 =	sor.u32 s14, s15;
	v24 =	vld [tilespmem:s4+$0xC000]  }
0x61: {  	s30 =	sor.u32 s17, s13;
	v26 =	vld [tilespmem:s19+$0x0]  }
0x62: {  	v48 =	vld [tilespmem:s30+$0x10000]  }
0x63: {  	v37 =	vld [tilespmem:s30+$0x14000]  }
0x64: {  	v36 =	vld [tilespmem:s30+$0x8000]  }
0x65: {  	s16 =	sor.u32 $0x10, s12;
	s20 =	sor.u32 s13, s15;
	v38 =	vld [tilespmem:s30+$0xC000]  }
0x66: {  	s31 =	sor.u32 s17, s16;
	v39 =	vld [tilespmem:s20+$0x0]  }
0x67: {  	v41 =	vld [tilespmem:s31+$0x10000]  }
0x68: {  	s21 =	sor.u32 s16, s15;
	v40 =	vld [tilespmem:s31+$0x14000]  }
0x69: {  	v42 =	vld [tilespmem:s21+$0x0];
	v44 =	vmul.f32 v19, v15;
	v45 =	vmul.f32 v18, v15  }
0x6a: {  	v43 =	vld [tilespmem:s31+$0xC000];
	v23 =	vmul.f32 v15, v28;
	v49 =	vmul.f32 v17, v28  }
0x6b: {  	v32 =	vld [tilespmem:s0+$0x80];
	v50 =	vmul.f32 v26, v34;
	v51 =	vmul.f32 v24, v34  }
0x6c: {  	v46 =	vld [tilespmem:s31+$0x8000];
	v52 =	vmul.f32 v39, v37;
	v27 =	vmul.f32 v21, v47  }
0x6d: {  	v55 =	vld [tilespmem:s19+$0x80];
	v53 =	vmul.f32 v38, v37;
	v20 =	vmul.f32 v34, v47  }
0x6e: {  	v54 =	vmul.f32 v42, v40;
	v17 =	vsub.f32 v17, v18;
	v18 =	vld [tilespmem:s20+$0x80];
	v16 =	vmul.f32 v51, v50  }
0x6f: {  	v61 =	vld [tilespmem:s21+$0x80];
	v35 =	vmul.f32 v36, v48;
	v56 =	vmul.f32 v43, v40  }
0x70: {  	v19 =	vadd.f32 v32, v19;
	v62 =	vsub.f32 v21, v24;
	[tilespmem:$0x1FF90] =	vst v16;
	v16 =	vmul.f32 v50, v50  }
0x71: {  	v0 =	vadd.f32 v15, v0;
	v21 =	vmul.f32 v17, v23;
	v14 =	vadd.f32 v44, v14  }
0x72: {  	v17 =	vadd.f32 v55, v26;
	v13 =	vadd.f32 v45, v13;
	[tilespmem:$0x1FFA0] =	vst v16;
	v16 =	vmul.f32 v51, v51  }
0x73: {  	v57 =	vmul.f32 v46, v41;
	v14 =	vadd.f32 v54, v14;
	v24 =	vadd.f32 v18, v39  }
0x74: {  	v60 =	vmul.f32 v45, v45;
	v13 =	vadd.f32 v56, v13;
	[tilespmem:$0x1FFB0] =	vst v16;
	v16 =	vadd.f32 v61, v42  }
0x75: {  	v39 =	vsub.f32 v46, v43;
	v15 =	vadd.f32 v52, v14;
	v46 =	vmul.f32 v24, v48  }
0x76: {  	v24 =	vmul.f32 v55, v20;
	v55 =	vmul.f32 v16, v41;
	v16 =	vadd.f32 v53, v13  }
0x77: {  	v58 =	vmul.f32 v45, v44;
	v59 =	vmul.f32 v44, v44;
	v7 =	vadd.f32 v60, v7  }
0x78: {  	v13 =	vadd.f32 v50, v15;
	v15 =	vadd.f32 v51, v16;
	v16 =	vmul.f32 v56, v56  }
0x79: {  	v6 =	vadd.f32 v58, v6;
	v43 =	vmul.f32 v17, v47;
	v17 =	vmul.f32 v56, v54  }
0x7a: {  	v31 =	vmul.f32 v53, v52;
	v8 =	vadd.f32 v59, v8;
	v7 =	vadd.f32 v16, v7;
	v16 =	vld [tilespmem:$0x1FF90]  }
0x7b: {  	v14 =	vmul.f32 v62, v20;
	v62 =	vmul.f32 v54, v54;
	v6 =	vadd.f32 v17, v6  }
0x7c: {  	v22 =	vmul.f32 v37, v48;
	v63 =	vmul.f32 v19, v28  }
0x7d: {  	v19 =	vmul.f32 v52, v52;
	v8 =	vadd.f32 v62, v8;
	v6 =	vadd.f32 v31, v6  }
0x7e: {  	v25 =	vmul.f32 v40, v41;
	v5 =	vadd.f32 v28, v5;
	v31 =	vadd.f32 v49, v3;
	v3 =	vld [tilespmem:$0x1FFF0]  }
0x7f: {  	v33 =	vmul.f32 v49, v49;
	v8 =	vadd.f32 v19, v8;
	v19 =	vadd.f32 v16, v6;
	v6 =	vld [tilespmem:$0x1FFA0]  }
0x80: {  	v32 =	vmul.f32 v32, v23;
	v26 =	vmul.f32 v27, v27;
	v0 =	vadd.f32 v40, v0  }
0x81: {  	v30 =	vsub.f32 v36, v38;
	v29 =	vmul.f32 v53, v53;
	v28 =	vmul.f32 v49, v63  }
0x82: {  	v38 =	vmul.f32 v35, v35;
	v5 =	vadd.f32 v41, v5;
	v0 =	vadd.f32 v37, v0  }
0x83: {  	v45 =	vmul.f32 v57, v57;
	v7 =	vadd.f32 v29, v7;
	v29 =	vadd.f32 v28, v3;
	v3 =	vld [tilespmem:$0x1FFE0]  }
0x84: {  	v5 =	vadd.f32 v48, v5;
	v37 =	vmul.f32 v18, v22;
	v17 =	vadd.f32 v6, v8;
	v6 =	vld [tilespmem:$0x1FFB0]  }
0x85: {  	v0 =	vadd.f32 v34, v0;
	v34 =	vmul.f32 v30, v22;
	v36 =	vsub.f32 v43, v27  }
0x86: {  	v42 =	vsub.f32 v63, v49;
	v40 =	vsub.f32 v46, v35;
	v8 =	vmul.f32 v63, v63  }
0x87: {  	v39 =	vmul.f32 v39, v25;
	v44 =	vsub.f32 v55, v57;
	v16 =	vadd.f32 v47, v5  }
0x88: {  	v52 =	vmovc v9;
	v41 =	vmul.f32 v61, v25;
	v5 =	vadd.f32 v63, v4;
	v28 =	vadd.f32 v8, v3  }
0x89: {  	v48 =	vmovc v1;
	v50 =	vld [tilespmem:$0x1FFC0];
	v30 =	vmul.f32 v55, v55;
	v8 =	vadd.f32 v57, v31;
	v18 =	vadd.f32 v6, v7  }
0x8a: {  	s19 =	simm.s32 $0x1;
	s20 =	simm.s32 $0x0;
	v49 =	vmovc v2;
	v51 =	vld [tilespmem:$0x1FFD0];
	v6 =	vmul.f32 v57, v55;
	v7 =	vadd.f32 v55, v5;
	v5 =	vmul.f32 v35, v46  }
.LBB2_3:
0x8b: {  	s0 =	sshll.u32 s19, $0x8;
	s20 =	sadd.s32 $0x40, s20  }
0x8c: {  	v6 =	vadd.f32 v6, v29;
	v28 =	vadd.f32 v30, v28;
	v29 =	vmul.f32 v46, v46;
	s28 =	sand.u32 $0x40, s20;
	s26 =	sand.u32 $0xFFFFFE00, s0  }
0x8d: {  	v58 =	vmul.f32 v43, v43;
	v10 =	vadd.f32 v23, v10;
	v7 =	vadd.f32 v46, v7;
	s0 =	sor.u32 s28, s26  }
0x8e: {  	s4 =	sshll.u32 s19, $0x7;
	v8 =	vadd.f32 v35, v8;
	v30 =	vmul.f32 v27, v43;
	v29 =	vadd.f32 v29, v28;
	v28 =	vld [tilespmem:s0+$0x10000]  }
0x8f: {  	v47 =	vmul.f32 v21, v32;
	s29 =	sand.u32 $0x3FFFFF00, s4;
	v9 =	vadd.f32 v32, v52;
	v4 =	vadd.f32 v21, v51;
	v31 =	vld [tilespmem:s0+$0x14000]  }
0x90: {  	v23 =	vand.u32 $0x7FFFFFFF, v44;
	s21 =	sor.u32 s28, s29;
	v10 =	vadd.f32 v25, v10;
	v57 =	vadd.f32 v5, v6;
	v59 =	vld [tilespmem:s0+$0x8000]  }
0x91: {  	v62 =	vmul.f32 v21, v21;
	s1 =	sor.u32 $0x30, s28;
	s30 =	sor.u32 $0x20, s28;
	s28 =	sor.u32 $0x10, s28;
	v1 =	vadd.f32 v43, v7;
	v60 =	vld [tilespmem:s0+$0xC000];
	v9 =	vadd.f32 v41, v9  }
0x92: {  	v21 =	vmul.f32 v39, v39;
	v61 =	vld [tilespmem:s21+$0x0];
	s2 =	sor.u32 s26, s1;
	s5 =	sor.u32 s26, s30;
	v3 =	vadd.f32 v47, v50;
	v4 =	vadd.f32 v39, v4;
	s26 =	sor.u32 s26, s28  }
0x93: {  	v25 =	vmul.f32 v34, v37;
	s31 =	sor.u32 s28, s29;
	v12 =	vadd.f32 v33, v12;
	v10 =	vadd.f32 v22, v10;
	v44 =	vld [tilespmem:s26+$0x14000]  }
0x94: {  	v43 =	vld [tilespmem:s31+$0x0];
	[tilespmem:$0x1FF50] =	vst v1;
	v1 =	vadd.f32 v27, v8;
	v27 =	vand.u32 $0x7FFFFFFF, v42;
	v9 =	vadd.f32 v37, v9  }
0x95: {  	v22 =	vand.u32 $0x7FFFFFFF, v36;
	v46 =	vld [tilespmem:s26+$0xC000];
	v4 =	vadd.f32 v34, v4;
	v11 =	vadd.f32 v27, v11  }
0x96: {  	v36 =	vld [tilespmem:s2+$0xC000];
	v27 =	vmul.f32 v32, v32;
	v12 =	vadd.f32 v45, v12;
	[tilespmem:$0x1FF60] =	vst v1;
	v1 =	vadd.f32 v30, v57  }
0x97: {  	v5 =	vmovc v18;
	v18 =	vmovc v17;
	v45 =	vld [tilespmem:s2+$0x14000];
	v17 =	vadd.f32 v14, v4;
	v11 =	vadd.f32 v23, v11;
	v23 =	vand.u32 $0x7FFFFFFF, v40  }
0x98: {  	v12 =	vadd.f32 v38, v12;
	v38 =	vld [tilespmem:s2+$0x8000];
	v47 =	vmul.f32 v59, v28;
	v42 =	vsub.f32 v59, v60  }
0x99: {  	v40 =	vld [tilespmem:s5+$0x14000];
	v0 =	vadd.f32 v31, v0;
	[tilespmem:$0x1FF70] =	vst v1;
	v1 =	vadd.f32 v58, v29;
	v53 =	vmul.f32 v43, v44  }
0x9a: {  	s0 =	sor.u32 s1, s29;
	v29 =	vld [tilespmem:s2+$0x10000];
	v55 =	vmul.f32 v46, v44;
	v2 =	vadd.f32 v23, v11;
	v23 =	vmul.f32 v14, v24  }
0x9b: {  	v54 =	vld [tilespmem:s0+$0x80];
	v33 =	vmul.f32 v47, v47;
	v0 =	vadd.f32 v44, v0;
	[tilespmem:$0x1FF80] =	vst v1;
	v1 =	vadd.f32 v26, v12  }
0x9c: {  	v26 =	vld [tilespmem:s0+$0x0];
	v12 =	vadd.f32 v20, v10;
	v20 =	vmul.f32 v41, v41;
	v11 =	vmovc v19;
	v19 =	vadd.f32 v24, v9  }
0x9d: {  	v30 =	vld [tilespmem:s5+$0x10000];
	[tilespmem:$0x1FF40] =	vst v1;
	v1 =	vadd.f32 v22, v2;
	v22 =	vmul.f32 v39, v41;
	v2 =	vadd.f32 v27, v49  }
0x9e: {  	s30 =	sor.u32 s30, s29;
	v50 =	vmul.f32 v36, v45;
	v41 =	vld [tilespmem:s5+$0x8000];
	v63 =	vsub.f32 v38, v36;
	v0 =	vadd.f32 v40, v0  }
0x9f: {  	v39 =	vld [tilespmem:s30+$0x0];
	v27 =	vmul.f32 v38, v29;
	[tilespmem:$0x1FF30] =	vst v1;
	v1 =	vadd.f32 v62, v48;
	v3 =	vadd.f32 v22, v3  }
0xa0: {  	v22 =	vmul.f32 v37, v37;
	v2 =	vadd.f32 v20, v2;
	v20 =	vmul.f32 v34, v34  }
0xa1: {  	v57 =	vld [tilespmem:s30+$0x80];
	v49 =	vmul.f32 v26, v45;
	v36 =	vadd.f32 v54, v26;
	v26 =	vmul.f32 v27, v27  }
0xa2: {  	v37 =	vld [tilespmem:s5+$0xC000];
	v1 =	vadd.f32 v21, v1;
	v3 =	vadd.f32 v25, v3;
	v21 =	vmul.f32 v24, v24  }
0xa3: {  	v34 =	vld [tilespmem:s26+$0x10000];
	v2 =	vadd.f32 v22, v2;
	v24 =	vmul.f32 v61, v31;
	v22 =	vmul.f32 v40, v30  }
0xa4: {  	v48 =	vld [tilespmem:s26+$0x8000];
	v51 =	vmul.f32 v39, v40;
	v35 =	vmul.f32 v41, v30;
	v1 =	vadd.f32 v20, v1  }
0xa5: {  	v6 =	vmovc v16;
	v20 =	vmul.f32 v14, v14;
	v16 =	vadd.f32 v23, v3;
	v14 =	vmul.f32 v60, v31  }
0xa6: {  	v7 =	vadd.f32 v21, v2;
	v23 =	vmul.f32 v31, v28;
	v21 =	vld [tilespmem:s21+$0x80];
	v60 =	vmul.f32 v24, v24  }
0xa7: {  	v0 =	vadd.f32 v45, v0;
	v2 =	vmul.f32 v49, v49;
	v3 =	vmul.f32 v50, v50  }
0xa8: {  	v13 =	vadd.f32 v24, v13;
	v31 =	vmul.f32 v55, v53;
	v52 =	vmul.f32 v37, v40  }
0xa9: {  	v56 =	vmul.f32 v48, v34;
	v41 =	vsub.f32 v41, v37;
	v37 =	vadd.f32 v57, v39  }
0xaa: {  	v39 =	vsub.f32 v48, v46;
	v59 =	vmul.f32 v14, v24;
	v13 =	vadd.f32 v53, v13  }
0xab: {  	v62 =	vld [tilespmem:s31+$0x80];
	v58 =	vadd.f32 v21, v61;
	v61 =	vmul.f32 v14, v14;
	v14 =	vadd.f32 v14, v15  }
0xac: {  	v9 =	vmul.f32 v51, v51;
	v8 =	vadd.f32 v20, v1;
	v20 =	vmul.f32 v45, v29  }
0xad: {  	v48 =	vmul.f32 v52, v51;
	v13 =	vadd.f32 v51, v13;
	v14 =	vadd.f32 v55, v14  }
0xae: {  	v10 =	vmul.f32 v52, v52;
	v51 =	vmovc v17;
	v17 =	vadd.f32 v60, v18;
	v18 =	vadd.f32 v61, v5  }
0xaf: {  	v15 =	vadd.f32 v52, v14;
	v52 =	vmovc v19;
	v19 =	vadd.f32 v59, v11;
	v11 =	vmul.f32 v55, v55  }
0xb0: {  	v25 =	vmul.f32 v44, v34;
	v4 =	vadd.f32 v62, v43;
	v43 =	vmul.f32 v36, v29  }
0xb1: {  	v14 =	vmul.f32 v63, v20;
	v63 =	vmul.f32 v53, v53;
	v18 =	vadd.f32 v11, v18  }
0xb2: {  	v38 =	vmul.f32 v35, v35;
	v1 =	vmul.f32 v50, v49;
	v36 =	vsub.f32 v43, v27  }
0xb3: {  	v46 =	vmul.f32 v37, v30;
	v17 =	vadd.f32 v63, v17;
	v5 =	vadd.f32 v10, v18  }
0xb4: {  	v4 =	vmul.f32 v4, v34;
	v15 =	vadd.f32 v50, v15;
	v50 =	vmovc v16;
	v16 =	vadd.f32 v28, v6  }
0xb5: {  	v45 =	vmul.f32 v56, v56;
	v9 =	vadd.f32 v9, v17;
	v18 =	vadd.f32 v3, v5;
	v5 =	vld [tilespmem:$0x1FF70]  }
0xb6: {  	v37 =	vmul.f32 v57, v22;
	v58 =	vmul.f32 v58, v28;
	v16 =	vadd.f32 v34, v16  }
0xb7: {  	v39 =	vmul.f32 v39, v25;
	v40 =	vsub.f32 v46, v35;
	v17 =	vadd.f32 v2, v9;
	v2 =	vld [tilespmem:$0x1FF50]  }
0xb8: {  	v44 =	vsub.f32 v4, v56;
	v28 =	vmul.f32 v47, v58;
	v16 =	vadd.f32 v30, v16;
	v3 =	vld [tilespmem:$0x1FF60]  }
0xb9: {  	v24 =	vmul.f32 v54, v20;
	v13 =	vadd.f32 v49, v13;
	v19 =	vadd.f32 v31, v19  }
0xba: {  	p0 =	sne.s32 s19, $0x1F;
	v32 =	vmul.f32 v21, v23;
	v16 =	vadd.f32 v29, v16;
	v29 =	vadd.f32 v28, v5;
	v5 =	vld [tilespmem:$0x1FF80]  }
.Ltmp2:
0xbb: {  	v21 =	vmul.f32 v42, v23;
	v42 =	vsub.f32 v58, v47;
	v19 =	vadd.f32 v48, v19;
	(pc) =	sbr.rel @p0 .LBB2_3-.Ltmp2, $4  }
0xbc: {  	v6 =	vmul.f32 v56, v4;
	v34 =	vmul.f32 v41, v22;
	v2 =	vadd.f32 v58, v2  }
0xbd: {  	v49 =	vmovc v7;
	v19 =	vadd.f32 v1, v19;
	v1 =	vmul.f32 v58, v58;
	v3 =	vadd.f32 v47, v3  }
0xbe: {  	v11 =	vld [tilespmem:$0x1FF30];
	v41 =	vmul.f32 v62, v25;
	v48 =	vmovc v8;
	v30 =	vmul.f32 v4, v4;
	v7 =	vadd.f32 v4, v2  }
0xbf: {  	s19 =	sadd.s32 $0x1, s19;
	v10 =	vmovc v12;
	v12 =	vld [tilespmem:$0x1FF40];
	v8 =	vadd.f32 v56, v3;
	v28 =	vadd.f32 v1, v5;
	v5 =	vmul.f32 v35, v46  }
0xc0: {  	v1 =	vadd.f32 v6, v29;
	v3 =	vmul.f32 v46, v46;
	v4 =	vadd.f32 v46, v7  }
0xc1: {  	v9 =	vmul.f32 v21, v32;
	v2 =	vadd.f32 v30, v28;
	v6 =	vadd.f32 v35, v8  }
0xc2: {  	v7 =	vmul.f32 v27, v43;
	v1 =	vadd.f32 v5, v1;
	v35 =	vadd.f32 v43, v4  }
0xc3: {  	v31 =	vmul.f32 v14, v24;
	s4 =	sor.u32 s13, s17;
	v30 =	vld [tilespmem:s18+$0xC080];
	v5 =	vadd.f32 v32, v52;
	v9 =	vadd.f32 v9, v50  }
0xc4: {  	v63 =	vld [tilespmem:s4+$0xC080];
	v4 =	vand.u32 $0x7FFFFFFF, v42;
	v2 =	vadd.f32 v3, v2;
	v29 =	vadd.f32 v27, v6  }
0xc5: {  	s20 =	sor.u32 s16, s17;
	v57 =	vld [tilespmem:s4+$0x8080];
	v3 =	vmul.f32 v43, v43;
	v60 =	vadd.f32 v4, v11;
	v4 =	vadd.f32 v23, v10  }
0xc6: {  	v58 =	vld [tilespmem:s20+$0xC080];
	v6 =	vand.u32 $0x7FFFFFFF, v44;
	v28 =	vadd.f32 v7, v1;
	v59 =	vadd.f32 v33, v12  }
0xc7: {  	s28 =	sadd.s32 $0x1080, s15;
	v47 =	vld [tilespmem:s20+$0x8080];
	v11 =	vmul.f32 v21, v21;
	v5 =	vadd.f32 v41, v5;
	v27 =	vadd.f32 v3, v2  }
0xc8: {  	s29 =	sor.u32 s16, s28;
	v10 =	vld [tilespmem:s18+$0x14080];
	v3 =	vmul.f32 v32, v32;
	v2 =	vadd.f32 v6, v60;
	v4 =	vadd.f32 v25, v4  }
0xc9: {  	v50 =	vld [tilespmem:s29+$0x0];
	v6 =	vand.u32 $0x7FFFFFFF, v40;
	v11 =	vadd.f32 v11, v48;
	v1 =	vadd.f32 v45, v59  }
0xca: {  	v61 =	vmul.f32 v34, v37;
	v23 =	vld [tilespmem:s18+$0x8080];
	v8 =	vadd.f32 v37, v5;
	v2 =	vadd.f32 v6, v2  }
0xcb: {  	v62 =	vmul.f32 v39, v41;
	v12 =	vld [tilespmem:s18+$0x10080];
	v4 =	vadd.f32 v22, v4;
	v3 =	vadd.f32 v3, v49  }
0xcc: {  	s0 =	sor.u32 s14, s17;
	s5 =	sadd.s32 $0x1000, s15;
	v33 =	vld [tilespmem:s4+$0x14080];
	v6 =	vand.u32 $0x7FFFFFFF, v36;
	v1 =	vadd.f32 v38, v1;
	v8 =	vadd.f32 v24, v8  }
0xcd: {  	s21 =	sor.u32 s13, s5;
	v25 =	vld [tilespmem:s0+$0x10080];
	v24 =	vmul.f32 v24, v24;
	v0 =	vadd.f32 v10, v0;
	v6 =	vadd.f32 v6, v2  }
0xce: {  	v32 =	vld [tilespmem:s21+$0x0];
	v7 =	vadd.f32 v20, v4;
	v4 =	vadd.f32 v21, v51;
	v20 =	vmul.f32 v41, v41  }
0xcf: {  	s19 =	sor.u32 s14, s5;
	v22 =	vld [tilespmem:s0+$0x14080];
	v21 =	vmul.f32 v39, v39;
	v2 =	vadd.f32 v62, v9;
	v9 =	vmul.f32 v37, v37  }
0xd0: {  	v37 =	vld [tilespmem:s19+$0x0];
	v41 =	vmul.f32 v23, v12;
	v51 =	vsub.f32 v47, v58;
	v16 =	vadd.f32 v12, v16  }
0xd1: {  	v60 =	vmul.f32 v63, v33;
	v53 =	vadd.f32 v26, v1;
	v1 =	vld [tilespmem:s0+$0x8080];
	v4 =	vadd.f32 v39, v4  }
0xd2: {  	v26 =	vld [tilespmem:s0+$0xC080];
	v3 =	vadd.f32 v20, v3;
	v11 =	vadd.f32 v21, v11;
	v20 =	vmul.f32 v34, v34  }
0xd3: {  	v39 =	vld [tilespmem:s20+$0x14080];
	v21 =	vadd.f32 v61, v2;
	v61 =	vmul.f32 v32, v33;
	v4 =	vadd.f32 v34, v4  }
0xd4: {  	s26 =	sor.u32 s12, s5;
	v40 =	vld [tilespmem:s4+$0x10080];
	v9 =	vadd.f32 v9, v3;
	v11 =	vadd.f32 v20, v11;
	v20 =	vmul.f32 v14, v14  }
0xd5: {  	s0 =	sor.u32 s16, s5;
	v34 =	vld [tilespmem:s26+$0x0];
	v56 =	vadd.f32 v31, v21;
	v31 =	vmul.f32 v30, v10;
	v30 =	vsub.f32 v23, v30  }
0xd6: {  	v59 =	vld [tilespmem:s0+$0x0];
	v44 =	vmul.f32 v37, v22;
	v55 =	vadd.f32 v14, v4;
	v4 =	vmul.f32 v10, v12  }
0xd7: {  	v9 =	vadd.f32 v24, v9;
	v43 =	vmul.f32 v26, v22;
	v21 =	vmul.f32 v1, v25  }
0xd8: {  	v14 =	vadd.f32 v20, v11;
	v20 =	vmul.f32 v22, v25;
	v0 =	vadd.f32 v39, v0  }
0xd9: {  	v11 =	vld [tilespmem:s20+$0x10080];
	v1 =	vsub.f32 v1, v26;
	v15 =	vadd.f32 v31, v15;
	v62 =	vmul.f32 v58, v39  }
0xda: {  	v26 =	vsub.f32 v57, v63;
	v10 =	vmul.f32 v34, v10;
	v0 =	vadd.f32 v33, v0  }
0xdb: {  	v24 =	vmul.f32 v57, v40;
	v63 =	vadd.f32 v50, v59;
	v15 =	vadd.f32 v62, v15  }
0xdc: {  	v36 =	vmul.f32 v62, v62;
	v23 =	vmul.f32 v31, v10;
	v52 =	vadd.f32 v22, v0  }
0xdd: {  	v31 =	vmul.f32 v31, v31;
	v13 =	vadd.f32 v10, v13;
	v10 =	vmul.f32 v10, v10  }
0xde: {  	v38 =	vmul.f32 v47, v11;
	v48 =	vmul.f32 v63, v11;
	v16 =	vadd.f32 v11, v16  }
0xdf: {  	s31 =	sor.u32 s14, s28;
	v15 =	vadd.f32 v60, v15;
	v22 =	vadd.f32 v23, v19;
	v23 =	vmul.f32 v59, v39  }
0xe0: {  	s30 =	sor.u32 s12, s28;
	v0 =	vld [tilespmem:s31+$0x0];
	v19 =	vmul.f32 v33, v40;
	v10 =	vadd.f32 v10, v17;
	v18 =	vadd.f32 v31, v18  }
0xe1: {  	v31 =	vld [tilespmem:s30+$0x0];
	v33 =	vmul.f32 v41, v41;
	v59 =	vmul.f32 v43, v43;
	v45 =	vsub.f32 v48, v38  }
0xe2: {  	v17 =	vmul.f32 v62, v23;
	v13 =	vadd.f32 v23, v13;
	v23 =	vmul.f32 v23, v23  }
0xe3: {  	v42 =	vmul.f32 v38, v38;
	v36 =	vadd.f32 v36, v18;
	v18 =	vmul.f32 v30, v4  }
0xe4: {  	v17 =	vadd.f32 v17, v22;
	v10 =	vadd.f32 v23, v10;
	v22 =	vmul.f32 v60, v61  }
0xe5: {  	s0 =	sor.u32 s13, s28;
	v23 =	vmul.f32 v39, v11;
	v11 =	vadd.f32 v61, v13;
	v13 =	vmul.f32 v61, v61  }
0xe6: {  	v2 =	vld [tilespmem:s0+$0x0];
	v30 =	vadd.f32 v0, v37;
	v58 =	vadd.f32 v31, v34;
	v31 =	vmul.f32 v31, v4  }
0xe7: {  	v57 =	vadd.f32 v22, v17;
	v17 =	vmul.f32 v60, v60;
	v13 =	vadd.f32 v13, v10  }
0xe8: {  	v22 =	vmul.f32 v21, v21;
	v10 =	vadd.f32 v43, v15;
	v15 =	vmul.f32 v43, v44  }
0xe9: {  	v11 =	vadd.f32 v44, v11;
	v60 =	vmul.f32 v44, v44;
	v44 =	vmul.f32 v30, v25  }
0xea: {  	v30 =	vadd.f32 v40, v16;
	v16 =	vmul.f32 v1, v20;
	v39 =	vmul.f32 v50, v23  }
0xeb: {  	v37 =	vmul.f32 v51, v23;
	v36 =	vadd.f32 v17, v36;
	v17 =	vadd.f32 v2, v32  }
0xec: {  	v61 =	vmul.f32 v58, v12;
	v15 =	vadd.f32 v15, v57;
	v34 =	vsub.f32 v44, v21  }
0xed: {  	v32 =	vmul.f32 v24, v24;
	v12 =	vadd.f32 v60, v13;
	v54 =	vadd.f32 v25, v30  }
0xee: {  	v30 =	vmul.f32 v2, v19;
	v25 =	vadd.f32 v41, v29;
	v29 =	vmul.f32 v26, v19  }
0xef: {  	v26 =	vmul.f32 v38, v48;
	v47 =	vsub.f32 v61, v41;
	v62 =	vmul.f32 v41, v61  }
0xf0: {  	v35 =	vadd.f32 v61, v35;
	v63 =	vmul.f32 v61, v61;
	v43 =	vmul.f32 v17, v40  }
0xf1: {  	v17 =	vmul.f32 v0, v20;
	v13 =	vadd.f32 v59, v36;
	v36 =	vadd.f32 v62, v28  }
0xf2: {  	s12 =	simm.s32 $0x1;
	v27 =	vadd.f32 v63, v27;
	v28 =	vmul.f32 v48, v48;
	v40 =	vsub.f32 v43, v24  }
.LBB2_5:
0xf3: {  	v4 =	vadd.f32 v4, v7;
	v7 =	vadd.f32 v31, v8  }
0xf4: {  	v57 =	vmul.f32 v24, v43;
	v35 =	vadd.f32 v48, v35;
	v25 =	vadd.f32 v38, v25  }
0xf5: {  	v41 =	vmul.f32 v21, v44;
	v26 =	vadd.f32 v26, v36;
	v27 =	vadd.f32 v28, v27  }
0xf6: {  	s0 =	sshll.u32 s12, $0x8;
	s11 =	sadd.s32 $0x40, s11;
	v46 =	vmul.f32 v44, v44;
	v5 =	vadd.f32 v33, v53;
	v2 =	vadd.f32 v18, v55  }
0xf7: {  	v28 =	vmul.f32 v43, v43;
	s13 =	sand.u32 $0x40, s11;
	s16 =	sand.u32 $0xFFFFFE00, s0;
	v4 =	vadd.f32 v23, v4;
	v7 =	vadd.f32 v39, v7  }
0xf8: {  	v58 =	vmul.f32 v18, v31;
	s0 =	sor.u32 s13, s16;
	v35 =	vadd.f32 v43, v35;
	v24 =	vadd.f32 v24, v25  }
0xf9: {  	v8 =	vand.u32 $0x7FFFFFFF, v45;
	v38 =	vadd.f32 v57, v26;
	v28 =	vadd.f32 v28, v27;
	v36 =	vld [tilespmem:s0+$0x10080]  }
0xfa: {  	v23 =	vmul.f32 v16, v17;
	v43 =	vld [tilespmem:s0+$0x14080];
	v5 =	vadd.f32 v42, v5;
	v3 =	vadd.f32 v58, v56  }
0xfb: {  	s14 =	sor.u32 $0x30, s13;
	v62 =	vld [tilespmem:s0+$0x8080];
	v2 =	vadd.f32 v37, v2;
	v4 =	vadd.f32 v19, v4;
	v19 =	vmul.f32 v29, v30  }
0xfc: {  	v63 =	vld [tilespmem:s0+$0xC080];
	s17 =	sor.u32 s14, s16;
	v0 =	vadd.f32 v44, v35;
	v59 =	vadd.f32 v21, v24;
	v21 =	vand.u32 $0x7FFFFFFF, v47  }
0xfd: {  	v42 =	vld [tilespmem:s17+$0x14080];
	v60 =	vadd.f32 v41, v38;
	v61 =	vadd.f32 v46, v28;
	v24 =	vmul.f32 v18, v18  }
0xfe: {  	s15 =	sor.u32 $0x20, s13;
	v35 =	vld [tilespmem:s17+$0x10080];
	v5 =	vadd.f32 v32, v5;
	v18 =	vmul.f32 v37, v37;
	v2 =	vadd.f32 v29, v2  }
0xff: {  	s4 =	sor.u32 s15, s16;
	v32 =	vld [tilespmem:s17+$0xC080];
	v6 =	vadd.f32 v21, v6;
	v21 =	vmul.f32 v31, v31;
	v26 =	vadd.f32 v20, v4  }
0x100: {  	v41 =	vld [tilespmem:s4+$0x10080];
	v4 =	vmul.f32 v39, v39;
	v20 =	vmul.f32 v30, v30;
	v28 =	vadd.f32 v22, v5  }
0x101: {  	s18 =	sshll.u32 s12, $0x7;
	v47 =	vld [tilespmem:s4+$0x14080];
	v22 =	vmul.f32 v37, v39;
	v14 =	vadd.f32 v24, v14;
	v6 =	vadd.f32 v8, v6  }
0x102: {  	s19 =	sor.u32 $0x10, s13;
	v31 =	vld [tilespmem:s17+$0x8080];
	s17 =	sand.u32 $0x3FFFFF00, s18;
	v8 =	vand.u32 $0x7FFFFFFF, v40;
	v9 =	vadd.f32 v21, v9;
	v49 =	vmul.f32 v63, v43  }
0x103: {  	s16 =	sor.u32 s19, s16;
	s18 =	sadd.s32 $0x1000, s17;
	v39 =	vld [tilespmem:s4+$0xC080];
	v46 =	vmul.f32 v62, v36;
	v3 =	vadd.f32 v22, v3;
	v6 =	vadd.f32 v8, v6  }
0x104: {  	v37 =	vld [tilespmem:s16+$0x10080];
	s20 =	sor.u32 s14, s18;
	v4 =	vadd.f32 v4, v9;
	v9 =	vadd.f32 v18, v14;
	v14 =	vmul.f32 v29, v29  }
0x105: {  	s21 =	sor.u32 s15, s18;
	v40 =	vld [tilespmem:s20+$0x0];
	v8 =	vadd.f32 v30, v7;
	v18 =	vmul.f32 v16, v16;
	v50 =	vmul.f32 v32, v42  }
0x106: {  	[tilespmem:$0x1FF10] =	vst v60;
	s29 =	sadd.s32 $0x1080, s17;
	s28 =	sor.u32 s13, s18;
	v45 =	vld [tilespmem:s21+$0x0];
	v7 =	vand.u32 $0x7FFFFFFF, v34;
	v60 =	vmul.f32 v49, v49;
	v33 =	vmul.f32 v46, v46  }
0x107: {  	s30 =	sor.u32 s14, s29;
	v48 =	vld [tilespmem:s28+$0x0];
	v10 =	vadd.f32 v49, v10;
	v3 =	vadd.f32 v19, v3;
	v21 =	vmul.f32 v31, v35  }
0x108: {  	v56 =	vld [tilespmem:s30+$0x0];
	v19 =	vmul.f32 v47, v41;
	v27 =	vadd.f32 v7, v6;
	v4 =	vadd.f32 v20, v4  }
0x109: {  	v5 =	vmovc v52;
	v34 =	vld [tilespmem:s4+$0x8080];
	v14 =	vadd.f32 v14, v9;
	v52 =	vmul.f32 v39, v47;
	v20 =	vmul.f32 v42, v35  }
0x10a: {  	v29 =	vld [tilespmem:s16+$0x8080];
	v7 =	vmovc v13;
	v13 =	vmov v12;
	v12 =	vadd.f32 v17, v8;
	v17 =	vmul.f32 v17, v17  }
0x10b: {  	s13 =	sor.u32 s13, s29;
	v30 =	vld [tilespmem:s16+$0x14080];
	v8 =	vadd.f32 v16, v2;
	v25 =	vadd.f32 v23, v3;
	v22 =	vmul.f32 v21, v21  }
0x10c: {  	s31 =	sor.u32 s15, s29;
	v53 =	vld [tilespmem:s13+$0x0];
	v14 =	vadd.f32 v18, v14;
	v51 =	vmul.f32 v40, v42;
	v6 =	vmovc v54;
	v54 =	vmul.f32 v45, v47  }
0x10d: {  	[tilespmem:$0x1FF00] =	vst v59;
	v59 =	vld [tilespmem:s31+$0x0];
	v18 =	vsub.f32 v62, v63;
	v58 =	vmul.f32 v48, v43;
	v63 =	vmul.f32 v50, v50  }
0x10e: {  	s26 =	sor.u32 s19, s18;
	v16 =	vld [tilespmem:s16+$0xC080];
	v3 =	vmul.f32 v52, v52;
	v9 =	vadd.f32 v17, v4;
	v4 =	vmul.f32 v43, v36  }
0x10f: {  	s0 =	sor.u32 s19, s29;
	v44 =	vadd.f32 v56, v40;
	v17 =	vld [tilespmem:s26+$0x0];
	v24 =	vmul.f32 v34, v41;
	v38 =	vmul.f32 v29, v37  }
0x110: {  	[tilespmem:$0x1FF20] =	vst v61;
	v61 =	vld [tilespmem:s0+$0x0];
	v62 =	vsub.f32 v31, v32;
	v23 =	vmul.f32 v30, v37;
	v1 =	vmul.f32 v50, v51  }
0x111: {  	v39 =	vsub.f32 v34, v39;
	v2 =	vmul.f32 v51, v51;
	v44 =	vmul.f32 v44, v35  }
0x112: {  	v11 =	vadd.f32 v58, v11;
	v31 =	vmul.f32 v53, v4;
	v18 =	vmul.f32 v18, v4  }
0x113: {  	[tilespmem:$0x1FEF0] =	vst v0;
	v55 =	vmul.f32 v16, v30;
	v0 =	vsub.f32 v29, v16;
	v29 =	vadd.f32 v59, v45  }
0x114: {  	v45 =	vadd.f32 v53, v48;
	v53 =	vmul.f32 v52, v54;
	v57 =	vmul.f32 v17, v30  }
0x115: {  	v40 =	vadd.f32 v61, v17;
	v17 =	vmul.f32 v56, v20;
	v56 =	vadd.f32 v43, v5  }
0x116: {  	v34 =	vsub.f32 v44, v21;
	v43 =	vmul.f32 v29, v41;
	v10 =	vadd.f32 v55, v10  }
0x117: {  	v5 =	vmul.f32 v45, v36;
	v36 =	vadd.f32 v36, v6;
	v29 =	vadd.f32 v30, v56  }
0x118: {  	v48 =	vmul.f32 v40, v37;
	v40 =	vsub.f32 v43, v24;
	v11 =	vadd.f32 v57, v11  }
0x119: {  	v56 =	vmul.f32 v55, v55;
	v30 =	vmul.f32 v49, v58;
	v29 =	vadd.f32 v47, v29  }
0x11a: {  	v10 =	vadd.f32 v52, v10;
	v58 =	vmul.f32 v58, v58;
	v36 =	vadd.f32 v37, v36  }
0x11b: {  	v45 =	vsub.f32 v48, v38;
	v52 =	vadd.f32 v42, v29;
	v29 =	vmul.f32 v55, v57  }
0x11c: {  	v55 =	vmovc v8;
	v8 =	vmov v12;
	v12 =	vadd.f32 v58, v13;
	v13 =	vadd.f32 v60, v7  }
0x11d: {  	v11 =	vadd.f32 v54, v11;
	v15 =	vadd.f32 v30, v15;
	v30 =	vmul.f32 v57, v57  }
0x11e: {  	v16 =	vmul.f32 v62, v20;
	v47 =	vsub.f32 v5, v46;
	v13 =	vadd.f32 v56, v13  }
0x11f: {  	v62 =	vmul.f32 v54, v54;
	v60 =	vld [tilespmem:$0x1FEF0];
	v15 =	vadd.f32 v29, v15;
	v12 =	vadd.f32 v30, v12  }
0x120: {  	v29 =	vmul.f32 v39, v19;
	v39 =	vmul.f32 v61, v23;
	v61 =	vld [tilespmem:$0x1FF00];
	v57 =	vadd.f32 v3, v13  }
0x121: {  	v32 =	vmul.f32 v24, v24;
	v10 =	vadd.f32 v50, v10;
	v12 =	vadd.f32 v62, v12;
	v62 =	vld [tilespmem:$0x1FF10]  }
0x122: {  	p0 =	sne.s32 s12, $0x1F;
	v37 =	vmul.f32 v0, v23;
	v15 =	vadd.f32 v53, v15;
	v13 =	vadd.f32 v63, v57;
	v63 =	vld [tilespmem:$0x1FF20]  }
.Ltmp3:
0x123: {  	v11 =	vadd.f32 v51, v11;
	v42 =	vmul.f32 v38, v38;
	v3 =	vadd.f32 v41, v36;
	(pc) =	sbr.rel @p0 .LBB2_5-.Ltmp3, $4  }
0x124: {  	v6 =	vmovc v27;
	v58 =	vmul.f32 v46, v5;
	v30 =	vmul.f32 v59, v19;
	v15 =	vadd.f32 v1, v15  }
0x125: {  	v7 =	vmovc v26;
	v59 =	vmul.f32 v5, v5;
	v12 =	vadd.f32 v2, v12;
	v54 =	vadd.f32 v35, v3  }
0x126: {  	v26 =	vmul.f32 v38, v48;
	v56 =	vmovc v25;
	v35 =	vadd.f32 v5, v60;
	v25 =	vadd.f32 v46, v61  }
0x127: {  	s12 =	sadd.s32 $0x1, s12;
	v53 =	vmovc v28;
	v28 =	vmul.f32 v48, v48;
	v36 =	vadd.f32 v58, v62;
	v27 =	vadd.f32 v59, v63  }
0x128: {  	v0 =	vadd.f32 v48, v35;
	v1 =	vadd.f32 v38, v25;
	v2 =	vmul.f32 v24, v43  }
0x129: {  	v25 =	vmul.f32 v43, v43;
	v3 =	vadd.f32 v26, v36;
	v5 =	vadd.f32 v28, v27  }
0x12a: {  	s11 =	simm.s32 $0x0;
	s0 =	simm.s32 $0x0;
	v51 =	vmul.f32 v18, v31;
	v0 =	vadd.f32 v43, v0;
	v1 =	vadd.f32 v24, v1  }
0x12b: {  	s4 =	simm.s32 $0x0;
	s12 =	sand.u32 $0x40, s11;
	s0 =	sand.u32 $0xFFFFFE00, s0;
	v24 =	vmul.f32 v21, v44;
	v2 =	vadd.f32 v2, v3;
	v3 =	vadd.f32 v25, v5  }
0x12c: {  	s15 =	sand.u32 $0x3FFFFF00, s4;
	s19 =	sor.u32 s12, s0;
	s14 =	sor.u32 $0x20, s12;
	v5 =	vmul.f32 v44, v44;
	v25 =	vadd.f32 v44, v0;
	v28 =	vadd.f32 v21, v1  }
0x12d: {  	s13 =	sor.u32 $0x30, s12;
	s4 =	sadd.s32 $0x2000, s15;
	s17 =	sor.u32 s14, s0;
	v0 =	vand.u32 $0x7FFFFFFF, v47;
	v1 =	vadd.f32 v33, v53;
	v33 =	vld [tilespmem:s19+$0x10100];
	v27 =	vadd.f32 v24, v2  }
0x12e: {  	s16 =	sor.u32 $0x10, s12;
	s21 =	sor.u32 s13, s4;
	v36 =	vld [tilespmem:s17+$0x14100];
	v26 =	vadd.f32 v5, v3;
	v0 =	vadd.f32 v0, v6;
	v2 =	vmul.f32 v31, v31  }
0x12f: {  	s18 =	sor.u32 s16, s0;
	v38 =	vld [tilespmem:s21+$0x0];
	v3 =	vadd.f32 v4, v7;
	v4 =	vadd.f32 v31, v8;
	v5 =	vand.u32 $0x7FFFFFFF, v45  }
0x130: {  	v41 =	vld [tilespmem:s18+$0xC100];
	v8 =	vmul.f32 v18, v18;
	v1 =	vadd.f32 v42, v1;
	v0 =	vadd.f32 v5, v0  }
0x131: {  	v21 =	vmul.f32 v16, v17;
	v46 =	vld [tilespmem:s18+$0x8100];
	v3 =	vadd.f32 v23, v3;
	v4 =	vadd.f32 v39, v4  }
0x132: {  	v24 =	vld [tilespmem:s19+$0x14100];
	v5 =	vand.u32 $0x7FFFFFFF, v40;
	v2 =	vadd.f32 v2, v9;
	v8 =	vadd.f32 v8, v14  }
0x133: {  	v31 =	vld [tilespmem:s19+$0x8100];
	v9 =	vmul.f32 v37, v37;
	v1 =	vadd.f32 v32, v1;
	v0 =	vadd.f32 v5, v0  }
0x134: {  	s20 =	sor.u32 s13, s0;
	v53 =	vmul.f32 v29, v30;
	v23 =	vld [tilespmem:s19+$0xC100];
	v3 =	vadd.f32 v19, v3;
	v7 =	vadd.f32 v30, v4  }
0x135: {  	v32 =	vld [tilespmem:s20+$0x10100];
	v5 =	vand.u32 $0x7FFFFFFF, v34;
	v8 =	vadd.f32 v9, v8;
	v54 =	vadd.f32 v33, v54  }
0x136: {  	v14 =	vmul.f32 v30, v30;
	v19 =	vld [tilespmem:s20+$0x14100];
	v57 =	vadd.f32 v22, v1;
	v58 =	vadd.f32 v5, v0  }
0x137: {  	v30 =	vld [tilespmem:s17+$0xC100];
	v9 =	vmul.f32 v29, v29;
	v59 =	vadd.f32 v20, v3;
	v60 =	vadd.f32 v17, v7  }
0x138: {  	v22 =	vmul.f32 v39, v39;
	v0 =	vld [tilespmem:s20+$0x8100];
	v3 =	vadd.f32 v18, v55;
	v18 =	vadd.f32 v51, v56  }
0x139: {  	v1 =	vmul.f32 v37, v39;
	v20 =	vld [tilespmem:s20+$0xC100];
	v9 =	vadd.f32 v9, v8;
	v56 =	vadd.f32 v24, v52  }
0x13a: {  	s2 =	sor.u32 s12, s4;
	v39 =	vmul.f32 v31, v33;
	v55 =	vld [tilespmem:s17+$0x8100];
	v52 =	vsub.f32 v46, v41;
	v2 =	vadd.f32 v22, v2  }
0x13b: {  	v34 =	vld [tilespmem:s2+$0x0];
	v17 =	vmul.f32 v17, v17;
	v3 =	vadd.f32 v37, v3;
	v1 =	vadd.f32 v1, v18  }
0x13c: {  	v22 =	vld [tilespmem:s18+$0x14100];
	v18 =	vmul.f32 v24, v33;
	v14 =	vadd.f32 v14, v2;
	v43 =	vmul.f32 v38, v19  }
0x13d: {  	v35 =	vld [tilespmem:s17+$0x10100];
	v62 =	vmul.f32 v30, v36;
	v3 =	vadd.f32 v29, v3;
	v1 =	vadd.f32 v53, v1  }
0x13e: {  	v29 =	vmul.f32 v16, v16;
	v8 =	vadd.f32 v17, v14;
	v42 =	vmul.f32 v20, v19  }
0x13f: {  	s26 =	sadd.s32 $0x2080, s15;
	s21 =	sor.u32 s16, s4;
	v17 =	vmul.f32 v19, v32;
	v49 =	vsub.f32 v0, v20;
	v50 =	vsub.f32 v55, v30  }
0x140: {  	s29 =	sor.u32 s16, s26;
	v61 =	vld [tilespmem:s21+$0x0];
	v2 =	vadd.f32 v16, v3;
	v3 =	vadd.f32 v21, v1;
	v1 =	vmul.f32 v23, v24  }
0x141: {  	s5 =	sor.u32 s14, s4;
	v51 =	vld [tilespmem:s29+$0x0];
	v40 =	vadd.f32 v22, v56;
	v14 =	vadd.f32 v29, v9;
	v29 =	vmul.f32 v34, v24  }
0x142: {  	v16 =	vld [tilespmem:s5+$0x0];
	v21 =	vmul.f32 v0, v32;
	v23 =	vsub.f32 v31, v23;
	v24 =	vmul.f32 v55, v35  }
0x143: {  	s0 =	sor.u32 s14, s26;
	v9 =	vld [tilespmem:s18+$0x10100];
	v30 =	vmul.f32 v41, v22;
	v31 =	vadd.f32 v36, v40;
	v20 =	vmul.f32 v1, v29  }
0x144: {  	v55 =	vld [tilespmem:s0+$0x0];
	v10 =	vadd.f32 v1, v10;
	v11 =	vadd.f32 v29, v11;
	v29 =	vmul.f32 v29, v29  }
0x145: {  	v1 =	vmul.f32 v1, v1;
	v53 =	vadd.f32 v19, v31;
	v19 =	vadd.f32 v20, v15  }
0x146: {  	v20 =	vmul.f32 v61, v22;
	v15 =	vmul.f32 v36, v35;
	v12 =	vadd.f32 v29, v12  }
0x147: {  	v1 =	vadd.f32 v1, v13;
	v31 =	vadd.f32 v51, v61;
	v63 =	vmul.f32 v16, v36  }
0x148: {  	v10 =	vadd.f32 v30, v10;
	v37 =	vmul.f32 v46, v9;
	v22 =	vmul.f32 v22, v9  }
0x149: {  	s30 =	sor.u32 s12, s26;
	v36 =	vadd.f32 v9, v54;
	v16 =	vadd.f32 v55, v16;
	v29 =	vmul.f32 v30, v20  }
0x14a: {  	v13 =	vld [tilespmem:s30+$0x0];
	v11 =	vadd.f32 v20, v11;
	v20 =	vmul.f32 v20, v20;
	v30 =	vmul.f32 v30, v30  }
0x14b: {  	v48 =	vmul.f32 v31, v9;
	v31 =	vmul.f32 v39, v39;
	v10 =	vadd.f32 v62, v10  }
0x14c: {  	v9 =	vmul.f32 v63, v63;
	v36 =	vadd.f32 v35, v36;
	v19 =	vadd.f32 v29, v19  }
0x14d: {  	v41 =	vmul.f32 v51, v22;
	v12 =	vadd.f32 v20, v12;
	v1 =	vadd.f32 v30, v1  }
0x14e: {  	v20 =	vmul.f32 v62, v63;
	v11 =	vadd.f32 v63, v11;
	v45 =	vsub.f32 v48, v37  }
0x14f: {  	s31 =	sor.u32 s13, s26;
	v61 =	vadd.f32 v13, v34;
	v30 =	vmul.f32 v13, v18;
	v13 =	vmul.f32 v62, v62  }
0x150: {  	v29 =	vld [tilespmem:s31+$0x0];
	v62 =	vmul.f32 v42, v42;
	v34 =	vmul.f32 v24, v24;
	v56 =	vadd.f32 v20, v19  }
0x151: {  	v20 =	vmul.f32 v23, v18;
	v12 =	vadd.f32 v9, v12;
	v23 =	vmul.f32 v21, v21  }
0x152: {  	v9 =	vadd.f32 v42, v10;
	v10 =	vadd.f32 v43, v11;
	v11 =	vmul.f32 v43, v43  }
0x153: {  	v1 =	vadd.f32 v13, v1;
	v13 =	vmul.f32 v42, v43;
	v43 =	vmul.f32 v16, v35  }
0x154: {  	v46 =	vmul.f32 v61, v33;
	v33 =	vadd.f32 v39, v28;
	v11 =	vadd.f32 v11, v12  }
0x155: {  	v42 =	vmul.f32 v37, v37;
	v19 =	vadd.f32 v29, v38;
	v16 =	vadd.f32 v13, v56  }
0x156: {  	v40 =	vsub.f32 v43, v24;
	v13 =	vmul.f32 v49, v17;
	v12 =	vadd.f32 v62, v1  }
0x157: {  	v1 =	vadd.f32 v32, v36;
	v28 =	vmul.f32 v39, v46;
	v63 =	vmul.f32 v46, v46  }
0x158: {  	v36 =	vadd.f32 v46, v25;
	v38 =	vmul.f32 v52, v22;
	v25 =	vmul.f32 v37, v48  }
0x159: {  	v47 =	vsub.f32 v46, v39;
	v44 =	vmul.f32 v19, v32;
	v19 =	vmul.f32 v29, v17  }
0x15a: {  	v32 =	vmul.f32 v55, v15;
	v29 =	vmul.f32 v50, v15;
	v27 =	vadd.f32 v28, v27  }
0x15b: {  	s28 =	simm.s32 $0x0;
	s21 =	simm.s32 $0x1;
	v26 =	vadd.f32 v63, v26;
	v28 =	vmul.f32 v48, v48;
	v35 =	vsub.f32 v44, v21  }
.LBB2_7:
0x15c: {  	v36 =	vadd.f32 v48, v36;
	s0 =	sshll.u32 s21, $0x8;
	s28 =	sadd.s32 $0x40, s28  }
0x15d: {  	v33 =	vadd.f32 v37, v33;
	v6 =	vadd.f32 v18, v59;
	s26 =	sand.u32 $0x40, s28;
	s31 =	sand.u32 $0xFFFFFE00, s0  }
0x15e: {  	v7 =	vadd.f32 v30, v60;
	v25 =	vadd.f32 v25, v27;
	s0 =	sor.u32 s26, s31  }
0x15f: {  	v56 =	vmul.f32 v24, v43;
	v26 =	vadd.f32 v28, v26;
	v28 =	vadd.f32 v43, v36;
	v36 =	vld [tilespmem:s0+$0x10100]  }
0x160: {  	v27 =	vmul.f32 v43, v43;
	v4 =	vadd.f32 v31, v57;
	v2 =	vadd.f32 v20, v2;
	v43 =	vld [tilespmem:s0+$0x14100]  }
0x161: {  	v61 =	vmul.f32 v21, v44;
	v24 =	vadd.f32 v24, v33;
	s29 =	sor.u32 $0x30, s26;
	v6 =	vadd.f32 v22, v6;
	v63 =	vld [tilespmem:s0+$0x8100]  }
0x162: {  	v62 =	vmul.f32 v20, v30;
	v7 =	vadd.f32 v41, v7;
	v37 =	vadd.f32 v56, v25;
	v31 =	vld [tilespmem:s0+$0xC100];
	s5 =	sor.u32 s29, s31  }
0x163: {  	v46 =	vmul.f32 v44, v44;
	v4 =	vadd.f32 v42, v4;
	v0 =	vadd.f32 v44, v28;
	v33 =	vld [tilespmem:s5+$0x10100]  }
0x164: {  	v18 =	vand.u32 $0x7FFFFFFF, v45;
	v39 =	vadd.f32 v27, v26;
	v3 =	vadd.f32 v62, v3;
	v42 =	vld [tilespmem:s5+$0x14100]  }
0x165: {  	s1 =	sshll.u32 s21, $0x7;
	s30 =	sor.u32 $0x20, s26;
	v4 =	vadd.f32 v34, v4;
	v34 =	vld [tilespmem:s5+$0xC100];
	[tilespmem:$0x1FEB0] =	vst v0;
	v0 =	vadd.f32 v21, v24;
	v21 =	vand.u32 $0x7FFFFFFF, v47  }
0x166: {  	s4 =	sor.u32 s30, s31;
	v6 =	vadd.f32 v15, v6;
	v5 =	vadd.f32 v21, v58;
	v21 =	vmul.f32 v30, v30;
	v30 =	vld [tilespmem:s5+$0x8100];
	s5 =	sand.u32 $0x3FFFFF00, s1  }
0x167: {  	v2 =	vadd.f32 v38, v2;
	v7 =	vadd.f32 v32, v7;
	v15 =	vand.u32 $0x7FFFFFFF, v35;
	v35 =	vld [tilespmem:s4+$0xC100];
	s1 =	sadd.s32 $0x2000, s5  }
0x168: {  	v22 =	vmul.f32 v29, v32;
	v47 =	vld [tilespmem:s4+$0x14100];
	v25 =	vadd.f32 v17, v6;
	s5 =	sadd.s32 $0x2080, s5;
	v5 =	vadd.f32 v18, v5;
	s2 =	sor.u32 s29, s1  }
0x169: {  	s0 =	sor.u32 $0x10, s26;
	v17 =	vmul.f32 v41, v41;
	v18 =	vand.u32 $0x7FFFFFFF, v40;
	v8 =	vadd.f32 v21, v8;
	s29 =	sor.u32 s29, s5;
	v40 =	vld [tilespmem:s2+$0x0]  }
0x16a: {  	s31 =	sor.u32 s0, s31;
	v2 =	vadd.f32 v29, v2;
	v24 =	vmul.f32 v20, v20;
	v55 =	vld [tilespmem:s29+$0x0];
	v5 =	vadd.f32 v18, v5  }
0x16b: {  	v27 =	vadd.f32 v19, v7;
	s2 =	sor.u32 s30, s1;
	v8 =	vadd.f32 v17, v8;
	v17 =	vmul.f32 v29, v29;
	v29 =	vld [tilespmem:s31+$0x8100]  }
0x16c: {  	[tilespmem:$0x1FEC0] =	vst v0;
	v0 =	vadd.f32 v61, v37;
	v45 =	vld [tilespmem:s2+$0x0];
	s2 =	sor.u32 s0, s1;
	s1 =	sor.u32 s26, s1;
	v28 =	vadd.f32 v15, v5;
	v15 =	vmul.f32 v38, v41  }
0x16d: {  	v20 =	vmul.f32 v38, v38;
	v2 =	vadd.f32 v13, v2;
	v14 =	vadd.f32 v24, v14;
	v48 =	vld [tilespmem:s1+$0x0]  }
0x16e: {  	[tilespmem:$0x1FED0] =	vst v0;
	v0 =	vadd.f32 v46, v39;
	v38 =	vld [tilespmem:s31+$0x10100];
	v3 =	vadd.f32 v15, v3;
	v15 =	vmul.f32 v32, v32  }
0x16f: {  	v14 =	vadd.f32 v20, v14;
	v49 =	vmul.f32 v34, v42;
	v18 =	vmul.f32 v13, v19;
	v32 =	vld [tilespmem:s31+$0x14100]  }
0x170: {  	v19 =	vmul.f32 v19, v19;
	v8 =	vadd.f32 v15, v8;
	v15 =	vmul.f32 v13, v13;
	v13 =	vld [tilespmem:s31+$0xC100];
	s31 =	sor.u32 s30, s5  }
0x171: {  	v46 =	vmul.f32 v63, v36;
	v20 =	vsub.f32 v63, v31;
	v51 =	vmul.f32 v35, v47;
	v58 =	vld [tilespmem:s31+$0x0]  }
0x172: {  	s0 =	sor.u32 s0, s5;
	v63 =	vmul.f32 v49, v49;
	v41 =	vmul.f32 v31, v43;
	v8 =	vadd.f32 v19, v8;
	v19 =	vld [tilespmem:s2+$0x0]  }
0x173: {  	v60 =	vld [tilespmem:s0+$0x0];
	v14 =	vadd.f32 v17, v14;
	v17 =	vmul.f32 v42, v33;
	v6 =	vmul.f32 v51, v51  }
0x174: {  	v26 =	vmovc v1;
	v1 =	vadd.f32 v23, v4;
	v50 =	vmul.f32 v40, v42;
	v59 =	vmul.f32 v41, v41  }
0x175: {  	v39 =	vld [tilespmem:s4+$0x10100];
	v44 =	vadd.f32 v55, v40;
	v9 =	vadd.f32 v41, v9;
	v57 =	vmul.f32 v48, v43  }
0x176: {  	v7 =	vmovc v53;
	v3 =	vadd.f32 v22, v3;
	v37 =	vmul.f32 v29, v38;
	v54 =	vmul.f32 v13, v32  }
0x177: {  	s26 =	sor.u32 s26, s5;
	[tilespmem:$0x1FEE0] =	vst v0;
	v0 =	vsub.f32 v29, v13;
	v29 =	vadd.f32 v58, v45;
	v56 =	vmul.f32 v19, v32  }
0x178: {  	v52 =	vld [tilespmem:s26+$0x0];
	v40 =	vadd.f32 v60, v19;
	v19 =	vmul.f32 v55, v17;
	v55 =	vadd.f32 v43, v7  }
0x179: {  	v12 =	vadd.f32 v59, v12;
	v3 =	vadd.f32 v18, v3;
	v18 =	vmul.f32 v43, v36  }
0x17a: {  	v43 =	vmul.f32 v29, v39;
	v29 =	vadd.f32 v32, v55;
	v55 =	vmul.f32 v54, v54  }
0x17b: {  	v10 =	vadd.f32 v57, v10;
	v22 =	vmul.f32 v32, v38;
	v32 =	vmul.f32 v41, v57  }
0x17c: {  	v41 =	vmul.f32 v57, v57;
	v57 =	vmovc v1;
	v1 =	vadd.f32 v36, v26;
	v12 =	vadd.f32 v55, v12  }
0x17d: {  	v53 =	vmul.f32 v45, v47;
	v45 =	vadd.f32 v52, v48;
	v48 =	vmul.f32 v40, v38  }
0x17e: {  	v1 =	vadd.f32 v38, v1;
	v38 =	vmul.f32 v0, v22;
	v0 =	vadd.f32 v6, v12  }
0x17f: {  	v23 =	vld [tilespmem:s4+$0x8100]  }
0x180: {  	v12 =	vadd.f32 v63, v0;
	v0 =	vld [tilespmem:$0x1FEB0];
	_ =	sdelay $0x1  }
0x181: {  	v21 =	vmul.f32 v30, v33  }
0x182: {  	v31 =	vmul.f32 v46, v46;
	v7 =	vmul.f32 v45, v36  }
0x183: {  	v62 =	vsub.f32 v23, v35;
	v24 =	vmul.f32 v23, v39;
	v23 =	vmul.f32 v21, v21  }
0x184: {  	v4 =	vmul.f32 v49, v50;
	v44 =	vmul.f32 v44, v33;
	v36 =	vadd.f32 v7, v0;
	v0 =	vld [tilespmem:$0x1FEC0]  }
0x185: {  	v61 =	vsub.f32 v30, v34;
	v5 =	vmul.f32 v50, v50;
	v34 =	vmul.f32 v24, v24  }
0x186: {  	v14 =	vadd.f32 v15, v14;
	v15 =	vmul.f32 v47, v39;
	v35 =	vsub.f32 v44, v21  }
0x187: {  	v30 =	vmul.f32 v52, v18;
	v9 =	vadd.f32 v54, v9;
	v1 =	vadd.f32 v39, v1  }
0x188: {  	v13 =	vmul.f32 v61, v17;
	v10 =	vadd.f32 v56, v10;
	v29 =	vadd.f32 v47, v29  }
0x189: {  	v61 =	vmul.f32 v53, v53;
	v1 =	vadd.f32 v33, v1;
	v33 =	vadd.f32 v46, v0;
	v0 =	vld [tilespmem:$0x1FED0]  }
0x18a: {  	v52 =	vmul.f32 v51, v53;
	v9 =	vadd.f32 v51, v9;
	v10 =	vadd.f32 v53, v10  }
0x18b: {  	v16 =	vadd.f32 v32, v16;
	v53 =	vadd.f32 v42, v29;
	v29 =	vmul.f32 v54, v56  }
0x18c: {  	v40 =	vsub.f32 v43, v24;
	v45 =	vsub.f32 v48, v37;
	v6 =	vmul.f32 v46, v7  }
0x18d: {  	v11 =	vadd.f32 v41, v11;
	v54 =	vmul.f32 v56, v56;
	v16 =	vadd.f32 v29, v16  }
0x18e: {  	p0 =	sne.s32 s21, $0x1F;
	v47 =	vsub.f32 v7, v46;
	v41 =	vmul.f32 v60, v22;
	v60 =	vmovc v27;
	v27 =	vadd.f32 v6, v0;
	v0 =	vld [tilespmem:$0x1FEE0]  }
.Ltmp4:
0x18f: {  	v20 =	vmul.f32 v20, v18;
	v11 =	vadd.f32 v54, v11;
	v16 =	vadd.f32 v52, v16;
	(pc) =	sbr.rel @p0 .LBB2_7-.Ltmp4, $4  }
0x190: {  	v59 =	vmovc v25;
	v9 =	vadd.f32 v49, v9;
	v32 =	vmul.f32 v58, v15;
	v25 =	vmul.f32 v37, v48  }
0x191: {  	v11 =	vadd.f32 v61, v11;
	v16 =	vadd.f32 v4, v16;
	v4 =	vmul.f32 v7, v7  }
0x192: {  	v58 =	vmovc v28;
	v28 =	vmul.f32 v48, v48;
	v10 =	vadd.f32 v50, v10;
	v42 =	vmul.f32 v37, v37  }
0x193: {  	s21 =	sadd.s32 $0x1, s21;
	v29 =	vmul.f32 v62, v15;
	v11 =	vadd.f32 v5, v11;
	v26 =	vadd.f32 v4, v0  }
0x194: {  	v0 =	vadd.f32 v48, v36  }
0x195: {  	v4 =	vadd.f32 v37, v33;
	v5 =	vmul.f32 v24, v43;
	v6 =	vadd.f32 v25, v27  }
0x196: {  	v27 =	vmul.f32 v20, v30;
	v2 =	vadd.f32 v20, v2;
	v7 =	vadd.f32 v28, v26  }
0x197: {  	v25 =	vmul.f32 v43, v43;
	v0 =	vadd.f32 v43, v0;
	v4 =	vadd.f32 v24, v4  }
0x198: {  	v5 =	vadd.f32 v5, v6;
	v3 =	vadd.f32 v27, v3  }
0x199: {  	v24 =	vmul.f32 v21, v44;
	v2 =	vadd.f32 v38, v2;
	v6 =	vadd.f32 v25, v7  }
0x19a: {  	v49 =	vand.u32 $0x7FFFFFFF, v47;
	v37 =	vadd.f32 v44, v0;
	v25 =	vadd.f32 v21, v4  }
0x19b: {  	v7 =	vmul.f32 v44, v44;
	v36 =	vadd.f32 v24, v5;
	v4 =	vadd.f32 v31, v57  }
0x19c: {  	v26 =	vld [tilespmem:s19+$0x10180];
	v0 =	vadd.f32 v49, v58;
	v21 =	vmul.f32 v30, v30;
	v5 =	vadd.f32 v18, v59  }
0x19d: {  	v51 =	vld [tilespmem:s20+$0x8180];
	v24 =	vmul.f32 v20, v20;
	v2 =	vadd.f32 v29, v2;
	v33 =	vadd.f32 v7, v6  }
0x19e: {  	v28 =	vld [tilespmem:s19+$0x8180];
	v6 =	vadd.f32 v30, v60;
	v7 =	vand.u32 $0x7FFFFFFF, v45;
	v4 =	vadd.f32 v42, v4  }
0x19f: {  	v39 =	vld [tilespmem:s20+$0xC180];
	v50 =	vmul.f32 v29, v32;
	v0 =	vadd.f32 v7, v0;
	v5 =	vadd.f32 v22, v5  }
0x1a0: {  	v46 =	vld [tilespmem:s18+$0x8180];
	v30 =	vmul.f32 v13, v19;
	v8 =	vadd.f32 v21, v8;
	v14 =	vadd.f32 v24, v14  }
0x1a1: {  	v27 =	vld [tilespmem:s18+$0x14180];
	v7 =	vand.u32 $0x7FFFFFFF, v40;
	v54 =	vadd.f32 v13, v2;
	v1 =	vadd.f32 v26, v1  }
0x1a2: {  	v18 =	vld [tilespmem:s19+$0x14180];
	v21 =	vmul.f32 v32, v32;
	v6 =	vadd.f32 v41, v6;
	v4 =	vadd.f32 v34, v4  }
0x1a3: {  	s0 =	sadd.s32 $0x3000, s15;
	v22 =	vld [tilespmem:s19+$0xC180];
	v44 =	vmul.f32 v28, v26;
	v0 =	vadd.f32 v7, v0;
	v7 =	vadd.f32 v15, v5  }
0x1a4: {  	s1 =	sor.u32 s13, s0;
	v5 =	vand.u32 $0x7FFFFFFF, v35;
	v34 =	vld [tilespmem:s20+$0x14180];
	v15 =	vadd.f32 v32, v6;
	v6 =	vadd.f32 v23, v4  }
0x1a5: {  	v32 =	vld [tilespmem:s1+$0x0];
	v23 =	vmul.f32 v38, v41;
	v7 =	vadd.f32 v17, v7;
	v17 =	vmul.f32 v38, v38  }
0x1a6: {  	v31 =	vld [tilespmem:s20+$0x10180];
	v5 =	vadd.f32 v5, v0;
	v56 =	vadd.f32 v19, v15;
	v15 =	vmul.f32 v41, v41  }
0x1a7: {  	s21 =	sor.u32 s12, s0;
	v20 =	vld [tilespmem:s17+$0x14180];
	v19 =	vmul.f32 v19, v19;
	v3 =	vadd.f32 v23, v3;
	v14 =	vadd.f32 v17, v14  }
0x1a8: {  	v58 =	vld [tilespmem:s21+$0x0];
	v17 =	vmul.f32 v18, v26;
	v8 =	vadd.f32 v15, v8;
	v15 =	vmul.f32 v29, v29  }
0x1a9: {  	v23 =	vld [tilespmem:s17+$0xC180];
	v29 =	vmul.f32 v22, v18;
	v60 =	vmul.f32 v39, v34;
	v22 =	vsub.f32 v28, v22  }
0x1aa: {  	s26 =	sor.u32 s14, s0;
	s0 =	sor.u32 s16, s0;
	v59 =	vld [tilespmem:s17+$0x8180];
	v39 =	vsub.f32 v51, v39;
	v3 =	vadd.f32 v50, v3;
	v42 =	vmul.f32 v32, v34  }
0x1ab: {  	s28 =	sadd.s32 $0x3080, s15;
	v61 =	vld [tilespmem:s0+$0x0];
	v8 =	vadd.f32 v21, v8;
	v14 =	vadd.f32 v15, v14;
	v15 =	vmul.f32 v13, v13  }
0x1ac: {  	s29 =	sor.u32 s16, s28;
	v40 =	vld [tilespmem:s17+$0x10180];
	v13 =	vadd.f32 v18, v53;
	v21 =	vmul.f32 v51, v31;
	v9 =	vadd.f32 v29, v9  }
0x1ad: {  	v50 =	vld [tilespmem:s29+$0x0];
	v18 =	vmul.f32 v58, v18;
	v55 =	vadd.f32 v30, v3;
	v8 =	vadd.f32 v19, v8  }
0x1ae: {  	v30 =	vld [tilespmem:s26+$0x0];
	v62 =	vmul.f32 v23, v20;
	v24 =	vadd.f32 v27, v13;
	v13 =	vadd.f32 v15, v14  }
0x1af: {  	v19 =	vld [tilespmem:s18+$0xC180];
	v15 =	vmul.f32 v34, v31;
	v2 =	vmul.f32 v29, v18;
	v49 =	vsub.f32 v59, v23  }
0x1b0: {  	v14 =	vld [tilespmem:s18+$0x10180];
	v29 =	vmul.f32 v29, v29;
	v10 =	vadd.f32 v18, v10;
	v53 =	vmul.f32 v18, v18  }
0x1b1: {  	v18 =	vmul.f32 v20, v40;
	v28 =	vadd.f32 v20, v24;
	v16 =	vadd.f32 v2, v16  }
0x1b2: {  	v24 =	vmul.f32 v59, v40;
	v11 =	vadd.f32 v53, v11;
	v12 =	vadd.f32 v29, v12  }
0x1b3: {  	v29 =	vadd.f32 v50, v61;
	v59 =	vmul.f32 v60, v60;
	v63 =	vmul.f32 v30, v20  }
0x1b4: {  	v52 =	vadd.f32 v34, v28;
	v28 =	vmul.f32 v61, v27;
	v23 =	vmul.f32 v19, v27  }
0x1b5: {  	s30 =	sor.u32 s12, s28;
	v57 =	vsub.f32 v46, v19;
	v34 =	vmul.f32 v46, v14;
	v46 =	vmul.f32 v29, v14  }
0x1b6: {  	v20 =	vld [tilespmem:s30+$0x0];
	v1 =	vadd.f32 v14, v1;
	v29 =	vmul.f32 v44, v44;
	v10 =	vadd.f32 v28, v10  }
0x1b7: {  	v19 =	vmul.f32 v23, v28;
	v28 =	vmul.f32 v28, v28;
	v9 =	vadd.f32 v23, v9  }
0x1b8: {  	v23 =	vmul.f32 v23, v23;
	v1 =	vadd.f32 v40, v1;
	v10 =	vadd.f32 v63, v10  }
0x1b9: {  	v43 =	vmul.f32 v34, v34;
	v16 =	vadd.f32 v19, v16;
	v11 =	vadd.f32 v28, v11  }
0x1ba: {  	s0 =	sor.u32 s14, s28;
	v28 =	vmul.f32 v62, v63;
	v12 =	vadd.f32 v23, v12;
	v23 =	vmul.f32 v27, v14  }
0x1bb: {  	v51 =	vld [tilespmem:s0+$0x0];
	v27 =	vmul.f32 v20, v17;
	v9 =	vadd.f32 v62, v9;
	v53 =	vadd.f32 v31, v1  }
0x1bc: {  	s31 =	sor.u32 s13, s28;
	v10 =	vadd.f32 v42, v10;
	v14 =	vadd.f32 v28, v16;
	v28 =	vmul.f32 v63, v63  }
0x1bd: {  	v19 =	vld [tilespmem:s31+$0x0];
	v16 =	vadd.f32 v20, v58;
	v58 =	vmul.f32 v62, v62;
	v20 =	vmul.f32 v22, v17  }
0x1be: {  	v22 =	vmul.f32 v21, v21;
	v9 =	vadd.f32 v60, v9;
	v60 =	vmul.f32 v60, v42  }
0x1bf: {  	v42 =	vmul.f32 v42, v42;
	v11 =	vadd.f32 v28, v11;
	v12 =	vadd.f32 v58, v12  }
0x1c0: {  	v28 =	vadd.f32 v51, v30;
	v61 =	vmul.f32 v16, v26;
	v16 =	vmul.f32 v39, v15  }
0x1c1: {  	v14 =	vadd.f32 v60, v14;
	v26 =	vmul.f32 v51, v18;
	v39 =	vmul.f32 v34, v46  }
0x1c2: {  	v32 =	vadd.f32 v19, v32;
	v19 =	vmul.f32 v19, v15;
	v45 =	vmul.f32 v28, v40  }
0x1c3: {  	v28 =	vmul.f32 v24, v24;
	v11 =	vadd.f32 v42, v11;
	v42 =	vsub.f32 v46, v34  }
0x1c4: {  	v12 =	vadd.f32 v59, v12;
	v47 =	vsub.f32 v61, v44;
	v62 =	vmul.f32 v44, v61  }
0x1c5: {  	v40 =	vadd.f32 v61, v37;
	v63 =	vmul.f32 v61, v61;
	v37 =	vmul.f32 v50, v23  }
0x1c6: {  	v41 =	vmul.f32 v32, v31;
	v32 =	vadd.f32 v44, v25;
	v25 =	vmul.f32 v49, v18  }
0x1c7: {  	v31 =	vmul.f32 v57, v23;
	v38 =	vsub.f32 v45, v24;
	v35 =	vadd.f32 v62, v36  }
0x1c8: {  	s12 =	simm.s32 $0x1;
	v33 =	vadd.f32 v63, v33;
	v36 =	vmul.f32 v46, v46;
	v30 =	vsub.f32 v41, v21  }
.LBB2_9:
0x1c9: {  	_ = 	snop  }
0x1ca: {  	v40 =	vadd.f32 v46, v40;
	v32 =	vadd.f32 v34, v32  }
0x1cb: {  	s0 =	sshll.u32 s12, $0x8;
	s11 =	sadd.s32 $0x40, s11;
	v35 =	vadd.f32 v39, v35;
	v33 =	vadd.f32 v36, v33  }
0x1cc: {  	v51 =	vmul.f32 v24, v45;
	s13 =	sand.u32 $0x40, s11;
	s16 =	sand.u32 $0xFFFFFE00, s0;
	v4 =	vadd.f32 v29, v6;
	v6 =	vadd.f32 v17, v7  }
0x1cd: {  	v57 =	vmul.f32 v45, v45;
	v7 =	vadd.f32 v27, v56;
	v2 =	vadd.f32 v20, v54;
	s0 =	sor.u32 s13, s16  }
0x1ce: {  	v44 =	vmul.f32 v21, v41;
	v58 =	vadd.f32 v45, v40;
	v24 =	vadd.f32 v24, v32;
	v40 =	vld [tilespmem:s0+$0x10180]  }
0x1cf: {  	s19 =	sshll.u32 s12, $0x7;
	v48 =	vmul.f32 v20, v27;
	v34 =	vadd.f32 v51, v35;
	v36 =	vadd.f32 v57, v33;
	v45 =	vld [tilespmem:s0+$0x14180]  }
0x1d0: {  	v59 =	vmul.f32 v41, v41;
	s4 =	sand.u32 $0x3FFFFF00, s19;
	s14 =	sor.u32 $0x30, s13;
	v63 =	vld [tilespmem:s0+$0x8180];
	v4 =	vadd.f32 v43, v4;
	v6 =	vadd.f32 v23, v6  }
0x1d1: {  	v17 =	vand.u32 $0x7FFFFFFF, v42;
	s15 =	sor.u32 $0x20, s13;
	s5 =	sadd.s32 $0x3000, s4;
	v29 =	vld [tilespmem:s0+$0xC180];
	s18 =	sor.u32 s14, s16;
	v7 =	vadd.f32 v37, v7;
	v3 =	vadd.f32 v48, v55  }
0x1d2: {  	s20 =	sor.u32 $0x10, s13;
	s29 =	sadd.s32 $0x3080, s4;
	v23 =	vmul.f32 v25, v26;
	s21 =	sor.u32 s14, s5;
	v2 =	vadd.f32 v31, v2;
	v39 =	vld [tilespmem:s18+$0x10180];
	v0 =	vadd.f32 v41, v58  }
0x1d3: {  	s26 =	sor.u32 s15, s5;
	s28 =	sor.u32 s20, s5;
	s5 =	sor.u32 s13, s5;
	v43 =	vld [tilespmem:s18+$0x14180];
	v60 =	vadd.f32 v21, v24;
	v21 =	vand.u32 $0x7FFFFFFF, v47;
	v61 =	vadd.f32 v44, v34  }
0x1d4: {  	s4 =	sor.u32 s13, s29;
	v42 =	vld [tilespmem:s5+$0x0];
	v62 =	vadd.f32 v59, v36;
	v24 =	vmul.f32 v20, v20;
	v4 =	vadd.f32 v28, v4  }
0x1d5: {  	s30 =	sor.u32 s14, s29;
	v46 =	vld [tilespmem:s4+$0x0];
	v6 =	vadd.f32 v18, v6;
	v7 =	vadd.f32 v26, v7;
	v18 =	vand.u32 $0x7FFFFFFF, v30  }
0x1d6: {  	v55 =	vld [tilespmem:s30+$0x0];
	v20 =	vmul.f32 v31, v31;
	v2 =	vadd.f32 v25, v2;
	v5 =	vadd.f32 v21, v5  }
0x1d7: {  	s1 =	sor.u32 s15, s16;
	v28 =	vld [tilespmem:s18+$0xC180];
	v33 =	vmovc v11;
	v21 =	vmul.f32 v27, v27;
	v11 =	vadd.f32 v22, v4;
	v36 =	vadd.f32 v15, v6  }
0x1d8: {  	v47 =	vld [tilespmem:s1+$0x14180];
	v32 =	vmovc v12;
	v12 =	vadd.f32 v19, v7;
	v15 =	vmul.f32 v37, v37;
	v13 =	vadd.f32 v24, v13  }
0x1d9: {  	v30 =	vld [tilespmem:s1+$0xC180];
	v6 =	vadd.f32 v16, v2;
	v5 =	vadd.f32 v17, v5;
	v17 =	vand.u32 $0x7FFFFFFF, v38  }
0x1da: {  	v27 =	vld [tilespmem:s18+$0x8180];
	v8 =	vadd.f32 v21, v8;
	v49 =	vmul.f32 v29, v45;
	v48 =	vmul.f32 v63, v40  }
0x1db: {  	v44 =	vld [tilespmem:s1+$0x10180];
	v13 =	vadd.f32 v20, v13;
	v57 =	vmul.f32 v42, v45;
	v5 =	vadd.f32 v17, v5  }
0x1dc: {  	s31 =	sor.u32 s15, s29;
	v22 =	vld [tilespmem:s1+$0x8180];
	v17 =	vmul.f32 v16, v19;
	v8 =	vadd.f32 v15, v8;
	v15 =	vmul.f32 v25, v25  }
0x1dd: {  	v58 =	vld [tilespmem:s31+$0x0];
	v20 =	vsub.f32 v63, v29;
	v19 =	vmul.f32 v19, v19;
	v50 =	vmul.f32 v28, v43  }
0x1de: {  	s16 =	sor.u32 s20, s16;
	v38 =	vld [tilespmem:s26+$0x0];
	v4 =	vmovc v52;
	v42 =	vadd.f32 v46, v42;
	v52 =	vmul.f32 v30, v47;
	v59 =	vmul.f32 v49, v49  }
0x1df: {  	v25 =	vld [tilespmem:s16+$0x8180];
	v29 =	vmul.f32 v48, v48;
	v9 =	vadd.f32 v49, v9;
	v21 =	vmul.f32 v27, v39  }
0x1e0: {  	v35 =	vadd.f32 v18, v5;
	v18 =	vmul.f32 v31, v37;
	v37 =	vld [tilespmem:s21+$0x0];
	v13 =	vadd.f32 v15, v13  }
0x1e1: {  	[tilespmem:$0x1FEA0] =	vst v62;
	v15 =	vmul.f32 v16, v16;
	v16 =	vld [tilespmem:s16+$0xC180];
	v24 =	vmul.f32 v22, v44;
	v62 =	vsub.f32 v22, v30  }
0x1e2: {  	v31 =	vld [tilespmem:s16+$0x10180];
	v63 =	vmul.f32 v50, v50;
	v22 =	vmul.f32 v21, v21;
	v3 =	vadd.f32 v18, v3  }
0x1e3: {  	[tilespmem:$0x1FE90] =	vst v61;
	v18 =	vmul.f32 v26, v26;
	v13 =	vadd.f32 v15, v13;
	v15 =	vmul.f32 v43, v39  }
0x1e4: {  	v61 =	vsub.f32 v27, v28;
	v26 =	vld [tilespmem:s16+$0x14180];
	v5 =	vmovc v53;
	v53 =	vmul.f32 v38, v47;
	v28 =	vmul.f32 v24, v24  }
0x1e5: {  	v3 =	vadd.f32 v23, v3;
	v8 =	vadd.f32 v18, v8;
	v18 =	vmul.f32 v47, v44  }
0x1e6: {  	[tilespmem:$0x1FE70] =	vst v0;
	v51 =	vmul.f32 v37, v43;
	v30 =	vadd.f32 v55, v37;
	v0 =	vsub.f32 v25, v16  }
0x1e7: {  	v34 =	vmul.f32 v25, v31;
	v25 =	vadd.f32 v58, v38;
	v38 =	vadd.f32 v45, v4  }
0x1e8: {  	s0 =	sor.u32 s20, s29;
	v4 =	vmul.f32 v42, v40;
	v7 =	vadd.f32 v17, v3;
	v17 =	vmul.f32 v45, v40  }
0x1e9: {  	[tilespmem:$0x1FE80] =	vst v60;
	v60 =	vld [tilespmem:s0+$0x0];
	v8 =	vadd.f32 v19, v8;
	v3 =	vmul.f32 v52, v52;
	v54 =	vmul.f32 v16, v26  }
0x1ea: {  	v19 =	vld [tilespmem:s28+$0x0];
	v40 =	vadd.f32 v40, v5;
	v23 =	vmul.f32 v26, v31;
	v1 =	vmul.f32 v50, v51  }
0x1eb: {  	v10 =	vadd.f32 v57, v10;
	v41 =	vmul.f32 v30, v39;
	v45 =	vmul.f32 v25, v44  }
0x1ec: {  	v2 =	vmul.f32 v51, v51;
	v25 =	vadd.f32 v26, v38;
	v40 =	vadd.f32 v31, v40  }
0x1ed: {  	v16 =	vmul.f32 v61, v15;
	v30 =	vsub.f32 v41, v21;
	v38 =	vsub.f32 v45, v24  }
0x1ee: {  	v27 =	vmul.f32 v46, v17;
	v9 =	vadd.f32 v54, v9;
	v25 =	vadd.f32 v47, v25  }
0x1ef: {  	v56 =	vmul.f32 v19, v26;
	v37 =	vadd.f32 v60, v19;
	v19 =	vmul.f32 v55, v15  }
0x1f0: {  	v55 =	vmul.f32 v52, v53;
	v26 =	vmul.f32 v49, v57;
	v9 =	vadd.f32 v52, v9  }
0x1f1: {  	v57 =	vmul.f32 v57, v57;
	v52 =	vadd.f32 v43, v25;
	v46 =	vmul.f32 v37, v31  }
0x1f2: {  	v10 =	vadd.f32 v56, v10;
	v37 =	vmul.f32 v54, v54;
	v25 =	vmul.f32 v54, v56  }
0x1f3: {  	v14 =	vadd.f32 v26, v14;
	v26 =	vmul.f32 v56, v56;
	v56 =	vmovc v12;
	v12 =	vadd.f32 v59, v32  }
0x1f4: {  	v47 =	vsub.f32 v4, v48;
	v54 =	vmovc v6;
	v6 =	vmov v11;
	v11 =	vadd.f32 v57, v33  }
0x1f5: {  	v61 =	vmul.f32 v53, v53;
	v9 =	vadd.f32 v50, v9;
	v12 =	vadd.f32 v37, v12  }
0x1f6: {  	v14 =	vadd.f32 v25, v14;
	v11 =	vadd.f32 v26, v11;
	v25 =	vmul.f32 v62, v18;
	v62 =	vld [tilespmem:$0x1FE90]  }
0x1f7: {  	v42 =	vsub.f32 v46, v34;
	v37 =	vmul.f32 v60, v23;
	v60 =	vld [tilespmem:$0x1FE70];
	v57 =	vadd.f32 v3, v12  }
0x1f8: {  	v20 =	vmul.f32 v20, v17;
	v10 =	vadd.f32 v53, v10;
	v11 =	vadd.f32 v61, v11;
	v61 =	vld [tilespmem:$0x1FE80]  }
0x1f9: {  	p0 =	sne.s32 s12, $0x1F;
	v43 =	vmul.f32 v34, v34;
	v14 =	vadd.f32 v55, v14;
	v12 =	vadd.f32 v63, v57;
	v63 =	vld [tilespmem:$0x1FEA0]  }
.Ltmp5:
0x1fa: {  	v26 =	vmul.f32 v58, v18;
	v58 =	vmul.f32 v48, v4;
	v10 =	vadd.f32 v51, v10;
	(pc) =	sbr.rel @p0 .LBB2_9-.Ltmp5, $4  }
0x1fb: {  	v5 =	vmovc v35;
	v31 =	vmul.f32 v0, v23;
	v3 =	vadd.f32 v44, v40;
	v14 =	vadd.f32 v1, v14  }
0x1fc: {  	v59 =	vmul.f32 v4, v4;
	v55 =	vmovc v7;
	v11 =	vadd.f32 v2, v11;
	v35 =	vadd.f32 v58, v62  }
0x1fd: {  	v7 =	vmovc v36;
	v36 =	vmul.f32 v46, v46;
	v53 =	vadd.f32 v39, v3;
	v40 =	vadd.f32 v4, v60  }
0x1fe: {  	s12 =	sadd.s32 $0x1, s12;
	v39 =	vmul.f32 v34, v46;
	v32 =	vadd.f32 v48, v61;
	v33 =	vadd.f32 v59, v63  }
0x1ff: {  	s11 =	sshll.u32 s10, $0x3;
	p0 =	seq.s32 s10, $0x7  }
0x200: {  	s0 =	sadd.s32 @!p0 $0x8, s11  }
0x201: {  	s2 =	rddreg [dreg:$0x0];
	s5 =	simm.s32 @!p0 $0x0;
	s1 =	sadd.s32 @!p0 s9, s0  }
0x202: {  	s12 =	simm.s32 @!p0 $0x400;
	s13 =	simm.s32 @!p0 $0x8000;
	s4 =	sshll.u32 @!p0 s1, $0x9  }
0x203: {  	s0 =	sadd.s32 @!p0 s7, s0;
	s1 =	sshll.u32 @!p0 s1, $0x8;
	s4 =	sand.u32 @!p0 $0x1FFFF000, s4  }
0x204: {  	s1 =	sand.u32 @!p0 $0x1FFFF800, s1;
	s4 =	sadd.s32 @!p0 s2, s4;
	s2 =	rddreg [dreg:$0x1]  }
0x205: {  	[tilespmem:s5], [sflag:$0x1] =	stream.linear.gather @!p0 [hbm4b:s4+s5], $0x4000, $0x38;
	[tilespmem:$0x18C00] =	vst v63  }
0x206: {  	s0 =	sshll.u32 @!p0 s0, $0x8;
	s4 =	sadd.s32 @!p0 s2, s1;
	s5 =	simm.s32 @!p0 $0x200  }
0x207: {  	[tilespmem:s13], [sflag:$0x1] =	stream.strided.gather @!p0 [hbm4b:s4+s5], $0x2000, s12, s5, $0x38;
	[tilespmem:$0x18C00] =	vst v63  }
0x208: {  	s0 =	sand.u32 @!p0 $0x1FFFF800, s0;
	s1 =	sadd.s32 @!p0 s3, s1;
	s4 =	simm.s32 @!p0 $0xC000  }
0x209: {  	[tilespmem:s4], [sflag:$0x1] =	stream.strided.gather @!p0 [hbm4b:s1+s5], $0x2000, s12, s5, $0x38;
	[tilespmem:$0x18C00] =	vst v63  }
0x20a: {  	s1 =	sadd.s32 @!p0 s6, s0;
	s4 =	simm.s32 @!p0 $0x10000  }
0x20b: {  	[tilespmem:s4], [sflag:$0x1] =	stream.strided.gather @!p0 [hbm4b:s1+s5], $0x2000, s12, s5, $0x38;
	[tilespmem:$0x18C00] =	vst v63  }
0x20c: {  	s0 =	sadd.s32 @!p0 s8, s0;
	s1 =	simm.s32 @!p0 $0x14000  }
0x20d: {  	[tilespmem:s1], [sflag:$0x1] =	stream.strided.gather @!p0 [hbm4b:s0+s5], $0x2000, s12, s5, $0x38;
	[tilespmem:$0x18C00] =	vst v63  }
0x20e: {  	_ =	swait.ge [sflag:s25], $0x4000  }
0x20f: {  	[sflag:s25] =	ssyncset.done $0x0  }
0x210: {  	[sflag:s25] =	ssyncadd.s32 $0xFFFFC000  }
0x211: {  	_ =	swait.ge [sflag:s25], $0x2000  }
0x212: {  	[sflag:s25] =	ssyncset.done $0x0  }
0x213: {  	[sflag:s25] =	ssyncadd.s32 $0xFFFFE000  }
0x214: {  	_ =	swait.ge [sflag:s25], $0x2000  }
0x215: {  	[sflag:s25] =	ssyncset.done $0x0  }
0x216: {  	[sflag:s25] =	ssyncadd.s32 $0xFFFFE000  }
0x217: {  	v0 =	vadd.f32 v46, v40;
	v2 =	vmul.f32 v24, v45;
	v1 =	vadd.f32 v34, v32;
	_ =	swait.ge [sflag:s25], $0x2000  }
0x218: {  	v50 =	vmul.f32 v45, v45;
	v3 =	vadd.f32 v39, v35;
	v4 =	vadd.f32 v36, v33;
	[sflag:s25] =	ssyncset.done $0x0  }
0x219: {  	v0 =	vadd.f32 v45, v0;
	v1 =	vadd.f32 v24, v1;
	v24 =	vmul.f32 v21, v41;
	[sflag:s25] =	ssyncadd.s32 $0xFFFFE000  }
0x21a: {  	s29 =	simm.s32 $0x0;
	v2 =	vadd.f32 v2, v3;
	v3 =	vadd.f32 v50, v4;
	v4 =	vmul.f32 v41, v41;
	s12 =	simm.s32 $0x0;
	_ =	swait.ge [sflag:s25], $0x2000  }
0x21b: {  	v33 =	vadd.f32 v41, v0;
	v40 =	vadd.f32 v21, v1;
	s0 =	sand.u32 $0xFFFFFE00, s29;
	s13 =	sand.u32 $0x40, s12;
	[sflag:s25] =	ssyncset.done $0x0  }
0x21c: {  	v0 =	vand.u32 $0x7FFFFFFF, v47;
	v39 =	vadd.f32 v24, v2;
	v36 =	vadd.f32 v4, v3;
	s20 =	sor.u32 s13, s0;
	[sflag:s25] =	ssyncadd.s32 $0xFFFFE000  }
0x21d: {  	v51 =	vmul.f32 v20, v27;
	v1 =	vadd.f32 v29, v6;
	v0 =	vadd.f32 v0, v5;
	v29 =	vld [tilespmem:s20+$0x12000]  }
0x21e: {  	v3 =	vadd.f32 v17, v7;
	v4 =	vadd.f32 v27, v56;
	v5 =	vand.u32 $0x7FFFFFFF, v42;
	v17 =	vld [tilespmem:s20+$0x16000]  }
0x21f: {  	v2 =	vmul.f32 v27, v27;
	v1 =	vadd.f32 v43, v1;
	v0 =	vadd.f32 v5, v0;
	s14 =	sor.u32 $0x30, s13;
	v24 =	vld [tilespmem:s20+$0xA000]  }
0x220: {  	v3 =	vadd.f32 v23, v3;
	v4 =	vadd.f32 v37, v4;
	v5 =	vand.u32 $0x7FFFFFFF, v38;
	s21 =	sor.u32 s14, s0;
	v23 =	vld [tilespmem:s20+$0xE000]  }
0x221: {  	v21 =	vmul.f32 v20, v20;
	v2 =	vadd.f32 v2, v8;
	v0 =	vadd.f32 v5, v0;
	v27 =	vld [tilespmem:s21+$0x12000]  }
0x222: {  	v1 =	vadd.f32 v28, v1;
	v3 =	vadd.f32 v18, v3;
	v5 =	vand.u32 $0x7FFFFFFF, v30;
	v18 =	vld [tilespmem:s21+$0x16000]  }
0x223: {  	v8 =	vadd.f32 v21, v13;
	v57 =	vadd.f32 v5, v0;
	s15 =	sor.u32 $0x20, s13;
	v0 =	vld [tilespmem:s21+$0xA000]  }
0x224: {  	s30 =	simm.s32 $0x0;
	v13 =	vmul.f32 v31, v31;
	v56 =	vadd.f32 v22, v1;
	v58 =	vadd.f32 v15, v3;
	s18 =	sor.u32 s15, s0;
	v22 =	vld [tilespmem:s21+$0xE000]  }
0x225: {  	s16 =	sand.u32 $0x3FFFFF00, s30;
	v1 =	vmul.f32 v31, v37;
	v3 =	vadd.f32 v20, v54;
	v15 =	vadd.f32 v51, v55;
	v32 =	vld [tilespmem:s18+$0x12000]  }
0x226: {  	v7 =	vadd.f32 v26, v4;
	v30 =	vmul.f32 v25, v26;
	v20 =	vmul.f32 v37, v37;
	s1 =	sadd.s32 $0x4000, s16;
	v34 =	vld [tilespmem:s18+$0x16000]  }
0x227: {  	v3 =	vadd.f32 v31, v3;
	v1 =	vadd.f32 v1, v15;
	v15 =	vmul.f32 v26, v26;
	s17 =	sor.u32 $0x10, s13;
	s31 =	sor.u32 s14, s1;
	v26 =	vld [tilespmem:s18+$0xE000]  }
0x228: {  	v8 =	vadd.f32 v13, v8;
	v2 =	vadd.f32 v20, v2;
	s19 =	sor.u32 s17, s0;
	v35 =	vld [tilespmem:s31+$0x0]  }
0x229: {  	v28 =	vmul.f32 v16, v19;
	v3 =	vadd.f32 v25, v3;
	v1 =	vadd.f32 v30, v1;
	s2 =	sor.u32 s13, s1;
	v20 =	vld [tilespmem:s19+$0x16000]  }
0x22a: {  	v13 =	vmul.f32 v25, v25;
	v59 =	vadd.f32 v19, v7;
	v15 =	vadd.f32 v15, v2;
	s4 =	sor.u32 s15, s1;
	v30 =	vld [tilespmem:s2+$0x0]  }
0x22b: {  	v19 =	vmul.f32 v19, v19;
	v2 =	vadd.f32 v16, v3;
	v3 =	vadd.f32 v28, v1;
	v28 =	vld [tilespmem:s4+$0x0]  }
0x22c: {  	v31 =	vld [tilespmem:s18+$0xA000]  }
0x22d: {  	s26 =	sadd.s32 $0x4080, s16;
	v13 =	vadd.f32 v13, v8;
	v25 =	vmul.f32 v16, v16;
	v8 =	vadd.f32 v19, v15;
	v19 =	vld [tilespmem:s19+$0xE000]  }
0x22e: {  	s0 =	sor.u32 s15, s26;
	v62 =	vld [tilespmem:s19+$0xA000];
	v1 =	vmul.f32 v23, v17;
	v38 =	vmul.f32 v24, v29  }
0x22f: {  	v51 =	vld [tilespmem:s0+$0x0];
	v16 =	vmul.f32 v17, v29;
	v41 =	vmul.f32 v22, v18  }
0x230: {  	v42 =	vmul.f32 v35, v18;
	v21 =	vmul.f32 v0, v27  }
0x231: {  	v13 =	vadd.f32 v25, v13;
	v44 =	vmul.f32 v26, v34;
	v15 =	vmul.f32 v18, v27  }
0x232: {  	v60 =	vadd.f32 v17, v52;
	v17 =	vmul.f32 v30, v17;
	v63 =	vmul.f32 v28, v34  }
0x233: {  	s5 =	sor.u32 s17, s1;
	v23 =	vsub.f32 v24, v23;
	v24 =	vmul.f32 v31, v32;
	v26 =	vsub.f32 v31, v26  }
0x234: {  	v61 =	vld [tilespmem:s5+$0x0];
	v31 =	vmul.f32 v19, v20;
	v50 =	vsub.f32 v62, v19;
	v28 =	vadd.f32 v51, v28  }
0x235: {  	s29 =	sor.u32 s17, s26;
	v25 =	vld [tilespmem:s19+$0x12000];
	v37 =	vadd.f32 v20, v60;
	v60 =	vsub.f32 v0, v22;
	v22 =	vmul.f32 v1, v17  }
0x236: {  	v49 =	vld [tilespmem:s29+$0x0];
	v9 =	vadd.f32 v1, v9;
	v1 =	vmul.f32 v1, v1;
	v10 =	vadd.f32 v17, v10  }
0x237: {  	v43 =	vmul.f32 v28, v32;
	v37 =	vadd.f32 v34, v37;
	v14 =	vadd.f32 v22, v14  }
0x238: {  	v22 =	vmul.f32 v17, v17;
	v17 =	vmul.f32 v34, v32;
	v1 =	vadd.f32 v1, v12  }
0x239: {  	v9 =	vadd.f32 v31, v9;
	v34 =	vmul.f32 v24, v24;
	v52 =	vadd.f32 v18, v37  }
0x23a: {  	v18 =	vmul.f32 v61, v20;
	v37 =	vmul.f32 v62, v25;
	v11 =	vadd.f32 v22, v11  }
0x23b: {  	v61 =	vadd.f32 v49, v61;
	v22 =	vmul.f32 v31, v31;
	v62 =	vmul.f32 v63, v63  }
0x23c: {  	s30 =	sor.u32 s13, s26;
	v9 =	vadd.f32 v44, v9;
	v19 =	vmul.f32 v31, v18;
	v10 =	vadd.f32 v18, v10  }
0x23d: {  	v12 =	vld [tilespmem:s30+$0x0];
	v18 =	vmul.f32 v18, v18;
	v1 =	vadd.f32 v22, v1;
	v22 =	vmul.f32 v20, v25  }
0x23e: {  	v31 =	vadd.f32 v29, v53;
	v48 =	vmul.f32 v61, v25;
	v20 =	vmul.f32 v23, v16  }
0x23f: {  	v23 =	vmul.f32 v21, v21;
	v9 =	vadd.f32 v41, v9;
	v14 =	vadd.f32 v19, v14  }
0x240: {  	v11 =	vadd.f32 v18, v11;
	v18 =	vmul.f32 v44, v63;
	v25 =	vadd.f32 v25, v31  }
0x241: {  	s31 =	sor.u32 s14, s26;
	v31 =	vmul.f32 v38, v38;
	v10 =	vadd.f32 v63, v10;
	v45 =	vsub.f32 v48, v37  }
0x242: {  	v19 =	vld [tilespmem:s31+$0x0];
	v63 =	vmul.f32 v41, v41;
	v14 =	vadd.f32 v18, v14;
	v18 =	vadd.f32 v12, v30  }
0x243: {  	v30 =	vmul.f32 v12, v16;
	v12 =	vmul.f32 v44, v44;
	v11 =	vadd.f32 v62, v11  }
0x244: {  	v10 =	vadd.f32 v42, v10;
	v25 =	vadd.f32 v32, v25;
	v32 =	vmul.f32 v51, v17  }
0x245: {  	v1 =	vadd.f32 v12, v1;
	v12 =	vmul.f32 v41, v42;
	v42 =	vmul.f32 v42, v42  }
0x246: {  	v28 =	vmul.f32 v18, v29;
	v41 =	vsub.f32 v43, v24;
	v18 =	vmul.f32 v60, v15  }
0x247: {  	v29 =	vmul.f32 v26, v17;
	v35 =	vadd.f32 v19, v35;
	v14 =	vadd.f32 v12, v14  }
0x248: {  	v26 =	vmul.f32 v37, v48;
	v11 =	vadd.f32 v42, v11;
	v12 =	vadd.f32 v63, v1  }
0x249: {  	v19 =	vmul.f32 v19, v15;
	v47 =	vsub.f32 v28, v38;
	v1 =	vadd.f32 v27, v25  }
0x24a: {  	v42 =	vmul.f32 v37, v37;
	v25 =	vadd.f32 v38, v40;
	v44 =	vmul.f32 v35, v27  }
0x24b: {  	v33 =	vadd.f32 v28, v33;
	v27 =	vmul.f32 v38, v28;
	v28 =	vmul.f32 v28, v28  }
0x24c: {  	v40 =	vmul.f32 v49, v22;
	v38 =	vmul.f32 v50, v22;
	v35 =	vsub.f32 v44, v21  }
0x24d: {  	s28 =	simm.s32 $0x1;
	s26 =	simm.s32 $0x0;
	v27 =	vadd.f32 v27, v39;
	v28 =	vadd.f32 v28, v36;
	v36 =	vmul.f32 v48, v48  }
.LBB2_11:
0x24e: {  	v33 =	vadd.f32 v48, v33;
	v25 =	vadd.f32 v37, v25  }
0x24f: {  	v6 =	vadd.f32 v16, v58;
	v7 =	vadd.f32 v30, v59  }
0x250: {  	s0 =	sshll.u32 s28, $0x8;
	s26 =	sadd.s32 $0x40, s26;
	v26 =	vadd.f32 v26, v27;
	v27 =	vadd.f32 v36, v28  }
0x251: {  	v61 =	vmul.f32 v24, v43;
	s29 =	sand.u32 $0x40, s26;
	s0 =	sand.u32 $0xFFFFFE00, s0;
	v4 =	vadd.f32 v31, v56;
	v2 =	vadd.f32 v20, v2  }
0x252: {  	v28 =	vmul.f32 v43, v43;
	v33 =	vadd.f32 v43, v33;
	v24 =	vadd.f32 v24, v25;
	s1 =	sor.u32 s29, s0  }
0x253: {  	v62 =	vmul.f32 v20, v30;
	v6 =	vadd.f32 v22, v6;
	v7 =	vadd.f32 v40, v7;
	v36 =	vld [tilespmem:s1+$0x12000]  }
0x254: {  	v37 =	vadd.f32 v61, v26;
	v28 =	vadd.f32 v28, v27;
	v43 =	vld [tilespmem:s1+$0x16000]  }
0x255: {  	v39 =	vmul.f32 v21, v44;
	s30 =	sor.u32 $0x30, s29;
	v63 =	vld [tilespmem:s1+$0xA000];
	v4 =	vadd.f32 v42, v4;
	v3 =	vadd.f32 v62, v3  }
0x256: {  	v46 =	vmul.f32 v44, v44;
	v31 =	vld [tilespmem:s1+$0xE000];
	s2 =	sor.u32 s30, s0;
	v2 =	vadd.f32 v38, v2;
	v0 =	vadd.f32 v44, v33  }
0x257: {  	v16 =	vand.u32 $0x7FFFFFFF, v45;
	s31 =	sor.u32 $0x20, s29;
	v33 =	vld [tilespmem:s2+$0x12000];
	v6 =	vadd.f32 v17, v6;
	v7 =	vadd.f32 v32, v7  }
0x258: {  	s5 =	sor.u32 s31, s0;
	v42 =	vld [tilespmem:s2+$0x16000];
	v17 =	vand.u32 $0x7FFFFFFF, v35;
	[tilespmem:$0x1FE30] =	vst v0;
	v0 =	vadd.f32 v21, v24;
	v21 =	vand.u32 $0x7FFFFFFF, v47  }
0x259: {  	v35 =	vld [tilespmem:s5+$0xE000];
	v4 =	vadd.f32 v34, v4;
	v5 =	vadd.f32 v21, v57;
	v21 =	vmul.f32 v30, v30  }
0x25a: {  	v34 =	vld [tilespmem:s2+$0xE000];
	v2 =	vadd.f32 v29, v2;
	v24 =	vmul.f32 v20, v20;
	[tilespmem:$0x1FE40] =	vst v0;
	v0 =	vadd.f32 v39, v37  }
0x25b: {  	v47 =	vld [tilespmem:s5+$0x16000];
	v5 =	vadd.f32 v16, v5;
	v16 =	vand.u32 $0x7FFFFFFF, v41;
	v8 =	vadd.f32 v21, v8  }
0x25c: {  	s4 =	sshll.u32 s28, $0x7;
	v30 =	vld [tilespmem:s2+$0xA000];
	[tilespmem:$0x1FE50] =	vst v0;
	v0 =	vadd.f32 v46, v28;
	v28 =	vadd.f32 v15, v6;
	v15 =	vmul.f32 v40, v40  }
0x25d: {  	v22 =	vmul.f32 v29, v32;
	s1 =	sand.u32 $0x3FFFFF00, s4;
	s4 =	sor.u32 $0x10, s29;
	v26 =	vadd.f32 v23, v4;
	v23 =	vld [tilespmem:s5+$0xA000];
	v5 =	vadd.f32 v16, v5  }
0x25e: {  	s0 =	sor.u32 s4, s0;
	v27 =	vmovc v12;
	v20 =	vmul.f32 v38, v38;
	s2 =	sadd.s32 $0x4000, s1;
	v39 =	vld [tilespmem:s5+$0x12000];
	v13 =	vadd.f32 v24, v13;
	v8 =	vadd.f32 v15, v8  }
0x25f: {  	v12 =	vmovc v11;
	s5 =	sor.u32 s30, s2;
	v15 =	vmul.f32 v29, v29;
	v29 =	vld [tilespmem:s0+$0xA000];
	v11 =	vadd.f32 v17, v5;
	v17 =	vmul.f32 v38, v40  }
0x260: {  	v25 =	vmov v1;
	v1 =	vadd.f32 v19, v7;
	v40 =	vld [tilespmem:s5+$0x0]  }
0x261: {  	v13 =	vadd.f32 v20, v13;
	v38 =	vld [tilespmem:s0+$0x12000];
	s5 =	sor.u32 s31, s2;
	v3 =	vadd.f32 v17, v3;
	v17 =	vmul.f32 v32, v32  }
0x262: {  	v2 =	vadd.f32 v18, v2;
	v16 =	vmul.f32 v18, v19;
	v19 =	vmul.f32 v19, v19;
	v41 =	vld [tilespmem:s5+$0x0]  }
0x263: {  	v13 =	vadd.f32 v15, v13;
	v15 =	vmul.f32 v18, v18;
	v18 =	vld [tilespmem:s0+$0xE000];
	v8 =	vadd.f32 v17, v8  }
0x264: {  	s5 =	sor.u32 s4, s2;
	v32 =	vld [tilespmem:s0+$0x16000]  }
0x265: {  	v49 =	vmul.f32 v31, v43;
	s2 =	sor.u32 s29, s2;
	v8 =	vadd.f32 v19, v8;
	v19 =	vld [tilespmem:s5+$0x0];
	s5 =	sadd.s32 $0x4080, s1  }
0x266: {  	v45 =	vld [tilespmem:s2+$0x0];
	s31 =	sor.u32 s31, s5  }
0x267: {  	v59 =	vmul.f32 v49, v49;
	s30 =	sor.u32 s30, s5;
	v58 =	vld [tilespmem:s31+$0x0]  }
0x268: {  	v7 =	vmovc v52;
	v9 =	vadd.f32 v49, v9;
	v52 =	vmul.f32 v35, v47;
	v3 =	vadd.f32 v22, v3;
	s0 =	sor.u32 s4, s5;
	v55 =	vld [tilespmem:s30+$0x0]  }
0x269: {  	v21 =	vmul.f32 v30, v33;
	v61 =	vsub.f32 v30, v34;
	v51 =	vmul.f32 v40, v42;
	v60 =	vld [tilespmem:s0+$0x0]  }
0x26a: {  	v37 =	vmul.f32 v29, v38;
	v3 =	vadd.f32 v16, v3;
	v16 =	vmul.f32 v43, v36;
	s1 =	sor.u32 s29, s5  }
0x26b: {  	[tilespmem:$0x1FE60] =	vst v0;
	v53 =	vmul.f32 v41, v47;
	v0 =	vsub.f32 v29, v18;
	v57 =	vmul.f32 v45, v43;
	v48 =	vld [tilespmem:s1+$0x0]  }
0x26c: {  	v54 =	vmul.f32 v18, v32;
	v22 =	vmul.f32 v32, v38;
	v29 =	vadd.f32 v58, v41  }
0x26d: {  	v10 =	vadd.f32 v57, v10;
	v56 =	vmul.f32 v19, v32;
	v41 =	vadd.f32 v43, v7  }
0x26e: {  	v44 =	vadd.f32 v55, v40;
	v40 =	vadd.f32 v60, v19;
	v43 =	vmul.f32 v29, v39  }
0x26f: {  	v29 =	vadd.f32 v32, v41;
	v32 =	vmul.f32 v49, v57;
	v49 =	vmul.f32 v57, v57  }
0x270: {  	v30 =	vmul.f32 v48, v16;
	v45 =	vadd.f32 v48, v45;
	v48 =	vmul.f32 v40, v38  }
0x271: {  	v40 =	vmul.f32 v54, v54;
	v57 =	vmovc v11;
	v11 =	vadd.f32 v49, v12;
	v12 =	vadd.f32 v59, v27  }
0x272: {  	v50 =	vmul.f32 v34, v42  }
0x273: {  	v6 =	vmul.f32 v52, v52;
	v59 =	vmovc v1;
	v1 =	vadd.f32 v36, v25;
	v12 =	vadd.f32 v40, v12  }
0x274: {  	v46 =	vmul.f32 v63, v36;
	v20 =	vsub.f32 v63, v31;
	v63 =	vmul.f32 v50, v50  }
0x275: {  	v1 =	vadd.f32 v38, v1;
	v38 =	vmul.f32 v0, v22;
	v0 =	vadd.f32 v6, v12;
	_ =	sdelay $0x1  }
0x276: {  	v12 =	vadd.f32 v63, v0;
	v0 =	vld [tilespmem:$0x1FE30];
	_ =	sdelay $0x2  }
0x277: {  	v7 =	vmul.f32 v45, v36;
	v1 =	vadd.f32 v39, v1  }
0x278: {  	v24 =	vmul.f32 v23, v39;
	v13 =	vadd.f32 v15, v13;
	v15 =	vmul.f32 v42, v33  }
0x279: {  	v44 =	vmul.f32 v44, v33;
	v1 =	vadd.f32 v33, v1;
	v33 =	vadd.f32 v7, v0;
	v0 =	vld [tilespmem:$0x1FE40]  }
0x27a: {  	v31 =	vmul.f32 v46, v46;
	v62 =	vsub.f32 v23, v35;
	v23 =	vmul.f32 v21, v21  }
0x27b: {  	v34 =	vmul.f32 v24, v24;
	v17 =	vmul.f32 v47, v39;
	v9 =	vadd.f32 v54, v9  }
0x27c: {  	v4 =	vmul.f32 v50, v51;
	v5 =	vmul.f32 v51, v51  }
0x27d: {  	v18 =	vmul.f32 v61, v15;
	v61 =	vmul.f32 v53, v53;
	v9 =	vadd.f32 v52, v9  }
0x27e: {  	v19 =	vmul.f32 v55, v15;
	v29 =	vadd.f32 v47, v29;
	v25 =	vadd.f32 v46, v0;
	v0 =	vld [tilespmem:$0x1FE50]  }
0x27f: {  	v55 =	vmul.f32 v52, v53;
	v10 =	vadd.f32 v56, v10;
	v9 =	vadd.f32 v50, v9  }
0x280: {  	v14 =	vadd.f32 v32, v14;
	v52 =	vadd.f32 v42, v29;
	v29 =	vmul.f32 v54, v56  }
0x281: {  	v10 =	vadd.f32 v53, v10;
	v35 =	vsub.f32 v44, v21;
	v6 =	vmul.f32 v46, v7  }
0x282: {  	v53 =	vmul.f32 v56, v56;
	v41 =	vsub.f32 v43, v24;
	v14 =	vadd.f32 v29, v14  }
0x283: {  	p1 =	sne.s32 s28, $0x1F;
	v20 =	vmul.f32 v20, v16;
	v45 =	vsub.f32 v48, v37;
	v27 =	vadd.f32 v6, v0;
	v0 =	vld [tilespmem:$0x1FE60]  }
.Ltmp6:
0x284: {  	v32 =	vmul.f32 v58, v17;
	v11 =	vadd.f32 v53, v11;
	v14 =	vadd.f32 v55, v14;
	(pc) =	sbr.rel @p1 .LBB2_11-.Ltmp6, $4  }
0x285: {  	v47 =	vsub.f32 v7, v46;
	v36 =	vmul.f32 v48, v48;
	v42 =	vmul.f32 v37, v37  }
0x286: {  	v11 =	vadd.f32 v61, v11;
	v14 =	vadd.f32 v4, v14;
	v4 =	vmul.f32 v7, v7  }
0x287: {  	v10 =	vadd.f32 v51, v10;
	v56 =	vmovc v26;
	v40 =	vmul.f32 v60, v22;
	v26 =	vmul.f32 v37, v48  }
0x288: {  	s28 =	sadd.s32 $0x1, s28;
	v58 =	vmovc v28;
	v29 =	vmul.f32 v62, v17;
	v11 =	vadd.f32 v5, v11;
	v28 =	vadd.f32 v4, v0  }
0x289: {  	v0 =	vadd.f32 v48, v33;
	v4 =	vadd.f32 v37, v25;
	v5 =	vmul.f32 v24, v43  }
0x28a: {  	v6 =	vadd.f32 v26, v27;
	v25 =	vmul.f32 v43, v43;
	v2 =	vadd.f32 v20, v2  }
0x28b: {  	v49 =	vmul.f32 v20, v30;
	v7 =	vadd.f32 v36, v28;
	v0 =	vadd.f32 v43, v0  }
0x28c: {  	v50 =	vand.u32 $0x7FFFFFFF, v47;
	v4 =	vadd.f32 v24, v4;
	v5 =	vadd.f32 v5, v6  }
0x28d: {  	v24 =	vmul.f32 v21, v44;
	v3 =	vadd.f32 v49, v3;
	v2 =	vadd.f32 v38, v2  }
0x28e: {  	v51 =	vmul.f32 v18, v19;
	v6 =	vadd.f32 v25, v7;
	v27 =	vadd.f32 v44, v0  }
0x28f: {  	v55 =	vmul.f32 v29, v32;
	v28 =	vadd.f32 v21, v4;
	v26 =	vadd.f32 v24, v5  }
0x290: {  	v36 =	vld [tilespmem:s20+$0x12080];
	v7 =	vmul.f32 v44, v44;
	v4 =	vadd.f32 v31, v56;
	v0 =	vadd.f32 v50, v57  }
0x291: {  	v39 =	vld [tilespmem:s18+$0x12080];
	v21 =	vmul.f32 v30, v30;
	v5 =	vadd.f32 v16, v58;
	v2 =	vadd.f32 v29, v2  }
0x292: {  	v63 =	vld [tilespmem:s19+$0x12080];
	v25 =	vadd.f32 v7, v6;
	v6 =	vadd.f32 v30, v59;
	v7 =	vand.u32 $0x7FFFFFFF, v45  }
0x293: {  	v24 =	vld [tilespmem:s20+$0x16080];
	v16 =	vmul.f32 v20, v20;
	v4 =	vadd.f32 v42, v4;
	v0 =	vadd.f32 v7, v0  }
0x294: {  	v31 =	vld [tilespmem:s20+$0xA080];
	v5 =	vadd.f32 v22, v5;
	v7 =	vand.u32 $0x7FFFFFFF, v41;
	v8 =	vadd.f32 v21, v8  }
0x295: {  	v20 =	vld [tilespmem:s18+$0x16080];
	v13 =	vadd.f32 v16, v13;
	v16 =	vmul.f32 v38, v38;
	v1 =	vadd.f32 v36, v1  }
0x296: {  	v30 =	vld [tilespmem:s21+$0x12080];
	v21 =	vmul.f32 v32, v32;
	v6 =	vadd.f32 v40, v6;
	v4 =	vadd.f32 v34, v4  }
0x297: {  	v22 =	vld [tilespmem:s20+$0xE080];
	v0 =	vadd.f32 v7, v0;
	v7 =	vadd.f32 v17, v5;
	v5 =	vand.u32 $0x7FFFFFFF, v35  }
0x298: {  	s0 =	sadd.s32 $0x5000, s16;
	v35 =	vld [tilespmem:s21+$0x16080];
	v13 =	vadd.f32 v16, v13;
	v16 =	vmul.f32 v29, v29;
	v1 =	vadd.f32 v63, v1  }
0x299: {  	s26 =	sor.u32 s15, s0;
	v29 =	vld [tilespmem:s19+$0x16080];
	v17 =	vadd.f32 v32, v6;
	v41 =	vmul.f32 v31, v36;
	v60 =	vadd.f32 v24, v52  }
0x29a: {  	s1 =	sor.u32 s14, s0;
	v34 =	vld [tilespmem:s26+$0x0];
	v6 =	vadd.f32 v23, v4;
	v5 =	vadd.f32 v5, v0;
	v23 =	vmul.f32 v38, v40  }
0x29b: {  	v32 =	vld [tilespmem:s1+$0x0];
	v7 =	vadd.f32 v15, v7;
	v13 =	vadd.f32 v16, v13;
	v16 =	vmul.f32 v18, v18  }
0x29c: {  	v0 =	vld [tilespmem:s21+$0xA080];
	v1 =	vadd.f32 v39, v1;
	v57 =	vadd.f32 v19, v17;
	v17 =	vmul.f32 v40, v40  }
0x29d: {  	v15 =	vld [tilespmem:s21+$0xE080];
	s21 =	sor.u32 s13, s0;
	v19 =	vmul.f32 v19, v19;
	v33 =	vmul.f32 v41, v41;
	v3 =	vadd.f32 v23, v3  }
0x29e: {  	v37 =	vld [tilespmem:s21+$0x0];
	v13 =	vadd.f32 v16, v13;
	v8 =	vadd.f32 v17, v8;
	v17 =	vmul.f32 v24, v36  }
0x29f: {  	v59 =	vld [tilespmem:s18+$0xA080];
	v38 =	vadd.f32 v29, v60;
	v16 =	vmul.f32 v35, v30;
	v49 =	vmul.f32 v34, v20  }
0x2a0: {  	s28 =	sadd.s32 $0x5080, s16;
	v23 =	vld [tilespmem:s18+$0xE080];
	v3 =	vadd.f32 v55, v3;
	v55 =	vadd.f32 v18, v2;
	v18 =	vmul.f32 v22, v24  }
0x2a1: {  	s29 =	sor.u32 s17, s28;
	v42 =	vmul.f32 v32, v35;
	v22 =	vsub.f32 v31, v22;
	v8 =	vadd.f32 v21, v8  }
0x2a2: {  	v52 =	vld [tilespmem:s29+$0x0];
	v40 =	vmul.f32 v15, v35;
	v21 =	vmul.f32 v0, v30;
	v31 =	vadd.f32 v20, v38  }
0x2a3: {  	s0 =	sor.u32 s17, s0;
	v2 =	vld [tilespmem:s19+$0xA080];
	v50 =	vsub.f32 v0, v15;
	v56 =	vadd.f32 v51, v3;
	v46 =	vmul.f32 v37, v24  }
0x2a4: {  	v61 =	vld [tilespmem:s0+$0x0];
	v24 =	vmul.f32 v59, v39;
	v9 =	vadd.f32 v18, v9;
	v8 =	vadd.f32 v19, v8  }
0x2a5: {  	v62 =	vmul.f32 v23, v20;
	v51 =	vsub.f32 v59, v23;
	v53 =	vadd.f32 v35, v31  }
0x2a6: {  	s30 =	sor.u32 s13, s28;
	v19 =	vld [tilespmem:s19+$0xE080];
	v31 =	vmul.f32 v18, v18;
	v60 =	vmul.f32 v40, v40;
	v35 =	vadd.f32 v41, v28  }
0x2a7: {  	v15 =	vmul.f32 v18, v46;
	v10 =	vadd.f32 v46, v10;
	v18 =	vmul.f32 v20, v39;
	v20 =	vld [tilespmem:s30+$0x0]  }
0x2a8: {  	v54 =	vmul.f32 v46, v46;
	v38 =	vmul.f32 v2, v63;
	v12 =	vadd.f32 v31, v12  }
0x2a9: {  	v31 =	vadd.f32 v52, v61;
	v59 =	vmul.f32 v62, v62;
	v14 =	vadd.f32 v15, v14  }
0x2aa: {  	v15 =	vmul.f32 v61, v29;
	v11 =	vadd.f32 v54, v11;
	v61 =	vmul.f32 v42, v42  }
0x2ab: {  	v54 =	vadd.f32 v30, v1;
	v48 =	vmul.f32 v31, v63;
	v23 =	vmul.f32 v19, v29  }
0x2ac: {  	v46 =	vsub.f32 v2, v19;
	v10 =	vadd.f32 v15, v10;
	v31 =	vmul.f32 v20, v17  }
0x2ad: {  	v58 =	vadd.f32 v20, v37;
	v20 =	vmul.f32 v22, v17;
	v22 =	vmul.f32 v21, v21  }
0x2ae: {  	v45 =	vsub.f32 v48, v38;
	v19 =	vmul.f32 v23, v15;
	v15 =	vmul.f32 v15, v15  }
0x2af: {  	v9 =	vadd.f32 v23, v9;
	v23 =	vmul.f32 v23, v23;
	v10 =	vadd.f32 v49, v10  }
0x2b0: {  	v14 =	vadd.f32 v19, v14;
	v11 =	vadd.f32 v15, v11;
	v15 =	vmul.f32 v62, v49  }
0x2b1: {  	s31 =	sor.u32 s14, s28;
	v12 =	vadd.f32 v23, v12;
	v23 =	vmul.f32 v29, v63;
	v9 =	vadd.f32 v62, v9  }
0x2b2: {  	s0 =	sor.u32 s15, s28;
	v19 =	vld [tilespmem:s31+$0x0];
	v10 =	vadd.f32 v42, v10;
	v62 =	vmul.f32 v58, v36;
	v14 =	vadd.f32 v15, v14  }
0x2b3: {  	v29 =	vld [tilespmem:s0+$0x0];
	v15 =	vmul.f32 v49, v49;
	v12 =	vadd.f32 v59, v12;
	v9 =	vadd.f32 v40, v9  }
0x2b4: {  	v47 =	vsub.f32 v62, v41;
	v28 =	vmul.f32 v41, v62;
	v36 =	vadd.f32 v62, v27  }
0x2b5: {  	v63 =	vmul.f32 v62, v62;
	v37 =	vmul.f32 v46, v23;
	v11 =	vadd.f32 v15, v11  }
0x2b6: {  	v15 =	vmul.f32 v40, v42;
	v12 =	vadd.f32 v60, v12;
	v42 =	vmul.f32 v38, v38  }
0x2b7: {  	v27 =	vadd.f32 v28, v26;
	v26 =	vmul.f32 v38, v48;
	v32 =	vadd.f32 v19, v32  }
0x2b8: {  	v28 =	vmul.f32 v48, v48;
	v34 =	vadd.f32 v29, v34;
	v19 =	vmul.f32 v19, v16  }
0x2b9: {  	v15 =	vadd.f32 v15, v14;
	v14 =	vmul.f32 v50, v16;
	v44 =	vmul.f32 v32, v30  }
0x2ba: {  	v25 =	vadd.f32 v63, v25;
	v43 =	vmul.f32 v34, v39;
	v32 =	vmul.f32 v24, v24  }
0x2bb: {  	v11 =	vadd.f32 v61, v11;
	v30 =	vmul.f32 v29, v18;
	v29 =	vmul.f32 v51, v18  }
0x2bc: {  	s13 =	simm.s32 $0x1;
	v39 =	vmul.f32 v52, v23;
	v34 =	vsub.f32 v44, v21;
	v40 =	vsub.f32 v43, v24  }
.LBB2_13:
0x2bd: {  	v36 =	vadd.f32 v48, v36;
	v35 =	vadd.f32 v38, v35  }
0x2be: {  	v26 =	vadd.f32 v26, v27;
	v25 =	vadd.f32 v28, v25  }
0x2bf: {  	v51 =	vmul.f32 v24, v43;
	s0 =	sshll.u32 s13, $0x8;
	s12 =	sadd.s32 $0x40, s12;
	v4 =	vadd.f32 v33, v6;
	v6 =	vadd.f32 v17, v7  }
0x2c0: {  	v27 =	vmul.f32 v43, v43;
	s14 =	sand.u32 $0x40, s12;
	s0 =	sand.u32 $0xFFFFFE00, s0;
	v7 =	vadd.f32 v31, v57;
	v2 =	vadd.f32 v20, v55  }
0x2c1: {  	s1 =	sor.u32 s14, s0;
	v28 =	vadd.f32 v43, v36;
	v24 =	vadd.f32 v24, v35  }
0x2c2: {  	v58 =	vmul.f32 v20, v31;
	v38 =	vadd.f32 v51, v26;
	v41 =	vadd.f32 v27, v25;
	v36 =	vld [tilespmem:s1+$0x12080]  }
0x2c3: {  	v52 =	vmul.f32 v21, v44;
	v43 =	vld [tilespmem:s1+$0x16080];
	v4 =	vadd.f32 v42, v4;
	v6 =	vadd.f32 v23, v6  }
0x2c4: {  	v46 =	vmul.f32 v44, v44;
	s15 =	sor.u32 $0x30, s14;
	v62 =	vld [tilespmem:s1+$0xA080];
	v7 =	vadd.f32 v39, v7;
	v3 =	vadd.f32 v58, v56  }
0x2c5: {  	v17 =	vand.u32 $0x7FFFFFFF, v45;
	v63 =	vld [tilespmem:s1+$0xE080];
	s18 =	sor.u32 s15, s0;
	v2 =	vadd.f32 v37, v2;
	v0 =	vadd.f32 v44, v28  }
0x2c6: {  	v23 =	vmul.f32 v29, v30;
	v35 =	vld [tilespmem:s18+$0x12080];
	v59 =	vadd.f32 v21, v24;
	v60 =	vadd.f32 v52, v38  }
0x2c7: {  	s16 =	sor.u32 $0x20, s14;
	v42 =	vld [tilespmem:s18+$0x16080];
	v21 =	vand.u32 $0x7FFFFFFF, v47;
	v61 =	vadd.f32 v46, v41;
	v4 =	vadd.f32 v32, v4  }
0x2c8: {  	s2 =	sor.u32 s16, s0;
	v24 =	vmul.f32 v20, v20;
	v32 =	vld [tilespmem:s18+$0xE080];
	v6 =	vadd.f32 v18, v6;
	v7 =	vadd.f32 v30, v7  }
0x2c9: {  	s19 =	sshll.u32 s13, $0x7;
	v18 =	vand.u32 $0x7FFFFFFF, v34;
	v41 =	vld [tilespmem:s2+$0x12080];
	v2 =	vadd.f32 v29, v2;
	v5 =	vadd.f32 v21, v5  }
0x2ca: {  	s1 =	sand.u32 $0x3FFFFF00, s19;
	v47 =	vld [tilespmem:s2+$0x16080];
	v26 =	vmovc v12;
	v20 =	vmul.f32 v37, v37;
	v28 =	vadd.f32 v22, v4;
	v25 =	vadd.f32 v16, v6  }
0x2cb: {  	s5 =	sadd.s32 $0x5000, s1;
	v12 =	vmovc v11;
	v34 =	vld [tilespmem:s2+$0xE080];
	v21 =	vmul.f32 v31, v31;
	v11 =	vadd.f32 v19, v7;
	v13 =	vadd.f32 v24, v13  }
0x2cc: {  	s29 =	sadd.s32 $0x5080, s1;
	s28 =	sor.u32 s14, s5;
	v31 =	vld [tilespmem:s18+$0xA080];
	v16 =	vmul.f32 v39, v39;
	v6 =	vadd.f32 v14, v2;
	v5 =	vadd.f32 v17, v5  }
0x2cd: {  	s1 =	sor.u32 s14, s29;
	v45 =	vld [tilespmem:s28+$0x0];
	v17 =	vand.u32 $0x7FFFFFFF, v40;
	v8 =	vadd.f32 v21, v8;
	v49 =	vmul.f32 v63, v43  }
0x2ce: {  	s30 =	sor.u32 s15, s29;
	v48 =	vld [tilespmem:s1+$0x0];
	v46 =	vmul.f32 v62, v36;
	v5 =	vadd.f32 v17, v5;
	v17 =	vmul.f32 v14, v19  }
0x2cf: {  	v55 =	vld [tilespmem:s30+$0x0];
	v8 =	vadd.f32 v16, v8;
	v16 =	vmul.f32 v29, v29;
	v19 =	vmul.f32 v19, v19  }
0x2d0: {  	s4 =	sor.u32 $0x10, s14;
	s21 =	sor.u32 s16, s5;
	v22 =	vld [tilespmem:s2+$0xA080];
	v13 =	vadd.f32 v20, v13;
	v50 =	vmul.f32 v32, v42;
	v52 =	vmul.f32 v34, v47  }
0x2d1: {  	s0 =	sor.u32 s4, s0;
	[tilespmem:$0x1FE00] =	vst v59;
	v40 =	vld [tilespmem:s21+$0x0];
	v20 =	vsub.f32 v62, v63;
	v59 =	vmul.f32 v49, v49;
	v33 =	vmul.f32 v46, v46  }
0x2d2: {  	s20 =	sor.u32 s15, s5;
	v29 =	vld [tilespmem:s0+$0xA080];
	v9 =	vadd.f32 v49, v9;
	v21 =	vmul.f32 v31, v35;
	v57 =	vmul.f32 v45, v43  }
0x2d3: {  	[tilespmem:$0x1FE20] =	vst v61;
	v61 =	vsub.f32 v31, v32;
	v27 =	vadd.f32 v18, v5;
	v18 =	vmul.f32 v37, v39;
	v39 =	vld [tilespmem:s20+$0x0]  }
0x2d4: {  	v45 =	vadd.f32 v48, v45;
	v37 =	vld [tilespmem:s0+$0x12080];
	v13 =	vadd.f32 v16, v13;
	v16 =	vmul.f32 v14, v14  }
0x2d5: {  	s31 =	sor.u32 s16, s29;
	v14 =	vld [tilespmem:s0+$0xE080];
	v24 =	vmul.f32 v22, v41;
	v62 =	vsub.f32 v22, v34;
	v63 =	vmul.f32 v50, v50  }
0x2d6: {  	v58 =	vld [tilespmem:s31+$0x0];
	v4 =	vmovc v53;
	v53 =	vmul.f32 v40, v47;
	v22 =	vmul.f32 v21, v21;
	v3 =	vadd.f32 v18, v3  }
0x2d7: {  	v10 =	vadd.f32 v57, v10;
	v18 =	vmul.f32 v30, v30;
	v13 =	vadd.f32 v16, v13  }
0x2d8: {  	v30 =	vld [tilespmem:s0+$0x16080];
	v16 =	vmul.f32 v42, v35;
	v32 =	vmul.f32 v24, v24;
	v3 =	vadd.f32 v23, v3  }
0x2d9: {  	v8 =	vadd.f32 v18, v8;
	v18 =	vmul.f32 v47, v41;
	v51 =	vmul.f32 v39, v42  }
0x2da: {  	[tilespmem:$0x1FDF0] =	vst v0;
	v38 =	vmul.f32 v29, v37;
	v44 =	vadd.f32 v55, v39;
	v0 =	vsub.f32 v29, v14  }
0x2db: {  	s0 =	sor.u32 s4, s29;
	v29 =	vadd.f32 v58, v40;
	v40 =	vadd.f32 v43, v4;
	v4 =	vmul.f32 v45, v36  }
0x2dc: {  	s26 =	sor.u32 s4, s5;
	[tilespmem:$0x1FE10] =	vst v60;
	v60 =	vld [tilespmem:s0+$0x0];
	v7 =	vadd.f32 v17, v3;
	v17 =	vmul.f32 v43, v36;
	v3 =	vmul.f32 v52, v52  }
0x2dd: {  	v5 =	vmovc v54;
	v8 =	vadd.f32 v19, v8;
	v19 =	vld [tilespmem:s26+$0x0];
	v54 =	vmul.f32 v14, v30;
	v23 =	vmul.f32 v30, v37  }
0x2de: {  	v36 =	vadd.f32 v36, v5;
	v1 =	vmul.f32 v50, v51;
	v44 =	vmul.f32 v44, v35  }
0x2df: {  	v2 =	vmul.f32 v51, v51;
	v43 =	vmul.f32 v29, v41;
	v29 =	vadd.f32 v30, v40  }
0x2e0: {  	v14 =	vmul.f32 v61, v16;
	v36 =	vadd.f32 v37, v36;
	v34 =	vsub.f32 v44, v21  }
0x2e1: {  	v61 =	vmul.f32 v53, v53;
	v40 =	vsub.f32 v43, v24;
	v9 =	vadd.f32 v54, v9  }
0x2e2: {  	v31 =	vmul.f32 v48, v17;
	v29 =	vadd.f32 v47, v29;
	v39 =	vadd.f32 v60, v19  }
0x2e3: {  	v47 =	vsub.f32 v4, v46;
	v56 =	vmul.f32 v19, v30;
	v30 =	vmul.f32 v49, v57  }
0x2e4: {  	v9 =	vadd.f32 v52, v9;
	v49 =	vmul.f32 v57, v57;
	v48 =	vmul.f32 v39, v37  }
0x2e5: {  	v10 =	vadd.f32 v56, v10;
	v39 =	vmul.f32 v54, v54;
	v15 =	vadd.f32 v30, v15  }
0x2e6: {  	v57 =	vmovc v11;
	v11 =	vadd.f32 v49, v12;
	v30 =	vmul.f32 v56, v56;
	v12 =	vadd.f32 v59, v26  }
0x2e7: {  	v19 =	vmul.f32 v55, v16;
	v9 =	vadd.f32 v50, v9;
	v10 =	vadd.f32 v53, v10  }
0x2e8: {  	v55 =	vmul.f32 v52, v53;
	v11 =	vadd.f32 v30, v11;
	v12 =	vadd.f32 v39, v12  }
0x2e9: {  	v53 =	vadd.f32 v42, v29;
	v29 =	vmul.f32 v54, v56;
	v39 =	vmul.f32 v60, v23;
	v60 =	vld [tilespmem:$0x1FDF0]  }
0x2ea: {  	v20 =	vmul.f32 v20, v17;
	v11 =	vadd.f32 v61, v11;
	v54 =	vadd.f32 v3, v12;
	v61 =	vld [tilespmem:$0x1FE00]  }
0x2eb: {  	v37 =	vmul.f32 v0, v23;
	v15 =	vadd.f32 v29, v15;
	v29 =	vmul.f32 v62, v18;
	v62 =	vld [tilespmem:$0x1FE10]  }
0x2ec: {  	p1 =	sne.s32 s13, $0x1F;
	v59 =	vmul.f32 v4, v4;
	v45 =	vsub.f32 v48, v38;
	v12 =	vadd.f32 v63, v54;
	v63 =	vld [tilespmem:$0x1FE20]  }
.Ltmp7:
0x2ed: {  	v5 =	vmovc v27;
	v42 =	vmul.f32 v38, v38;
	v10 =	vadd.f32 v51, v10;
	v3 =	vadd.f32 v41, v36;
	(pc) =	sbr.rel @p1 .LBB2_13-.Ltmp7, $4  }
0x2ee: {  	v56 =	vmovc v7;
	v30 =	vmul.f32 v58, v18;
	v15 =	vadd.f32 v55, v15;
	v11 =	vadd.f32 v2, v11  }
0x2ef: {  	v7 =	vmovc v25;
	v58 =	vmul.f32 v46, v4;
	v54 =	vadd.f32 v35, v3;
	v36 =	vadd.f32 v4, v60  }
0x2f0: {  	v26 =	vmul.f32 v38, v48;
	v55 =	vmovc v6;
	v15 =	vadd.f32 v1, v15;
	v35 =	vadd.f32 v46, v61  }
0x2f1: {  	s13 =	sadd.s32 $0x1, s13;
	v6 =	vmovc v28;
	v28 =	vmul.f32 v48, v48;
	v27 =	vadd.f32 v58, v62;
	v25 =	vadd.f32 v59, v63  }
0x2f2: {  	v0 =	vadd.f32 v48, v36;
	v1 =	vadd.f32 v38, v35;
	v2 =	vmul.f32 v24, v43  }
0x2f3: {  	s12 =	simm.s32 $0x0;
	s0 =	simm.s32 $0x0;
	v3 =	vadd.f32 v26, v27;
	v4 =	vadd.f32 v28, v25;
	v25 =	vmul.f32 v43, v43  }
0x2f4: {  	v49 =	vmul.f32 v20, v31;
	s13 =	sand.u32 $0x40, s12;
	s0 =	sand.u32 $0xFFFFFE00, s0;
	v0 =	vadd.f32 v43, v0;
	v1 =	vadd.f32 v24, v1  }
0x2f5: {  	s1 =	simm.s32 $0x0;
	v24 =	vmul.f32 v21, v44;
	s20 =	sor.u32 s13, s0;
	s14 =	sor.u32 $0x30, s13;
	v2 =	vadd.f32 v2, v3;
	v3 =	vadd.f32 v25, v4  }
0x2f6: {  	s16 =	sand.u32 $0x3FFFFF00, s1;
	s15 =	sor.u32 $0x20, s13;
	v4 =	vmul.f32 v44, v44;
	s21 =	sor.u32 s14, s0;
	v28 =	vadd.f32 v21, v1;
	v1 =	vadd.f32 v33, v6;
	v33 =	vld [tilespmem:s20+$0x12100]  }
0x2f7: {  	s1 =	sadd.s32 $0x6000, s16;
	s17 =	sor.u32 $0x10, s13;
	s18 =	sor.u32 s15, s0;
	v25 =	vadd.f32 v44, v0;
	v0 =	vand.u32 $0x7FFFFFFF, v47;
	v51 =	vld [tilespmem:s21+$0xE100];
	v27 =	vadd.f32 v24, v2  }
0x2f8: {  	s5 =	sor.u32 s17, s1;
	v21 =	vmul.f32 v20, v20;
	v35 =	vld [tilespmem:s18+$0x12100];
	v26 =	vadd.f32 v4, v3;
	v0 =	vadd.f32 v0, v5  }
0x2f9: {  	s19 =	sor.u32 s17, s0;
	v43 =	vld [tilespmem:s5+$0x0];
	v3 =	vadd.f32 v17, v7;
	v4 =	vadd.f32 v31, v57;
	v5 =	vand.u32 $0x7FFFFFFF, v45  }
0x2fa: {  	v61 =	vld [tilespmem:s19+$0x12100];
	v2 =	vmul.f32 v31, v31;
	v1 =	vadd.f32 v42, v1;
	v0 =	vadd.f32 v5, v0  }
0x2fb: {  	v50 =	vmul.f32 v29, v30;
	v62 =	vld [tilespmem:s19+$0xA100];
	v3 =	vadd.f32 v23, v3;
	v4 =	vadd.f32 v39, v4  }
0x2fc: {  	v24 =	vld [tilespmem:s20+$0xA100];
	v5 =	vand.u32 $0x7FFFFFFF, v40;
	v2 =	vadd.f32 v2, v8;
	v8 =	vadd.f32 v21, v13  }
0x2fd: {  	v17 =	vld [tilespmem:s20+$0x16100];
	v13 =	vmul.f32 v37, v37;
	v1 =	vadd.f32 v32, v1;
	v0 =	vadd.f32 v5, v0  }
0x2fe: {  	v31 =	vmul.f32 v14, v19;
	v23 =	vld [tilespmem:s20+$0xE100];
	v3 =	vadd.f32 v18, v3;
	v7 =	vadd.f32 v30, v4  }
0x2ff: {  	v21 =	vld [tilespmem:s18+$0x16100];
	v5 =	vand.u32 $0x7FFFFFFF, v34;
	v8 =	vadd.f32 v13, v8;
	v13 =	vmul.f32 v29, v29  }
0x300: {  	v32 =	vld [tilespmem:s21+$0x12100];
	v52 =	vadd.f32 v22, v1;
	v1 =	vmul.f32 v37, v39;
	v57 =	vadd.f32 v5, v0  }
0x301: {  	v18 =	vld [tilespmem:s21+$0x16100];
	v41 =	vmul.f32 v24, v33;
	v58 =	vadd.f32 v16, v3;
	v3 =	vadd.f32 v20, v55  }
0x302: {  	s4 =	sor.u32 s15, s1;
	v0 =	vld [tilespmem:s21+$0xA100];
	v7 =	vadd.f32 v19, v7;
	v16 =	vadd.f32 v49, v56;
	v20 =	vmul.f32 v39, v39  }
0x303: {  	s2 =	sor.u32 s14, s1;
	v19 =	vmul.f32 v19, v19;
	v55 =	vadd.f32 v13, v8;
	v39 =	vld [tilespmem:s4+$0x0];
	v3 =	vadd.f32 v37, v3  }
0x304: {  	v1 =	vadd.f32 v1, v16;
	v16 =	vmul.f32 v30, v30;
	v2 =	vadd.f32 v20, v2;
	v20 =	vld [tilespmem:s2+$0x0];
	s2 =	sor.u32 s13, s1  }
0x305: {  	v56 =	vmul.f32 v14, v14;
	v37 =	vmul.f32 v62, v61;
	v38 =	vld [tilespmem:s2+$0x0];
	v3 =	vadd.f32 v29, v3  }
0x306: {  	s26 =	sadd.s32 $0x6080, s16;
	v30 =	vld [tilespmem:s18+$0xE100];
	v40 =	vmul.f32 v51, v18;
	v1 =	vadd.f32 v50, v1;
	v16 =	vadd.f32 v16, v2  }
0x307: {  	s29 =	sor.u32 s17, s26;
	v29 =	vld [tilespmem:s19+$0x16100];
	v2 =	vmul.f32 v17, v33;
	v22 =	vmul.f32 v0, v32;
	v36 =	vsub.f32 v0, v51  }
0x308: {  	v50 =	vld [tilespmem:s29+$0x0];
	v46 =	vmul.f32 v39, v21;
	v8 =	vadd.f32 v14, v3;
	v13 =	vadd.f32 v31, v1  }
0x309: {  	v1 =	vmul.f32 v23, v17;
	v31 =	vld [tilespmem:s18+$0xA100];
	v3 =	vadd.f32 v17, v53;
	v14 =	vadd.f32 v19, v16  }
0x30a: {  	v19 =	vld [tilespmem:s19+$0xE100];
	v16 =	vadd.f32 v56, v55;
	v23 =	vsub.f32 v24, v23;
	v17 =	vmul.f32 v38, v17  }
0x30b: {  	v42 =	vmul.f32 v20, v18;
	v59 =	vmul.f32 v30, v21;
	v9 =	vadd.f32 v1, v9  }
0x30c: {  	v60 =	vadd.f32 v29, v3;
	v3 =	vmul.f32 v18, v32;
	v63 =	vmul.f32 v1, v17  }
0x30d: {  	v1 =	vmul.f32 v1, v1;
	v10 =	vadd.f32 v17, v10;
	v17 =	vmul.f32 v17, v17  }
0x30e: {  	v45 =	vadd.f32 v21, v60;
	v24 =	vmul.f32 v31, v35;
	v49 =	vsub.f32 v31, v30  }
0x30f: {  	v30 =	vmul.f32 v19, v29;
	v51 =	vsub.f32 v62, v19;
	v19 =	vadd.f32 v50, v43  }
0x310: {  	v31 =	vmul.f32 v43, v29;
	v11 =	vadd.f32 v17, v11;
	v1 =	vadd.f32 v1, v12  }
0x311: {  	v55 =	vadd.f32 v18, v45;
	v18 =	vadd.f32 v63, v15;
	v15 =	vmul.f32 v21, v35  }
0x312: {  	v17 =	vmul.f32 v30, v31;
	v10 =	vadd.f32 v31, v10;
	v21 =	vmul.f32 v31, v31  }
0x313: {  	s30 =	sor.u32 s13, s26;
	v9 =	vadd.f32 v30, v9;
	v30 =	vmul.f32 v30, v30;
	v31 =	vadd.f32 v33, v54  }
0x314: {  	v12 =	vld [tilespmem:s30+$0x0];
	v48 =	vmul.f32 v19, v61;
	v34 =	vmul.f32 v24, v24;
	v17 =	vadd.f32 v17, v18  }
0x315: {  	v11 =	vadd.f32 v21, v11;
	v21 =	vmul.f32 v59, v46;
	v53 =	vadd.f32 v30, v1  }
0x316: {  	v1 =	vmul.f32 v29, v61;
	v19 =	vadd.f32 v61, v31;
	v31 =	vmul.f32 v41, v41  }
0x317: {  	v54 =	vadd.f32 v46, v10;
	v10 =	vmul.f32 v46, v46;
	v9 =	vadd.f32 v59, v9  }
0x318: {  	s31 =	sor.u32 s14, s26;
	v61 =	vmul.f32 v42, v42;
	v45 =	vsub.f32 v48, v37;
	v17 =	vadd.f32 v21, v17  }
0x319: {  	s0 =	sor.u32 s15, s26;
	v18 =	vld [tilespmem:s31+$0x0];
	v38 =	vadd.f32 v12, v38;
	v30 =	vmul.f32 v12, v2;
	v12 =	vmul.f32 v59, v59  }
0x31a: {  	v29 =	vld [tilespmem:s0+$0x0];
	v21 =	vmul.f32 v23, v2;
	v56 =	vadd.f32 v10, v11;
	v59 =	vmul.f32 v40, v40  }
0x31b: {  	v10 =	vadd.f32 v40, v9;
	v9 =	vmul.f32 v40, v42;
	v62 =	vadd.f32 v35, v19  }
0x31c: {  	v23 =	vmul.f32 v22, v22;
	v11 =	vadd.f32 v42, v54;
	v60 =	vadd.f32 v12, v53  }
0x31d: {  	v19 =	vadd.f32 v9, v17;
	v38 =	vmul.f32 v38, v33;
	v9 =	vadd.f32 v32, v62  }
0x31e: {  	v42 =	vmul.f32 v37, v37;
	v33 =	vadd.f32 v41, v28;
	v20 =	vadd.f32 v18, v20  }
0x31f: {  	v12 =	vadd.f32 v29, v39;
	v28 =	vmul.f32 v41, v38;
	v63 =	vmul.f32 v38, v38  }
0x320: {  	v47 =	vsub.f32 v38, v41;
	v41 =	vmul.f32 v50, v1;
	v44 =	vmul.f32 v20, v32  }
0x321: {  	v17 =	vadd.f32 v59, v60;
	v43 =	vmul.f32 v12, v35;
	v20 =	vmul.f32 v18, v3  }
0x322: {  	v12 =	vadd.f32 v61, v56;
	v18 =	vmul.f32 v36, v3;
	v32 =	vmul.f32 v29, v15  }
0x323: {  	v29 =	vmul.f32 v49, v15;
	v36 =	vadd.f32 v38, v25;
	v38 =	vmul.f32 v51, v1  }
0x324: {  	v25 =	vmul.f32 v37, v48;
	v27 =	vadd.f32 v28, v27;
	v26 =	vadd.f32 v63, v26  }
0x325: {  	s28 =	simm.s32 $0x1;
	s26 =	simm.s32 $0x0;
	v28 =	vmul.f32 v48, v48;
	v35 =	vsub.f32 v44, v22;
	v40 =	vsub.f32 v43, v24  }
.LBB2_15:
0x326: {  	v36 =	vadd.f32 v48, v36  }
0x327: {  	v33 =	vadd.f32 v37, v33;
	v60 =	vmul.f32 v24, v43;
	s0 =	sshll.u32 s28, $0x8;
	s26 =	sadd.s32 $0x40, s26;
	v2 =	vadd.f32 v2, v58  }
0x328: {  	v61 =	vmul.f32 v22, v44;
	v6 =	vadd.f32 v30, v7;
	v25 =	vadd.f32 v25, v27;
	s29 =	sand.u32 $0x40, s26;
	s0 =	sand.u32 $0xFFFFFE00, s0  }
0x329: {  	v46 =	vmul.f32 v44, v44;
	v26 =	vadd.f32 v28, v26;
	v4 =	vadd.f32 v31, v52;
	s1 =	sor.u32 s29, s0  }
0x32a: {  	v27 =	vmul.f32 v43, v43;
	v28 =	vadd.f32 v43, v36;
	v24 =	vadd.f32 v24, v33;
	v36 =	vld [tilespmem:s1+$0x12100]  }
0x32b: {  	v62 =	vmul.f32 v21, v30;
	v1 =	vadd.f32 v1, v2;
	v2 =	vadd.f32 v41, v6;
	v43 =	vld [tilespmem:s1+$0x16100]  }
0x32c: {  	v7 =	vand.u32 $0x7FFFFFFF, v45;
	s30 =	sor.u32 $0x30, s29;
	v37 =	vadd.f32 v60, v25;
	v39 =	vadd.f32 v27, v26;
	v63 =	vld [tilespmem:s1+$0xA100]  }
0x32d: {  	v6 =	vand.u32 $0x7FFFFFFF, v40;
	v31 =	vld [tilespmem:s1+$0xE100];
	s5 =	sor.u32 s30, s0;
	v4 =	vadd.f32 v42, v4;
	v0 =	vadd.f32 v44, v28  }
0x32e: {  	v33 =	vld [tilespmem:s5+$0x12100];
	v1 =	vadd.f32 v15, v1;
	v2 =	vadd.f32 v32, v2;
	v15 =	vmul.f32 v29, v32  }
0x32f: {  	s31 =	sor.u32 $0x20, s29;
	v42 =	vld [tilespmem:s5+$0x16100];
	v4 =	vadd.f32 v34, v4;
	v27 =	vmovc v9;
	v25 =	vmov v17;
	[tilespmem:$0x1FDB0] =	vst v0;
	v0 =	vadd.f32 v22, v24  }
0x330: {  	s2 =	sor.u32 s31, s0;
	v40 =	vld [tilespmem:s5+$0xE100];
	v9 =	vmovc v12;
	v12 =	vmovc v10;
	v22 =	vand.u32 $0x7FFFFFFF, v47;
	v17 =	vadd.f32 v3, v1;
	v10 =	vadd.f32 v20, v2  }
0x331: {  	s4 =	sshll.u32 s28, $0x7;
	v24 =	vmul.f32 v21, v21;
	v47 =	vld [tilespmem:s2+$0x16100];
	v1 =	vadd.f32 v21, v8;
	v2 =	vadd.f32 v62, v13  }
0x332: {  	s1 =	sand.u32 $0x3FFFFF00, s4;
	s4 =	sor.u32 $0x10, s29;
	v26 =	vmovc v19;
	v3 =	vmul.f32 v41, v41;
	v5 =	vadd.f32 v22, v57;
	v22 =	vmul.f32 v30, v30;
	v30 =	vld [tilespmem:s5+$0xA100]  }
0x333: {  	s0 =	sor.u32 s4, s0;
	v19 =	vadd.f32 v23, v4;
	v23 =	vmul.f32 v38, v41;
	v41 =	vld [tilespmem:s2+$0xE100];
	[tilespmem:$0x1FDC0] =	vst v0;
	v0 =	vadd.f32 v61, v37  }
0x334: {  	v13 =	vadd.f32 v24, v16;
	v1 =	vadd.f32 v38, v1;
	v16 =	vmul.f32 v32, v32;
	v32 =	vld [tilespmem:s0+$0x16100]  }
0x335: {  	v5 =	vadd.f32 v7, v5;
	v8 =	vadd.f32 v22, v14;
	v14 =	vmul.f32 v38, v38;
	v38 =	vld [tilespmem:s0+$0x12100]  }
0x336: {  	v56 =	vmul.f32 v18, v20;
	[tilespmem:$0x1FDD0] =	vst v0;
	v0 =	vadd.f32 v46, v39;
	v39 =	vld [tilespmem:s2+$0x12100]  }
0x337: {  	s5 =	sadd.s32 $0x6000, s1;
	v2 =	vadd.f32 v23, v2;
	v5 =	vadd.f32 v6, v5;
	v6 =	vand.u32 $0x7FFFFFFF, v35;
	v35 =	vld [tilespmem:s2+$0xA100]  }
0x338: {  	s2 =	sor.u32 s30, s5;
	v3 =	vadd.f32 v3, v8;
	v8 =	vadd.f32 v14, v13;
	v14 =	vmul.f32 v20, v20;
	v20 =	vld [tilespmem:s0+$0xA100]  }
0x339: {  	v1 =	vadd.f32 v29, v1;
	v13 =	vmul.f32 v29, v29;
	v45 =	vld [tilespmem:s2+$0x0];
	s2 =	sor.u32 s31, s5  }
0x33a: {  	v2 =	vadd.f32 v15, v2;
	v3 =	vadd.f32 v16, v3;
	v48 =	vld [tilespmem:s2+$0x0]  }
0x33b: {  	v15 =	vadd.f32 v13, v8;
	v16 =	vmul.f32 v18, v18;
	v8 =	vadd.f32 v18, v1;
	s2 =	sor.u32 s4, s5;
	v18 =	vld [tilespmem:s0+$0xE100];
	s5 =	sor.u32 s29, s5  }
0x33c: {  	v50 =	vmul.f32 v40, v42;
	v51 =	vld [tilespmem:s5+$0x0];
	s5 =	sadd.s32 $0x6080, s1  }
0x33d: {  	v29 =	vmul.f32 v31, v43;
	v22 =	vmul.f32 v30, v33;
	v49 =	vld [tilespmem:s2+$0x0];
	s30 =	sor.u32 s30, s5  }
0x33e: {  	v53 =	vmul.f32 v41, v47;
	v13 =	vadd.f32 v56, v2;
	v2 =	vmul.f32 v43, v36;
	s31 =	sor.u32 s31, s5;
	v57 =	vld [tilespmem:s30+$0x0]  }
0x33f: {  	v40 =	vsub.f32 v30, v40;
	v61 =	vmul.f32 v29, v29;
	v1 =	vmul.f32 v32, v38;
	s1 =	sor.u32 s29, s5;
	v60 =	vld [tilespmem:s31+$0x0]  }
0x340: {  	v14 =	vadd.f32 v14, v3;
	v3 =	vmul.f32 v42, v33;
	s0 =	sor.u32 s4, s5;
	v54 =	vld [tilespmem:s1+$0x0];
	v24 =	vmul.f32 v35, v39  }
0x341: {  	v28 =	vadd.f32 v6, v5;
	v37 =	vmul.f32 v20, v38;
	v62 =	vld [tilespmem:s0+$0x0];
	v52 =	vmul.f32 v45, v42  }
0x342: {  	v7 =	vmovc v55;
	v41 =	vsub.f32 v35, v41;
	v55 =	vmul.f32 v48, v47;
	v56 =	vmul.f32 v18, v32  }
0x343: {  	[tilespmem:$0x1FDE0] =	vst v0;
	v0 =	vsub.f32 v20, v18;
	v58 =	vmul.f32 v49, v32;
	v59 =	vmul.f32 v51, v43  }
0x344: {  	v4 =	vmul.f32 v50, v52;
	v35 =	vadd.f32 v57, v45;
	v45 =	vadd.f32 v60, v48  }
0x345: {  	v20 =	vmul.f32 v57, v3;
	v57 =	vadd.f32 v43, v7;
	v11 =	vadd.f32 v59, v11  }
0x346: {  	v5 =	vmul.f32 v52, v52;
	v48 =	vadd.f32 v62, v49;
	v49 =	vadd.f32 v54, v51  }
0x347: {  	v30 =	vmul.f32 v54, v2;
	v32 =	vadd.f32 v32, v57;
	v11 =	vadd.f32 v58, v11  }
0x348: {  	v51 =	vmul.f32 v53, v55;
	v7 =	vmovc v10;
	v10 =	vadd.f32 v29, v12;
	v54 =	vmul.f32 v55, v55  }
0x349: {  	v29 =	vmul.f32 v29, v59;
	v32 =	vadd.f32 v47, v32;
	v11 =	vadd.f32 v55, v11  }
0x34a: {  	v59 =	vmul.f32 v59, v59;
	v57 =	vmul.f32 v56, v56  }
0x34b: {  	v55 =	vadd.f32 v42, v32;
	v32 =	vmul.f32 v56, v58;
	v11 =	vadd.f32 v52, v11;
	v52 =	vmovc v19  }
0x34c: {  	v19 =	vadd.f32 v29, v26;
	v29 =	vmul.f32 v58, v58;
	v58 =	vmovc v17;
	v17 =	vadd.f32 v61, v25  }
0x34d: {  	v46 =	vmul.f32 v63, v36;
	v12 =	vadd.f32 v59, v9  }
0x34e: {  	v6 =	vmul.f32 v53, v53;
	v9 =	vadd.f32 v36, v27;
	v17 =	vadd.f32 v57, v17  }
0x34f: {  	v21 =	vsub.f32 v63, v31;
	v63 =	vmul.f32 v50, v50;
	v48 =	vmul.f32 v48, v38  }
0x350: {  	v9 =	vadd.f32 v38, v9;
	v38 =	vmul.f32 v0, v1;
	v0 =	vadd.f32 v6, v17;
	_ =	sdelay $0x1  }
0x351: {  	v17 =	vadd.f32 v63, v0;
	v0 =	vld [tilespmem:$0x1FDB0];
	_ =	sdelay $0x2  }
0x352: {  	v49 =	vmul.f32 v49, v36;
	_ =	sdelay $0x1  }
0x353: {  	v36 =	vadd.f32 v49, v0;
	v0 =	vld [tilespmem:$0x1FDC0];
	_ =	sdelay $0x2  }
0x354: {  	v6 =	vadd.f32 v39, v9  }
0x355: {  	v16 =	vadd.f32 v16, v15;
	v15 =	vmul.f32 v47, v39  }
0x356: {  	v44 =	vmul.f32 v35, v33;
	v9 =	vadd.f32 v33, v6;
	v33 =	vadd.f32 v46, v0;
	v0 =	vld [tilespmem:$0x1FDD0]  }
0x357: {  	v31 =	vmul.f32 v46, v46;
	v23 =	vmul.f32 v22, v22  }
0x358: {  	v43 =	vmul.f32 v45, v39;
	v12 =	vadd.f32 v29, v12;
	v29 =	vmul.f32 v41, v15  }
0x359: {  	v10 =	vadd.f32 v56, v10;
	v41 =	vmul.f32 v62, v1;
	v62 =	vmul.f32 v46, v49  }
0x35a: {  	v21 =	vmul.f32 v21, v2;
	v35 =	vsub.f32 v44, v22;
	v19 =	vadd.f32 v32, v19  }
0x35b: {  	p1 =	sne.s32 s28, $0x1F;
	v18 =	vmul.f32 v40, v3;
	v40 =	vsub.f32 v43, v24;
	v27 =	vadd.f32 v62, v0;
	v0 =	vld [tilespmem:$0x1FDE0]  }
.Ltmp8:
0x35c: {  	v34 =	vmul.f32 v24, v24;
	v45 =	vsub.f32 v48, v37;
	v19 =	vadd.f32 v51, v19;
	(pc) =	sbr.rel @p1 .LBB2_15-.Ltmp8, $4  }
0x35d: {  	v10 =	vadd.f32 v53, v10;
	v47 =	vsub.f32 v49, v46;
	v42 =	vmul.f32 v37, v37  }
0x35e: {  	v12 =	vadd.f32 v54, v12;
	v19 =	vadd.f32 v4, v19;
	v4 =	vmul.f32 v49, v49  }
0x35f: {  	v10 =	vadd.f32 v50, v10;
	v25 =	vmul.f32 v37, v48;
	v32 =	vmul.f32 v60, v15  }
0x360: {  	s28 =	sadd.s32 $0x1, s28;
	v57 =	vmovc v28;
	v28 =	vmul.f32 v48, v48;
	v12 =	vadd.f32 v5, v12;
	v26 =	vadd.f32 v4, v0  }
0x361: {  	v0 =	vadd.f32 v48, v36  }
0x362: {  	v4 =	vadd.f32 v37, v33;
	v6 =	vadd.f32 v25, v27  }
0x363: {  	v5 =	vmul.f32 v24, v43;
	v2 =	vadd.f32 v2, v58;
	v7 =	vadd.f32 v30, v7  }
0x364: {  	v51 =	vmul.f32 v21, v30;
	v8 =	vadd.f32 v21, v8;
	v25 =	vadd.f32 v28, v26  }
0x365: {  	v56 =	vmul.f32 v29, v32;
	v0 =	vadd.f32 v43, v0;
	v4 =	vadd.f32 v24, v4  }
0x366: {  	v26 =	vmul.f32 v43, v43;
	v5 =	vadd.f32 v5, v6;
	v1 =	vadd.f32 v1, v2  }
0x367: {  	v58 =	vld [tilespmem:s18+$0x16180];
	v24 =	vmul.f32 v22, v44;
	v2 =	vadd.f32 v41, v7;
	v13 =	vadd.f32 v51, v13  }
0x368: {  	v59 =	vld [tilespmem:s18+$0xE180];
	v7 =	vand.u32 $0x7FFFFFFF, v40;
	v8 =	vadd.f32 v38, v8;
	v6 =	vadd.f32 v26, v25  }
0x369: {  	v53 =	vld [tilespmem:s20+$0xE180];
	v25 =	vmul.f32 v44, v44;
	v28 =	vadd.f32 v44, v0;
	v39 =	vadd.f32 v22, v4  }
0x36a: {  	v54 =	vld [tilespmem:s21+$0x16180];
	v0 =	vand.u32 $0x7FFFFFFF, v47;
	v27 =	vadd.f32 v24, v5;
	v4 =	vadd.f32 v31, v52  }
0x36b: {  	v46 =	vld [tilespmem:s19+$0xA180];
	v22 =	vand.u32 $0x7FFFFFFF, v45;
	v15 =	vadd.f32 v15, v1;
	v8 =	vadd.f32 v29, v8  }
0x36c: {  	v40 =	vld [tilespmem:s18+$0x12180];
	v26 =	vadd.f32 v25, v6;
	v6 =	vmul.f32 v30, v30;
	v25 =	vmul.f32 v21, v21  }
0x36d: {  	v5 =	vld [tilespmem:s20+$0x12180];
	v0 =	vadd.f32 v0, v57;
	v21 =	vmul.f32 v32, v32;
	v61 =	vmul.f32 v59, v58  }
0x36e: {  	v24 =	vld [tilespmem:s20+$0x16180];
	v4 =	vadd.f32 v42, v4;
	v3 =	vadd.f32 v3, v15;
	v15 =	vmul.f32 v41, v41  }
0x36f: {  	v31 =	vld [tilespmem:s20+$0xA180];
	v0 =	vadd.f32 v22, v0;
	v22 =	vadd.f32 v32, v2;
	v2 =	vand.u32 $0x7FFFFFFF, v35  }
0x370: {  	v30 =	vld [tilespmem:s21+$0x12180];
	v6 =	vadd.f32 v6, v14;
	v14 =	vadd.f32 v25, v16;
	v16 =	vmul.f32 v38, v38  }
0x371: {  	s0 =	sadd.s32 $0x7000, s16;
	v57 =	vld [tilespmem:s21+$0xE180];
	v4 =	vadd.f32 v34, v4;
	v0 =	vadd.f32 v7, v0;
	v7 =	vmul.f32 v18, v20  }
0x372: {  	s1 =	sor.u32 s14, s0;
	v6 =	vadd.f32 v15, v6;
	v14 =	vadd.f32 v16, v14;
	v15 =	vmul.f32 v29, v29;
	v29 =	vld [tilespmem:s19+$0x16180]  }
0x373: {  	v25 =	vadd.f32 v24, v55;
	v1 =	vadd.f32 v23, v4;
	v23 =	vmul.f32 v38, v41;
	v38 =	vld [tilespmem:s1+$0x0]  }
0x374: {  	s26 =	sor.u32 s15, s0;
	v42 =	vmul.f32 v31, v5;
	v4 =	vadd.f32 v20, v22;
	v2 =	vadd.f32 v2, v0;
	v0 =	vld [tilespmem:s21+$0xA180]  }
0x375: {  	v20 =	vmul.f32 v20, v20;
	s21 =	sor.u32 s13, s0;
	v14 =	vadd.f32 v15, v14;
	v15 =	vadd.f32 v18, v8;
	v8 =	vld [tilespmem:s26+$0x0]  }
0x376: {  	v22 =	vmul.f32 v24, v5;
	v6 =	vadd.f32 v21, v6;
	s0 =	sor.u32 s17, s0;
	v13 =	vadd.f32 v23, v13;
	v35 =	vld [tilespmem:s21+$0x0]  }
0x377: {  	v36 =	vsub.f32 v31, v53;
	v41 =	vmul.f32 v57, v54;
	v21 =	vmul.f32 v18, v18;
	v60 =	vld [tilespmem:s0+$0x0]  }
0x378: {  	v33 =	vmul.f32 v42, v42;
	v18 =	vadd.f32 v20, v6;
	v6 =	vld [tilespmem:s19+$0xE180];
	v13 =	vadd.f32 v56, v13  }
0x379: {  	v20 =	vadd.f32 v21, v14;
	v14 =	vld [tilespmem:s19+$0x12180];
	v21 =	vmul.f32 v54, v30;
	v25 =	vadd.f32 v29, v25  }
0x37a: {  	v43 =	vmul.f32 v38, v54;
	v16 =	vadd.f32 v7, v13;
	v7 =	vmul.f32 v53, v24  }
0x37b: {  	v23 =	vmul.f32 v0, v30;
	v62 =	vmul.f32 v8, v58;
	v31 =	vadd.f32 v58, v25  }
0x37c: {  	s28 =	sadd.s32 $0x7080, s16;
	v13 =	vld [tilespmem:s18+$0xA180];
	v37 =	vsub.f32 v0, v57;
	v24 =	vmul.f32 v35, v24;
	v55 =	vmul.f32 v60, v29  }
0x37d: {  	s29 =	sor.u32 s17, s28;
	v53 =	vadd.f32 v54, v31;
	v56 =	vadd.f32 v7, v10;
	v10 =	vmul.f32 v58, v40  }
0x37e: {  	v50 =	vld [tilespmem:s29+$0x0];
	v51 =	vsub.f32 v46, v6;
	v31 =	vmul.f32 v46, v14;
	v57 =	vmul.f32 v61, v62  }
0x37f: {  	v58 =	vadd.f32 v5, v9;
	v9 =	vmul.f32 v29, v14;
	v63 =	vmul.f32 v7, v24  }
0x380: {  	v7 =	vmul.f32 v7, v7;
	v11 =	vadd.f32 v24, v11;
	v24 =	vmul.f32 v24, v24  }
0x381: {  	v25 =	vmul.f32 v13, v40;
	v49 =	vsub.f32 v13, v59;
	v19 =	vadd.f32 v63, v19  }
0x382: {  	v13 =	vmul.f32 v6, v29;
	v6 =	vadd.f32 v24, v12;
	v7 =	vadd.f32 v7, v17  }
0x383: {  	s30 =	sor.u32 s13, s28;
	v32 =	vmul.f32 v55, v55;
	v24 =	vadd.f32 v50, v60;
	v11 =	vadd.f32 v55, v11  }
0x384: {  	v17 =	vld [tilespmem:s30+$0x0];
	v29 =	vadd.f32 v14, v58;
	v12 =	vmul.f32 v13, v55;
	v34 =	vadd.f32 v13, v56  }
0x385: {  	s0 =	sor.u32 s15, s28;
	v13 =	vmul.f32 v13, v13;
	v6 =	vadd.f32 v32, v6;
	v48 =	vmul.f32 v24, v14  }
0x386: {  	v59 =	vld [tilespmem:s0+$0x0];
	v14 =	vadd.f32 v62, v11;
	v11 =	vmul.f32 v62, v62;
	v29 =	vadd.f32 v40, v29  }
0x387: {  	v24 =	vmul.f32 v36, v22;
	v12 =	vadd.f32 v12, v19;
	v7 =	vadd.f32 v13, v7  }
0x388: {  	v62 =	vmul.f32 v41, v41;
	v13 =	vadd.f32 v61, v34;
	v14 =	vadd.f32 v43, v14  }
0x389: {  	s31 =	sor.u32 s14, s28;
	v34 =	vmul.f32 v25, v25;
	v45 =	vsub.f32 v48, v31;
	v35 =	vadd.f32 v17, v35  }
0x38a: {  	v19 =	vld [tilespmem:s31+$0x0];
	v32 =	vmul.f32 v17, v22;
	v17 =	vmul.f32 v61, v61;
	v61 =	vadd.f32 v11, v6  }
0x38b: {  	v11 =	vmul.f32 v23, v23;
	v6 =	vmul.f32 v41, v43;
	v8 =	vadd.f32 v59, v8  }
0x38c: {  	v12 =	vadd.f32 v57, v12;
	v13 =	vadd.f32 v41, v13;
	v41 =	vmul.f32 v31, v31  }
0x38d: {  	v7 =	vadd.f32 v17, v7;
	v17 =	vmul.f32 v43, v43;
	v43 =	vmul.f32 v8, v40  }
0x38e: {  	v63 =	vmul.f32 v35, v5;
	v35 =	vmul.f32 v49, v10;
	v54 =	vadd.f32 v6, v12  }
0x38f: {  	v12 =	vadd.f32 v42, v39;
	v39 =	vmul.f32 v51, v9;
	v60 =	vadd.f32 v19, v38  }
0x390: {  	v19 =	vmul.f32 v19, v21;
	v40 =	vsub.f32 v43, v25;
	v6 =	vadd.f32 v17, v61  }
0x391: {  	v17 =	vmul.f32 v37, v21;
	v0 =	vadd.f32 v62, v7;
	v47 =	vsub.f32 v63, v42  }
0x392: {  	v7 =	vadd.f32 v30, v29;
	v37 =	vmul.f32 v59, v10;
	v29 =	vmul.f32 v42, v63  }
0x393: {  	v44 =	vmul.f32 v60, v30;
	v30 =	vadd.f32 v63, v28;
	v28 =	vmul.f32 v63, v63  }
0x394: {  	v42 =	vmul.f32 v50, v9;
	v27 =	vadd.f32 v29, v27;
	v29 =	vmul.f32 v31, v48  }
0x395: {  	s13 =	simm.s32 $0x1;
	v36 =	vsub.f32 v44, v23;
	v26 =	vadd.f32 v28, v26;
	v28 =	vmul.f32 v48, v48  }
.LBB2_17:
0x396: {  	v30 =	vadd.f32 v48, v30;
	s0 =	sshll.u32 s13, $0x8;
	s12 =	sadd.s32 $0x40, s12  }
0x397: {  	v12 =	vadd.f32 v31, v12;
	v3 =	vadd.f32 v22, v3;
	s14 =	sand.u32 $0x40, s12;
	s0 =	sand.u32 $0xFFFFFE00, s0  }
0x398: {  	v4 =	vadd.f32 v32, v4;
	v27 =	vadd.f32 v29, v27;
	s1 =	sor.u32 s14, s0  }
0x399: {  	v31 =	vmul.f32 v25, v43;
	v26 =	vadd.f32 v28, v26;
	v29 =	vadd.f32 v43, v30;
	v30 =	vld [tilespmem:s1+$0x12180]  }
0x39a: {  	v28 =	vmul.f32 v43, v43;
	v1 =	vadd.f32 v33, v1;
	v15 =	vadd.f32 v24, v15;
	v43 =	vld [tilespmem:s1+$0x16180]  }
0x39b: {  	v38 =	vmul.f32 v23, v44;
	v25 =	vadd.f32 v25, v12;
	s15 =	sor.u32 $0x30, s14;
	v3 =	vadd.f32 v9, v3;
	v62 =	vld [tilespmem:s1+$0xA180]  }
0x39c: {  	v46 =	vmul.f32 v24, v32;
	v4 =	vadd.f32 v42, v4;
	v27 =	vadd.f32 v31, v27;
	v63 =	vld [tilespmem:s1+$0xE180];
	s18 =	sor.u32 s15, s0  }
0x39d: {  	v22 =	vand.u32 $0x7FFFFFFF, v45;
	s16 =	sor.u32 $0x20, s14;
	v28 =	vadd.f32 v28, v26;
	v5 =	vadd.f32 v44, v29;
	v29 =	vld [tilespmem:s18+$0x12180]  }
0x39e: {  	s19 =	sshll.u32 s13, $0x7;
	v9 =	vand.u32 $0x7FFFFFFF, v40;
	v1 =	vadd.f32 v41, v1;
	s2 =	sor.u32 s16, s0;
	v16 =	vadd.f32 v46, v16;
	v41 =	vld [tilespmem:s18+$0x16180]  }
0x39f: {  	s1 =	sand.u32 $0x3FFFFF00, s19;
	v15 =	vadd.f32 v39, v15;
	v3 =	vadd.f32 v10, v3;
	v10 =	vand.u32 $0x7FFFFFFF, v36;
	v36 =	vld [tilespmem:s2+$0xE180]  }
0x3a0: {  	v31 =	vmul.f32 v44, v44;
	v4 =	vadd.f32 v37, v4;
	s5 =	sadd.s32 $0x7000, s1;
	v1 =	vadd.f32 v34, v1;
	v34 =	vld [tilespmem:s18+$0xE180]  }
0x3a1: {  	s20 =	sor.u32 s15, s5;
	v15 =	vadd.f32 v35, v15;
	[tilespmem:$0x1FD70] =	vst v5;
	v5 =	vadd.f32 v23, v25;
	v23 =	vand.u32 $0x7FFFFFFF, v47;
	v47 =	vld [tilespmem:s2+$0x16180]  }
0x3a2: {  	s21 =	sor.u32 s16, s5;
	v25 =	vmul.f32 v24, v24;
	v26 =	vadd.f32 v21, v3;
	v40 =	vld [tilespmem:s20+$0x0];
	v2 =	vadd.f32 v23, v2  }
0x3a3: {  	s29 =	sadd.s32 $0x7080, s1;
	s28 =	sor.u32 s14, s5;
	v21 =	vmul.f32 v42, v42;
	v45 =	vld [tilespmem:s21+$0x0];
	v12 =	vadd.f32 v11, v1;
	v15 =	vadd.f32 v17, v15  }
0x3a4: {  	s1 =	sor.u32 s14, s29;
	v48 =	vld [tilespmem:s28+$0x0];
	v23 =	vmul.f32 v32, v32;
	[tilespmem:$0x1FD80] =	vst v5;
	v5 =	vadd.f32 v38, v27;
	v2 =	vadd.f32 v22, v2  }
0x3a5: {  	s30 =	sor.u32 s15, s29;
	v52 =	vld [tilespmem:s1+$0x0];
	v27 =	vadd.f32 v19, v4;
	v20 =	vadd.f32 v25, v20;
	v46 =	vmul.f32 v62, v30  }
0x3a6: {  	s31 =	sor.u32 s16, s29;
	v55 =	vld [tilespmem:s30+$0x0];
	v22 =	vmul.f32 v35, v37;
	v18 =	vadd.f32 v23, v18;
	v2 =	vadd.f32 v9, v2  }
0x3a7: {  	v58 =	vld [tilespmem:s31+$0x0];
	v23 =	vmul.f32 v39, v39;
	[tilespmem:$0x1FD90] =	vst v5;
	v5 =	vadd.f32 v31, v28;
	v49 =	vmul.f32 v34, v41  }
0x3a8: {  	s4 =	sor.u32 $0x10, s14;
	v32 =	vld [tilespmem:s18+$0xA180];
	v9 =	vmul.f32 v17, v19;
	v28 =	vadd.f32 v10, v2;
	v10 =	vmul.f32 v39, v42  }
0x3a9: {  	s0 =	sor.u32 s4, s0;
	v11 =	vld [tilespmem:s2+$0xA180];
	v18 =	vadd.f32 v21, v18;
	v20 =	vadd.f32 v23, v20;
	v21 =	vmul.f32 v35, v35  }
0x3aa: {  	v19 =	vmul.f32 v19, v19;
	v35 =	vld [tilespmem:s0+$0xA180];
	v10 =	vadd.f32 v10, v16;
	v16 =	vmul.f32 v37, v37  }
0x3ab: {  	v24 =	vsub.f32 v62, v63;
	v50 =	vmul.f32 v40, v41;
	v51 =	vmul.f32 v36, v47;
	v39 =	vld [tilespmem:s0+$0x12180]  }
0x3ac: {  	v20 =	vadd.f32 v21, v20;
	v21 =	vmul.f32 v17, v17;
	v17 =	vld [tilespmem:s0+$0xE180];
	v18 =	vadd.f32 v16, v18  }
0x3ad: {  	v8 =	vmovc v53;
	s26 =	sor.u32 s4, s5;
	v53 =	vmul.f32 v45, v47;
	v57 =	vmul.f32 v48, v43;
	v44 =	vadd.f32 v55, v40;
	v37 =	vld [tilespmem:s0+$0x16180]  }
0x3ae: {  	v23 =	vmul.f32 v32, v29;
	v61 =	vsub.f32 v32, v34;
	s0 =	sor.u32 s4, s29;
	v18 =	vadd.f32 v19, v18;
	v19 =	vld [tilespmem:s26+$0x0]  }
0x3af: {  	[tilespmem:$0x1FDA0] =	vst v5;
	v62 =	vsub.f32 v11, v36;
	v42 =	vmul.f32 v63, v43;
	v5 =	vmul.f32 v49, v50;
	v60 =	vld [tilespmem:s0+$0x0]  }
0x3b0: {  	v38 =	vld [tilespmem:s2+$0x12180];
	v4 =	vmul.f32 v51, v51;
	v20 =	vadd.f32 v21, v20;
	v21 =	vmul.f32 v41, v29  }
0x3b1: {  	v59 =	vmul.f32 v42, v42;
	v13 =	vadd.f32 v42, v13;
	v10 =	vadd.f32 v22, v10  }
0x3b2: {  	v22 =	vmul.f32 v43, v30;
	v31 =	vmul.f32 v35, v39;
	v3 =	vsub.f32 v35, v17  }
0x3b3: {  	v1 =	vmovc v54;
	v35 =	vadd.f32 v58, v45;
	v54 =	vmul.f32 v17, v37;
	v56 =	vmul.f32 v19, v37  }
0x3b4: {  	v40 =	vadd.f32 v60, v19;
	v19 =	vmul.f32 v55, v21;
	v55 =	vadd.f32 v43, v8  }
0x3b5: {  	v45 =	vadd.f32 v52, v48;
	v16 =	vadd.f32 v9, v10;
	v10 =	vmul.f32 v47, v38  }
0x3b6: {  	v9 =	vmul.f32 v37, v39;
	v13 =	vadd.f32 v54, v13;
	v37 =	vadd.f32 v37, v55  }
0x3b7: {  	v14 =	vadd.f32 v57, v14;
	v43 =	vmul.f32 v35, v38;
	v8 =	vmul.f32 v45, v30  }
0x3b8: {  	v13 =	vadd.f32 v51, v13;
	v35 =	vadd.f32 v47, v37;
	v37 =	vmul.f32 v42, v57  }
0x3b9: {  	v30 =	vadd.f32 v30, v7;
	v14 =	vadd.f32 v56, v14;
	v57 =	vmul.f32 v57, v57  }
0x3ba: {  	v55 =	vmul.f32 v54, v54;
	v54 =	vmul.f32 v54, v56;
	v37 =	vadd.f32 v37, v1  }
0x3bb: {  	v32 =	vmul.f32 v52, v22;
	v30 =	vadd.f32 v39, v30;
	v1 =	vmovc v12;
	v42 =	vadd.f32 v57, v6;
	v12 =	vld [tilespmem:$0x1FD70]  }
0x3bc: {  	v52 =	vmul.f32 v51, v53;
	v57 =	vadd.f32 v59, v0;
	v59 =	vadd.f32 v54, v37  }
0x3bd: {  	v17 =	vmul.f32 v61, v21;
	v14 =	vadd.f32 v53, v14;
	v47 =	vsub.f32 v8, v46  }
0x3be: {  	v61 =	vmul.f32 v53, v53;
	v7 =	vadd.f32 v38, v30;
	v51 =	vadd.f32 v52, v59  }
0x3bf: {  	v53 =	vadd.f32 v41, v35;
	v35 =	vmul.f32 v62, v10;
	v62 =	vmul.f32 v46, v8  }
0x3c0: {  	v30 =	vadd.f32 v8, v12;
	v54 =	vadd.f32 v5, v51;
	v5 =	vmul.f32 v8, v8;
	v8 =	vld [tilespmem:$0x1FD80];
	_ =	sdelay $0x4  }
0x3c1: {  	v33 =	vmul.f32 v46, v46;
	v25 =	vmul.f32 v11, v38;
	v12 =	vadd.f32 v46, v8;
	v8 =	vld [tilespmem:$0x1FD90]  }
0x3c2: {  	v63 =	vmul.f32 v49, v49;
	v2 =	vmul.f32 v50, v50  }
0x3c3: {  	v44 =	vmul.f32 v44, v29;
	v56 =	vmul.f32 v56, v56  }
0x3c4: {  	v11 =	vmul.f32 v23, v23;
	v14 =	vadd.f32 v50, v14;
	v50 =	vadd.f32 v55, v57  }
0x3c5: {  	v34 =	vmul.f32 v25, v25;
	v13 =	vadd.f32 v49, v13;
	v49 =	vadd.f32 v56, v42  }
0x3c6: {  	p1 =	sne.s32 s13, $0x1F;
	v48 =	vmul.f32 v40, v39;
	v0 =	vadd.f32 v4, v50;
	v4 =	vmovc v27;
	v27 =	vadd.f32 v62, v8;
	v8 =	vld [tilespmem:$0x1FDA0]  }
.Ltmp9:
0x3c7: {  	v36 =	vsub.f32 v44, v23;
	v24 =	vmul.f32 v24, v22;
	v40 =	vsub.f32 v43, v25;
	(pc) =	sbr.rel @p1 .LBB2_17-.Ltmp9, $4  }
0x3c8: {  	v39 =	vmul.f32 v3, v9;
	v45 =	vsub.f32 v48, v31;
	v49 =	vadd.f32 v61, v49  }
0x3c9: {  	v41 =	vmul.f32 v31, v31;
	v7 =	vadd.f32 v29, v7;
	v29 =	vmul.f32 v31, v48  }
0x3ca: {  	v3 =	vmovc v26;
	v37 =	vmul.f32 v58, v10;
	v42 =	vmul.f32 v60, v9;
	v6 =	vadd.f32 v2, v49  }
0x3cb: {  	s13 =	sadd.s32 $0x1, s13;
	v2 =	vmovc v28;
	v0 =	vadd.f32 v63, v0;
	v28 =	vmul.f32 v48, v48;
	v26 =	vadd.f32 v5, v8  }
0x3cc: {  	v46 =	vmov v7;
	v5 =	vadd.f32 v31, v12;
	v7 =	vadd.f32 v29, v27  }
0x3cd: {  	v51 =	vmov v6;
	v1 =	vadd.f32 v33, v1;
	v3 =	vadd.f32 v22, v3  }
0x3ce: {  	v6 =	vmul.f32 v25, v43;
	v4 =	vadd.f32 v32, v4;
	v50 =	vmovc v0;
	v0 =	vadd.f32 v48, v30  }
0x3cf: {  	v8 =	vadd.f32 v28, v26;
	v5 =	vadd.f32 v25, v5  }
0x3d0: {  	v12 =	vmul.f32 v43, v43;
	v6 =	vadd.f32 v6, v7;
	v1 =	vadd.f32 v41, v1  }
0x3d1: {  	v25 =	vmul.f32 v23, v44;
	v3 =	vadd.f32 v9, v3;
	v4 =	vadd.f32 v42, v4  }
0x3d2: {  	v26 =	vmul.f32 v24, v32;
	v0 =	vadd.f32 v43, v0;
	v7 =	vadd.f32 v12, v8  }
0x3d3: {  	v8 =	vmul.f32 v44, v44;
	v27 =	vadd.f32 v23, v5;
	v25 =	vadd.f32 v25, v6  }
0x3d4: {  	v1 =	vadd.f32 v34, v1;
	v28 =	vadd.f32 v44, v0;
	v0 =	vand.u32 $0x7FFFFFFF, v47  }
0x3d5: {  	v5 =	vand.u32 $0x7FFFFFFF, v45;
	v3 =	vadd.f32 v10, v3;
	v0 =	vadd.f32 v0, v2  }
0x3d6: {  	v6 =	vmul.f32 v24, v24;
	v4 =	vadd.f32 v37, v4;
	v23 =	vadd.f32 v8, v7  }
0x3d7: {  	v7 =	vand.u32 $0x7FFFFFFF, v36;
	v8 =	vmul.f32 v35, v37;
	v0 =	vadd.f32 v5, v0  }
0x3d8: {  	v12 =	vadd.f32 v11, v1;
	v10 =	vadd.f32 v21, v3;
	v5 =	vand.u32 $0x7FFFFFFF, v40  }
0x3d9: {  	v2 =	vmul.f32 v32, v32;
	v9 =	vadd.f32 v19, v4;
	v0 =	vadd.f32 v5, v0  }
0x3da: {  	v1 =	vadd.f32 v24, v15;
	v3 =	vadd.f32 v26, v16;
	v4 =	vmul.f32 v42, v42  }
0x3db: {  	v2 =	vadd.f32 v2, v18;
	v11 =	vadd.f32 v7, v0;
	v0 =	vmul.f32 v39, v42  }
0x3dc: {  	v6 =	vadd.f32 v6, v20;
	v1 =	vadd.f32 v39, v1;
	v7 =	vmul.f32 v39, v39  }
0x3dd: {  	v5 =	vmul.f32 v17, v19;
	v2 =	vadd.f32 v4, v2;
	v0 =	vadd.f32 v0, v3  }
.Ltmp10:
0x3de: {  	v3 =	vmul.f32 v37, v37;
	v4 =	vadd.f32 v7, v6;
	v6 =	vmul.f32 v35, v35;
	(pc) =	sbr.rel @p0 .LBB2_20-.Ltmp10, $4  }
0x3df: {  	v1 =	vadd.f32 v35, v1;
	v7 =	vmul.f32 v19, v19;
	v0 =	vadd.f32 v8, v0  }
0x3e0: {  	v2 =	vadd.f32 v3, v2;
	v3 =	vadd.f32 v6, v4;
	v4 =	vmul.f32 v17, v17  }
0x3e1: {  	v6 =	vadd.f32 v17, v1;
	v0 =	vadd.f32 v5, v0  }
0x3e2: {  	v49 =	vmovc v54;
	v38 =	vmov v53;
	v2 =	vadd.f32 v7, v2;
	v1 =	vadd.f32 v4, v3  }
0x3e3: {  	s0 =	sadd.s32 $0xC, s11  }
0x3e4: {  	s4 =	rddreg [dreg:$0x0];
	s20 =	simm.s32 $0x0;
	s1 =	sadd.s32 s9, s0  }
0x3e5: {  	s5 =	simm.s32 $0x4000;
	s2 =	sshll.u32 s1, $0x9;
	s1 =	sshll.u32 s1, $0x8  }
0x3e6: {  	s21 =	rddreg [dreg:$0x1];
	s2 =	sand.u32 $0x1FFFF800, s2;
	s1 =	sand.u32 $0x1FFFF800, s1  }
0x3e7: {  	s0 =	sadd.s32 s7, s0;
	s2 =	sadd.s32 s4, s2;
	s1 =	sor.u32 $0x40, s1  }
0x3e8: {  	[tilespmem:s5], [sflag:$0x2] =	stream.linear.gather [hbm4b:s2+s20], $0x4000, $0x38;
	[tilespmem:$0x18C00] =	vst v63  }
0x3e9: {  	s26 =	simm.s32 $0xA000;
	s0 =	sshll.u32 s0, $0x8;
	s2 =	sadd.s32 s21, s1  }
0x3ea: {  	[tilespmem:s26], [sflag:$0x2] =	stream.strided.gather [hbm4b:s2+s22], $0x2000, s23, s22, $0x38;
	[tilespmem:$0x18C00] =	vst v63  }
0x3eb: {  	[tilespmem:$0x1FFF0] =	vst v25;
	s28 =	simm.s32 $0xE000;
	s0 =	sand.u32 $0x1FFFF800, s0;
	s1 =	sadd.s32 s3, s1  }
0x3ec: {  	[tilespmem:s28], [sflag:$0x2] =	stream.strided.gather [hbm4b:s1+s22], $0x2000, s23, s22, $0x38;
	[tilespmem:$0x18C00] =	vst v63  }
.Ltmp11:
0x3ed: {  	[tilespmem:$0x1FFE0] =	vst v23;
	s0 =	sor.u32 $0x40, s0;
	(pc) =	sbr.rel .LBB2_2-.Ltmp11, $4  }
0x3ee: {  	[tilespmem:$0x1FFD0] =	vst v6;
	s30 =	simm.s32 $0x12000;
	s29 =	sadd.s32 s6, s0  }
0x3ef: {  	[tilespmem:s30], [sflag:$0x2] =	stream.strided.gather [hbm4b:s29+s22], $0x2000, s23, s22, $0x38;
	[tilespmem:$0x18C00] =	vst v63  }
0x3f0: {  	v4 =	vmov v28;
	v3 =	vmov v27;
	[tilespmem:$0x1FFC0] =	vst v0;
	s31 =	simm.s32 $0x16000;
	s10 =	sadd.s32 $0x1, s10;
	s0 =	sadd.s32 s8, s0  }
0x3f1: {  	v0 =	vmovc v38;
	v5 =	vmovc v46;
	v6 =	vmov v49;
	v7 =	vmov v50;
	v8 =	vmov v51;
	[tilespmem:s31], [sflag:$0x2] =	stream.strided.gather [hbm4b:s0+s22], $0x2000, s23, s22, $0x38;
	[tilespmem:$0x18C00] =	vst v63  }
.LBB2_21:
0x3f2: {  	_ =	sfence.sel $0x180000  }
0x3f3: {  	[bflag:$0x0] =	sbarrier.arrive $0xFFFF  }
0x3f4: {  	_ =	strace $0x90000047  }
0x3f5: {  	s0 =	stileid.u32;
	[bflag:$0x2] =	sbarrier.arrive $0xFFFF  }
0x3f6: {  	p0 =	sne.s32 s0, $0x0;
	s0 =	rddreg [dreg:$0x4]  }
0x3f7: {  	s0 =	sadd.s32 @!p0 $0x100000, s0  }
0x3f8: {  	[sflag:s0] =	ssyncadd.tile.s32 @!p0 $0x1;
	_ =	shalt  }
.Lfunc_end2:
_tile_overlayer_lowered:
.L_overlay_start_2:
0x3f9: {  	(tag) =	ssettag $0x2  }
0x3fa: {  	s0 =	rddreg [dreg:$0x0];
	s2 =	stileid.u32  }
0x3fb: {  	s1 =	rddreg [dreg:$0x1];
	p0 =	sne.s32 s2, $0x0  }
0x3fc: {  	s3 =	rddreg [dreg:$0x2];
	[bflag:$0x3] =	sbarrier.arrive $0xFFFF;
	s2 =	simm.s32 @!p0 $0x1C03  }
0x3fd: {  	[timem:s3], [sflag:s2] =	dma.local @!p0 [hbm:s0], s1  }
0x3fe: {  	s0 =	simm.s32 @!p0 $0x3  }
0x3ff: {  	_ =	swait.ge @!p0 [sflag:s0], s1  }
0x400: {  	s1 =	ssub.s32 @!p0 $0x0, s1;
	[sflag:s0] =	ssyncset.done @!p0 $0x0  }
0x401: {  	[sflag:s0] =	ssyncadd.s32 @!p0 s1  }
0x402: {  	[bflag:$0x3] =	sbarrier.arrive $0xFFFF  }
0x403: {  	_ =	shalt  }

</sc_bundles>
